<compile_context>
chip_gen: v7x
topology: tpu7x:2x2x1
jax: 0.10.2.dev20260603
libtpu: 0.0.44.dev20260713+nightly
codegen_flags: <defaults>
</compile_context>

<pallas_src>
import functools

import jax
import jax.numpy as jnp
import numpy as np
from jax import lax
from jax.experimental import pallas as pl
from jax.experimental.pallas import tpu as pltpu
from jax.experimental.pallas import tpu_sc as plsc

MUXI = 4096
MUXO = 64
_MININT = np.int32(-2147483648)

BR = 8
HS = 2
HWB = 64 // HS
NB_IN = 4
NB_OUT = 2

_L = 16
_CH = MUXI // _L
_NC, _NS = 2, 16


def _pert_body(u_ref, logit_ref, o_ref):
    u = u_ref[...]
    gn = -jnp.log(-jnp.log(u + 1e-20) + 1e-20)
    o_ref[...] = logit_ref[...] + gn


_sc_mesh = plsc.VectorSubcoreMesh(core_axis_name="c", subcore_axis_name="s")


def _sc_mask_body(pert_hbm, mask_hbm, vbuf, kbuf, mbuf, h0, h1, h2, h3):
    wid = lax.axis_index("s") * _NC + lax.axis_index("c")
    pltpu.sync_copy(pert_hbm.at[wid], vbuf)

    hists = (h0, h1, h2, h3)
    ones = jnp.ones((_L,), jnp.int32)
    minint = jnp.int32(_MININT)
    unroll = 8
    n_grp = _CH // unroll

    def zero_hists():
        for h in hists:
            h[...] = jnp.zeros((_L,), jnp.int32)

    def key_chunk(g, _):
        for q in range(unroll):
            i = g * unroll + q
            v = vbuf[pl.ds(i * _L, _L)]
            r = plsc.bitcast(v, jnp.int32)
            k = r ^ (lax.shift_right_arithmetic(r, 31) & jnp.int32(0x7FFFFFFF))
            u = k ^ minint
            kbuf[pl.ds(i * _L, _L)] = u
            digit = lax.shift_right_logical(u, 28) & jnp.int32(0xF)
            plsc.addupdate_scatter(hists[q % 4], [digit], ones)
        return 0

    zero_hists()
    lax.fori_loop(0, n_grp, key_chunk, 0)

    lane = lax.iota(jnp.int32, _L)
    rank = jnp.int32(MUXO)
    prefix = jnp.int32(0)
    cnt_eq = jnp.int32(0)

    for lvl in range(7, -1, -1):
        shift = 4 * lvl

        if lvl < 7:
            def hpass(g, _, pfx=prefix, shift=shift):
                for q in range(unroll):
                    i = g * unroll + q
                    u = kbuf[pl.ds(i * _L, _L)]
                    act = lax.shift_right_logical(u, shift + 4) == pfx
                    digit = lax.shift_right_logical(u, shift) & jnp.int32(0xF)
                    plsc.addupdate_scatter(hists[q % 4], [digit], ones,
                                           mask=act)
                return 0

            zero_hists()
            lax.fori_loop(0, n_grp, hpass, 0)

        h = h0[...] + h1[...] + h2[...] + h3[...]
        hr = lax.rev(h, (0,))
        cum = plsc.cumsum(hr)
        j = plsc.all_reduce_ffs(cum >= rank)
        d = jnp.int32(15) - j
        cum_j = jnp.max(jnp.where(lane == j, cum, 0))
        hr_j = jnp.max(jnp.where(lane == j, hr, 0))
        rank = rank - (cum_j - hr_j)
        prefix = (prefix << 4) | d
        cnt_eq = hr_j

    t_u = prefix
    t_s = t_u ^ minint
    need = rank

    @pl.when(cnt_eq == need)
    def _():
        def mpass(g, _):
            for q in range(unroll):
                i = g * unroll + q
                s = kbuf[pl.ds(i * _L, _L)] ^ minint
                mbuf[pl.ds(i * _L, _L)] = jnp.where(s >= t_s, 1.0, 0.0)
            return 0

        lax.fori_loop(0, n_grp, mpass, 0)

    @pl.when(cnt_eq != need)
    def _():
        def mpass(g, run):
            for q in range(unroll):
                i = g * unroll + q
                u = kbuf[pl.ds(i * _L, _L)]
                s = u ^ minint
                gt = s > t_s
                eq = u == t_u
                ec = jnp.where(eq, 1, 0).astype(jnp.int32)
                c = plsc.cumsum(ec)
                sel = eq & ((run + c) <= need)
                mbuf[pl.ds(i * _L, _L)] = jnp.where(gt | sel, 1.0, 0.0)
                run = run + jnp.max(c)
            return run

        lax.fori_loop(0, n_grp, mpass, jnp.int32(0))

    pltpu.sync_copy(mbuf, mask_hbm.at[wid])


_sc_mask = functools.partial(
    pl.kernel,
    out_type=jax.ShapeDtypeStruct((_NC * _NS, MUXI), jnp.float32),
    mesh=_sc_mesh,
    compiler_params=pltpu.CompilerParams(needs_layout_passes=False),
    scratch_types=[
        pltpu.VMEM((MUXI,), jnp.float32),
        pltpu.VMEM((MUXI,), jnp.int32),
        pltpu.VMEM((MUXI,), jnp.float32),
        pltpu.VMEM((_L,), jnp.int32),
        pltpu.VMEM((_L,), jnp.int32),
        pltpu.VMEM((_L,), jnp.int32),
        pltpu.VMEM((_L,), jnp.int32),
    ],
)(_sc_mask_body)


def _apply_body(mask_ref, x_hbm, o_hbm, xbuf, obuf, insem, outsem):
    nblk = (mask_ref.shape[0] // BR) * HS

    def in_copy(k, buf):
        b, h = divmod(k, HS)
        return pltpu.make_async_copy(
            x_hbm.at[pl.ds(b * BR, BR), pl.ds(h * HWB, HWB)],
            xbuf.at[buf], insem.at[buf])

    def out_copy(k, buf):
        b, h = divmod(k, HS)
        return pltpu.make_async_copy(
            obuf.at[buf],
            o_hbm.at[pl.ds(b * BR, BR), pl.ds(h * HWB, HWB)],
            outsem.at[buf])

    for k in range(NB_IN):
        in_copy(k, k).start()

    for k in range(nblk):
        in_copy(k, k % NB_IN).wait()
        b = k // HS
        m = mask_ref[pl.ds(b * BR, BR), :]
        y = xbuf[k % NB_IN] * m[:, None, :]
        if k >= NB_OUT:
            out_copy(k - NB_OUT, k % NB_OUT).wait()
        obuf[k % NB_OUT] = y
        out_copy(k, k % NB_OUT).start()
        if k + NB_IN < nblk:
            in_copy(k + NB_IN, k % NB_IN).start()

    for k in range(nblk - NB_OUT, nblk):
        out_copy(k, k % NB_OUT).wait()


def kernel(inputs, u, logits):
    bsz = inputs.shape[0]
    u2 = u.reshape(bsz, MUXI)
    x = inputs.reshape(bsz, 64, MUXI)

    pert = pl.pallas_call(
        _pert_body,
        out_shape=jax.ShapeDtypeStruct((bsz, MUXI), jnp.float32),
    )(u2, logits)

    mask = _sc_mask(pert)

    out = pl.pallas_call(
        _apply_body,
        in_specs=[
            pl.BlockSpec(memory_space=pltpu.VMEM),
            pl.BlockSpec(memory_space=pl.ANY),
        ],
        out_specs=pl.BlockSpec(memory_space=pl.ANY),
        out_shape=jax.ShapeDtypeStruct((bsz, 64, MUXI), jnp.float32),
        scratch_shapes=[
            pltpu.VMEM((NB_IN, BR, HWB, MUXI), jnp.float32),
            pltpu.VMEM((NB_OUT, BR, HWB, MUXI), jnp.float32),
            pltpu.SemaphoreType.DMA((NB_IN,)),
            pltpu.SemaphoreType.DMA((NB_OUT,)),
        ],
    )(mask, x)
    return out.reshape(inputs.shape)

# --- scband reference (transcript-rebuilt; emitter-appended) ---
"""Pipeline reference for scband-probs-approx-cat-multi-layer-70995809402947 (READ-ONLY COPY).

The authoritative reference and input builder live on the scoring server;
editing this copy changes nothing except your own understanding.
"""

import jax, jax.numpy as jnp
import numpy as np

MUX_IN = 4096
MUX_OUT = 64
BS = 32


def setup_inputs(seed: int = 0) -> dict:
    key = jax.random.key(seed)
    k1, k2, k3 = jax.random.split(key, 3)
    inputs = jax.random.normal(k1, (BS, 8, 8, MUX_IN), dtype=jnp.float32)
    # uniform noise that the original layer draws internally (made explicit for determinism)
    u = jax.random.uniform(k2, (BS, 1, MUX_IN), dtype=jnp.float32)
    # learned logits parameter, shape (1, mux_in), RandomNormal init
    logits = jax.random.normal(k3, (1, MUX_IN), dtype=jnp.float32) * 0.05
    return {"inputs": inputs, "u": u, "logits": logits}


def reference(inputs, u, logits):
    temperature = 1.0
    bs = inputs.shape[0]
    # Gumbel noise from uniform draws
    distribution = u + 1e-20
    GN = -jnp.log(-jnp.log(distribution) + 1e-20)  # [BS, 1, mux_in]
    perturbedLog = logits + GN  # broadcast -> [BS, 1, mux_in]
    # top-k over the mux_in axis
    topk_idx = jax.lax.top_k(jnp.squeeze(perturbedLog, axis=1), MUX_OUT)[1]  # [BS, mux_out]
    hardSamples = jax.nn.one_hot(topk_idx, MUX_IN, dtype=jnp.float32)  # [BS, mux_out, mux_in]
    prob_exp = jnp.tile(jnp.expand_dims(jnp.exp(logits), 0), (bs, MUX_OUT, 1))  # [BS, mux_out, mux_in]
    # exclusive cumsum along the mux_out axis
    cumMask = jnp.cumsum(hardSamples, axis=-2) - hardSamples
    softSamples = jax.nn.softmax(
        (jnp.log(prob_exp * (1.0 - cumMask + 1e-20)) + jnp.tile(GN, (1, MUX_OUT, 1))) / temperature,
        axis=-1,
    )
    choice = jnp.sum(jax.lax.stop_gradient(hardSamples - softSamples) + softSamples, axis=1)  # [BS, mux_in]
    outputs = inputs * choice.reshape(-1, 1, 1, MUX_IN)
    return outputs

if __name__ == "__main__":
    import jax
    _d = setup_inputs()
    print(jax.jit(kernel)(*tuple(_d.values())))

</pallas_src>

<mosaic_0001>
#map = affine_map<(d0, d1) -> (0, 0)>
module attributes {stable_mosaic.version = 14 : i64} {
  func.func @_sc_mask_body(%arg0: i32, %arg1: i32, %arg2: memref<32x4096xf32, #tpu.memory_space<hbm>>, %arg3: memref<32x4096xf32, #tpu.memory_space<hbm>>, %arg4: memref<4096xf32, #tpu.memory_space<vmem>>, %arg5: memref<4096xi32, #tpu.memory_space<vmem>>, %arg6: memref<4096xf32, #tpu.memory_space<vmem>>, %arg7: memref<16xi32, #tpu.memory_space<vmem>>, %arg8: memref<16xi32, #tpu.memory_space<vmem>>, %arg9: memref<16xi32, #tpu.memory_space<vmem>>, %arg10: memref<16xi32, #tpu.memory_space<vmem>>) attributes {dimension_semantics = [#tpu.dimension_semantics<core_parallel>, #tpu.dimension_semantics<subcore_parallel>], iteration_bounds = array<i64: 2, 16>, scalar_prefetch = 0 : i64, scratch_operands = 7 : i64, tpu.core_type = #tpu.core_type<sc_vector_subcore>, window_params = [{transform_indices = #map}, {transform_indices = #map}]} {
    %mul3A = arith.constant 2 : i32
    %mul3A_0 = arith.muli %arg1, %mul3A : i32
    %add3A = arith.addi %mul3A_0, %arg0 : i32
    "tpu.region"() ({
      %run_scoped3A = tpu.sem_alloc : memref<!tpu.dma_semaphore, #tpu.memory_space<semaphore_mem>>
      %dma_start3A = arith.constant 0 : i32
      %dma_start3A_625 = tpu.memref_slice %arg2[%add3A, %dma_start3A] : memref<32x4096xf32, #tpu.memory_space<hbm>> -> memref<1x4096xf32, #tpu.memory_space<hbm>>
      %dma_start3A_626 = tpu.memref_squeeze %dma_start3A_625 : memref<1x4096xf32, #tpu.memory_space<hbm>> -> memref<4096xf32, #tpu.memory_space<hbm>>
      %dma_start3A_627 = arith.constant 0 : i32
      %dma_start3A_628 = tpu.memref_slice %arg2[%add3A, %dma_start3A_627] : memref<32x4096xf32, #tpu.memory_space<hbm>> -> memref<1x4096xf32, #tpu.memory_space<hbm>>
      %dma_start3A_629 = tpu.memref_squeeze %dma_start3A_628 : memref<1x4096xf32, #tpu.memory_space<hbm>> -> memref<4096xf32, #tpu.memory_space<hbm>>
      tpu.enqueue_dma source(%dma_start3A_629 : memref<4096xf32, #tpu.memory_space<hbm>>) target(%arg4 : memref<4096xf32, #tpu.memory_space<vmem>>) target_semaphore(%run_scoped3A : memref<!tpu.dma_semaphore, #tpu.memory_space<semaphore_mem>>)
      %dma_wait3A = arith.constant 0 : i32
      %dma_wait3A_630 = tpu.memref_slice %arg2[%add3A, %dma_wait3A] : memref<32x4096xf32, #tpu.memory_space<hbm>> -> memref<1x4096xf32, #tpu.memory_space<hbm>>
      %dma_wait3A_631 = tpu.memref_squeeze %dma_wait3A_630 : memref<1x4096xf32, #tpu.memory_space<hbm>> -> memref<4096xf32, #tpu.memory_space<hbm>>
      %dma_wait3A_632 = arith.constant 0 : i32
      %dma_wait3A_633 = tpu.memref_slice %arg2[%add3A, %dma_wait3A_632] : memref<32x4096xf32, #tpu.memory_space<hbm>> -> memref<1x4096xf32, #tpu.memory_space<hbm>>
      %dma_wait3A_634 = tpu.memref_squeeze %dma_wait3A_633 : memref<1x4096xf32, #tpu.memory_space<hbm>> -> memref<4096xf32, #tpu.memory_space<hbm>>
      tpu.wait_dma2 semaphore(%run_scoped3A : memref<!tpu.dma_semaphore, #tpu.memory_space<semaphore_mem>>) src(%dma_wait3A_634 : memref<4096xf32, #tpu.memory_space<hbm>>) dst(%arg4 : memref<4096xf32, #tpu.memory_space<vmem>>)
      tpu.yield
    }) : () -> ()
    %broadcast_in_dim3A = arith.constant 1 : i32
    %broadcast_in_dim3A_1 = vector.broadcast %broadcast_in_dim3A : i32 to vector<16xi32>
    %broadcast_in_dim3A_2 = arith.constant 0 : i32
    %broadcast_in_dim3A_3 = vector.broadcast %broadcast_in_dim3A_2 : i32 to vector<16xi32>
    %swap3A = arith.constant 0 : index
    %swap3A_4 = tpu.vector_load %arg7[%swap3A] {strides = array<i32>} : memref<16xi32, #tpu.memory_space<vmem>>, vector<16xi32>,
    tpu.vector_store %arg7[%swap3A], %broadcast_in_dim3A_3 {strides = array<i32>} : memref<16xi32, #tpu.memory_space<vmem>>, vector<16xi32>,
    %broadcast_in_dim3A_5 = arith.constant 0 : i32
    %broadcast_in_dim3A_6 = vector.broadcast %broadcast_in_dim3A_5 : i32 to vector<16xi32>
    %swap3A_7 = arith.constant 0 : index
    %swap3A_8 = tpu.vector_load %arg8[%swap3A_7] {strides = array<i32>} : memref<16xi32, #tpu.memory_space<vmem>>, vector<16xi32>,
    tpu.vector_store %arg8[%swap3A_7], %broadcast_in_dim3A_6 {strides = array<i32>} : memref<16xi32, #tpu.memory_space<vmem>>, vector<16xi32>,
    %broadcast_in_dim3A_9 = arith.constant 0 : i32
    %broadcast_in_dim3A_10 = vector.broadcast %broadcast_in_dim3A_9 : i32 to vector<16xi32>
    %swap3A_11 = arith.constant 0 : index
    %swap3A_12 = tpu.vector_load %arg9[%swap3A_11] {strides = array<i32>} : memref<16xi32, #tpu.memory_space<vmem>>, vector<16xi32>,
    tpu.vector_store %arg9[%swap3A_11], %broadcast_in_dim3A_10 {strides = array<i32>} : memref<16xi32, #tpu.memory_space<vmem>>, vector<16xi32>,
    %broadcast_in_dim3A_13 = arith.constant 0 : i32
    %broadcast_in_dim3A_14 = vector.broadcast %broadcast_in_dim3A_13 : i32 to vector<16xi32>
    %swap3A_15 = arith.constant 0 : index
    %swap3A_16 = tpu.vector_load %arg10[%swap3A_15] {strides = array<i32>} : memref<16xi32, #tpu.memory_space<vmem>>, vector<16xi32>,
    tpu.vector_store %arg10[%swap3A_15], %broadcast_in_dim3A_14 {strides = array<i32>} : memref<16xi32, #tpu.memory_space<vmem>>, vector<16xi32>,
    %scan3A = arith.constant -2147483648 : i32
    %scan3A_17 = arith.constant 0 : i32
    %scan3A_18 = arith.constant 0 : i32
    %scan3A_19 = arith.constant 32 : i32
    %scan3A_20 = arith.addi %scan3A_18, %scan3A_19 : i32
    %scan3A_21 = arith.constant 1 : i32
    %scan3A_22 = scf.for %scan3A_625 = %scan3A_18 to %scan3A_20 step %scan3A_21 iter_args(%scan3A_626 = %scan3A_17) -> (i32)  : i32 {
      %mul3A_627 = arith.constant 8 : i32
      %mul3A_628 = arith.muli %scan3A_625, %mul3A_627 : i32
      %add3A_629 = arith.constant 0 : i32
      %add3A_630 = arith.addi %mul3A_628, %add3A_629 : i32
      %mul3A_631 = arith.constant 16 : i32
      %mul3A_632 = arith.muli %add3A_630, %mul3A_631 : i32
      %get3A_633 = arith.index_cast %mul3A_632 : i32 to index
      %get3A_634 = tpu.vector_load %arg4[%get3A_633] {strides = array<i32>} : memref<4096xf32, #tpu.memory_space<vmem>>, vector<16xf32>,
      %bitcast3A = vector.bitcast %get3A_634 : vector<16xf32> to vector<16xi32>
      %shift_right_arithmetic3A = arith.constant 31 : i32
      %shift_right_arithmetic3A_635 = vector.broadcast %shift_right_arithmetic3A : i32 to vector<16xi32>
      %shift_right_arithmetic3A_636 = arith.shrsi %bitcast3A, %shift_right_arithmetic3A_635 : vector<16xi32>
      %and3A = arith.constant 2147483647 : i32
      %and3A_637 = vector.broadcast %and3A : i32 to vector<16xi32>
      %and3A_638 = arith.andi %shift_right_arithmetic3A_636, %and3A_637 : vector<16xi32>
      %xor3A_639 = arith.xori %bitcast3A, %and3A_638 : vector<16xi32>
      %xor3A_640 = vector.broadcast %scan3A : i32 to vector<16xi32>
      %xor3A_641 = arith.xori %xor3A_639, %xor3A_640 : vector<16xi32>
      %mul3A_642 = arith.constant 16 : i32
      %mul3A_643 = arith.muli %add3A_630, %mul3A_642 : i32
      %swap3A_644 = arith.index_cast %mul3A_643 : i32 to index
      %swap3A_645 = tpu.vector_load %arg5[%swap3A_644] {strides = array<i32>} : memref<4096xi32, #tpu.memory_space<vmem>>, vector<16xi32>,
      tpu.vector_store %arg5[%swap3A_644], %xor3A_641 {strides = array<i32>} : memref<4096xi32, #tpu.memory_space<vmem>>, vector<16xi32>,
      %shift_right_logical3A = arith.constant 28 : i32
      %shift_right_logical3A_646 = vector.broadcast %shift_right_logical3A : i32 to vector<16xi32>
      %shift_right_logical3A_647 = arith.shrui %xor3A_641, %shift_right_logical3A_646 : vector<16xi32>
      %and3A_648 = arith.constant 15 : i32
      %and3A_649 = vector.broadcast %and3A_648 : i32 to vector<16xi32>
      %and3A_650 = arith.andi %shift_right_logical3A_647, %and3A_649 : vector<16xi32>
      tpu.vector_store_idx %arg7[%and3A_650], %broadcast_in_dim3A_1 {add = true} : memref<16xi32, #tpu.memory_space<vmem>>[vector<16xi32>], vector<16xi32>,
      %mul3A_651 = arith.constant 8 : i32
      %mul3A_652 = arith.muli %scan3A_625, %mul3A_651 : i32
      %add3A_653 = arith.constant 1 : i32
      %add3A_654 = arith.addi %mul3A_652, %add3A_653 : i32
      %mul3A_655 = arith.constant 16 : i32
      %mul3A_656 = arith.muli %add3A_654, %mul3A_655 : i32
      %get3A_657 = arith.index_cast %mul3A_656 : i32 to index
      %get3A_658 = tpu.vector_load %arg4[%get3A_657] {strides = array<i32>} : memref<4096xf32, #tpu.memory_space<vmem>>, vector<16xf32>,
      %bitcast3A_659 = vector.bitcast %get3A_658 : vector<16xf32> to vector<16xi32>
      %shift_right_arithmetic3A_660 = arith.constant 31 : i32
      %shift_right_arithmetic3A_661 = vector.broadcast %shift_right_arithmetic3A_660 : i32 to vector<16xi32>
      %shift_right_arithmetic3A_662 = arith.shrsi %bitcast3A_659, %shift_right_arithmetic3A_661 : vector<16xi32>
      %and3A_663 = arith.constant 2147483647 : i32
      %and3A_664 = vector.broadcast %and3A_663 : i32 to vector<16xi32>
      %and3A_665 = arith.andi %shift_right_arithmetic3A_662, %and3A_664 : vector<16xi32>
      %xor3A_666 = arith.xori %bitcast3A_659, %and3A_665 : vector<16xi32>
      %xor3A_667 = vector.broadcast %scan3A : i32 to vector<16xi32>
      %xor3A_668 = arith.xori %xor3A_666, %xor3A_667 : vector<16xi32>
      %mul3A_669 = arith.constant 16 : i32
      %mul3A_670 = arith.muli %add3A_654, %mul3A_669 : i32
      %swap3A_671 = arith.index_cast %mul3A_670 : i32 to index
      %swap3A_672 = tpu.vector_load %arg5[%swap3A_671] {strides = array<i32>} : memref<4096xi32, #tpu.memory_space<vmem>>, vector<16xi32>,
      tpu.vector_store %arg5[%swap3A_671], %xor3A_668 {strides = array<i32>} : memref<4096xi32, #tpu.memory_space<vmem>>, vector<16xi32>,
      %shift_right_logical3A_673 = arith.constant 28 : i32
      %shift_right_logical3A_674 = vector.broadcast %shift_right_logical3A_673 : i32 to vector<16xi32>
      %shift_right_logical3A_675 = arith.shrui %xor3A_668, %shift_right_logical3A_674 : vector<16xi32>
      %and3A_676 = arith.constant 15 : i32
      %and3A_677 = vector.broadcast %and3A_676 : i32 to vector<16xi32>
      %and3A_678 = arith.andi %shift_right_logical3A_675, %and3A_677 : vector<16xi32>
      tpu.vector_store_idx %arg8[%and3A_678], %broadcast_in_dim3A_1 {add = true} : memref<16xi32, #tpu.memory_space<vmem>>[vector<16xi32>], vector<16xi32>,
      %mul3A_679 = arith.constant 8 : i32
      %mul3A_680 = arith.muli %scan3A_625, %mul3A_679 : i32
      %add3A_681 = arith.constant 2 : i32
      %add3A_682 = arith.addi %mul3A_680, %add3A_681 : i32
      %mul3A_683 = arith.constant 16 : i32
      %mul3A_684 = arith.muli %add3A_682, %mul3A_683 : i32
      %get3A_685 = arith.index_cast %mul3A_684 : i32 to index
      %get3A_686 = tpu.vector_load %arg4[%get3A_685] {strides = array<i32>} : memref<4096xf32, #tpu.memory_space<vmem>>, vector<16xf32>,
      %bitcast3A_687 = vector.bitcast %get3A_686 : vector<16xf32> to vector<16xi32>
      %shift_right_arithmetic3A_688 = arith.constant 31 : i32
      %shift_right_arithmetic3A_689 = vector.broadcast %shift_right_arithmetic3A_688 : i32 to vector<16xi32>
      %shift_right_arithmetic3A_690 = arith.shrsi %bitcast3A_687, %shift_right_arithmetic3A_689 : vector<16xi32>
      %and3A_691 = arith.constant 2147483647 : i32
      %and3A_692 = vector.broadcast %and3A_691 : i32 to vector<16xi32>
      %and3A_693 = arith.andi %shift_right_arithmetic3A_690, %and3A_692 : vector<16xi32>
      %xor3A_694 = arith.xori %bitcast3A_687, %and3A_693 : vector<16xi32>
      %xor3A_695 = vector.broadcast %scan3A : i32 to vector<16xi32>
      %xor3A_696 = arith.xori %xor3A_694, %xor3A_695 : vector<16xi32>
      %mul3A_697 = arith.constant 16 : i32
      %mul3A_698 = arith.muli %add3A_682, %mul3A_697 : i32
      %swap3A_699 = arith.index_cast %mul3A_698 : i32 to index
      %swap3A_700 = tpu.vector_load %arg5[%swap3A_699] {strides = array<i32>} : memref<4096xi32, #tpu.memory_space<vmem>>, vector<16xi32>,
      tpu.vector_store %arg5[%swap3A_699], %xor3A_696 {strides = array<i32>} : memref<4096xi32, #tpu.memory_space<vmem>>, vector<16xi32>,
      %shift_right_logical3A_701 = arith.constant 28 : i32
      %shift_right_logical3A_702 = vector.broadcast %shift_right_logical3A_701 : i32 to vector<16xi32>
      %shift_right_logical3A_703 = arith.shrui %xor3A_696, %shift_right_logical3A_702 : vector<16xi32>
      %and3A_704 = arith.constant 15 : i32
      %and3A_705 = vector.broadcast %and3A_704 : i32 to vector<16xi32>
      %and3A_706 = arith.andi %shift_right_logical3A_703, %and3A_705 : vector<16xi32>
      tpu.vector_store_idx %arg9[%and3A_706], %broadcast_in_dim3A_1 {add = true} : memref<16xi32, #tpu.memory_space<vmem>>[vector<16xi32>], vector<16xi32>,
      %mul3A_707 = arith.constant 8 : i32
      %mul3A_708 = arith.muli %scan3A_625, %mul3A_707 : i32
      %add3A_709 = arith.constant 3 : i32
      %add3A_710 = arith.addi %mul3A_708, %add3A_709 : i32
      %mul3A_711 = arith.constant 16 : i32
      %mul3A_712 = arith.muli %add3A_710, %mul3A_711 : i32
      %get3A_713 = arith.index_cast %mul3A_712 : i32 to index
      %get3A_714 = tpu.vector_load %arg4[%get3A_713] {strides = array<i32>} : memref<4096xf32, #tpu.memory_space<vmem>>, vector<16xf32>,
      %bitcast3A_715 = vector.bitcast %get3A_714 : vector<16xf32> to vector<16xi32>
      %shift_right_arithmetic3A_716 = arith.constant 31 : i32
      %shift_right_arithmetic3A_717 = vector.broadcast %shift_right_arithmetic3A_716 : i32 to vector<16xi32>
      %shift_right_arithmetic3A_718 = arith.shrsi %bitcast3A_715, %shift_right_arithmetic3A_717 : vector<16xi32>
      %and3A_719 = arith.constant 2147483647 : i32
      %and3A_720 = vector.broadcast %and3A_719 : i32 to vector<16xi32>
      %and3A_721 = arith.andi %shift_right_arithmetic3A_718, %and3A_720 : vector<16xi32>
      %xor3A_722 = arith.xori %bitcast3A_715, %and3A_721 : vector<16xi32>
      %xor3A_723 = vector.broadcast %scan3A : i32 to vector<16xi32>
      %xor3A_724 = arith.xori %xor3A_722, %xor3A_723 : vector<16xi32>
      %mul3A_725 = arith.constant 16 : i32
      %mul3A_726 = arith.muli %add3A_710, %mul3A_725 : i32
      %swap3A_727 = arith.index_cast %mul3A_726 : i32 to index
      %swap3A_728 = tpu.vector_load %arg5[%swap3A_727] {strides = array<i32>} : memref<4096xi32, #tpu.memory_space<vmem>>, vector<16xi32>,
      tpu.vector_store %arg5[%swap3A_727], %xor3A_724 {strides = array<i32>} : memref<4096xi32, #tpu.memory_space<vmem>>, vector<16xi32>,
      %shift_right_logical3A_729 = arith.constant 28 : i32
      %shift_right_logical3A_730 = vector.broadcast %shift_right_logical3A_729 : i32 to vector<16xi32>
      %shift_right_logical3A_731 = arith.shrui %xor3A_724, %shift_right_logical3A_730 : vector<16xi32>
      %and3A_732 = arith.constant 15 : i32
      %and3A_733 = vector.broadcast %and3A_732 : i32 to vector<16xi32>
      %and3A_734 = arith.andi %shift_right_logical3A_731, %and3A_733 : vector<16xi32>
      tpu.vector_store_idx %arg10[%and3A_734], %broadcast_in_dim3A_1 {add = true} : memref<16xi32, #tpu.memory_space<vmem>>[vector<16xi32>], vector<16xi32>,
      %mul3A_735 = arith.constant 8 : i32
      %mul3A_736 = arith.muli %scan3A_625, %mul3A_735 : i32
      %add3A_737 = arith.constant 4 : i32
      %add3A_738 = arith.addi %mul3A_736, %add3A_737 : i32
      %mul3A_739 = arith.constant 16 : i32
      %mul3A_740 = arith.muli %add3A_738, %mul3A_739 : i32
      %get3A_741 = arith.index_cast %mul3A_740 : i32 to index
      %get3A_742 = tpu.vector_load %arg4[%get3A_741] {strides = array<i32>} : memref<4096xf32, #tpu.memory_space<vmem>>, vector<16xf32>,
      %bitcast3A_743 = vector.bitcast %get3A_742 : vector<16xf32> to vector<16xi32>
      %shift_right_arithmetic3A_744 = arith.constant 31 : i32
      %shift_right_arithmetic3A_745 = vector.broadcast %shift_right_arithmetic3A_744 : i32 to vector<16xi32>
      %shift_right_arithmetic3A_746 = arith.shrsi %bitcast3A_743, %shift_right_arithmetic3A_745 : vector<16xi32>
      %and3A_747 = arith.constant 2147483647 : i32
      %and3A_748 = vector.broadcast %and3A_747 : i32 to vector<16xi32>
      %and3A_749 = arith.andi %shift_right_arithmetic3A_746, %and3A_748 : vector<16xi32>
      %xor3A_750 = arith.xori %bitcast3A_743, %and3A_749 : vector<16xi32>
      %xor3A_751 = vector.broadcast %scan3A : i32 to vector<16xi32>
      %xor3A_752 = arith.xori %xor3A_750, %xor3A_751 : vector<16xi32>
      %mul3A_753 = arith.constant 16 : i32
      %mul3A_754 = arith.muli %add3A_738, %mul3A_753 : i32
      %swap3A_755 = arith.index_cast %mul3A_754 : i32 to index
      %swap3A_756 = tpu.vector_load %arg5[%swap3A_755] {strides = array<i32>} : memref<4096xi32, #tpu.memory_space<vmem>>, vector<16xi32>,
      tpu.vector_store %arg5[%swap3A_755], %xor3A_752 {strides = array<i32>} : memref<4096xi32, #tpu.memory_space<vmem>>, vector<16xi32>,
      %shift_right_logical3A_757 = arith.constant 28 : i32
      %shift_right_logical3A_758 = vector.broadcast %shift_right_logical3A_757 : i32 to vector<16xi32>
      %shift_right_logical3A_759 = arith.shrui %xor3A_752, %shift_right_logical3A_758 : vector<16xi32>
      %and3A_760 = arith.constant 15 : i32
      %and3A_761 = vector.broadcast %and3A_760 : i32 to vector<16xi32>
      %and3A_762 = arith.andi %shift_right_logical3A_759, %and3A_761 : vector<16xi32>
      tpu.vector_store_idx %arg7[%and3A_762], %broadcast_in_dim3A_1 {add = true} : memref<16xi32, #tpu.memory_space<vmem>>[vector<16xi32>], vector<16xi32>,
      %mul3A_763 = arith.constant 8 : i32
      %mul3A_764 = arith.muli %scan3A_625, %mul3A_763 : i32
      %add3A_765 = arith.constant 5 : i32
      %add3A_766 = arith.addi %mul3A_764, %add3A_765 : i32
      %mul3A_767 = arith.constant 16 : i32
      %mul3A_768 = arith.muli %add3A_766, %mul3A_767 : i32
      %get3A_769 = arith.index_cast %mul3A_768 : i32 to index
      %get3A_770 = tpu.vector_load %arg4[%get3A_769] {strides = array<i32>} : memref<4096xf32, #tpu.memory_space<vmem>>, vector<16xf32>,
      %bitcast3A_771 = vector.bitcast %get3A_770 : vector<16xf32> to vector<16xi32>
      %shift_right_arithmetic3A_772 = arith.constant 31 : i32
      %shift_right_arithmetic3A_773 = vector.broadcast %shift_right_arithmetic3A_772 : i32 to vector<16xi32>
      %shift_right_arithmetic3A_774 = arith.shrsi %bitcast3A_771, %shift_right_arithmetic3A_773 : vector<16xi32>
      %and3A_775 = arith.constant 2147483647 : i32
      %and3A_776 = vector.broadcast %and3A_775 : i32 to vector<16xi32>
      %and3A_777 = arith.andi %shift_right_arithmetic3A_774, %and3A_776 : vector<16xi32>
      %xor3A_778 = arith.xori %bitcast3A_771, %and3A_777 : vector<16xi32>
      %xor3A_779 = vector.broadcast %scan3A : i32 to vector<16xi32>
      %xor3A_780 = arith.xori %xor3A_778, %xor3A_779 : vector<16xi32>
      %mul3A_781 = arith.constant 16 : i32
      %mul3A_782 = arith.muli %add3A_766, %mul3A_781 : i32
      %swap3A_783 = arith.index_cast %mul3A_782 : i32 to index
      %swap3A_784 = tpu.vector_load %arg5[%swap3A_783] {strides = array<i32>} : memref<4096xi32, #tpu.memory_space<vmem>>, vector<16xi32>,
      tpu.vector_store %arg5[%swap3A_783], %xor3A_780 {strides = array<i32>} : memref<4096xi32, #tpu.memory_space<vmem>>, vector<16xi32>,
      %shift_right_logical3A_785 = arith.constant 28 : i32
      %shift_right_logical3A_786 = vector.broadcast %shift_right_logical3A_785 : i32 to vector<16xi32>
      %shift_right_logical3A_787 = arith.shrui %xor3A_780, %shift_right_logical3A_786 : vector<16xi32>
      %and3A_788 = arith.constant 15 : i32
      %and3A_789 = vector.broadcast %and3A_788 : i32 to vector<16xi32>
      %and3A_790 = arith.andi %shift_right_logical3A_787, %and3A_789 : vector<16xi32>
      tpu.vector_store_idx %arg8[%and3A_790], %broadcast_in_dim3A_1 {add = true} : memref<16xi32, #tpu.memory_space<vmem>>[vector<16xi32>], vector<16xi32>,
      %mul3A_791 = arith.constant 8 : i32
      %mul3A_792 = arith.muli %scan3A_625, %mul3A_791 : i32
      %add3A_793 = arith.constant 6 : i32
      %add3A_794 = arith.addi %mul3A_792, %add3A_793 : i32
      %mul3A_795 = arith.constant 16 : i32
      %mul3A_796 = arith.muli %add3A_794, %mul3A_795 : i32
      %get3A_797 = arith.index_cast %mul3A_796 : i32 to index
      %get3A_798 = tpu.vector_load %arg4[%get3A_797] {strides = array<i32>} : memref<4096xf32, #tpu.memory_space<vmem>>, vector<16xf32>,
      %bitcast3A_799 = vector.bitcast %get3A_798 : vector<16xf32> to vector<16xi32>
      %shift_right_arithmetic3A_800 = arith.constant 31 : i32
      %shift_right_arithmetic3A_801 = vector.broadcast %shift_right_arithmetic3A_800 : i32 to vector<16xi32>
      %shift_right_arithmetic3A_802 = arith.shrsi %bitcast3A_799, %shift_right_arithmetic3A_801 : vector<16xi32>
      %and3A_803 = arith.constant 2147483647 : i32
      %and3A_804 = vector.broadcast %and3A_803 : i32 to vector<16xi32>
      %and3A_805 = arith.andi %shift_right_arithmetic3A_802, %and3A_804 : vector<16xi32>
      %xor3A_806 = arith.xori %bitcast3A_799, %and3A_805 : vector<16xi32>
      %xor3A_807 = vector.broadcast %scan3A : i32 to vector<16xi32>
      %xor3A_808 = arith.xori %xor3A_806, %xor3A_807 : vector<16xi32>
      %mul3A_809 = arith.constant 16 : i32
      %mul3A_810 = arith.muli %add3A_794, %mul3A_809 : i32
      %swap3A_811 = arith.index_cast %mul3A_810 : i32 to index
      %swap3A_812 = tpu.vector_load %arg5[%swap3A_811] {strides = array<i32>} : memref<4096xi32, #tpu.memory_space<vmem>>, vector<16xi32>,
      tpu.vector_store %arg5[%swap3A_811], %xor3A_808 {strides = array<i32>} : memref<4096xi32, #tpu.memory_space<vmem>>, vector<16xi32>,
      %shift_right_logical3A_813 = arith.constant 28 : i32
      %shift_right_logical3A_814 = vector.broadcast %shift_right_logical3A_813 : i32 to vector<16xi32>
      %shift_right_logical3A_815 = arith.shrui %xor3A_808, %shift_right_logical3A_814 : vector<16xi32>
      %and3A_816 = arith.constant 15 : i32
      %and3A_817 = vector.broadcast %and3A_816 : i32 to vector<16xi32>
      %and3A_818 = arith.andi %shift_right_logical3A_815, %and3A_817 : vector<16xi32>
      tpu.vector_store_idx %arg9[%and3A_818], %broadcast_in_dim3A_1 {add = true} : memref<16xi32, #tpu.memory_space<vmem>>[vector<16xi32>], vector<16xi32>,
      %mul3A_819 = arith.constant 8 : i32
      %mul3A_820 = arith.muli %scan3A_625, %mul3A_819 : i32
      %add3A_821 = arith.constant 7 : i32
      %add3A_822 = arith.addi %mul3A_820, %add3A_821 : i32
      %mul3A_823 = arith.constant 16 : i32
      %mul3A_824 = arith.muli %add3A_822, %mul3A_823 : i32
      %get3A_825 = arith.index_cast %mul3A_824 : i32 to index
      %get3A_826 = tpu.vector_load %arg4[%get3A_825] {strides = array<i32>} : memref<4096xf32, #tpu.memory_space<vmem>>, vector<16xf32>,
      %bitcast3A_827 = vector.bitcast %get3A_826 : vector<16xf32> to vector<16xi32>
      %shift_right_arithmetic3A_828 = arith.constant 31 : i32
      %shift_right_arithmetic3A_829 = vector.broadcast %shift_right_arithmetic3A_828 : i32 to vector<16xi32>
      %shift_right_arithmetic3A_830 = arith.shrsi %bitcast3A_827, %shift_right_arithmetic3A_829 : vector<16xi32>
      %and3A_831 = arith.constant 2147483647 : i32
      %and3A_832 = vector.broadcast %and3A_831 : i32 to vector<16xi32>
      %and3A_833 = arith.andi %shift_right_arithmetic3A_830, %and3A_832 : vector<16xi32>
      %xor3A_834 = arith.xori %bitcast3A_827, %and3A_833 : vector<16xi32>
      %xor3A_835 = vector.broadcast %scan3A : i32 to vector<16xi32>
      %xor3A_836 = arith.xori %xor3A_834, %xor3A_835 : vector<16xi32>
      %mul3A_837 = arith.constant 16 : i32
      %mul3A_838 = arith.muli %add3A_822, %mul3A_837 : i32
      %swap3A_839 = arith.index_cast %mul3A_838 : i32 to index
      %swap3A_840 = tpu.vector_load %arg5[%swap3A_839] {strides = array<i32>} : memref<4096xi32, #tpu.memory_space<vmem>>, vector<16xi32>,
      tpu.vector_store %arg5[%swap3A_839], %xor3A_836 {strides = array<i32>} : memref<4096xi32, #tpu.memory_space<vmem>>, vector<16xi32>,
      %shift_right_logical3A_841 = arith.constant 28 : i32
      %shift_right_logical3A_842 = vector.broadcast %shift_right_logical3A_841 : i32 to vector<16xi32>
      %shift_right_logical3A_843 = arith.shrui %xor3A_836, %shift_right_logical3A_842 : vector<16xi32>
      %and3A_844 = arith.constant 15 : i32
      %and3A_845 = vector.broadcast %and3A_844 : i32 to vector<16xi32>
      %and3A_846 = arith.andi %shift_right_logical3A_843, %and3A_845 : vector<16xi32>
      tpu.vector_store_idx %arg10[%and3A_846], %broadcast_in_dim3A_1 {add = true} : memref<16xi32, #tpu.memory_space<vmem>>[vector<16xi32>], vector<16xi32>,
      %scan3A_847 = arith.constant 0 : i32
      scf.yield %scan3A_847 : i32
    }
    %scan3A_23 = arith.constant 32 : i32
    %iota3A = tpu.iota {dimensions = array<i32: 0>} : vector<16xi32>
    %get3A = arith.constant 0 : index
    %get3A_24 = tpu.vector_load %arg7[%get3A] {strides = array<i32>} : memref<16xi32, #tpu.memory_space<vmem>>, vector<16xi32>,
    %get3A_25 = arith.constant 0 : index
    %get3A_26 = tpu.vector_load %arg8[%get3A_25] {strides = array<i32>} : memref<16xi32, #tpu.memory_space<vmem>>, vector<16xi32>,
    %add3A_27 = arith.addi %get3A_24, %get3A_26 : vector<16xi32>
    %get3A_28 = arith.constant 0 : index
    %get3A_29 = tpu.vector_load %arg9[%get3A_28] {strides = array<i32>} : memref<16xi32, #tpu.memory_space<vmem>>, vector<16xi32>,
    %add3A_30 = arith.addi %add3A_27, %get3A_29 : vector<16xi32>
    %get3A_31 = arith.constant 0 : index
    %get3A_32 = tpu.vector_load %arg10[%get3A_31] {strides = array<i32>} : memref<16xi32, #tpu.memory_space<vmem>>, vector<16xi32>,
    %add3A_33 = arith.addi %add3A_30, %get3A_32 : vector<16xi32>
    %rev3A = arith.constant 15 : i32
    %rev3A_34 = vector.broadcast %rev3A : i32 to vector<16xi32>
    %rev3A_35 = tpu.iota {dimensions = array<i32: 0>} : vector<16xi32>
    %rev3A_36 = arith.subi %rev3A_34, %rev3A_35 : vector<16xi32>
    %rev3A_37 = tpu.dynamic_gather %add3A_33[%rev3A_36] in [0] : vector<16xi32>, vector<16xi32> -> vector<16xi32>
    %broadcast_in_dim3A_38 = arith.constant true
    %broadcast_in_dim3A_39 = vector.broadcast %broadcast_in_dim3A_38 : i1 to vector<16xi1>
    %masked_cumsum3A = tpu.scan <sum>, %rev3A_37 masked %broadcast_in_dim3A_39 : vector<16xi32>, vector<16xi1> -> vector<16xi32>
    %ge3A = arith.constant 64 : i32
    %ge3A_40 = vector.broadcast %ge3A : i32 to vector<16xi32>
    %ge3A_41 = arith.cmpi sge, %masked_cumsum3A, %ge3A_40 : vector<16xi32>
    %all_reduce_ffs3A = tpu.all_reduce %ge3A_41 {dim = 0 : i64, kind = #tpu.reduction_kind<find_first_set>} : vector<16xi1> -> vector<16xi32>
    %sub3A = arith.constant 15 : i32
    %sub3A_42 = vector.broadcast %sub3A : i32 to vector<16xi32>
    %sub3A_43 = arith.subi %sub3A_42, %all_reduce_ffs3A : vector<16xi32>
    %eq3A = arith.cmpi eq, %iota3A, %all_reduce_ffs3A : vector<16xi32>
    %jit3A = arith.constant 0 : i32
    %broadcast_in_dim3A_44 = vector.broadcast %jit3A : i32 to vector<16xi32>
    %select_n3A = arith.select %eq3A, %masked_cumsum3A, %broadcast_in_dim3A_44 : vector<16xi1>, vector<16xi32>
    %reduce_max3A = arith.constant true
    %reduce_max3A_45 = vector.broadcast %reduce_max3A : i1 to vector<16xi1>
    %reduce_max3A_46 = arith.constant -2147483648 : i32
    %reduce_max3A_47 = vector.broadcast %reduce_max3A_46 : i32 to vector<16xi32>
    %reduce_max3A_48 = arith.xori %select_n3A, %reduce_max3A_47 : vector<16xi32>
    %reduce_max3A_49 = tpu.scan <max>, %reduce_max3A_48 masked %reduce_max3A_45 : vector<16xi32>, vector<16xi1> -> vector<16xi32>
    %reduce_max3A_50 = arith.xori %reduce_max3A_49, %reduce_max3A_47 : vector<16xi32>
    %reduce_max3A_51 = vector.extract %reduce_max3A_50[15] : i32 from vector<16xi32>
    %eq3A_52 = arith.cmpi eq, %iota3A, %all_reduce_ffs3A : vector<16xi32>
    %jit3A_53 = arith.constant 0 : i32
    %broadcast_in_dim3A_54 = vector.broadcast %jit3A_53 : i32 to vector<16xi32>
    %select_n3A_55 = arith.select %eq3A_52, %rev3A_37, %broadcast_in_dim3A_54 : vector<16xi1>, vector<16xi32>
    %reduce_max3A_56 = arith.constant true
    %reduce_max3A_57 = vector.broadcast %reduce_max3A_56 : i1 to vector<16xi1>
    %reduce_max3A_58 = arith.constant -2147483648 : i32
    %reduce_max3A_59 = vector.broadcast %reduce_max3A_58 : i32 to vector<16xi32>
    %reduce_max3A_60 = arith.xori %select_n3A_55, %reduce_max3A_59 : vector<16xi32>
    %reduce_max3A_61 = tpu.scan <max>, %reduce_max3A_60 masked %reduce_max3A_57 : vector<16xi32>, vector<16xi1> -> vector<16xi32>
    %reduce_max3A_62 = arith.xori %reduce_max3A_61, %reduce_max3A_59 : vector<16xi32>
    %reduce_max3A_63 = vector.extract %reduce_max3A_62[15] : i32 from vector<16xi32>
    %sub3A_64 = arith.subi %reduce_max3A_51, %reduce_max3A_63 : i32
    %sub3A_65 = arith.constant 64 : i32
    %sub3A_66 = arith.subi %sub3A_65, %sub3A_64 : i32
    %shift_left3A = arith.constant 0 : i32
    %shift_left3A_67 = arith.constant 4 : i32
    %shift_left3A_68 = arith.shli %shift_left3A, %shift_left3A_67 : i32
    %or3A = vector.broadcast %shift_left3A_68 : i32 to vector<16xi32>
    %or3A_69 = arith.ori %or3A, %sub3A_43 : vector<16xi32>
    %broadcast_in_dim3A_70 = arith.constant 0 : i32
    %broadcast_in_dim3A_71 = vector.broadcast %broadcast_in_dim3A_70 : i32 to vector<16xi32>
    %swap3A_72 = arith.constant 0 : index
    %swap3A_73 = tpu.vector_load %arg7[%swap3A_72] {strides = array<i32>} : memref<16xi32, #tpu.memory_space<vmem>>, vector<16xi32>,
    tpu.vector_store %arg7[%swap3A_72], %broadcast_in_dim3A_71 {strides = array<i32>} : memref<16xi32, #tpu.memory_space<vmem>>, vector<16xi32>,
    %broadcast_in_dim3A_74 = arith.constant 0 : i32
    %broadcast_in_dim3A_75 = vector.broadcast %broadcast_in_dim3A_74 : i32 to vector<16xi32>
    %swap3A_76 = arith.constant 0 : index
    %swap3A_77 = tpu.vector_load %arg8[%swap3A_76] {strides = array<i32>} : memref<16xi32, #tpu.memory_space<vmem>>, vector<16xi32>,
    tpu.vector_store %arg8[%swap3A_76], %broadcast_in_dim3A_75 {strides = array<i32>} : memref<16xi32, #tpu.memory_space<vmem>>, vector<16xi32>,
    %broadcast_in_dim3A_78 = arith.constant 0 : i32
    %broadcast_in_dim3A_79 = vector.broadcast %broadcast_in_dim3A_78 : i32 to vector<16xi32>
    %swap3A_80 = arith.constant 0 : index
    %swap3A_81 = tpu.vector_load %arg9[%swap3A_80] {strides = array<i32>} : memref<16xi32, #tpu.memory_space<vmem>>, vector<16xi32>,
    tpu.vector_store %arg9[%swap3A_80], %broadcast_in_dim3A_79 {strides = array<i32>} : memref<16xi32, #tpu.memory_space<vmem>>, vector<16xi32>,
    %broadcast_in_dim3A_82 = arith.constant 0 : i32
    %broadcast_in_dim3A_83 = vector.broadcast %broadcast_in_dim3A_82 : i32 to vector<16xi32>
    %swap3A_84 = arith.constant 0 : index
    %swap3A_85 = tpu.vector_load %arg10[%swap3A_84] {strides = array<i32>} : memref<16xi32, #tpu.memory_space<vmem>>, vector<16xi32>,
    tpu.vector_store %arg10[%swap3A_84], %broadcast_in_dim3A_83 {strides = array<i32>} : memref<16xi32, #tpu.memory_space<vmem>>, vector<16xi32>,
    %scan3A_86 = arith.constant 0 : i32
    %scan3A_87 = arith.constant 0 : i32
    %scan3A_88 = arith.constant 32 : i32
    %scan3A_89 = arith.addi %scan3A_87, %scan3A_88 : i32
    %scan3A_90 = arith.constant 1 : i32
    %scan3A_91 = scf.for %scan3A_625 = %scan3A_87 to %scan3A_89 step %scan3A_90 iter_args(%scan3A_626 = %scan3A_86) -> (i32)  : i32 {
      %mul3A_627 = arith.constant 8 : i32
      %mul3A_628 = arith.muli %scan3A_625, %mul3A_627 : i32
      %add3A_629 = arith.constant 0 : i32
      %add3A_630 = arith.addi %mul3A_628, %add3A_629 : i32
      %mul3A_631 = arith.constant 16 : i32
      %mul3A_632 = arith.muli %add3A_630, %mul3A_631 : i32
      %get3A_633 = arith.index_cast %mul3A_632 : i32 to index
      %get3A_634 = tpu.vector_load %arg5[%get3A_633] {strides = array<i32>} : memref<4096xi32, #tpu.memory_space<vmem>>, vector<16xi32>,
      %shift_right_logical3A = arith.constant 28 : i32
      %shift_right_logical3A_635 = vector.broadcast %shift_right_logical3A : i32 to vector<16xi32>
      %shift_right_logical3A_636 = arith.shrui %get3A_634, %shift_right_logical3A_635 : vector<16xi32>
      %eq3A_637 = arith.cmpi eq, %shift_right_logical3A_636, %or3A_69 : vector<16xi32>
      %shift_right_logical3A_638 = arith.constant 24 : i32
      %shift_right_logical3A_639 = vector.broadcast %shift_right_logical3A_638 : i32 to vector<16xi32>
      %shift_right_logical3A_640 = arith.shrui %get3A_634, %shift_right_logical3A_639 : vector<16xi32>
      %and3A = arith.constant 15 : i32
      %and3A_641 = vector.broadcast %and3A : i32 to vector<16xi32>
      %and3A_642 = arith.andi %shift_right_logical3A_640, %and3A_641 : vector<16xi32>
      tpu.vector_store_idx %arg7[%and3A_642], %broadcast_in_dim3A_1 masked %eq3A_637 {add = true} : memref<16xi32, #tpu.memory_space<vmem>>[vector<16xi32>], vector<16xi32>, vector<16xi1>
      %mul3A_643 = arith.constant 8 : i32
      %mul3A_644 = arith.muli %scan3A_625, %mul3A_643 : i32
      %add3A_645 = arith.constant 1 : i32
      %add3A_646 = arith.addi %mul3A_644, %add3A_645 : i32
      %mul3A_647 = arith.constant 16 : i32
      %mul3A_648 = arith.muli %add3A_646, %mul3A_647 : i32
      %get3A_649 = arith.index_cast %mul3A_648 : i32 to index
      %get3A_650 = tpu.vector_load %arg5[%get3A_649] {strides = array<i32>} : memref<4096xi32, #tpu.memory_space<vmem>>, vector<16xi32>,
      %shift_right_logical3A_651 = arith.constant 28 : i32
      %shift_right_logical3A_652 = vector.broadcast %shift_right_logical3A_651 : i32 to vector<16xi32>
      %shift_right_logical3A_653 = arith.shrui %get3A_650, %shift_right_logical3A_652 : vector<16xi32>
      %eq3A_654 = arith.cmpi eq, %shift_right_logical3A_653, %or3A_69 : vector<16xi32>
      %shift_right_logical3A_655 = arith.constant 24 : i32
      %shift_right_logical3A_656 = vector.broadcast %shift_right_logical3A_655 : i32 to vector<16xi32>
      %shift_right_logical3A_657 = arith.shrui %get3A_650, %shift_right_logical3A_656 : vector<16xi32>
      %and3A_658 = arith.constant 15 : i32
      %and3A_659 = vector.broadcast %and3A_658 : i32 to vector<16xi32>
      %and3A_660 = arith.andi %shift_right_logical3A_657, %and3A_659 : vector<16xi32>
      tpu.vector_store_idx %arg8[%and3A_660], %broadcast_in_dim3A_1 masked %eq3A_654 {add = true} : memref<16xi32, #tpu.memory_space<vmem>>[vector<16xi32>], vector<16xi32>, vector<16xi1>
      %mul3A_661 = arith.constant 8 : i32
      %mul3A_662 = arith.muli %scan3A_625, %mul3A_661 : i32
      %add3A_663 = arith.constant 2 : i32
      %add3A_664 = arith.addi %mul3A_662, %add3A_663 : i32
      %mul3A_665 = arith.constant 16 : i32
      %mul3A_666 = arith.muli %add3A_664, %mul3A_665 : i32
      %get3A_667 = arith.index_cast %mul3A_666 : i32 to index
      %get3A_668 = tpu.vector_load %arg5[%get3A_667] {strides = array<i32>} : memref<4096xi32, #tpu.memory_space<vmem>>, vector<16xi32>,
      %shift_right_logical3A_669 = arith.constant 28 : i32
      %shift_right_logical3A_670 = vector.broadcast %shift_right_logical3A_669 : i32 to vector<16xi32>
      %shift_right_logical3A_671 = arith.shrui %get3A_668, %shift_right_logical3A_670 : vector<16xi32>
      %eq3A_672 = arith.cmpi eq, %shift_right_logical3A_671, %or3A_69 : vector<16xi32>
      %shift_right_logical3A_673 = arith.constant 24 : i32
      %shift_right_logical3A_674 = vector.broadcast %shift_right_logical3A_673 : i32 to vector<16xi32>
      %shift_right_logical3A_675 = arith.shrui %get3A_668, %shift_right_logical3A_674 : vector<16xi32>
      %and3A_676 = arith.constant 15 : i32
      %and3A_677 = vector.broadcast %and3A_676 : i32 to vector<16xi32>
      %and3A_678 = arith.andi %shift_right_logical3A_675, %and3A_677 : vector<16xi32>
      tpu.vector_store_idx %arg9[%and3A_678], %broadcast_in_dim3A_1 masked %eq3A_672 {add = true} : memref<16xi32, #tpu.memory_space<vmem>>[vector<16xi32>], vector<16xi32>, vector<16xi1>
      %mul3A_679 = arith.constant 8 : i32
      %mul3A_680 = arith.muli %scan3A_625, %mul3A_679 : i32
      %add3A_681 = arith.constant 3 : i32
      %add3A_682 = arith.addi %mul3A_680, %add3A_681 : i32
      %mul3A_683 = arith.constant 16 : i32
      %mul3A_684 = arith.muli %add3A_682, %mul3A_683 : i32
      %get3A_685 = arith.index_cast %mul3A_684 : i32 to index
      %get3A_686 = tpu.vector_load %arg5[%get3A_685] {strides = array<i32>} : memref<4096xi32, #tpu.memory_space<vmem>>, vector<16xi32>,
      %shift_right_logical3A_687 = arith.constant 28 : i32
      %shift_right_logical3A_688 = vector.broadcast %shift_right_logical3A_687 : i32 to vector<16xi32>
      %shift_right_logical3A_689 = arith.shrui %get3A_686, %shift_right_logical3A_688 : vector<16xi32>
      %eq3A_690 = arith.cmpi eq, %shift_right_logical3A_689, %or3A_69 : vector<16xi32>
      %shift_right_logical3A_691 = arith.constant 24 : i32
      %shift_right_logical3A_692 = vector.broadcast %shift_right_logical3A_691 : i32 to vector<16xi32>
      %shift_right_logical3A_693 = arith.shrui %get3A_686, %shift_right_logical3A_692 : vector<16xi32>
      %and3A_694 = arith.constant 15 : i32
      %and3A_695 = vector.broadcast %and3A_694 : i32 to vector<16xi32>
      %and3A_696 = arith.andi %shift_right_logical3A_693, %and3A_695 : vector<16xi32>
      tpu.vector_store_idx %arg10[%and3A_696], %broadcast_in_dim3A_1 masked %eq3A_690 {add = true} : memref<16xi32, #tpu.memory_space<vmem>>[vector<16xi32>], vector<16xi32>, vector<16xi1>
      %mul3A_697 = arith.constant 8 : i32
      %mul3A_698 = arith.muli %scan3A_625, %mul3A_697 : i32
      %add3A_699 = arith.constant 4 : i32
      %add3A_700 = arith.addi %mul3A_698, %add3A_699 : i32
      %mul3A_701 = arith.constant 16 : i32
      %mul3A_702 = arith.muli %add3A_700, %mul3A_701 : i32
      %get3A_703 = arith.index_cast %mul3A_702 : i32 to index
      %get3A_704 = tpu.vector_load %arg5[%get3A_703] {strides = array<i32>} : memref<4096xi32, #tpu.memory_space<vmem>>, vector<16xi32>,
      %shift_right_logical3A_705 = arith.constant 28 : i32
      %shift_right_logical3A_706 = vector.broadcast %shift_right_logical3A_705 : i32 to vector<16xi32>
      %shift_right_logical3A_707 = arith.shrui %get3A_704, %shift_right_logical3A_706 : vector<16xi32>
      %eq3A_708 = arith.cmpi eq, %shift_right_logical3A_707, %or3A_69 : vector<16xi32>
      %shift_right_logical3A_709 = arith.constant 24 : i32
      %shift_right_logical3A_710 = vector.broadcast %shift_right_logical3A_709 : i32 to vector<16xi32>
      %shift_right_logical3A_711 = arith.shrui %get3A_704, %shift_right_logical3A_710 : vector<16xi32>
      %and3A_712 = arith.constant 15 : i32
      %and3A_713 = vector.broadcast %and3A_712 : i32 to vector<16xi32>
      %and3A_714 = arith.andi %shift_right_logical3A_711, %and3A_713 : vector<16xi32>
      tpu.vector_store_idx %arg7[%and3A_714], %broadcast_in_dim3A_1 masked %eq3A_708 {add = true} : memref<16xi32, #tpu.memory_space<vmem>>[vector<16xi32>], vector<16xi32>, vector<16xi1>
      %mul3A_715 = arith.constant 8 : i32
      %mul3A_716 = arith.muli %scan3A_625, %mul3A_715 : i32
      %add3A_717 = arith.constant 5 : i32
      %add3A_718 = arith.addi %mul3A_716, %add3A_717 : i32
      %mul3A_719 = arith.constant 16 : i32
      %mul3A_720 = arith.muli %add3A_718, %mul3A_719 : i32
      %get3A_721 = arith.index_cast %mul3A_720 : i32 to index
      %get3A_722 = tpu.vector_load %arg5[%get3A_721] {strides = array<i32>} : memref<4096xi32, #tpu.memory_space<vmem>>, vector<16xi32>,
      %shift_right_logical3A_723 = arith.constant 28 : i32
      %shift_right_logical3A_724 = vector.broadcast %shift_right_logical3A_723 : i32 to vector<16xi32>
      %shift_right_logical3A_725 = arith.shrui %get3A_722, %shift_right_logical3A_724 : vector<16xi32>
      %eq3A_726 = arith.cmpi eq, %shift_right_logical3A_725, %or3A_69 : vector<16xi32>
      %shift_right_logical3A_727 = arith.constant 24 : i32
      %shift_right_logical3A_728 = vector.broadcast %shift_right_logical3A_727 : i32 to vector<16xi32>
      %shift_right_logical3A_729 = arith.shrui %get3A_722, %shift_right_logical3A_728 : vector<16xi32>
      %and3A_730 = arith.constant 15 : i32
      %and3A_731 = vector.broadcast %and3A_730 : i32 to vector<16xi32>
      %and3A_732 = arith.andi %shift_right_logical3A_729, %and3A_731 : vector<16xi32>
      tpu.vector_store_idx %arg8[%and3A_732], %broadcast_in_dim3A_1 masked %eq3A_726 {add = true} : memref<16xi32, #tpu.memory_space<vmem>>[vector<16xi32>], vector<16xi32>, vector<16xi1>
      %mul3A_733 = arith.constant 8 : i32
      %mul3A_734 = arith.muli %scan3A_625, %mul3A_733 : i32
      %add3A_735 = arith.constant 6 : i32
      %add3A_736 = arith.addi %mul3A_734, %add3A_735 : i32
      %mul3A_737 = arith.constant 16 : i32
      %mul3A_738 = arith.muli %add3A_736, %mul3A_737 : i32
      %get3A_739 = arith.index_cast %mul3A_738 : i32 to index
      %get3A_740 = tpu.vector_load %arg5[%get3A_739] {strides = array<i32>} : memref<4096xi32, #tpu.memory_space<vmem>>, vector<16xi32>,
      %shift_right_logical3A_741 = arith.constant 28 : i32
      %shift_right_logical3A_742 = vector.broadcast %shift_right_logical3A_741 : i32 to vector<16xi32>
      %shift_right_logical3A_743 = arith.shrui %get3A_740, %shift_right_logical3A_742 : vector<16xi32>
      %eq3A_744 = arith.cmpi eq, %shift_right_logical3A_743, %or3A_69 : vector<16xi32>
      %shift_right_logical3A_745 = arith.constant 24 : i32
      %shift_right_logical3A_746 = vector.broadcast %shift_right_logical3A_745 : i32 to vector<16xi32>
      %shift_right_logical3A_747 = arith.shrui %get3A_740, %shift_right_logical3A_746 : vector<16xi32>
      %and3A_748 = arith.constant 15 : i32
      %and3A_749 = vector.broadcast %and3A_748 : i32 to vector<16xi32>
      %and3A_750 = arith.andi %shift_right_logical3A_747, %and3A_749 : vector<16xi32>
      tpu.vector_store_idx %arg9[%and3A_750], %broadcast_in_dim3A_1 masked %eq3A_744 {add = true} : memref<16xi32, #tpu.memory_space<vmem>>[vector<16xi32>], vector<16xi32>, vector<16xi1>
      %mul3A_751 = arith.constant 8 : i32
      %mul3A_752 = arith.muli %scan3A_625, %mul3A_751 : i32
      %add3A_753 = arith.constant 7 : i32
      %add3A_754 = arith.addi %mul3A_752, %add3A_753 : i32
      %mul3A_755 = arith.constant 16 : i32
      %mul3A_756 = arith.muli %add3A_754, %mul3A_755 : i32
      %get3A_757 = arith.index_cast %mul3A_756 : i32 to index
      %get3A_758 = tpu.vector_load %arg5[%get3A_757] {strides = array<i32>} : memref<4096xi32, #tpu.memory_space<vmem>>, vector<16xi32>,
      %shift_right_logical3A_759 = arith.constant 28 : i32
      %shift_right_logical3A_760 = vector.broadcast %shift_right_logical3A_759 : i32 to vector<16xi32>
      %shift_right_logical3A_761 = arith.shrui %get3A_758, %shift_right_logical3A_760 : vector<16xi32>
      %eq3A_762 = arith.cmpi eq, %shift_right_logical3A_761, %or3A_69 : vector<16xi32>
      %shift_right_logical3A_763 = arith.constant 24 : i32
      %shift_right_logical3A_764 = vector.broadcast %shift_right_logical3A_763 : i32 to vector<16xi32>
      %shift_right_logical3A_765 = arith.shrui %get3A_758, %shift_right_logical3A_764 : vector<16xi32>
      %and3A_766 = arith.constant 15 : i32
      %and3A_767 = vector.broadcast %and3A_766 : i32 to vector<16xi32>
      %and3A_768 = arith.andi %shift_right_logical3A_765, %and3A_767 : vector<16xi32>
      tpu.vector_store_idx %arg10[%and3A_768], %broadcast_in_dim3A_1 masked %eq3A_762 {add = true} : memref<16xi32, #tpu.memory_space<vmem>>[vector<16xi32>], vector<16xi32>, vector<16xi1>
      %scan3A_769 = arith.constant 0 : i32
      scf.yield %scan3A_769 : i32
    }
    %scan3A_92 = arith.constant 32 : i32
    %get3A_93 = arith.constant 0 : index
    %get3A_94 = tpu.vector_load %arg7[%get3A_93] {strides = array<i32>} : memref<16xi32, #tpu.memory_space<vmem>>, vector<16xi32>,
    %get3A_95 = arith.constant 0 : index
    %get3A_96 = tpu.vector_load %arg8[%get3A_95] {strides = array<i32>} : memref<16xi32, #tpu.memory_space<vmem>>, vector<16xi32>,
    %add3A_97 = arith.addi %get3A_94, %get3A_96 : vector<16xi32>
    %get3A_98 = arith.constant 0 : index
    %get3A_99 = tpu.vector_load %arg9[%get3A_98] {strides = array<i32>} : memref<16xi32, #tpu.memory_space<vmem>>, vector<16xi32>,
    %add3A_100 = arith.addi %add3A_97, %get3A_99 : vector<16xi32>
    %get3A_101 = arith.constant 0 : index
    %get3A_102 = tpu.vector_load %arg10[%get3A_101] {strides = array<i32>} : memref<16xi32, #tpu.memory_space<vmem>>, vector<16xi32>,
    %add3A_103 = arith.addi %add3A_100, %get3A_102 : vector<16xi32>
    %rev3A_104 = arith.constant 15 : i32
    %rev3A_105 = vector.broadcast %rev3A_104 : i32 to vector<16xi32>
    %rev3A_106 = tpu.iota {dimensions = array<i32: 0>} : vector<16xi32>
    %rev3A_107 = arith.subi %rev3A_105, %rev3A_106 : vector<16xi32>
    %rev3A_108 = tpu.dynamic_gather %add3A_103[%rev3A_107] in [0] : vector<16xi32>, vector<16xi32> -> vector<16xi32>
    %broadcast_in_dim3A_109 = arith.constant true
    %broadcast_in_dim3A_110 = vector.broadcast %broadcast_in_dim3A_109 : i1 to vector<16xi1>
    %masked_cumsum3A_111 = tpu.scan <sum>, %rev3A_108 masked %broadcast_in_dim3A_110 : vector<16xi32>, vector<16xi1> -> vector<16xi32>
    %ge3A_112 = vector.broadcast %sub3A_66 : i32 to vector<16xi32>
    %ge3A_113 = arith.cmpi sge, %masked_cumsum3A_111, %ge3A_112 : vector<16xi32>
    %all_reduce_ffs3A_114 = tpu.all_reduce %ge3A_113 {dim = 0 : i64, kind = #tpu.reduction_kind<find_first_set>} : vector<16xi1> -> vector<16xi32>
    %sub3A_115 = arith.constant 15 : i32
    %sub3A_116 = vector.broadcast %sub3A_115 : i32 to vector<16xi32>
    %sub3A_117 = arith.subi %sub3A_116, %all_reduce_ffs3A_114 : vector<16xi32>
    %eq3A_118 = arith.cmpi eq, %iota3A, %all_reduce_ffs3A_114 : vector<16xi32>
    %jit3A_119 = arith.constant 0 : i32
    %broadcast_in_dim3A_120 = vector.broadcast %jit3A_119 : i32 to vector<16xi32>
    %select_n3A_121 = arith.select %eq3A_118, %masked_cumsum3A_111, %broadcast_in_dim3A_120 : vector<16xi1>, vector<16xi32>
    %reduce_max3A_122 = arith.constant true
    %reduce_max3A_123 = vector.broadcast %reduce_max3A_122 : i1 to vector<16xi1>
    %reduce_max3A_124 = arith.constant -2147483648 : i32
    %reduce_max3A_125 = vector.broadcast %reduce_max3A_124 : i32 to vector<16xi32>
    %reduce_max3A_126 = arith.xori %select_n3A_121, %reduce_max3A_125 : vector<16xi32>
    %reduce_max3A_127 = tpu.scan <max>, %reduce_max3A_126 masked %reduce_max3A_123 : vector<16xi32>, vector<16xi1> -> vector<16xi32>
    %reduce_max3A_128 = arith.xori %reduce_max3A_127, %reduce_max3A_125 : vector<16xi32>
    %reduce_max3A_129 = vector.extract %reduce_max3A_128[15] : i32 from vector<16xi32>
    %eq3A_130 = arith.cmpi eq, %iota3A, %all_reduce_ffs3A_114 : vector<16xi32>
    %jit3A_131 = arith.constant 0 : i32
    %broadcast_in_dim3A_132 = vector.broadcast %jit3A_131 : i32 to vector<16xi32>
    %select_n3A_133 = arith.select %eq3A_130, %rev3A_108, %broadcast_in_dim3A_132 : vector<16xi1>, vector<16xi32>
    %reduce_max3A_134 = arith.constant true
    %reduce_max3A_135 = vector.broadcast %reduce_max3A_134 : i1 to vector<16xi1>
    %reduce_max3A_136 = arith.constant -2147483648 : i32
    %reduce_max3A_137 = vector.broadcast %reduce_max3A_136 : i32 to vector<16xi32>
    %reduce_max3A_138 = arith.xori %select_n3A_133, %reduce_max3A_137 : vector<16xi32>
    %reduce_max3A_139 = tpu.scan <max>, %reduce_max3A_138 masked %reduce_max3A_135 : vector<16xi32>, vector<16xi1> -> vector<16xi32>
    %reduce_max3A_140 = arith.xori %reduce_max3A_139, %reduce_max3A_137 : vector<16xi32>
    %reduce_max3A_141 = vector.extract %reduce_max3A_140[15] : i32 from vector<16xi32>
    %sub3A_142 = arith.subi %reduce_max3A_129, %reduce_max3A_141 : i32
    %sub3A_143 = arith.subi %sub3A_66, %sub3A_142 : i32
    %shift_left3A_144 = arith.constant 4 : i32
    %shift_left3A_145 = vector.broadcast %shift_left3A_144 : i32 to vector<16xi32>
    %shift_left3A_146 = arith.shli %or3A_69, %shift_left3A_145 : vector<16xi32>
    %or3A_147 = arith.ori %shift_left3A_146, %sub3A_117 : vector<16xi32>
    %broadcast_in_dim3A_148 = arith.constant 0 : i32
    %broadcast_in_dim3A_149 = vector.broadcast %broadcast_in_dim3A_148 : i32 to vector<16xi32>
    %swap3A_150 = arith.constant 0 : index
    %swap3A_151 = tpu.vector_load %arg7[%swap3A_150] {strides = array<i32>} : memref<16xi32, #tpu.memory_space<vmem>>, vector<16xi32>,
    tpu.vector_store %arg7[%swap3A_150], %broadcast_in_dim3A_149 {strides = array<i32>} : memref<16xi32, #tpu.memory_space<vmem>>, vector<16xi32>,
    %broadcast_in_dim3A_152 = arith.constant 0 : i32
    %broadcast_in_dim3A_153 = vector.broadcast %broadcast_in_dim3A_152 : i32 to vector<16xi32>
    %swap3A_154 = arith.constant 0 : index
    %swap3A_155 = tpu.vector_load %arg8[%swap3A_154] {strides = array<i32>} : memref<16xi32, #tpu.memory_space<vmem>>, vector<16xi32>,
    tpu.vector_store %arg8[%swap3A_154], %broadcast_in_dim3A_153 {strides = array<i32>} : memref<16xi32, #tpu.memory_space<vmem>>, vector<16xi32>,
    %broadcast_in_dim3A_156 = arith.constant 0 : i32
    %broadcast_in_dim3A_157 = vector.broadcast %broadcast_in_dim3A_156 : i32 to vector<16xi32>
    %swap3A_158 = arith.constant 0 : index
    %swap3A_159 = tpu.vector_load %arg9[%swap3A_158] {strides = array<i32>} : memref<16xi32, #tpu.memory_space<vmem>>, vector<16xi32>,
    tpu.vector_store %arg9[%swap3A_158], %broadcast_in_dim3A_157 {strides = array<i32>} : memref<16xi32, #tpu.memory_space<vmem>>, vector<16xi32>,
    %broadcast_in_dim3A_160 = arith.constant 0 : i32
    %broadcast_in_dim3A_161 = vector.broadcast %broadcast_in_dim3A_160 : i32 to vector<16xi32>
    %swap3A_162 = arith.constant 0 : index
    %swap3A_163 = tpu.vector_load %arg10[%swap3A_162] {strides = array<i32>} : memref<16xi32, #tpu.memory_space<vmem>>, vector<16xi32>,
    tpu.vector_store %arg10[%swap3A_162], %broadcast_in_dim3A_161 {strides = array<i32>} : memref<16xi32, #tpu.memory_space<vmem>>, vector<16xi32>,
    %scan3A_164 = arith.constant 0 : i32
    %scan3A_165 = arith.constant 0 : i32
    %scan3A_166 = arith.constant 32 : i32
    %scan3A_167 = arith.addi %scan3A_165, %scan3A_166 : i32
    %scan3A_168 = arith.constant 1 : i32
    %scan3A_169 = scf.for %scan3A_625 = %scan3A_165 to %scan3A_167 step %scan3A_168 iter_args(%scan3A_626 = %scan3A_164) -> (i32)  : i32 {
      %mul3A_627 = arith.constant 8 : i32
      %mul3A_628 = arith.muli %scan3A_625, %mul3A_627 : i32
      %add3A_629 = arith.constant 0 : i32
      %add3A_630 = arith.addi %mul3A_628, %add3A_629 : i32
      %mul3A_631 = arith.constant 16 : i32
      %mul3A_632 = arith.muli %add3A_630, %mul3A_631 : i32
      %get3A_633 = arith.index_cast %mul3A_632 : i32 to index
      %get3A_634 = tpu.vector_load %arg5[%get3A_633] {strides = array<i32>} : memref<4096xi32, #tpu.memory_space<vmem>>, vector<16xi32>,
      %shift_right_logical3A = arith.constant 24 : i32
      %shift_right_logical3A_635 = vector.broadcast %shift_right_logical3A : i32 to vector<16xi32>
      %shift_right_logical3A_636 = arith.shrui %get3A_634, %shift_right_logical3A_635 : vector<16xi32>
      %eq3A_637 = arith.cmpi eq, %shift_right_logical3A_636, %or3A_147 : vector<16xi32>
      %shift_right_logical3A_638 = arith.constant 20 : i32
      %shift_right_logical3A_639 = vector.broadcast %shift_right_logical3A_638 : i32 to vector<16xi32>
      %shift_right_logical3A_640 = arith.shrui %get3A_634, %shift_right_logical3A_639 : vector<16xi32>
      %and3A = arith.constant 15 : i32
      %and3A_641 = vector.broadcast %and3A : i32 to vector<16xi32>
      %and3A_642 = arith.andi %shift_right_logical3A_640, %and3A_641 : vector<16xi32>
      tpu.vector_store_idx %arg7[%and3A_642], %broadcast_in_dim3A_1 masked %eq3A_637 {add = true} : memref<16xi32, #tpu.memory_space<vmem>>[vector<16xi32>], vector<16xi32>, vector<16xi1>
      %mul3A_643 = arith.constant 8 : i32
      %mul3A_644 = arith.muli %scan3A_625, %mul3A_643 : i32
      %add3A_645 = arith.constant 1 : i32
      %add3A_646 = arith.addi %mul3A_644, %add3A_645 : i32
      %mul3A_647 = arith.constant 16 : i32
      %mul3A_648 = arith.muli %add3A_646, %mul3A_647 : i32
      %get3A_649 = arith.index_cast %mul3A_648 : i32 to index
      %get3A_650 = tpu.vector_load %arg5[%get3A_649] {strides = array<i32>} : memref<4096xi32, #tpu.memory_space<vmem>>, vector<16xi32>,
      %shift_right_logical3A_651 = arith.constant 24 : i32
      %shift_right_logical3A_652 = vector.broadcast %shift_right_logical3A_651 : i32 to vector<16xi32>
      %shift_right_logical3A_653 = arith.shrui %get3A_650, %shift_right_logical3A_652 : vector<16xi32>
      %eq3A_654 = arith.cmpi eq, %shift_right_logical3A_653, %or3A_147 : vector<16xi32>
      %shift_right_logical3A_655 = arith.constant 20 : i32
      %shift_right_logical3A_656 = vector.broadcast %shift_right_logical3A_655 : i32 to vector<16xi32>
      %shift_right_logical3A_657 = arith.shrui %get3A_650, %shift_right_logical3A_656 : vector<16xi32>
      %and3A_658 = arith.constant 15 : i32
      %and3A_659 = vector.broadcast %and3A_658 : i32 to vector<16xi32>
      %and3A_660 = arith.andi %shift_right_logical3A_657, %and3A_659 : vector<16xi32>
      tpu.vector_store_idx %arg8[%and3A_660], %broadcast_in_dim3A_1 masked %eq3A_654 {add = true} : memref<16xi32, #tpu.memory_space<vmem>>[vector<16xi32>], vector<16xi32>, vector<16xi1>
      %mul3A_661 = arith.constant 8 : i32
      %mul3A_662 = arith.muli %scan3A_625, %mul3A_661 : i32
      %add3A_663 = arith.constant 2 : i32
      %add3A_664 = arith.addi %mul3A_662, %add3A_663 : i32
      %mul3A_665 = arith.constant 16 : i32
      %mul3A_666 = arith.muli %add3A_664, %mul3A_665 : i32
      %get3A_667 = arith.index_cast %mul3A_666 : i32 to index
      %get3A_668 = tpu.vector_load %arg5[%get3A_667] {strides = array<i32>} : memref<4096xi32, #tpu.memory_space<vmem>>, vector<16xi32>,
      %shift_right_logical3A_669 = arith.constant 24 : i32
      %shift_right_logical3A_670 = vector.broadcast %shift_right_logical3A_669 : i32 to vector<16xi32>
      %shift_right_logical3A_671 = arith.shrui %get3A_668, %shift_right_logical3A_670 : vector<16xi32>
      %eq3A_672 = arith.cmpi eq, %shift_right_logical3A_671, %or3A_147 : vector<16xi32>
      %shift_right_logical3A_673 = arith.constant 20 : i32
      %shift_right_logical3A_674 = vector.broadcast %shift_right_logical3A_673 : i32 to vector<16xi32>
      %shift_right_logical3A_675 = arith.shrui %get3A_668, %shift_right_logical3A_674 : vector<16xi32>
      %and3A_676 = arith.constant 15 : i32
      %and3A_677 = vector.broadcast %and3A_676 : i32 to vector<16xi32>
      %and3A_678 = arith.andi %shift_right_logical3A_675, %and3A_677 : vector<16xi32>
      tpu.vector_store_idx %arg9[%and3A_678], %broadcast_in_dim3A_1 masked %eq3A_672 {add = true} : memref<16xi32, #tpu.memory_space<vmem>>[vector<16xi32>], vector<16xi32>, vector<16xi1>
      %mul3A_679 = arith.constant 8 : i32
      %mul3A_680 = arith.muli %scan3A_625, %mul3A_679 : i32
      %add3A_681 = arith.constant 3 : i32
      %add3A_682 = arith.addi %mul3A_680, %add3A_681 : i32
      %mul3A_683 = arith.constant 16 : i32
      %mul3A_684 = arith.muli %add3A_682, %mul3A_683 : i32
      %get3A_685 = arith.index_cast %mul3A_684 : i32 to index
      %get3A_686 = tpu.vector_load %arg5[%get3A_685] {strides = array<i32>} : memref<4096xi32, #tpu.memory_space<vmem>>, vector<16xi32>,
      %shift_right_logical3A_687 = arith.constant 24 : i32
      %shift_right_logical3A_688 = vector.broadcast %shift_right_logical3A_687 : i32 to vector<16xi32>
      %shift_right_logical3A_689 = arith.shrui %get3A_686, %shift_right_logical3A_688 : vector<16xi32>
      %eq3A_690 = arith.cmpi eq, %shift_right_logical3A_689, %or3A_147 : vector<16xi32>
      %shift_right_logical3A_691 = arith.constant 20 : i32
      %shift_right_logical3A_692 = vector.broadcast %shift_right_logical3A_691 : i32 to vector<16xi32>
      %shift_right_logical3A_693 = arith.shrui %get3A_686, %shift_right_logical3A_692 : vector<16xi32>
      %and3A_694 = arith.constant 15 : i32
      %and3A_695 = vector.broadcast %and3A_694 : i32 to vector<16xi32>
      %and3A_696 = arith.andi %shift_right_logical3A_693, %and3A_695 : vector<16xi32>
      tpu.vector_store_idx %arg10[%and3A_696], %broadcast_in_dim3A_1 masked %eq3A_690 {add = true} : memref<16xi32, #tpu.memory_space<vmem>>[vector<16xi32>], vector<16xi32>, vector<16xi1>
      %mul3A_697 = arith.constant 8 : i32
      %mul3A_698 = arith.muli %scan3A_625, %mul3A_697 : i32
      %add3A_699 = arith.constant 4 : i32
      %add3A_700 = arith.addi %mul3A_698, %add3A_699 : i32
      %mul3A_701 = arith.constant 16 : i32
      %mul3A_702 = arith.muli %add3A_700, %mul3A_701 : i32
      %get3A_703 = arith.index_cast %mul3A_702 : i32 to index
      %get3A_704 = tpu.vector_load %arg5[%get3A_703] {strides = array<i32>} : memref<4096xi32, #tpu.memory_space<vmem>>, vector<16xi32>,
      %shift_right_logical3A_705 = arith.constant 24 : i32
      %shift_right_logical3A_706 = vector.broadcast %shift_right_logical3A_705 : i32 to vector<16xi32>
      %shift_right_logical3A_707 = arith.shrui %get3A_704, %shift_right_logical3A_706 : vector<16xi32>
      %eq3A_708 = arith.cmpi eq, %shift_right_logical3A_707, %or3A_147 : vector<16xi32>
      %shift_right_logical3A_709 = arith.constant 20 : i32
      %shift_right_logical3A_710 = vector.broadcast %shift_right_logical3A_709 : i32 to vector<16xi32>
      %shift_right_logical3A_711 = arith.shrui %get3A_704, %shift_right_logical3A_710 : vector<16xi32>
      %and3A_712 = arith.constant 15 : i32
      %and3A_713 = vector.broadcast %and3A_712 : i32 to vector<16xi32>
      %and3A_714 = arith.andi %shift_right_logical3A_711, %and3A_713 : vector<16xi32>
      tpu.vector_store_idx %arg7[%and3A_714], %broadcast_in_dim3A_1 masked %eq3A_708 {add = true} : memref<16xi32, #tpu.memory_space<vmem>>[vector<16xi32>], vector<16xi32>, vector<16xi1>
      %mul3A_715 = arith.constant 8 : i32
      %mul3A_716 = arith.muli %scan3A_625, %mul3A_715 : i32
      %add3A_717 = arith.constant 5 : i32
      %add3A_718 = arith.addi %mul3A_716, %add3A_717 : i32
      %mul3A_719 = arith.constant 16 : i32
      %mul3A_720 = arith.muli %add3A_718, %mul3A_719 : i32
      %get3A_721 = arith.index_cast %mul3A_720 : i32 to index
      %get3A_722 = tpu.vector_load %arg5[%get3A_721] {strides = array<i32>} : memref<4096xi32, #tpu.memory_space<vmem>>, vector<16xi32>,
      %shift_right_logical3A_723 = arith.constant 24 : i32
      %shift_right_logical3A_724 = vector.broadcast %shift_right_logical3A_723 : i32 to vector<16xi32>
      %shift_right_logical3A_725 = arith.shrui %get3A_722, %shift_right_logical3A_724 : vector<16xi32>
      %eq3A_726 = arith.cmpi eq, %shift_right_logical3A_725, %or3A_147 : vector<16xi32>
      %shift_right_logical3A_727 = arith.constant 20 : i32
      %shift_right_logical3A_728 = vector.broadcast %shift_right_logical3A_727 : i32 to vector<16xi32>
      %shift_right_logical3A_729 = arith.shrui %get3A_722, %shift_right_logical3A_728 : vector<16xi32>
      %and3A_730 = arith.constant 15 : i32
      %and3A_731 = vector.broadcast %and3A_730 : i32 to vector<16xi32>
      %and3A_732 = arith.andi %shift_right_logical3A_729, %and3A_731 : vector<16xi32>
      tpu.vector_store_idx %arg8[%and3A_732], %broadcast_in_dim3A_1 masked %eq3A_726 {add = true} : memref<16xi32, #tpu.memory_space<vmem>>[vector<16xi32>], vector<16xi32>, vector<16xi1>
      %mul3A_733 = arith.constant 8 : i32
      %mul3A_734 = arith.muli %scan3A_625, %mul3A_733 : i32
      %add3A_735 = arith.constant 6 : i32
      %add3A_736 = arith.addi %mul3A_734, %add3A_735 : i32
      %mul3A_737 = arith.constant 16 : i32
      %mul3A_738 = arith.muli %add3A_736, %mul3A_737 : i32
      %get3A_739 = arith.index_cast %mul3A_738 : i32 to index
      %get3A_740 = tpu.vector_load %arg5[%get3A_739] {strides = array<i32>} : memref<4096xi32, #tpu.memory_space<vmem>>, vector<16xi32>,
      %shift_right_logical3A_741 = arith.constant 24 : i32
      %shift_right_logical3A_742 = vector.broadcast %shift_right_logical3A_741 : i32 to vector<16xi32>
      %shift_right_logical3A_743 = arith.shrui %get3A_740, %shift_right_logical3A_742 : vector<16xi32>
      %eq3A_744 = arith.cmpi eq, %shift_right_logical3A_743, %or3A_147 : vector<16xi32>
      %shift_right_logical3A_745 = arith.constant 20 : i32
      %shift_right_logical3A_746 = vector.broadcast %shift_right_logical3A_745 : i32 to vector<16xi32>
      %shift_right_logical3A_747 = arith.shrui %get3A_740, %shift_right_logical3A_746 : vector<16xi32>
      %and3A_748 = arith.constant 15 : i32
      %and3A_749 = vector.broadcast %and3A_748 : i32 to vector<16xi32>
      %and3A_750 = arith.andi %shift_right_logical3A_747, %and3A_749 : vector<16xi32>
      tpu.vector_store_idx %arg9[%and3A_750], %broadcast_in_dim3A_1 masked %eq3A_744 {add = true} : memref<16xi32, #tpu.memory_space<vmem>>[vector<16xi32>], vector<16xi32>, vector<16xi1>
      %mul3A_751 = arith.constant 8 : i32
      %mul3A_752 = arith.muli %scan3A_625, %mul3A_751 : i32
      %add3A_753 = arith.constant 7 : i32
      %add3A_754 = arith.addi %mul3A_752, %add3A_753 : i32
      %mul3A_755 = arith.constant 16 : i32
      %mul3A_756 = arith.muli %add3A_754, %mul3A_755 : i32
      %get3A_757 = arith.index_cast %mul3A_756 : i32 to index
      %get3A_758 = tpu.vector_load %arg5[%get3A_757] {strides = array<i32>} : memref<4096xi32, #tpu.memory_space<vmem>>, vector<16xi32>,
      %shift_right_logical3A_759 = arith.constant 24 : i32
      %shift_right_logical3A_760 = vector.broadcast %shift_right_logical3A_759 : i32 to vector<16xi32>
      %shift_right_logical3A_761 = arith.shrui %get3A_758, %shift_right_logical3A_760 : vector<16xi32>
      %eq3A_762 = arith.cmpi eq, %shift_right_logical3A_761, %or3A_147 : vector<16xi32>
      %shift_right_logical3A_763 = arith.constant 20 : i32
      %shift_right_logical3A_764 = vector.broadcast %shift_right_logical3A_763 : i32 to vector<16xi32>
      %shift_right_logical3A_765 = arith.shrui %get3A_758, %shift_right_logical3A_764 : vector<16xi32>
      %and3A_766 = arith.constant 15 : i32
      %and3A_767 = vector.broadcast %and3A_766 : i32 to vector<16xi32>
      %and3A_768 = arith.andi %shift_right_logical3A_765, %and3A_767 : vector<16xi32>
      tpu.vector_store_idx %arg10[%and3A_768], %broadcast_in_dim3A_1 masked %eq3A_762 {add = true} : memref<16xi32, #tpu.memory_space<vmem>>[vector<16xi32>], vector<16xi32>, vector<16xi1>
      %scan3A_769 = arith.constant 0 : i32
      scf.yield %scan3A_769 : i32
    }
    %scan3A_170 = arith.constant 32 : i32
    %get3A_171 = arith.constant 0 : index
    %get3A_172 = tpu.vector_load %arg7[%get3A_171] {strides = array<i32>} : memref<16xi32, #tpu.memory_space<vmem>>, vector<16xi32>,
    %get3A_173 = arith.constant 0 : index
    %get3A_174 = tpu.vector_load %arg8[%get3A_173] {strides = array<i32>} : memref<16xi32, #tpu.memory_space<vmem>>, vector<16xi32>,
    %add3A_175 = arith.addi %get3A_172, %get3A_174 : vector<16xi32>
    %get3A_176 = arith.constant 0 : index
    %get3A_177 = tpu.vector_load %arg9[%get3A_176] {strides = array<i32>} : memref<16xi32, #tpu.memory_space<vmem>>, vector<16xi32>,
    %add3A_178 = arith.addi %add3A_175, %get3A_177 : vector<16xi32>
    %get3A_179 = arith.constant 0 : index
    %get3A_180 = tpu.vector_load %arg10[%get3A_179] {strides = array<i32>} : memref<16xi32, #tpu.memory_space<vmem>>, vector<16xi32>,
    %add3A_181 = arith.addi %add3A_178, %get3A_180 : vector<16xi32>
    %rev3A_182 = arith.constant 15 : i32
    %rev3A_183 = vector.broadcast %rev3A_182 : i32 to vector<16xi32>
    %rev3A_184 = tpu.iota {dimensions = array<i32: 0>} : vector<16xi32>
    %rev3A_185 = arith.subi %rev3A_183, %rev3A_184 : vector<16xi32>
    %rev3A_186 = tpu.dynamic_gather %add3A_181[%rev3A_185] in [0] : vector<16xi32>, vector<16xi32> -> vector<16xi32>
    %broadcast_in_dim3A_187 = arith.constant true
    %broadcast_in_dim3A_188 = vector.broadcast %broadcast_in_dim3A_187 : i1 to vector<16xi1>
    %masked_cumsum3A_189 = tpu.scan <sum>, %rev3A_186 masked %broadcast_in_dim3A_188 : vector<16xi32>, vector<16xi1> -> vector<16xi32>
    %ge3A_190 = vector.broadcast %sub3A_143 : i32 to vector<16xi32>
    %ge3A_191 = arith.cmpi sge, %masked_cumsum3A_189, %ge3A_190 : vector<16xi32>
    %all_reduce_ffs3A_192 = tpu.all_reduce %ge3A_191 {dim = 0 : i64, kind = #tpu.reduction_kind<find_first_set>} : vector<16xi1> -> vector<16xi32>
    %sub3A_193 = arith.constant 15 : i32
    %sub3A_194 = vector.broadcast %sub3A_193 : i32 to vector<16xi32>
    %sub3A_195 = arith.subi %sub3A_194, %all_reduce_ffs3A_192 : vector<16xi32>
    %eq3A_196 = arith.cmpi eq, %iota3A, %all_reduce_ffs3A_192 : vector<16xi32>
    %jit3A_197 = arith.constant 0 : i32
    %broadcast_in_dim3A_198 = vector.broadcast %jit3A_197 : i32 to vector<16xi32>
    %select_n3A_199 = arith.select %eq3A_196, %masked_cumsum3A_189, %broadcast_in_dim3A_198 : vector<16xi1>, vector<16xi32>
    %reduce_max3A_200 = arith.constant true
    %reduce_max3A_201 = vector.broadcast %reduce_max3A_200 : i1 to vector<16xi1>
    %reduce_max3A_202 = arith.constant -2147483648 : i32
    %reduce_max3A_203 = vector.broadcast %reduce_max3A_202 : i32 to vector<16xi32>
    %reduce_max3A_204 = arith.xori %select_n3A_199, %reduce_max3A_203 : vector<16xi32>
    %reduce_max3A_205 = tpu.scan <max>, %reduce_max3A_204 masked %reduce_max3A_201 : vector<16xi32>, vector<16xi1> -> vector<16xi32>
    %reduce_max3A_206 = arith.xori %reduce_max3A_205, %reduce_max3A_203 : vector<16xi32>
    %reduce_max3A_207 = vector.extract %reduce_max3A_206[15] : i32 from vector<16xi32>
    %eq3A_208 = arith.cmpi eq, %iota3A, %all_reduce_ffs3A_192 : vector<16xi32>
    %jit3A_209 = arith.constant 0 : i32
    %broadcast_in_dim3A_210 = vector.broadcast %jit3A_209 : i32 to vector<16xi32>
    %select_n3A_211 = arith.select %eq3A_208, %rev3A_186, %broadcast_in_dim3A_210 : vector<16xi1>, vector<16xi32>
    %reduce_max3A_212 = arith.constant true
    %reduce_max3A_213 = vector.broadcast %reduce_max3A_212 : i1 to vector<16xi1>
    %reduce_max3A_214 = arith.constant -2147483648 : i32
    %reduce_max3A_215 = vector.broadcast %reduce_max3A_214 : i32 to vector<16xi32>
    %reduce_max3A_216 = arith.xori %select_n3A_211, %reduce_max3A_215 : vector<16xi32>
    %reduce_max3A_217 = tpu.scan <max>, %reduce_max3A_216 masked %reduce_max3A_213 : vector<16xi32>, vector<16xi1> -> vector<16xi32>
    %reduce_max3A_218 = arith.xori %reduce_max3A_217, %reduce_max3A_215 : vector<16xi32>
    %reduce_max3A_219 = vector.extract %reduce_max3A_218[15] : i32 from vector<16xi32>
    %sub3A_220 = arith.subi %reduce_max3A_207, %reduce_max3A_219 : i32
    %sub3A_221 = arith.subi %sub3A_143, %sub3A_220 : i32
    %shift_left3A_222 = arith.constant 4 : i32
    %shift_left3A_223 = vector.broadcast %shift_left3A_222 : i32 to vector<16xi32>
    %shift_left3A_224 = arith.shli %or3A_147, %shift_left3A_223 : vector<16xi32>
    %or3A_225 = arith.ori %shift_left3A_224, %sub3A_195 : vector<16xi32>
    %broadcast_in_dim3A_226 = arith.constant 0 : i32
    %broadcast_in_dim3A_227 = vector.broadcast %broadcast_in_dim3A_226 : i32 to vector<16xi32>
    %swap3A_228 = arith.constant 0 : index
    %swap3A_229 = tpu.vector_load %arg7[%swap3A_228] {strides = array<i32>} : memref<16xi32, #tpu.memory_space<vmem>>, vector<16xi32>,
    tpu.vector_store %arg7[%swap3A_228], %broadcast_in_dim3A_227 {strides = array<i32>} : memref<16xi32, #tpu.memory_space<vmem>>, vector<16xi32>,
    %broadcast_in_dim3A_230 = arith.constant 0 : i32
    %broadcast_in_dim3A_231 = vector.broadcast %broadcast_in_dim3A_230 : i32 to vector<16xi32>
    %swap3A_232 = arith.constant 0 : index
    %swap3A_233 = tpu.vector_load %arg8[%swap3A_232] {strides = array<i32>} : memref<16xi32, #tpu.memory_space<vmem>>, vector<16xi32>,
    tpu.vector_store %arg8[%swap3A_232], %broadcast_in_dim3A_231 {strides = array<i32>} : memref<16xi32, #tpu.memory_space<vmem>>, vector<16xi32>,
    %broadcast_in_dim3A_234 = arith.constant 0 : i32
    %broadcast_in_dim3A_235 = vector.broadcast %broadcast_in_dim3A_234 : i32 to vector<16xi32>
    %swap3A_236 = arith.constant 0 : index
    %swap3A_237 = tpu.vector_load %arg9[%swap3A_236] {strides = array<i32>} : memref<16xi32, #tpu.memory_space<vmem>>, vector<16xi32>,
    tpu.vector_store %arg9[%swap3A_236], %broadcast_in_dim3A_235 {strides = array<i32>} : memref<16xi32, #tpu.memory_space<vmem>>, vector<16xi32>,
    %broadcast_in_dim3A_238 = arith.constant 0 : i32
    %broadcast_in_dim3A_239 = vector.broadcast %broadcast_in_dim3A_238 : i32 to vector<16xi32>
    %swap3A_240 = arith.constant 0 : index
    %swap3A_241 = tpu.vector_load %arg10[%swap3A_240] {strides = array<i32>} : memref<16xi32, #tpu.memory_space<vmem>>, vector<16xi32>,
    tpu.vector_store %arg10[%swap3A_240], %broadcast_in_dim3A_239 {strides = array<i32>} : memref<16xi32, #tpu.memory_space<vmem>>, vector<16xi32>,
    %scan3A_242 = arith.constant 0 : i32
    %scan3A_243 = arith.constant 0 : i32
    %scan3A_244 = arith.constant 32 : i32
    %scan3A_245 = arith.addi %scan3A_243, %scan3A_244 : i32
    %scan3A_246 = arith.constant 1 : i32
    %scan3A_247 = scf.for %scan3A_625 = %scan3A_243 to %scan3A_245 step %scan3A_246 iter_args(%scan3A_626 = %scan3A_242) -> (i32)  : i32 {
      %mul3A_627 = arith.constant 8 : i32
      %mul3A_628 = arith.muli %scan3A_625, %mul3A_627 : i32
      %add3A_629 = arith.constant 0 : i32
      %add3A_630 = arith.addi %mul3A_628, %add3A_629 : i32
      %mul3A_631 = arith.constant 16 : i32
      %mul3A_632 = arith.muli %add3A_630, %mul3A_631 : i32
      %get3A_633 = arith.index_cast %mul3A_632 : i32 to index
      %get3A_634 = tpu.vector_load %arg5[%get3A_633] {strides = array<i32>} : memref<4096xi32, #tpu.memory_space<vmem>>, vector<16xi32>,
      %shift_right_logical3A = arith.constant 20 : i32
      %shift_right_logical3A_635 = vector.broadcast %shift_right_logical3A : i32 to vector<16xi32>
      %shift_right_logical3A_636 = arith.shrui %get3A_634, %shift_right_logical3A_635 : vector<16xi32>
      %eq3A_637 = arith.cmpi eq, %shift_right_logical3A_636, %or3A_225 : vector<16xi32>
      %shift_right_logical3A_638 = arith.constant 16 : i32
      %shift_right_logical3A_639 = vector.broadcast %shift_right_logical3A_638 : i32 to vector<16xi32>
      %shift_right_logical3A_640 = arith.shrui %get3A_634, %shift_right_logical3A_639 : vector<16xi32>
      %and3A = arith.constant 15 : i32
      %and3A_641 = vector.broadcast %and3A : i32 to vector<16xi32>
      %and3A_642 = arith.andi %shift_right_logical3A_640, %and3A_641 : vector<16xi32>
      tpu.vector_store_idx %arg7[%and3A_642], %broadcast_in_dim3A_1 masked %eq3A_637 {add = true} : memref<16xi32, #tpu.memory_space<vmem>>[vector<16xi32>], vector<16xi32>, vector<16xi1>
      %mul3A_643 = arith.constant 8 : i32
      %mul3A_644 = arith.muli %scan3A_625, %mul3A_643 : i32
      %add3A_645 = arith.constant 1 : i32
      %add3A_646 = arith.addi %mul3A_644, %add3A_645 : i32
      %mul3A_647 = arith.constant 16 : i32
      %mul3A_648 = arith.muli %add3A_646, %mul3A_647 : i32
      %get3A_649 = arith.index_cast %mul3A_648 : i32 to index
      %get3A_650 = tpu.vector_load %arg5[%get3A_649] {strides = array<i32>} : memref<4096xi32, #tpu.memory_space<vmem>>, vector<16xi32>,
      %shift_right_logical3A_651 = arith.constant 20 : i32
      %shift_right_logical3A_652 = vector.broadcast %shift_right_logical3A_651 : i32 to vector<16xi32>
      %shift_right_logical3A_653 = arith.shrui %get3A_650, %shift_right_logical3A_652 : vector<16xi32>
      %eq3A_654 = arith.cmpi eq, %shift_right_logical3A_653, %or3A_225 : vector<16xi32>
      %shift_right_logical3A_655 = arith.constant 16 : i32
      %shift_right_logical3A_656 = vector.broadcast %shift_right_logical3A_655 : i32 to vector<16xi32>
      %shift_right_logical3A_657 = arith.shrui %get3A_650, %shift_right_logical3A_656 : vector<16xi32>
      %and3A_658 = arith.constant 15 : i32
      %and3A_659 = vector.broadcast %and3A_658 : i32 to vector<16xi32>
      %and3A_660 = arith.andi %shift_right_logical3A_657, %and3A_659 : vector<16xi32>
      tpu.vector_store_idx %arg8[%and3A_660], %broadcast_in_dim3A_1 masked %eq3A_654 {add = true} : memref<16xi32, #tpu.memory_space<vmem>>[vector<16xi32>], vector<16xi32>, vector<16xi1>
      %mul3A_661 = arith.constant 8 : i32
      %mul3A_662 = arith.muli %scan3A_625, %mul3A_661 : i32
      %add3A_663 = arith.constant 2 : i32
      %add3A_664 = arith.addi %mul3A_662, %add3A_663 : i32
      %mul3A_665 = arith.constant 16 : i32
      %mul3A_666 = arith.muli %add3A_664, %mul3A_665 : i32
      %get3A_667 = arith.index_cast %mul3A_666 : i32 to index
      %get3A_668 = tpu.vector_load %arg5[%get3A_667] {strides = array<i32>} : memref<4096xi32, #tpu.memory_space<vmem>>, vector<16xi32>,
      %shift_right_logical3A_669 = arith.constant 20 : i32
      %shift_right_logical3A_670 = vector.broadcast %shift_right_logical3A_669 : i32 to vector<16xi32>
      %shift_right_logical3A_671 = arith.shrui %get3A_668, %shift_right_logical3A_670 : vector<16xi32>
      %eq3A_672 = arith.cmpi eq, %shift_right_logical3A_671, %or3A_225 : vector<16xi32>
      %shift_right_logical3A_673 = arith.constant 16 : i32
      %shift_right_logical3A_674 = vector.broadcast %shift_right_logical3A_673 : i32 to vector<16xi32>
      %shift_right_logical3A_675 = arith.shrui %get3A_668, %shift_right_logical3A_674 : vector<16xi32>
      %and3A_676 = arith.constant 15 : i32
      %and3A_677 = vector.broadcast %and3A_676 : i32 to vector<16xi32>
      %and3A_678 = arith.andi %shift_right_logical3A_675, %and3A_677 : vector<16xi32>
      tpu.vector_store_idx %arg9[%and3A_678], %broadcast_in_dim3A_1 masked %eq3A_672 {add = true} : memref<16xi32, #tpu.memory_space<vmem>>[vector<16xi32>], vector<16xi32>, vector<16xi1>
      %mul3A_679 = arith.constant 8 : i32
      %mul3A_680 = arith.muli %scan3A_625, %mul3A_679 : i32
      %add3A_681 = arith.constant 3 : i32
      %add3A_682 = arith.addi %mul3A_680, %add3A_681 : i32
      %mul3A_683 = arith.constant 16 : i32
      %mul3A_684 = arith.muli %add3A_682, %mul3A_683 : i32
      %get3A_685 = arith.index_cast %mul3A_684 : i32 to index
      %get3A_686 = tpu.vector_load %arg5[%get3A_685] {strides = array<i32>} : memref<4096xi32, #tpu.memory_space<vmem>>, vector<16xi32>,
      %shift_right_logical3A_687 = arith.constant 20 : i32
      %shift_right_logical3A_688 = vector.broadcast %shift_right_logical3A_687 : i32 to vector<16xi32>
      %shift_right_logical3A_689 = arith.shrui %get3A_686, %shift_right_logical3A_688 : vector<16xi32>
      %eq3A_690 = arith.cmpi eq, %shift_right_logical3A_689, %or3A_225 : vector<16xi32>
      %shift_right_logical3A_691 = arith.constant 16 : i32
      %shift_right_logical3A_692 = vector.broadcast %shift_right_logical3A_691 : i32 to vector<16xi32>
      %shift_right_logical3A_693 = arith.shrui %get3A_686, %shift_right_logical3A_692 : vector<16xi32>
      %and3A_694 = arith.constant 15 : i32
      %and3A_695 = vector.broadcast %and3A_694 : i32 to vector<16xi32>
      %and3A_696 = arith.andi %shift_right_logical3A_693, %and3A_695 : vector<16xi32>
      tpu.vector_store_idx %arg10[%and3A_696], %broadcast_in_dim3A_1 masked %eq3A_690 {add = true} : memref<16xi32, #tpu.memory_space<vmem>>[vector<16xi32>], vector<16xi32>, vector<16xi1>
      %mul3A_697 = arith.constant 8 : i32
      %mul3A_698 = arith.muli %scan3A_625, %mul3A_697 : i32
      %add3A_699 = arith.constant 4 : i32
      %add3A_700 = arith.addi %mul3A_698, %add3A_699 : i32
      %mul3A_701 = arith.constant 16 : i32
      %mul3A_702 = arith.muli %add3A_700, %mul3A_701 : i32
      %get3A_703 = arith.index_cast %mul3A_702 : i32 to index
      %get3A_704 = tpu.vector_load %arg5[%get3A_703] {strides = array<i32>} : memref<4096xi32, #tpu.memory_space<vmem>>, vector<16xi32>,
      %shift_right_logical3A_705 = arith.constant 20 : i32
      %shift_right_logical3A_706 = vector.broadcast %shift_right_logical3A_705 : i32 to vector<16xi32>
      %shift_right_logical3A_707 = arith.shrui %get3A_704, %shift_right_logical3A_706 : vector<16xi32>
      %eq3A_708 = arith.cmpi eq, %shift_right_logical3A_707, %or3A_225 : vector<16xi32>
      %shift_right_logical3A_709 = arith.constant 16 : i32
      %shift_right_logical3A_710 = vector.broadcast %shift_right_logical3A_709 : i32 to vector<16xi32>
      %shift_right_logical3A_711 = arith.shrui %get3A_704, %shift_right_logical3A_710 : vector<16xi32>
      %and3A_712 = arith.constant 15 : i32
      %and3A_713 = vector.broadcast %and3A_712 : i32 to vector<16xi32>
      %and3A_714 = arith.andi %shift_right_logical3A_711, %and3A_713 : vector<16xi32>
      tpu.vector_store_idx %arg7[%and3A_714], %broadcast_in_dim3A_1 masked %eq3A_708 {add = true} : memref<16xi32, #tpu.memory_space<vmem>>[vector<16xi32>], vector<16xi32>, vector<16xi1>
      %mul3A_715 = arith.constant 8 : i32
      %mul3A_716 = arith.muli %scan3A_625, %mul3A_715 : i32
      %add3A_717 = arith.constant 5 : i32
      %add3A_718 = arith.addi %mul3A_716, %add3A_717 : i32
      %mul3A_719 = arith.constant 16 : i32
      %mul3A_720 = arith.muli %add3A_718, %mul3A_719 : i32
      %get3A_721 = arith.index_cast %mul3A_720 : i32 to index
      %get3A_722 = tpu.vector_load %arg5[%get3A_721] {strides = array<i32>} : memref<4096xi32, #tpu.memory_space<vmem>>, vector<16xi32>,
      %shift_right_logical3A_723 = arith.constant 20 : i32
      %shift_right_logical3A_724 = vector.broadcast %shift_right_logical3A_723 : i32 to vector<16xi32>
      %shift_right_logical3A_725 = arith.shrui %get3A_722, %shift_right_logical3A_724 : vector<16xi32>
      %eq3A_726 = arith.cmpi eq, %shift_right_logical3A_725, %or3A_225 : vector<16xi32>
      %shift_right_logical3A_727 = arith.constant 16 : i32
      %shift_right_logical3A_728 = vector.broadcast %shift_right_logical3A_727 : i32 to vector<16xi32>
      %shift_right_logical3A_729 = arith.shrui %get3A_722, %shift_right_logical3A_728 : vector<16xi32>
      %and3A_730 = arith.constant 15 : i32
      %and3A_731 = vector.broadcast %and3A_730 : i32 to vector<16xi32>
      %and3A_732 = arith.andi %shift_right_logical3A_729, %and3A_731 : vector<16xi32>
      tpu.vector_store_idx %arg8[%and3A_732], %broadcast_in_dim3A_1 masked %eq3A_726 {add = true} : memref<16xi32, #tpu.memory_space<vmem>>[vector<16xi32>], vector<16xi32>, vector<16xi1>
      %mul3A_733 = arith.constant 8 : i32
      %mul3A_734 = arith.muli %scan3A_625, %mul3A_733 : i32
      %add3A_735 = arith.constant 6 : i32
      %add3A_736 = arith.addi %mul3A_734, %add3A_735 : i32
      %mul3A_737 = arith.constant 16 : i32
      %mul3A_738 = arith.muli %add3A_736, %mul3A_737 : i32
      %get3A_739 = arith.index_cast %mul3A_738 : i32 to index
      %get3A_740 = tpu.vector_load %arg5[%get3A_739] {strides = array<i32>} : memref<4096xi32, #tpu.memory_space<vmem>>, vector<16xi32>,
      %shift_right_logical3A_741 = arith.constant 20 : i32
      %shift_right_logical3A_742 = vector.broadcast %shift_right_logical3A_741 : i32 to vector<16xi32>
      %shift_right_logical3A_743 = arith.shrui %get3A_740, %shift_right_logical3A_742 : vector<16xi32>
      %eq3A_744 = arith.cmpi eq, %shift_right_logical3A_743, %or3A_225 : vector<16xi32>
      %shift_right_logical3A_745 = arith.constant 16 : i32
      %shift_right_logical3A_746 = vector.broadcast %shift_right_logical3A_745 : i32 to vector<16xi32>
      %shift_right_logical3A_747 = arith.shrui %get3A_740, %shift_right_logical3A_746 : vector<16xi32>
      %and3A_748 = arith.constant 15 : i32
      %and3A_749 = vector.broadcast %and3A_748 : i32 to vector<16xi32>
      %and3A_750 = arith.andi %shift_right_logical3A_747, %and3A_749 : vector<16xi32>
      tpu.vector_store_idx %arg9[%and3A_750], %broadcast_in_dim3A_1 masked %eq3A_744 {add = true} : memref<16xi32, #tpu.memory_space<vmem>>[vector<16xi32>], vector<16xi32>, vector<16xi1>
      %mul3A_751 = arith.constant 8 : i32
      %mul3A_752 = arith.muli %scan3A_625, %mul3A_751 : i32
      %add3A_753 = arith.constant 7 : i32
      %add3A_754 = arith.addi %mul3A_752, %add3A_753 : i32
      %mul3A_755 = arith.constant 16 : i32
      %mul3A_756 = arith.muli %add3A_754, %mul3A_755 : i32
      %get3A_757 = arith.index_cast %mul3A_756 : i32 to index
      %get3A_758 = tpu.vector_load %arg5[%get3A_757] {strides = array<i32>} : memref<4096xi32, #tpu.memory_space<vmem>>, vector<16xi32>,
      %shift_right_logical3A_759 = arith.constant 20 : i32
      %shift_right_logical3A_760 = vector.broadcast %shift_right_logical3A_759 : i32 to vector<16xi32>
      %shift_right_logical3A_761 = arith.shrui %get3A_758, %shift_right_logical3A_760 : vector<16xi32>
      %eq3A_762 = arith.cmpi eq, %shift_right_logical3A_761, %or3A_225 : vector<16xi32>
      %shift_right_logical3A_763 = arith.constant 16 : i32
      %shift_right_logical3A_764 = vector.broadcast %shift_right_logical3A_763 : i32 to vector<16xi32>
      %shift_right_logical3A_765 = arith.shrui %get3A_758, %shift_right_logical3A_764 : vector<16xi32>
      %and3A_766 = arith.constant 15 : i32
      %and3A_767 = vector.broadcast %and3A_766 : i32 to vector<16xi32>
      %and3A_768 = arith.andi %shift_right_logical3A_765, %and3A_767 : vector<16xi32>
      tpu.vector_store_idx %arg10[%and3A_768], %broadcast_in_dim3A_1 masked %eq3A_762 {add = true} : memref<16xi32, #tpu.memory_space<vmem>>[vector<16xi32>], vector<16xi32>, vector<16xi1>
      %scan3A_769 = arith.constant 0 : i32
      scf.yield %scan3A_769 : i32
    }
    %scan3A_248 = arith.constant 32 : i32
    %get3A_249 = arith.constant 0 : index
    %get3A_250 = tpu.vector_load %arg7[%get3A_249] {strides = array<i32>} : memref<16xi32, #tpu.memory_space<vmem>>, vector<16xi32>,
    %get3A_251 = arith.constant 0 : index
    %get3A_252 = tpu.vector_load %arg8[%get3A_251] {strides = array<i32>} : memref<16xi32, #tpu.memory_space<vmem>>, vector<16xi32>,
    %add3A_253 = arith.addi %get3A_250, %get3A_252 : vector<16xi32>
    %get3A_254 = arith.constant 0 : index
    %get3A_255 = tpu.vector_load %arg9[%get3A_254] {strides = array<i32>} : memref<16xi32, #tpu.memory_space<vmem>>, vector<16xi32>,
    %add3A_256 = arith.addi %add3A_253, %get3A_255 : vector<16xi32>
    %get3A_257 = arith.constant 0 : index
    %get3A_258 = tpu.vector_load %arg10[%get3A_257] {strides = array<i32>} : memref<16xi32, #tpu.memory_space<vmem>>, vector<16xi32>,
    %add3A_259 = arith.addi %add3A_256, %get3A_258 : vector<16xi32>
    %rev3A_260 = arith.constant 15 : i32
    %rev3A_261 = vector.broadcast %rev3A_260 : i32 to vector<16xi32>
    %rev3A_262 = tpu.iota {dimensions = array<i32: 0>} : vector<16xi32>
    %rev3A_263 = arith.subi %rev3A_261, %rev3A_262 : vector<16xi32>
    %rev3A_264 = tpu.dynamic_gather %add3A_259[%rev3A_263] in [0] : vector<16xi32>, vector<16xi32> -> vector<16xi32>
    %broadcast_in_dim3A_265 = arith.constant true
    %broadcast_in_dim3A_266 = vector.broadcast %broadcast_in_dim3A_265 : i1 to vector<16xi1>
    %masked_cumsum3A_267 = tpu.scan <sum>, %rev3A_264 masked %broadcast_in_dim3A_266 : vector<16xi32>, vector<16xi1> -> vector<16xi32>
    %ge3A_268 = vector.broadcast %sub3A_221 : i32 to vector<16xi32>
    %ge3A_269 = arith.cmpi sge, %masked_cumsum3A_267, %ge3A_268 : vector<16xi32>
    %all_reduce_ffs3A_270 = tpu.all_reduce %ge3A_269 {dim = 0 : i64, kind = #tpu.reduction_kind<find_first_set>} : vector<16xi1> -> vector<16xi32>
    %sub3A_271 = arith.constant 15 : i32
    %sub3A_272 = vector.broadcast %sub3A_271 : i32 to vector<16xi32>
    %sub3A_273 = arith.subi %sub3A_272, %all_reduce_ffs3A_270 : vector<16xi32>
    %eq3A_274 = arith.cmpi eq, %iota3A, %all_reduce_ffs3A_270 : vector<16xi32>
    %jit3A_275 = arith.constant 0 : i32
    %broadcast_in_dim3A_276 = vector.broadcast %jit3A_275 : i32 to vector<16xi32>
    %select_n3A_277 = arith.select %eq3A_274, %masked_cumsum3A_267, %broadcast_in_dim3A_276 : vector<16xi1>, vector<16xi32>
    %reduce_max3A_278 = arith.constant true
    %reduce_max3A_279 = vector.broadcast %reduce_max3A_278 : i1 to vector<16xi1>
    %reduce_max3A_280 = arith.constant -2147483648 : i32
    %reduce_max3A_281 = vector.broadcast %reduce_max3A_280 : i32 to vector<16xi32>
    %reduce_max3A_282 = arith.xori %select_n3A_277, %reduce_max3A_281 : vector<16xi32>
    %reduce_max3A_283 = tpu.scan <max>, %reduce_max3A_282 masked %reduce_max3A_279 : vector<16xi32>, vector<16xi1> -> vector<16xi32>
    %reduce_max3A_284 = arith.xori %reduce_max3A_283, %reduce_max3A_281 : vector<16xi32>
    %reduce_max3A_285 = vector.extract %reduce_max3A_284[15] : i32 from vector<16xi32>
    %eq3A_286 = arith.cmpi eq, %iota3A, %all_reduce_ffs3A_270 : vector<16xi32>
    %jit3A_287 = arith.constant 0 : i32
    %broadcast_in_dim3A_288 = vector.broadcast %jit3A_287 : i32 to vector<16xi32>
    %select_n3A_289 = arith.select %eq3A_286, %rev3A_264, %broadcast_in_dim3A_288 : vector<16xi1>, vector<16xi32>
    %reduce_max3A_290 = arith.constant true
    %reduce_max3A_291 = vector.broadcast %reduce_max3A_290 : i1 to vector<16xi1>
    %reduce_max3A_292 = arith.constant -2147483648 : i32
    %reduce_max3A_293 = vector.broadcast %reduce_max3A_292 : i32 to vector<16xi32>
    %reduce_max3A_294 = arith.xori %select_n3A_289, %reduce_max3A_293 : vector<16xi32>
    %reduce_max3A_295 = tpu.scan <max>, %reduce_max3A_294 masked %reduce_max3A_291 : vector<16xi32>, vector<16xi1> -> vector<16xi32>
    %reduce_max3A_296 = arith.xori %reduce_max3A_295, %reduce_max3A_293 : vector<16xi32>
    %reduce_max3A_297 = vector.extract %reduce_max3A_296[15] : i32 from vector<16xi32>
    %sub3A_298 = arith.subi %reduce_max3A_285, %reduce_max3A_297 : i32
    %sub3A_299 = arith.subi %sub3A_221, %sub3A_298 : i32
    %shift_left3A_300 = arith.constant 4 : i32
    %shift_left3A_301 = vector.broadcast %shift_left3A_300 : i32 to vector<16xi32>
    %shift_left3A_302 = arith.shli %or3A_225, %shift_left3A_301 : vector<16xi32>
    %or3A_303 = arith.ori %shift_left3A_302, %sub3A_273 : vector<16xi32>
    %broadcast_in_dim3A_304 = arith.constant 0 : i32
    %broadcast_in_dim3A_305 = vector.broadcast %broadcast_in_dim3A_304 : i32 to vector<16xi32>
    %swap3A_306 = arith.constant 0 : index
    %swap3A_307 = tpu.vector_load %arg7[%swap3A_306] {strides = array<i32>} : memref<16xi32, #tpu.memory_space<vmem>>, vector<16xi32>,
    tpu.vector_store %arg7[%swap3A_306], %broadcast_in_dim3A_305 {strides = array<i32>} : memref<16xi32, #tpu.memory_space<vmem>>, vector<16xi32>,
    %broadcast_in_dim3A_308 = arith.constant 0 : i32
    %broadcast_in_dim3A_309 = vector.broadcast %broadcast_in_dim3A_308 : i32 to vector<16xi32>
    %swap3A_310 = arith.constant 0 : index
    %swap3A_311 = tpu.vector_load %arg8[%swap3A_310] {strides = array<i32>} : memref<16xi32, #tpu.memory_space<vmem>>, vector<16xi32>,
    tpu.vector_store %arg8[%swap3A_310], %broadcast_in_dim3A_309 {strides = array<i32>} : memref<16xi32, #tpu.memory_space<vmem>>, vector<16xi32>,
    %broadcast_in_dim3A_312 = arith.constant 0 : i32
    %broadcast_in_dim3A_313 = vector.broadcast %broadcast_in_dim3A_312 : i32 to vector<16xi32>
    %swap3A_314 = arith.constant 0 : index
    %swap3A_315 = tpu.vector_load %arg9[%swap3A_314] {strides = array<i32>} : memref<16xi32, #tpu.memory_space<vmem>>, vector<16xi32>,
    tpu.vector_store %arg9[%swap3A_314], %broadcast_in_dim3A_313 {strides = array<i32>} : memref<16xi32, #tpu.memory_space<vmem>>, vector<16xi32>,
    %broadcast_in_dim3A_316 = arith.constant 0 : i32
    %broadcast_in_dim3A_317 = vector.broadcast %broadcast_in_dim3A_316 : i32 to vector<16xi32>
    %swap3A_318 = arith.constant 0 : index
    %swap3A_319 = tpu.vector_load %arg10[%swap3A_318] {strides = array<i32>} : memref<16xi32, #tpu.memory_space<vmem>>, vector<16xi32>,
    tpu.vector_store %arg10[%swap3A_318], %broadcast_in_dim3A_317 {strides = array<i32>} : memref<16xi32, #tpu.memory_space<vmem>>, vector<16xi32>,
    %scan3A_320 = arith.constant 0 : i32
    %scan3A_321 = arith.constant 0 : i32
    %scan3A_322 = arith.constant 32 : i32
    %scan3A_323 = arith.addi %scan3A_321, %scan3A_322 : i32
    %scan3A_324 = arith.constant 1 : i32
    %scan3A_325 = scf.for %scan3A_625 = %scan3A_321 to %scan3A_323 step %scan3A_324 iter_args(%scan3A_626 = %scan3A_320) -> (i32)  : i32 {
      %mul3A_627 = arith.constant 8 : i32
      %mul3A_628 = arith.muli %scan3A_625, %mul3A_627 : i32
      %add3A_629 = arith.constant 0 : i32
      %add3A_630 = arith.addi %mul3A_628, %add3A_629 : i32
      %mul3A_631 = arith.constant 16 : i32
      %mul3A_632 = arith.muli %add3A_630, %mul3A_631 : i32
      %get3A_633 = arith.index_cast %mul3A_632 : i32 to index
      %get3A_634 = tpu.vector_load %arg5[%get3A_633] {strides = array<i32>} : memref<4096xi32, #tpu.memory_space<vmem>>, vector<16xi32>,
      %shift_right_logical3A = arith.constant 16 : i32
      %shift_right_logical3A_635 = vector.broadcast %shift_right_logical3A : i32 to vector<16xi32>
      %shift_right_logical3A_636 = arith.shrui %get3A_634, %shift_right_logical3A_635 : vector<16xi32>
      %eq3A_637 = arith.cmpi eq, %shift_right_logical3A_636, %or3A_303 : vector<16xi32>
      %shift_right_logical3A_638 = arith.constant 12 : i32
      %shift_right_logical3A_639 = vector.broadcast %shift_right_logical3A_638 : i32 to vector<16xi32>
      %shift_right_logical3A_640 = arith.shrui %get3A_634, %shift_right_logical3A_639 : vector<16xi32>
      %and3A = arith.constant 15 : i32
      %and3A_641 = vector.broadcast %and3A : i32 to vector<16xi32>
      %and3A_642 = arith.andi %shift_right_logical3A_640, %and3A_641 : vector<16xi32>
      tpu.vector_store_idx %arg7[%and3A_642], %broadcast_in_dim3A_1 masked %eq3A_637 {add = true} : memref<16xi32, #tpu.memory_space<vmem>>[vector<16xi32>], vector<16xi32>, vector<16xi1>
      %mul3A_643 = arith.constant 8 : i32
      %mul3A_644 = arith.muli %scan3A_625, %mul3A_643 : i32
      %add3A_645 = arith.constant 1 : i32
      %add3A_646 = arith.addi %mul3A_644, %add3A_645 : i32
      %mul3A_647 = arith.constant 16 : i32
      %mul3A_648 = arith.muli %add3A_646, %mul3A_647 : i32
      %get3A_649 = arith.index_cast %mul3A_648 : i32 to index
      %get3A_650 = tpu.vector_load %arg5[%get3A_649] {strides = array<i32>} : memref<4096xi32, #tpu.memory_space<vmem>>, vector<16xi32>,
      %shift_right_logical3A_651 = arith.constant 16 : i32
      %shift_right_logical3A_652 = vector.broadcast %shift_right_logical3A_651 : i32 to vector<16xi32>
      %shift_right_logical3A_653 = arith.shrui %get3A_650, %shift_right_logical3A_652 : vector<16xi32>
      %eq3A_654 = arith.cmpi eq, %shift_right_logical3A_653, %or3A_303 : vector<16xi32>
      %shift_right_logical3A_655 = arith.constant 12 : i32
      %shift_right_logical3A_656 = vector.broadcast %shift_right_logical3A_655 : i32 to vector<16xi32>
      %shift_right_logical3A_657 = arith.shrui %get3A_650, %shift_right_logical3A_656 : vector<16xi32>
      %and3A_658 = arith.constant 15 : i32
      %and3A_659 = vector.broadcast %and3A_658 : i32 to vector<16xi32>
      %and3A_660 = arith.andi %shift_right_logical3A_657, %and3A_659 : vector<16xi32>
      tpu.vector_store_idx %arg8[%and3A_660], %broadcast_in_dim3A_1 masked %eq3A_654 {add = true} : memref<16xi32, #tpu.memory_space<vmem>>[vector<16xi32>], vector<16xi32>, vector<16xi1>
      %mul3A_661 = arith.constant 8 : i32
      %mul3A_662 = arith.muli %scan3A_625, %mul3A_661 : i32
      %add3A_663 = arith.constant 2 : i32
      %add3A_664 = arith.addi %mul3A_662, %add3A_663 : i32
      %mul3A_665 = arith.constant 16 : i32
      %mul3A_666 = arith.muli %add3A_664, %mul3A_665 : i32
      %get3A_667 = arith.index_cast %mul3A_666 : i32 to index
      %get3A_668 = tpu.vector_load %arg5[%get3A_667] {strides = array<i32>} : memref<4096xi32, #tpu.memory_space<vmem>>, vector<16xi32>,
      %shift_right_logical3A_669 = arith.constant 16 : i32
      %shift_right_logical3A_670 = vector.broadcast %shift_right_logical3A_669 : i32 to vector<16xi32>
      %shift_right_logical3A_671 = arith.shrui %get3A_668, %shift_right_logical3A_670 : vector<16xi32>
      %eq3A_672 = arith.cmpi eq, %shift_right_logical3A_671, %or3A_303 : vector<16xi32>
      %shift_right_logical3A_673 = arith.constant 12 : i32
      %shift_right_logical3A_674 = vector.broadcast %shift_right_logical3A_673 : i32 to vector<16xi32>
      %shift_right_logical3A_675 = arith.shrui %get3A_668, %shift_right_logical3A_674 : vector<16xi32>
      %and3A_676 = arith.constant 15 : i32
      %and3A_677 = vector.broadcast %and3A_676 : i32 to vector<16xi32>
      %and3A_678 = arith.andi %shift_right_logical3A_675, %and3A_677 : vector<16xi32>
      tpu.vector_store_idx %arg9[%and3A_678], %broadcast_in_dim3A_1 masked %eq3A_672 {add = true} : memref<16xi32, #tpu.memory_space<vmem>>[vector<16xi32>], vector<16xi32>, vector<16xi1>
      %mul3A_679 = arith.constant 8 : i32
      %mul3A_680 = arith.muli %scan3A_625, %mul3A_679 : i32
      %add3A_681 = arith.constant 3 : i32
      %add3A_682 = arith.addi %mul3A_680, %add3A_681 : i32
      %mul3A_683 = arith.constant 16 : i32
      %mul3A_684 = arith.muli %add3A_682, %mul3A_683 : i32
      %get3A_685 = arith.index_cast %mul3A_684 : i32 to index
      %get3A_686 = tpu.vector_load %arg5[%get3A_685] {strides = array<i32>} : memref<4096xi32, #tpu.memory_space<vmem>>, vector<16xi32>,
      %shift_right_logical3A_687 = arith.constant 16 : i32
      %shift_right_logical3A_688 = vector.broadcast %shift_right_logical3A_687 : i32 to vector<16xi32>
      %shift_right_logical3A_689 = arith.shrui %get3A_686, %shift_right_logical3A_688 : vector<16xi32>
      %eq3A_690 = arith.cmpi eq, %shift_right_logical3A_689, %or3A_303 : vector<16xi32>
      %shift_right_logical3A_691 = arith.constant 12 : i32
      %shift_right_logical3A_692 = vector.broadcast %shift_right_logical3A_691 : i32 to vector<16xi32>
      %shift_right_logical3A_693 = arith.shrui %get3A_686, %shift_right_logical3A_692 : vector<16xi32>
      %and3A_694 = arith.constant 15 : i32
      %and3A_695 = vector.broadcast %and3A_694 : i32 to vector<16xi32>
      %and3A_696 = arith.andi %shift_right_logical3A_693, %and3A_695 : vector<16xi32>
      tpu.vector_store_idx %arg10[%and3A_696], %broadcast_in_dim3A_1 masked %eq3A_690 {add = true} : memref<16xi32, #tpu.memory_space<vmem>>[vector<16xi32>], vector<16xi32>, vector<16xi1>
      %mul3A_697 = arith.constant 8 : i32
      %mul3A_698 = arith.muli %scan3A_625, %mul3A_697 : i32
      %add3A_699 = arith.constant 4 : i32
      %add3A_700 = arith.addi %mul3A_698, %add3A_699 : i32
      %mul3A_701 = arith.constant 16 : i32
      %mul3A_702 = arith.muli %add3A_700, %mul3A_701 : i32
      %get3A_703 = arith.index_cast %mul3A_702 : i32 to index
      %get3A_704 = tpu.vector_load %arg5[%get3A_703] {strides = array<i32>} : memref<4096xi32, #tpu.memory_space<vmem>>, vector<16xi32>,
      %shift_right_logical3A_705 = arith.constant 16 : i32
      %shift_right_logical3A_706 = vector.broadcast %shift_right_logical3A_705 : i32 to vector<16xi32>
      %shift_right_logical3A_707 = arith.shrui %get3A_704, %shift_right_logical3A_706 : vector<16xi32>
      %eq3A_708 = arith.cmpi eq, %shift_right_logical3A_707, %or3A_303 : vector<16xi32>
      %shift_right_logical3A_709 = arith.constant 12 : i32
      %shift_right_logical3A_710 = vector.broadcast %shift_right_logical3A_709 : i32 to vector<16xi32>
      %shift_right_logical3A_711 = arith.shrui %get3A_704, %shift_right_logical3A_710 : vector<16xi32>
      %and3A_712 = arith.constant 15 : i32
      %and3A_713 = vector.broadcast %and3A_712 : i32 to vector<16xi32>
      %and3A_714 = arith.andi %shift_right_logical3A_711, %and3A_713 : vector<16xi32>
      tpu.vector_store_idx %arg7[%and3A_714], %broadcast_in_dim3A_1 masked %eq3A_708 {add = true} : memref<16xi32, #tpu.memory_space<vmem>>[vector<16xi32>], vector<16xi32>, vector<16xi1>
      %mul3A_715 = arith.constant 8 : i32
      %mul3A_716 = arith.muli %scan3A_625, %mul3A_715 : i32
      %add3A_717 = arith.constant 5 : i32
      %add3A_718 = arith.addi %mul3A_716, %add3A_717 : i32
      %mul3A_719 = arith.constant 16 : i32
      %mul3A_720 = arith.muli %add3A_718, %mul3A_719 : i32
      %get3A_721 = arith.index_cast %mul3A_720 : i32 to index
      %get3A_722 = tpu.vector_load %arg5[%get3A_721] {strides = array<i32>} : memref<4096xi32, #tpu.memory_space<vmem>>, vector<16xi32>,
      %shift_right_logical3A_723 = arith.constant 16 : i32
      %shift_right_logical3A_724 = vector.broadcast %shift_right_logical3A_723 : i32 to vector<16xi32>
      %shift_right_logical3A_725 = arith.shrui %get3A_722, %shift_right_logical3A_724 : vector<16xi32>
      %eq3A_726 = arith.cmpi eq, %shift_right_logical3A_725, %or3A_303 : vector<16xi32>
      %shift_right_logical3A_727 = arith.constant 12 : i32
      %shift_right_logical3A_728 = vector.broadcast %shift_right_logical3A_727 : i32 to vector<16xi32>
      %shift_right_logical3A_729 = arith.shrui %get3A_722, %shift_right_logical3A_728 : vector<16xi32>
      %and3A_730 = arith.constant 15 : i32
      %and3A_731 = vector.broadcast %and3A_730 : i32 to vector<16xi32>
      %and3A_732 = arith.andi %shift_right_logical3A_729, %and3A_731 : vector<16xi32>
      tpu.vector_store_idx %arg8[%and3A_732], %broadcast_in_dim3A_1 masked %eq3A_726 {add = true} : memref<16xi32, #tpu.memory_space<vmem>>[vector<16xi32>], vector<16xi32>, vector<16xi1>
      %mul3A_733 = arith.constant 8 : i32
      %mul3A_734 = arith.muli %scan3A_625, %mul3A_733 : i32
      %add3A_735 = arith.constant 6 : i32
      %add3A_736 = arith.addi %mul3A_734, %add3A_735 : i32
      %mul3A_737 = arith.constant 16 : i32
      %mul3A_738 = arith.muli %add3A_736, %mul3A_737 : i32
      %get3A_739 = arith.index_cast %mul3A_738 : i32 to index
      %get3A_740 = tpu.vector_load %arg5[%get3A_739] {strides = array<i32>} : memref<4096xi32, #tpu.memory_space<vmem>>, vector<16xi32>,
      %shift_right_logical3A_741 = arith.constant 16 : i32
      %shift_right_logical3A_742 = vector.broadcast %shift_right_logical3A_741 : i32 to vector<16xi32>
      %shift_right_logical3A_743 = arith.shrui %get3A_740, %shift_right_logical3A_742 : vector<16xi32>
      %eq3A_744 = arith.cmpi eq, %shift_right_logical3A_743, %or3A_303 : vector<16xi32>
      %shift_right_logical3A_745 = arith.constant 12 : i32
      %shift_right_logical3A_746 = vector.broadcast %shift_right_logical3A_745 : i32 to vector<16xi32>
      %shift_right_logical3A_747 = arith.shrui %get3A_740, %shift_right_logical3A_746 : vector<16xi32>
      %and3A_748 = arith.constant 15 : i32
      %and3A_749 = vector.broadcast %and3A_748 : i32 to vector<16xi32>
      %and3A_750 = arith.andi %shift_right_logical3A_747, %and3A_749 : vector<16xi32>
      tpu.vector_store_idx %arg9[%and3A_750], %broadcast_in_dim3A_1 masked %eq3A_744 {add = true} : memref<16xi32, #tpu.memory_space<vmem>>[vector<16xi32>], vector<16xi32>, vector<16xi1>
      %mul3A_751 = arith.constant 8 : i32
      %mul3A_752 = arith.muli %scan3A_625, %mul3A_751 : i32
      %add3A_753 = arith.constant 7 : i32
      %add3A_754 = arith.addi %mul3A_752, %add3A_753 : i32
      %mul3A_755 = arith.constant 16 : i32
      %mul3A_756 = arith.muli %add3A_754, %mul3A_755 : i32
      %get3A_757 = arith.index_cast %mul3A_756 : i32 to index
      %get3A_758 = tpu.vector_load %arg5[%get3A_757] {strides = array<i32>} : memref<4096xi32, #tpu.memory_space<vmem>>, vector<16xi32>,
      %shift_right_logical3A_759 = arith.constant 16 : i32
      %shift_right_logical3A_760 = vector.broadcast %shift_right_logical3A_759 : i32 to vector<16xi32>
      %shift_right_logical3A_761 = arith.shrui %get3A_758, %shift_right_logical3A_760 : vector<16xi32>
      %eq3A_762 = arith.cmpi eq, %shift_right_logical3A_761, %or3A_303 : vector<16xi32>
      %shift_right_logical3A_763 = arith.constant 12 : i32
      %shift_right_logical3A_764 = vector.broadcast %shift_right_logical3A_763 : i32 to vector<16xi32>
      %shift_right_logical3A_765 = arith.shrui %get3A_758, %shift_right_logical3A_764 : vector<16xi32>
      %and3A_766 = arith.constant 15 : i32
      %and3A_767 = vector.broadcast %and3A_766 : i32 to vector<16xi32>
      %and3A_768 = arith.andi %shift_right_logical3A_765, %and3A_767 : vector<16xi32>
      tpu.vector_store_idx %arg10[%and3A_768], %broadcast_in_dim3A_1 masked %eq3A_762 {add = true} : memref<16xi32, #tpu.memory_space<vmem>>[vector<16xi32>], vector<16xi32>, vector<16xi1>
      %scan3A_769 = arith.constant 0 : i32
      scf.yield %scan3A_769 : i32
    }
    %scan3A_326 = arith.constant 32 : i32
    %get3A_327 = arith.constant 0 : index
    %get3A_328 = tpu.vector_load %arg7[%get3A_327] {strides = array<i32>} : memref<16xi32, #tpu.memory_space<vmem>>, vector<16xi32>,
    %get3A_329 = arith.constant 0 : index
    %get3A_330 = tpu.vector_load %arg8[%get3A_329] {strides = array<i32>} : memref<16xi32, #tpu.memory_space<vmem>>, vector<16xi32>,
    %add3A_331 = arith.addi %get3A_328, %get3A_330 : vector<16xi32>
    %get3A_332 = arith.constant 0 : index
    %get3A_333 = tpu.vector_load %arg9[%get3A_332] {strides = array<i32>} : memref<16xi32, #tpu.memory_space<vmem>>, vector<16xi32>,
    %add3A_334 = arith.addi %add3A_331, %get3A_333 : vector<16xi32>
    %get3A_335 = arith.constant 0 : index
    %get3A_336 = tpu.vector_load %arg10[%get3A_335] {strides = array<i32>} : memref<16xi32, #tpu.memory_space<vmem>>, vector<16xi32>,
    %add3A_337 = arith.addi %add3A_334, %get3A_336 : vector<16xi32>
    %rev3A_338 = arith.constant 15 : i32
    %rev3A_339 = vector.broadcast %rev3A_338 : i32 to vector<16xi32>
    %rev3A_340 = tpu.iota {dimensions = array<i32: 0>} : vector<16xi32>
    %rev3A_341 = arith.subi %rev3A_339, %rev3A_340 : vector<16xi32>
    %rev3A_342 = tpu.dynamic_gather %add3A_337[%rev3A_341] in [0] : vector<16xi32>, vector<16xi32> -> vector<16xi32>
    %broadcast_in_dim3A_343 = arith.constant true
    %broadcast_in_dim3A_344 = vector.broadcast %broadcast_in_dim3A_343 : i1 to vector<16xi1>
    %masked_cumsum3A_345 = tpu.scan <sum>, %rev3A_342 masked %broadcast_in_dim3A_344 : vector<16xi32>, vector<16xi1> -> vector<16xi32>
    %ge3A_346 = vector.broadcast %sub3A_299 : i32 to vector<16xi32>
    %ge3A_347 = arith.cmpi sge, %masked_cumsum3A_345, %ge3A_346 : vector<16xi32>
    %all_reduce_ffs3A_348 = tpu.all_reduce %ge3A_347 {dim = 0 : i64, kind = #tpu.reduction_kind<find_first_set>} : vector<16xi1> -> vector<16xi32>
    %sub3A_349 = arith.constant 15 : i32
    %sub3A_350 = vector.broadcast %sub3A_349 : i32 to vector<16xi32>
    %sub3A_351 = arith.subi %sub3A_350, %all_reduce_ffs3A_348 : vector<16xi32>
    %eq3A_352 = arith.cmpi eq, %iota3A, %all_reduce_ffs3A_348 : vector<16xi32>
    %jit3A_353 = arith.constant 0 : i32
    %broadcast_in_dim3A_354 = vector.broadcast %jit3A_353 : i32 to vector<16xi32>
    %select_n3A_355 = arith.select %eq3A_352, %masked_cumsum3A_345, %broadcast_in_dim3A_354 : vector<16xi1>, vector<16xi32>
    %reduce_max3A_356 = arith.constant true
    %reduce_max3A_357 = vector.broadcast %reduce_max3A_356 : i1 to vector<16xi1>
    %reduce_max3A_358 = arith.constant -2147483648 : i32
    %reduce_max3A_359 = vector.broadcast %reduce_max3A_358 : i32 to vector<16xi32>
    %reduce_max3A_360 = arith.xori %select_n3A_355, %reduce_max3A_359 : vector<16xi32>
    %reduce_max3A_361 = tpu.scan <max>, %reduce_max3A_360 masked %reduce_max3A_357 : vector<16xi32>, vector<16xi1> -> vector<16xi32>
    %reduce_max3A_362 = arith.xori %reduce_max3A_361, %reduce_max3A_359 : vector<16xi32>
    %reduce_max3A_363 = vector.extract %reduce_max3A_362[15] : i32 from vector<16xi32>
    %eq3A_364 = arith.cmpi eq, %iota3A, %all_reduce_ffs3A_348 : vector<16xi32>
    %jit3A_365 = arith.constant 0 : i32
    %broadcast_in_dim3A_366 = vector.broadcast %jit3A_365 : i32 to vector<16xi32>
    %select_n3A_367 = arith.select %eq3A_364, %rev3A_342, %broadcast_in_dim3A_366 : vector<16xi1>, vector<16xi32>
    %reduce_max3A_368 = arith.constant true
    %reduce_max3A_369 = vector.broadcast %reduce_max3A_368 : i1 to vector<16xi1>
    %reduce_max3A_370 = arith.constant -2147483648 : i32
    %reduce_max3A_371 = vector.broadcast %reduce_max3A_370 : i32 to vector<16xi32>
    %reduce_max3A_372 = arith.xori %select_n3A_367, %reduce_max3A_371 : vector<16xi32>
    %reduce_max3A_373 = tpu.scan <max>, %reduce_max3A_372 masked %reduce_max3A_369 : vector<16xi32>, vector<16xi1> -> vector<16xi32>
    %reduce_max3A_374 = arith.xori %reduce_max3A_373, %reduce_max3A_371 : vector<16xi32>
    %reduce_max3A_375 = vector.extract %reduce_max3A_374[15] : i32 from vector<16xi32>
    %sub3A_376 = arith.subi %reduce_max3A_363, %reduce_max3A_375 : i32
    %sub3A_377 = arith.subi %sub3A_299, %sub3A_376 : i32
    %shift_left3A_378 = arith.constant 4 : i32
    %shift_left3A_379 = vector.broadcast %shift_left3A_378 : i32 to vector<16xi32>
    %shift_left3A_380 = arith.shli %or3A_303, %shift_left3A_379 : vector<16xi32>
    %or3A_381 = arith.ori %shift_left3A_380, %sub3A_351 : vector<16xi32>
    %broadcast_in_dim3A_382 = arith.constant 0 : i32
    %broadcast_in_dim3A_383 = vector.broadcast %broadcast_in_dim3A_382 : i32 to vector<16xi32>
    %swap3A_384 = arith.constant 0 : index
    %swap3A_385 = tpu.vector_load %arg7[%swap3A_384] {strides = array<i32>} : memref<16xi32, #tpu.memory_space<vmem>>, vector<16xi32>,
    tpu.vector_store %arg7[%swap3A_384], %broadcast_in_dim3A_383 {strides = array<i32>} : memref<16xi32, #tpu.memory_space<vmem>>, vector<16xi32>,
    %broadcast_in_dim3A_386 = arith.constant 0 : i32
    %broadcast_in_dim3A_387 = vector.broadcast %broadcast_in_dim3A_386 : i32 to vector<16xi32>
    %swap3A_388 = arith.constant 0 : index
    %swap3A_389 = tpu.vector_load %arg8[%swap3A_388] {strides = array<i32>} : memref<16xi32, #tpu.memory_space<vmem>>, vector<16xi32>,
    tpu.vector_store %arg8[%swap3A_388], %broadcast_in_dim3A_387 {strides = array<i32>} : memref<16xi32, #tpu.memory_space<vmem>>, vector<16xi32>,
    %broadcast_in_dim3A_390 = arith.constant 0 : i32
    %broadcast_in_dim3A_391 = vector.broadcast %broadcast_in_dim3A_390 : i32 to vector<16xi32>
    %swap3A_392 = arith.constant 0 : index
    %swap3A_393 = tpu.vector_load %arg9[%swap3A_392] {strides = array<i32>} : memref<16xi32, #tpu.memory_space<vmem>>, vector<16xi32>,
    tpu.vector_store %arg9[%swap3A_392], %broadcast_in_dim3A_391 {strides = array<i32>} : memref<16xi32, #tpu.memory_space<vmem>>, vector<16xi32>,
    %broadcast_in_dim3A_394 = arith.constant 0 : i32
    %broadcast_in_dim3A_395 = vector.broadcast %broadcast_in_dim3A_394 : i32 to vector<16xi32>
    %swap3A_396 = arith.constant 0 : index
    %swap3A_397 = tpu.vector_load %arg10[%swap3A_396] {strides = array<i32>} : memref<16xi32, #tpu.memory_space<vmem>>, vector<16xi32>,
    tpu.vector_store %arg10[%swap3A_396], %broadcast_in_dim3A_395 {strides = array<i32>} : memref<16xi32, #tpu.memory_space<vmem>>, vector<16xi32>,
    %scan3A_398 = arith.constant 0 : i32
    %scan3A_399 = arith.constant 0 : i32
    %scan3A_400 = arith.constant 32 : i32
    %scan3A_401 = arith.addi %scan3A_399, %scan3A_400 : i32
    %scan3A_402 = arith.constant 1 : i32
    %scan3A_403 = scf.for %scan3A_625 = %scan3A_399 to %scan3A_401 step %scan3A_402 iter_args(%scan3A_626 = %scan3A_398) -> (i32)  : i32 {
      %mul3A_627 = arith.constant 8 : i32
      %mul3A_628 = arith.muli %scan3A_625, %mul3A_627 : i32
      %add3A_629 = arith.constant 0 : i32
      %add3A_630 = arith.addi %mul3A_628, %add3A_629 : i32
      %mul3A_631 = arith.constant 16 : i32
      %mul3A_632 = arith.muli %add3A_630, %mul3A_631 : i32
      %get3A_633 = arith.index_cast %mul3A_632 : i32 to index
      %get3A_634 = tpu.vector_load %arg5[%get3A_633] {strides = array<i32>} : memref<4096xi32, #tpu.memory_space<vmem>>, vector<16xi32>,
      %shift_right_logical3A = arith.constant 12 : i32
      %shift_right_logical3A_635 = vector.broadcast %shift_right_logical3A : i32 to vector<16xi32>
      %shift_right_logical3A_636 = arith.shrui %get3A_634, %shift_right_logical3A_635 : vector<16xi32>
      %eq3A_637 = arith.cmpi eq, %shift_right_logical3A_636, %or3A_381 : vector<16xi32>
      %shift_right_logical3A_638 = arith.constant 8 : i32
      %shift_right_logical3A_639 = vector.broadcast %shift_right_logical3A_638 : i32 to vector<16xi32>
      %shift_right_logical3A_640 = arith.shrui %get3A_634, %shift_right_logical3A_639 : vector<16xi32>
      %and3A = arith.constant 15 : i32
      %and3A_641 = vector.broadcast %and3A : i32 to vector<16xi32>
      %and3A_642 = arith.andi %shift_right_logical3A_640, %and3A_641 : vector<16xi32>
      tpu.vector_store_idx %arg7[%and3A_642], %broadcast_in_dim3A_1 masked %eq3A_637 {add = true} : memref<16xi32, #tpu.memory_space<vmem>>[vector<16xi32>], vector<16xi32>, vector<16xi1>
      %mul3A_643 = arith.constant 8 : i32
      %mul3A_644 = arith.muli %scan3A_625, %mul3A_643 : i32
      %add3A_645 = arith.constant 1 : i32
      %add3A_646 = arith.addi %mul3A_644, %add3A_645 : i32
      %mul3A_647 = arith.constant 16 : i32
      %mul3A_648 = arith.muli %add3A_646, %mul3A_647 : i32
      %get3A_649 = arith.index_cast %mul3A_648 : i32 to index
      %get3A_650 = tpu.vector_load %arg5[%get3A_649] {strides = array<i32>} : memref<4096xi32, #tpu.memory_space<vmem>>, vector<16xi32>,
      %shift_right_logical3A_651 = arith.constant 12 : i32
      %shift_right_logical3A_652 = vector.broadcast %shift_right_logical3A_651 : i32 to vector<16xi32>
      %shift_right_logical3A_653 = arith.shrui %get3A_650, %shift_right_logical3A_652 : vector<16xi32>
      %eq3A_654 = arith.cmpi eq, %shift_right_logical3A_653, %or3A_381 : vector<16xi32>
      %shift_right_logical3A_655 = arith.constant 8 : i32
      %shift_right_logical3A_656 = vector.broadcast %shift_right_logical3A_655 : i32 to vector<16xi32>
      %shift_right_logical3A_657 = arith.shrui %get3A_650, %shift_right_logical3A_656 : vector<16xi32>
      %and3A_658 = arith.constant 15 : i32
      %and3A_659 = vector.broadcast %and3A_658 : i32 to vector<16xi32>
      %and3A_660 = arith.andi %shift_right_logical3A_657, %and3A_659 : vector<16xi32>
      tpu.vector_store_idx %arg8[%and3A_660], %broadcast_in_dim3A_1 masked %eq3A_654 {add = true} : memref<16xi32, #tpu.memory_space<vmem>>[vector<16xi32>], vector<16xi32>, vector<16xi1>
      %mul3A_661 = arith.constant 8 : i32
      %mul3A_662 = arith.muli %scan3A_625, %mul3A_661 : i32
      %add3A_663 = arith.constant 2 : i32
      %add3A_664 = arith.addi %mul3A_662, %add3A_663 : i32
      %mul3A_665 = arith.constant 16 : i32
      %mul3A_666 = arith.muli %add3A_664, %mul3A_665 : i32
      %get3A_667 = arith.index_cast %mul3A_666 : i32 to index
      %get3A_668 = tpu.vector_load %arg5[%get3A_667] {strides = array<i32>} : memref<4096xi32, #tpu.memory_space<vmem>>, vector<16xi32>,
      %shift_right_logical3A_669 = arith.constant 12 : i32
      %shift_right_logical3A_670 = vector.broadcast %shift_right_logical3A_669 : i32 to vector<16xi32>
      %shift_right_logical3A_671 = arith.shrui %get3A_668, %shift_right_logical3A_670 : vector<16xi32>
      %eq3A_672 = arith.cmpi eq, %shift_right_logical3A_671, %or3A_381 : vector<16xi32>
      %shift_right_logical3A_673 = arith.constant 8 : i32
      %shift_right_logical3A_674 = vector.broadcast %shift_right_logical3A_673 : i32 to vector<16xi32>
      %shift_right_logical3A_675 = arith.shrui %get3A_668, %shift_right_logical3A_674 : vector<16xi32>
      %and3A_676 = arith.constant 15 : i32
      %and3A_677 = vector.broadcast %and3A_676 : i32 to vector<16xi32>
      %and3A_678 = arith.andi %shift_right_logical3A_675, %and3A_677 : vector<16xi32>
      tpu.vector_store_idx %arg9[%and3A_678], %broadcast_in_dim3A_1 masked %eq3A_672 {add = true} : memref<16xi32, #tpu.memory_space<vmem>>[vector<16xi32>], vector<16xi32>, vector<16xi1>
      %mul3A_679 = arith.constant 8 : i32
      %mul3A_680 = arith.muli %scan3A_625, %mul3A_679 : i32
      %add3A_681 = arith.constant 3 : i32
      %add3A_682 = arith.addi %mul3A_680, %add3A_681 : i32
      %mul3A_683 = arith.constant 16 : i32
      %mul3A_684 = arith.muli %add3A_682, %mul3A_683 : i32
      %get3A_685 = arith.index_cast %mul3A_684 : i32 to index
      %get3A_686 = tpu.vector_load %arg5[%get3A_685] {strides = array<i32>} : memref<4096xi32, #tpu.memory_space<vmem>>, vector<16xi32>,
      %shift_right_logical3A_687 = arith.constant 12 : i32
      %shift_right_logical3A_688 = vector.broadcast %shift_right_logical3A_687 : i32 to vector<16xi32>
      %shift_right_logical3A_689 = arith.shrui %get3A_686, %shift_right_logical3A_688 : vector<16xi32>
      %eq3A_690 = arith.cmpi eq, %shift_right_logical3A_689, %or3A_381 : vector<16xi32>
      %shift_right_logical3A_691 = arith.constant 8 : i32
      %shift_right_logical3A_692 = vector.broadcast %shift_right_logical3A_691 : i32 to vector<16xi32>
      %shift_right_logical3A_693 = arith.shrui %get3A_686, %shift_right_logical3A_692 : vector<16xi32>
      %and3A_694 = arith.constant 15 : i32
      %and3A_695 = vector.broadcast %and3A_694 : i32 to vector<16xi32>
      %and3A_696 = arith.andi %shift_right_logical3A_693, %and3A_695 : vector<16xi32>
      tpu.vector_store_idx %arg10[%and3A_696], %broadcast_in_dim3A_1 masked %eq3A_690 {add = true} : memref<16xi32, #tpu.memory_space<vmem>>[vector<16xi32>], vector<16xi32>, vector<16xi1>
      %mul3A_697 = arith.constant 8 : i32
      %mul3A_698 = arith.muli %scan3A_625, %mul3A_697 : i32
      %add3A_699 = arith.constant 4 : i32
      %add3A_700 = arith.addi %mul3A_698, %add3A_699 : i32
      %mul3A_701 = arith.constant 16 : i32
      %mul3A_702 = arith.muli %add3A_700, %mul3A_701 : i32
      %get3A_703 = arith.index_cast %mul3A_702 : i32 to index
      %get3A_704 = tpu.vector_load %arg5[%get3A_703] {strides = array<i32>} : memref<4096xi32, #tpu.memory_space<vmem>>, vector<16xi32>,
      %shift_right_logical3A_705 = arith.constant 12 : i32
      %shift_right_logical3A_706 = vector.broadcast %shift_right_logical3A_705 : i32 to vector<16xi32>
      %shift_right_logical3A_707 = arith.shrui %get3A_704, %shift_right_logical3A_706 : vector<16xi32>
      %eq3A_708 = arith.cmpi eq, %shift_right_logical3A_707, %or3A_381 : vector<16xi32>
      %shift_right_logical3A_709 = arith.constant 8 : i32
      %shift_right_logical3A_710 = vector.broadcast %shift_right_logical3A_709 : i32 to vector<16xi32>
      %shift_right_logical3A_711 = arith.shrui %get3A_704, %shift_right_logical3A_710 : vector<16xi32>
      %and3A_712 = arith.constant 15 : i32
      %and3A_713 = vector.broadcast %and3A_712 : i32 to vector<16xi32>
      %and3A_714 = arith.andi %shift_right_logical3A_711, %and3A_713 : vector<16xi32>
      tpu.vector_store_idx %arg7[%and3A_714], %broadcast_in_dim3A_1 masked %eq3A_708 {add = true} : memref<16xi32, #tpu.memory_space<vmem>>[vector<16xi32>], vector<16xi32>, vector<16xi1>
      %mul3A_715 = arith.constant 8 : i32
      %mul3A_716 = arith.muli %scan3A_625, %mul3A_715 : i32
      %add3A_717 = arith.constant 5 : i32
      %add3A_718 = arith.addi %mul3A_716, %add3A_717 : i32
      %mul3A_719 = arith.constant 16 : i32
      %mul3A_720 = arith.muli %add3A_718, %mul3A_719 : i32
      %get3A_721 = arith.index_cast %mul3A_720 : i32 to index
      %get3A_722 = tpu.vector_load %arg5[%get3A_721] {strides = array<i32>} : memref<4096xi32, #tpu.memory_space<vmem>>, vector<16xi32>,
      %shift_right_logical3A_723 = arith.constant 12 : i32
      %shift_right_logical3A_724 = vector.broadcast %shift_right_logical3A_723 : i32 to vector<16xi32>
      %shift_right_logical3A_725 = arith.shrui %get3A_722, %shift_right_logical3A_724 : vector<16xi32>
      %eq3A_726 = arith.cmpi eq, %shift_right_logical3A_725, %or3A_381 : vector<16xi32>
      %shift_right_logical3A_727 = arith.constant 8 : i32
      %shift_right_logical3A_728 = vector.broadcast %shift_right_logical3A_727 : i32 to vector<16xi32>
      %shift_right_logical3A_729 = arith.shrui %get3A_722, %shift_right_logical3A_728 : vector<16xi32>
      %and3A_730 = arith.constant 15 : i32
      %and3A_731 = vector.broadcast %and3A_730 : i32 to vector<16xi32>
      %and3A_732 = arith.andi %shift_right_logical3A_729, %and3A_731 : vector<16xi32>
      tpu.vector_store_idx %arg8[%and3A_732], %broadcast_in_dim3A_1 masked %eq3A_726 {add = true} : memref<16xi32, #tpu.memory_space<vmem>>[vector<16xi32>], vector<16xi32>, vector<16xi1>
      %mul3A_733 = arith.constant 8 : i32
      %mul3A_734 = arith.muli %scan3A_625, %mul3A_733 : i32
      %add3A_735 = arith.constant 6 : i32
      %add3A_736 = arith.addi %mul3A_734, %add3A_735 : i32
      %mul3A_737 = arith.constant 16 : i32
      %mul3A_738 = arith.muli %add3A_736, %mul3A_737 : i32
      %get3A_739 = arith.index_cast %mul3A_738 : i32 to index
      %get3A_740 = tpu.vector_load %arg5[%get3A_739] {strides = array<i32>} : memref<4096xi32, #tpu.memory_space<vmem>>, vector<16xi32>,
      %shift_right_logical3A_741 = arith.constant 12 : i32
      %shift_right_logical3A_742 = vector.broadcast %shift_right_logical3A_741 : i32 to vector<16xi32>
      %shift_right_logical3A_743 = arith.shrui %get3A_740, %shift_right_logical3A_742 : vector<16xi32>
      %eq3A_744 = arith.cmpi eq, %shift_right_logical3A_743, %or3A_381 : vector<16xi32>
      %shift_right_logical3A_745 = arith.constant 8 : i32
      %shift_right_logical3A_746 = vector.broadcast %shift_right_logical3A_745 : i32 to vector<16xi32>
      %shift_right_logical3A_747 = arith.shrui %get3A_740, %shift_right_logical3A_746 : vector<16xi32>
      %and3A_748 = arith.constant 15 : i32
      %and3A_749 = vector.broadcast %and3A_748 : i32 to vector<16xi32>
      %and3A_750 = arith.andi %shift_right_logical3A_747, %and3A_749 : vector<16xi32>
      tpu.vector_store_idx %arg9[%and3A_750], %broadcast_in_dim3A_1 masked %eq3A_744 {add = true} : memref<16xi32, #tpu.memory_space<vmem>>[vector<16xi32>], vector<16xi32>, vector<16xi1>
      %mul3A_751 = arith.constant 8 : i32
      %mul3A_752 = arith.muli %scan3A_625, %mul3A_751 : i32
      %add3A_753 = arith.constant 7 : i32
      %add3A_754 = arith.addi %mul3A_752, %add3A_753 : i32
      %mul3A_755 = arith.constant 16 : i32
      %mul3A_756 = arith.muli %add3A_754, %mul3A_755 : i32
      %get3A_757 = arith.index_cast %mul3A_756 : i32 to index
      %get3A_758 = tpu.vector_load %arg5[%get3A_757] {strides = array<i32>} : memref<4096xi32, #tpu.memory_space<vmem>>, vector<16xi32>,
      %shift_right_logical3A_759 = arith.constant 12 : i32
      %shift_right_logical3A_760 = vector.broadcast %shift_right_logical3A_759 : i32 to vector<16xi32>
      %shift_right_logical3A_761 = arith.shrui %get3A_758, %shift_right_logical3A_760 : vector<16xi32>
      %eq3A_762 = arith.cmpi eq, %shift_right_logical3A_761, %or3A_381 : vector<16xi32>
      %shift_right_logical3A_763 = arith.constant 8 : i32
      %shift_right_logical3A_764 = vector.broadcast %shift_right_logical3A_763 : i32 to vector<16xi32>
      %shift_right_logical3A_765 = arith.shrui %get3A_758, %shift_right_logical3A_764 : vector<16xi32>
      %and3A_766 = arith.constant 15 : i32
      %and3A_767 = vector.broadcast %and3A_766 : i32 to vector<16xi32>
      %and3A_768 = arith.andi %shift_right_logical3A_765, %and3A_767 : vector<16xi32>
      tpu.vector_store_idx %arg10[%and3A_768], %broadcast_in_dim3A_1 masked %eq3A_762 {add = true} : memref<16xi32, #tpu.memory_space<vmem>>[vector<16xi32>], vector<16xi32>, vector<16xi1>
      %scan3A_769 = arith.constant 0 : i32
      scf.yield %scan3A_769 : i32
    }
    %scan3A_404 = arith.constant 32 : i32
    %get3A_405 = arith.constant 0 : index
    %get3A_406 = tpu.vector_load %arg7[%get3A_405] {strides = array<i32>} : memref<16xi32, #tpu.memory_space<vmem>>, vector<16xi32>,
    %get3A_407 = arith.constant 0 : index
    %get3A_408 = tpu.vector_load %arg8[%get3A_407] {strides = array<i32>} : memref<16xi32, #tpu.memory_space<vmem>>, vector<16xi32>,
    %add3A_409 = arith.addi %get3A_406, %get3A_408 : vector<16xi32>
    %get3A_410 = arith.constant 0 : index
    %get3A_411 = tpu.vector_load %arg9[%get3A_410] {strides = array<i32>} : memref<16xi32, #tpu.memory_space<vmem>>, vector<16xi32>,
    %add3A_412 = arith.addi %add3A_409, %get3A_411 : vector<16xi32>
    %get3A_413 = arith.constant 0 : index
    %get3A_414 = tpu.vector_load %arg10[%get3A_413] {strides = array<i32>} : memref<16xi32, #tpu.memory_space<vmem>>, vector<16xi32>,
    %add3A_415 = arith.addi %add3A_412, %get3A_414 : vector<16xi32>
    %rev3A_416 = arith.constant 15 : i32
    %rev3A_417 = vector.broadcast %rev3A_416 : i32 to vector<16xi32>
    %rev3A_418 = tpu.iota {dimensions = array<i32: 0>} : vector<16xi32>
    %rev3A_419 = arith.subi %rev3A_417, %rev3A_418 : vector<16xi32>
    %rev3A_420 = tpu.dynamic_gather %add3A_415[%rev3A_419] in [0] : vector<16xi32>, vector<16xi32> -> vector<16xi32>
    %broadcast_in_dim3A_421 = arith.constant true
    %broadcast_in_dim3A_422 = vector.broadcast %broadcast_in_dim3A_421 : i1 to vector<16xi1>
    %masked_cumsum3A_423 = tpu.scan <sum>, %rev3A_420 masked %broadcast_in_dim3A_422 : vector<16xi32>, vector<16xi1> -> vector<16xi32>
    %ge3A_424 = vector.broadcast %sub3A_377 : i32 to vector<16xi32>
    %ge3A_425 = arith.cmpi sge, %masked_cumsum3A_423, %ge3A_424 : vector<16xi32>
    %all_reduce_ffs3A_426 = tpu.all_reduce %ge3A_425 {dim = 0 : i64, kind = #tpu.reduction_kind<find_first_set>} : vector<16xi1> -> vector<16xi32>
    %sub3A_427 = arith.constant 15 : i32
    %sub3A_428 = vector.broadcast %sub3A_427 : i32 to vector<16xi32>
    %sub3A_429 = arith.subi %sub3A_428, %all_reduce_ffs3A_426 : vector<16xi32>
    %eq3A_430 = arith.cmpi eq, %iota3A, %all_reduce_ffs3A_426 : vector<16xi32>
    %jit3A_431 = arith.constant 0 : i32
    %broadcast_in_dim3A_432 = vector.broadcast %jit3A_431 : i32 to vector<16xi32>
    %select_n3A_433 = arith.select %eq3A_430, %masked_cumsum3A_423, %broadcast_in_dim3A_432 : vector<16xi1>, vector<16xi32>
    %reduce_max3A_434 = arith.constant true
    %reduce_max3A_435 = vector.broadcast %reduce_max3A_434 : i1 to vector<16xi1>
    %reduce_max3A_436 = arith.constant -2147483648 : i32
    %reduce_max3A_437 = vector.broadcast %reduce_max3A_436 : i32 to vector<16xi32>
    %reduce_max3A_438 = arith.xori %select_n3A_433, %reduce_max3A_437 : vector<16xi32>
    %reduce_max3A_439 = tpu.scan <max>, %reduce_max3A_438 masked %reduce_max3A_435 : vector<16xi32>, vector<16xi1> -> vector<16xi32>
    %reduce_max3A_440 = arith.xori %reduce_max3A_439, %reduce_max3A_437 : vector<16xi32>
    %reduce_max3A_441 = vector.extract %reduce_max3A_440[15] : i32 from vector<16xi32>
    %eq3A_442 = arith.cmpi eq, %iota3A, %all_reduce_ffs3A_426 : vector<16xi32>
    %jit3A_443 = arith.constant 0 : i32
    %broadcast_in_dim3A_444 = vector.broadcast %jit3A_443 : i32 to vector<16xi32>
    %select_n3A_445 = arith.select %eq3A_442, %rev3A_420, %broadcast_in_dim3A_444 : vector<16xi1>, vector<16xi32>
    %reduce_max3A_446 = arith.constant true
    %reduce_max3A_447 = vector.broadcast %reduce_max3A_446 : i1 to vector<16xi1>
    %reduce_max3A_448 = arith.constant -2147483648 : i32
    %reduce_max3A_449 = vector.broadcast %reduce_max3A_448 : i32 to vector<16xi32>
    %reduce_max3A_450 = arith.xori %select_n3A_445, %reduce_max3A_449 : vector<16xi32>
    %reduce_max3A_451 = tpu.scan <max>, %reduce_max3A_450 masked %reduce_max3A_447 : vector<16xi32>, vector<16xi1> -> vector<16xi32>
    %reduce_max3A_452 = arith.xori %reduce_max3A_451, %reduce_max3A_449 : vector<16xi32>
    %reduce_max3A_453 = vector.extract %reduce_max3A_452[15] : i32 from vector<16xi32>
    %sub3A_454 = arith.subi %reduce_max3A_441, %reduce_max3A_453 : i32
    %sub3A_455 = arith.subi %sub3A_377, %sub3A_454 : i32
    %shift_left3A_456 = arith.constant 4 : i32
    %shift_left3A_457 = vector.broadcast %shift_left3A_456 : i32 to vector<16xi32>
    %shift_left3A_458 = arith.shli %or3A_381, %shift_left3A_457 : vector<16xi32>
    %or3A_459 = arith.ori %shift_left3A_458, %sub3A_429 : vector<16xi32>
    %broadcast_in_dim3A_460 = arith.constant 0 : i32
    %broadcast_in_dim3A_461 = vector.broadcast %broadcast_in_dim3A_460 : i32 to vector<16xi32>
    %swap3A_462 = arith.constant 0 : index
    %swap3A_463 = tpu.vector_load %arg7[%swap3A_462] {strides = array<i32>} : memref<16xi32, #tpu.memory_space<vmem>>, vector<16xi32>,
    tpu.vector_store %arg7[%swap3A_462], %broadcast_in_dim3A_461 {strides = array<i32>} : memref<16xi32, #tpu.memory_space<vmem>>, vector<16xi32>,
    %broadcast_in_dim3A_464 = arith.constant 0 : i32
    %broadcast_in_dim3A_465 = vector.broadcast %broadcast_in_dim3A_464 : i32 to vector<16xi32>
    %swap3A_466 = arith.constant 0 : index
    %swap3A_467 = tpu.vector_load %arg8[%swap3A_466] {strides = array<i32>} : memref<16xi32, #tpu.memory_space<vmem>>, vector<16xi32>,
    tpu.vector_store %arg8[%swap3A_466], %broadcast_in_dim3A_465 {strides = array<i32>} : memref<16xi32, #tpu.memory_space<vmem>>, vector<16xi32>,
    %broadcast_in_dim3A_468 = arith.constant 0 : i32
    %broadcast_in_dim3A_469 = vector.broadcast %broadcast_in_dim3A_468 : i32 to vector<16xi32>
    %swap3A_470 = arith.constant 0 : index
    %swap3A_471 = tpu.vector_load %arg9[%swap3A_470] {strides = array<i32>} : memref<16xi32, #tpu.memory_space<vmem>>, vector<16xi32>,
    tpu.vector_store %arg9[%swap3A_470], %broadcast_in_dim3A_469 {strides = array<i32>} : memref<16xi32, #tpu.memory_space<vmem>>, vector<16xi32>,
    %broadcast_in_dim3A_472 = arith.constant 0 : i32
    %broadcast_in_dim3A_473 = vector.broadcast %broadcast_in_dim3A_472 : i32 to vector<16xi32>
    %swap3A_474 = arith.constant 0 : index
    %swap3A_475 = tpu.vector_load %arg10[%swap3A_474] {strides = array<i32>} : memref<16xi32, #tpu.memory_space<vmem>>, vector<16xi32>,
    tpu.vector_store %arg10[%swap3A_474], %broadcast_in_dim3A_473 {strides = array<i32>} : memref<16xi32, #tpu.memory_space<vmem>>, vector<16xi32>,
    %scan3A_476 = arith.constant 0 : i32
    %scan3A_477 = arith.constant 0 : i32
    %scan3A_478 = arith.constant 32 : i32
    %scan3A_479 = arith.addi %scan3A_477, %scan3A_478 : i32
    %scan3A_480 = arith.constant 1 : i32
    %scan3A_481 = scf.for %scan3A_625 = %scan3A_477 to %scan3A_479 step %scan3A_480 iter_args(%scan3A_626 = %scan3A_476) -> (i32)  : i32 {
      %mul3A_627 = arith.constant 8 : i32
      %mul3A_628 = arith.muli %scan3A_625, %mul3A_627 : i32
      %add3A_629 = arith.constant 0 : i32
      %add3A_630 = arith.addi %mul3A_628, %add3A_629 : i32
      %mul3A_631 = arith.constant 16 : i32
      %mul3A_632 = arith.muli %add3A_630, %mul3A_631 : i32
      %get3A_633 = arith.index_cast %mul3A_632 : i32 to index
      %get3A_634 = tpu.vector_load %arg5[%get3A_633] {strides = array<i32>} : memref<4096xi32, #tpu.memory_space<vmem>>, vector<16xi32>,
      %shift_right_logical3A = arith.constant 8 : i32
      %shift_right_logical3A_635 = vector.broadcast %shift_right_logical3A : i32 to vector<16xi32>
      %shift_right_logical3A_636 = arith.shrui %get3A_634, %shift_right_logical3A_635 : vector<16xi32>
      %eq3A_637 = arith.cmpi eq, %shift_right_logical3A_636, %or3A_459 : vector<16xi32>
      %shift_right_logical3A_638 = arith.constant 4 : i32
      %shift_right_logical3A_639 = vector.broadcast %shift_right_logical3A_638 : i32 to vector<16xi32>
      %shift_right_logical3A_640 = arith.shrui %get3A_634, %shift_right_logical3A_639 : vector<16xi32>
      %and3A = arith.constant 15 : i32
      %and3A_641 = vector.broadcast %and3A : i32 to vector<16xi32>
      %and3A_642 = arith.andi %shift_right_logical3A_640, %and3A_641 : vector<16xi32>
      tpu.vector_store_idx %arg7[%and3A_642], %broadcast_in_dim3A_1 masked %eq3A_637 {add = true} : memref<16xi32, #tpu.memory_space<vmem>>[vector<16xi32>], vector<16xi32>, vector<16xi1>
      %mul3A_643 = arith.constant 8 : i32
      %mul3A_644 = arith.muli %scan3A_625, %mul3A_643 : i32
      %add3A_645 = arith.constant 1 : i32
      %add3A_646 = arith.addi %mul3A_644, %add3A_645 : i32
      %mul3A_647 = arith.constant 16 : i32
      %mul3A_648 = arith.muli %add3A_646, %mul3A_647 : i32
      %get3A_649 = arith.index_cast %mul3A_648 : i32 to index
      %get3A_650 = tpu.vector_load %arg5[%get3A_649] {strides = array<i32>} : memref<4096xi32, #tpu.memory_space<vmem>>, vector<16xi32>,
      %shift_right_logical3A_651 = arith.constant 8 : i32
      %shift_right_logical3A_652 = vector.broadcast %shift_right_logical3A_651 : i32 to vector<16xi32>
      %shift_right_logical3A_653 = arith.shrui %get3A_650, %shift_right_logical3A_652 : vector<16xi32>
      %eq3A_654 = arith.cmpi eq, %shift_right_logical3A_653, %or3A_459 : vector<16xi32>
      %shift_right_logical3A_655 = arith.constant 4 : i32
      %shift_right_logical3A_656 = vector.broadcast %shift_right_logical3A_655 : i32 to vector<16xi32>
      %shift_right_logical3A_657 = arith.shrui %get3A_650, %shift_right_logical3A_656 : vector<16xi32>
      %and3A_658 = arith.constant 15 : i32
      %and3A_659 = vector.broadcast %and3A_658 : i32 to vector<16xi32>
      %and3A_660 = arith.andi %shift_right_logical3A_657, %and3A_659 : vector<16xi32>
      tpu.vector_store_idx %arg8[%and3A_660], %broadcast_in_dim3A_1 masked %eq3A_654 {add = true} : memref<16xi32, #tpu.memory_space<vmem>>[vector<16xi32>], vector<16xi32>, vector<16xi1>
      %mul3A_661 = arith.constant 8 : i32
      %mul3A_662 = arith.muli %scan3A_625, %mul3A_661 : i32
      %add3A_663 = arith.constant 2 : i32
      %add3A_664 = arith.addi %mul3A_662, %add3A_663 : i32
      %mul3A_665 = arith.constant 16 : i32
      %mul3A_666 = arith.muli %add3A_664, %mul3A_665 : i32
      %get3A_667 = arith.index_cast %mul3A_666 : i32 to index
      %get3A_668 = tpu.vector_load %arg5[%get3A_667] {strides = array<i32>} : memref<4096xi32, #tpu.memory_space<vmem>>, vector<16xi32>,
      %shift_right_logical3A_669 = arith.constant 8 : i32
      %shift_right_logical3A_670 = vector.broadcast %shift_right_logical3A_669 : i32 to vector<16xi32>
      %shift_right_logical3A_671 = arith.shrui %get3A_668, %shift_right_logical3A_670 : vector<16xi32>
      %eq3A_672 = arith.cmpi eq, %shift_right_logical3A_671, %or3A_459 : vector<16xi32>
      %shift_right_logical3A_673 = arith.constant 4 : i32
      %shift_right_logical3A_674 = vector.broadcast %shift_right_logical3A_673 : i32 to vector<16xi32>
      %shift_right_logical3A_675 = arith.shrui %get3A_668, %shift_right_logical3A_674 : vector<16xi32>
      %and3A_676 = arith.constant 15 : i32
      %and3A_677 = vector.broadcast %and3A_676 : i32 to vector<16xi32>
      %and3A_678 = arith.andi %shift_right_logical3A_675, %and3A_677 : vector<16xi32>
      tpu.vector_store_idx %arg9[%and3A_678], %broadcast_in_dim3A_1 masked %eq3A_672 {add = true} : memref<16xi32, #tpu.memory_space<vmem>>[vector<16xi32>], vector<16xi32>, vector<16xi1>
      %mul3A_679 = arith.constant 8 : i32
      %mul3A_680 = arith.muli %scan3A_625, %mul3A_679 : i32
      %add3A_681 = arith.constant 3 : i32
      %add3A_682 = arith.addi %mul3A_680, %add3A_681 : i32
      %mul3A_683 = arith.constant 16 : i32
      %mul3A_684 = arith.muli %add3A_682, %mul3A_683 : i32
      %get3A_685 = arith.index_cast %mul3A_684 : i32 to index
      %get3A_686 = tpu.vector_load %arg5[%get3A_685] {strides = array<i32>} : memref<4096xi32, #tpu.memory_space<vmem>>, vector<16xi32>,
      %shift_right_logical3A_687 = arith.constant 8 : i32
      %shift_right_logical3A_688 = vector.broadcast %shift_right_logical3A_687 : i32 to vector<16xi32>
      %shift_right_logical3A_689 = arith.shrui %get3A_686, %shift_right_logical3A_688 : vector<16xi32>
      %eq3A_690 = arith.cmpi eq, %shift_right_logical3A_689, %or3A_459 : vector<16xi32>
      %shift_right_logical3A_691 = arith.constant 4 : i32
      %shift_right_logical3A_692 = vector.broadcast %shift_right_logical3A_691 : i32 to vector<16xi32>
      %shift_right_logical3A_693 = arith.shrui %get3A_686, %shift_right_logical3A_692 : vector<16xi32>
      %and3A_694 = arith.constant 15 : i32
      %and3A_695 = vector.broadcast %and3A_694 : i32 to vector<16xi32>
      %and3A_696 = arith.andi %shift_right_logical3A_693, %and3A_695 : vector<16xi32>
      tpu.vector_store_idx %arg10[%and3A_696], %broadcast_in_dim3A_1 masked %eq3A_690 {add = true} : memref<16xi32, #tpu.memory_space<vmem>>[vector<16xi32>], vector<16xi32>, vector<16xi1>
      %mul3A_697 = arith.constant 8 : i32
      %mul3A_698 = arith.muli %scan3A_625, %mul3A_697 : i32
      %add3A_699 = arith.constant 4 : i32
      %add3A_700 = arith.addi %mul3A_698, %add3A_699 : i32
      %mul3A_701 = arith.constant 16 : i32
      %mul3A_702 = arith.muli %add3A_700, %mul3A_701 : i32
      %get3A_703 = arith.index_cast %mul3A_702 : i32 to index
      %get3A_704 = tpu.vector_load %arg5[%get3A_703] {strides = array<i32>} : memref<4096xi32, #tpu.memory_space<vmem>>, vector<16xi32>,
      %shift_right_logical3A_705 = arith.constant 8 : i32
      %shift_right_logical3A_706 = vector.broadcast %shift_right_logical3A_705 : i32 to vector<16xi32>
      %shift_right_logical3A_707 = arith.shrui %get3A_704, %shift_right_logical3A_706 : vector<16xi32>
      %eq3A_708 = arith.cmpi eq, %shift_right_logical3A_707, %or3A_459 : vector<16xi32>
      %shift_right_logical3A_709 = arith.constant 4 : i32
      %shift_right_logical3A_710 = vector.broadcast %shift_right_logical3A_709 : i32 to vector<16xi32>
      %shift_right_logical3A_711 = arith.shrui %get3A_704, %shift_right_logical3A_710 : vector<16xi32>
      %and3A_712 = arith.constant 15 : i32
      %and3A_713 = vector.broadcast %and3A_712 : i32 to vector<16xi32>
      %and3A_714 = arith.andi %shift_right_logical3A_711, %and3A_713 : vector<16xi32>
      tpu.vector_store_idx %arg7[%and3A_714], %broadcast_in_dim3A_1 masked %eq3A_708 {add = true} : memref<16xi32, #tpu.memory_space<vmem>>[vector<16xi32>], vector<16xi32>, vector<16xi1>
      %mul3A_715 = arith.constant 8 : i32
      %mul3A_716 = arith.muli %scan3A_625, %mul3A_715 : i32
      %add3A_717 = arith.constant 5 : i32
      %add3A_718 = arith.addi %mul3A_716, %add3A_717 : i32
      %mul3A_719 = arith.constant 16 : i32
      %mul3A_720 = arith.muli %add3A_718, %mul3A_719 : i32
      %get3A_721 = arith.index_cast %mul3A_720 : i32 to index
      %get3A_722 = tpu.vector_load %arg5[%get3A_721] {strides = array<i32>} : memref<4096xi32, #tpu.memory_space<vmem>>, vector<16xi32>,
      %shift_right_logical3A_723 = arith.constant 8 : i32
      %shift_right_logical3A_724 = vector.broadcast %shift_right_logical3A_723 : i32 to vector<16xi32>
      %shift_right_logical3A_725 = arith.shrui %get3A_722, %shift_right_logical3A_724 : vector<16xi32>
      %eq3A_726 = arith.cmpi eq, %shift_right_logical3A_725, %or3A_459 : vector<16xi32>
      %shift_right_logical3A_727 = arith.constant 4 : i32
      %shift_right_logical3A_728 = vector.broadcast %shift_right_logical3A_727 : i32 to vector<16xi32>
      %shift_right_logical3A_729 = arith.shrui %get3A_722, %shift_right_logical3A_728 : vector<16xi32>
      %and3A_730 = arith.constant 15 : i32
      %and3A_731 = vector.broadcast %and3A_730 : i32 to vector<16xi32>
      %and3A_732 = arith.andi %shift_right_logical3A_729, %and3A_731 : vector<16xi32>
      tpu.vector_store_idx %arg8[%and3A_732], %broadcast_in_dim3A_1 masked %eq3A_726 {add = true} : memref<16xi32, #tpu.memory_space<vmem>>[vector<16xi32>], vector<16xi32>, vector<16xi1>
      %mul3A_733 = arith.constant 8 : i32
      %mul3A_734 = arith.muli %scan3A_625, %mul3A_733 : i32
      %add3A_735 = arith.constant 6 : i32
      %add3A_736 = arith.addi %mul3A_734, %add3A_735 : i32
      %mul3A_737 = arith.constant 16 : i32
      %mul3A_738 = arith.muli %add3A_736, %mul3A_737 : i32
      %get3A_739 = arith.index_cast %mul3A_738 : i32 to index
      %get3A_740 = tpu.vector_load %arg5[%get3A_739] {strides = array<i32>} : memref<4096xi32, #tpu.memory_space<vmem>>, vector<16xi32>,
      %shift_right_logical3A_741 = arith.constant 8 : i32
      %shift_right_logical3A_742 = vector.broadcast %shift_right_logical3A_741 : i32 to vector<16xi32>
      %shift_right_logical3A_743 = arith.shrui %get3A_740, %shift_right_logical3A_742 : vector<16xi32>
      %eq3A_744 = arith.cmpi eq, %shift_right_logical3A_743, %or3A_459 : vector<16xi32>
      %shift_right_logical3A_745 = arith.constant 4 : i32
      %shift_right_logical3A_746 = vector.broadcast %shift_right_logical3A_745 : i32 to vector<16xi32>
      %shift_right_logical3A_747 = arith.shrui %get3A_740, %shift_right_logical3A_746 : vector<16xi32>
      %and3A_748 = arith.constant 15 : i32
      %and3A_749 = vector.broadcast %and3A_748 : i32 to vector<16xi32>
      %and3A_750 = arith.andi %shift_right_logical3A_747, %and3A_749 : vector<16xi32>
      tpu.vector_store_idx %arg9[%and3A_750], %broadcast_in_dim3A_1 masked %eq3A_744 {add = true} : memref<16xi32, #tpu.memory_space<vmem>>[vector<16xi32>], vector<16xi32>, vector<16xi1>
      %mul3A_751 = arith.constant 8 : i32
      %mul3A_752 = arith.muli %scan3A_625, %mul3A_751 : i32
      %add3A_753 = arith.constant 7 : i32
      %add3A_754 = arith.addi %mul3A_752, %add3A_753 : i32
      %mul3A_755 = arith.constant 16 : i32
      %mul3A_756 = arith.muli %add3A_754, %mul3A_755 : i32
      %get3A_757 = arith.index_cast %mul3A_756 : i32 to index
      %get3A_758 = tpu.vector_load %arg5[%get3A_757] {strides = array<i32>} : memref<4096xi32, #tpu.memory_space<vmem>>, vector<16xi32>,
      %shift_right_logical3A_759 = arith.constant 8 : i32
      %shift_right_logical3A_760 = vector.broadcast %shift_right_logical3A_759 : i32 to vector<16xi32>
      %shift_right_logical3A_761 = arith.shrui %get3A_758, %shift_right_logical3A_760 : vector<16xi32>
      %eq3A_762 = arith.cmpi eq, %shift_right_logical3A_761, %or3A_459 : vector<16xi32>
      %shift_right_logical3A_763 = arith.constant 4 : i32
      %shift_right_logical3A_764 = vector.broadcast %shift_right_logical3A_763 : i32 to vector<16xi32>
      %shift_right_logical3A_765 = arith.shrui %get3A_758, %shift_right_logical3A_764 : vector<16xi32>
      %and3A_766 = arith.constant 15 : i32
      %and3A_767 = vector.broadcast %and3A_766 : i32 to vector<16xi32>
      %and3A_768 = arith.andi %shift_right_logical3A_765, %and3A_767 : vector<16xi32>
      tpu.vector_store_idx %arg10[%and3A_768], %broadcast_in_dim3A_1 masked %eq3A_762 {add = true} : memref<16xi32, #tpu.memory_space<vmem>>[vector<16xi32>], vector<16xi32>, vector<16xi1>
      %scan3A_769 = arith.constant 0 : i32
      scf.yield %scan3A_769 : i32
    }
    %scan3A_482 = arith.constant 32 : i32
    %get3A_483 = arith.constant 0 : index
    %get3A_484 = tpu.vector_load %arg7[%get3A_483] {strides = array<i32>} : memref<16xi32, #tpu.memory_space<vmem>>, vector<16xi32>,
    %get3A_485 = arith.constant 0 : index
    %get3A_486 = tpu.vector_load %arg8[%get3A_485] {strides = array<i32>} : memref<16xi32, #tpu.memory_space<vmem>>, vector<16xi32>,
    %add3A_487 = arith.addi %get3A_484, %get3A_486 : vector<16xi32>
    %get3A_488 = arith.constant 0 : index
    %get3A_489 = tpu.vector_load %arg9[%get3A_488] {strides = array<i32>} : memref<16xi32, #tpu.memory_space<vmem>>, vector<16xi32>,
    %add3A_490 = arith.addi %add3A_487, %get3A_489 : vector<16xi32>
    %get3A_491 = arith.constant 0 : index
    %get3A_492 = tpu.vector_load %arg10[%get3A_491] {strides = array<i32>} : memref<16xi32, #tpu.memory_space<vmem>>, vector<16xi32>,
    %add3A_493 = arith.addi %add3A_490, %get3A_492 : vector<16xi32>
    %rev3A_494 = arith.constant 15 : i32
    %rev3A_495 = vector.broadcast %rev3A_494 : i32 to vector<16xi32>
    %rev3A_496 = tpu.iota {dimensions = array<i32: 0>} : vector<16xi32>
    %rev3A_497 = arith.subi %rev3A_495, %rev3A_496 : vector<16xi32>
    %rev3A_498 = tpu.dynamic_gather %add3A_493[%rev3A_497] in [0] : vector<16xi32>, vector<16xi32> -> vector<16xi32>
    %broadcast_in_dim3A_499 = arith.constant true
    %broadcast_in_dim3A_500 = vector.broadcast %broadcast_in_dim3A_499 : i1 to vector<16xi1>
    %masked_cumsum3A_501 = tpu.scan <sum>, %rev3A_498 masked %broadcast_in_dim3A_500 : vector<16xi32>, vector<16xi1> -> vector<16xi32>
    %ge3A_502 = vector.broadcast %sub3A_455 : i32 to vector<16xi32>
    %ge3A_503 = arith.cmpi sge, %masked_cumsum3A_501, %ge3A_502 : vector<16xi32>
    %all_reduce_ffs3A_504 = tpu.all_reduce %ge3A_503 {dim = 0 : i64, kind = #tpu.reduction_kind<find_first_set>} : vector<16xi1> -> vector<16xi32>
    %sub3A_505 = arith.constant 15 : i32
    %sub3A_506 = vector.broadcast %sub3A_505 : i32 to vector<16xi32>
    %sub3A_507 = arith.subi %sub3A_506, %all_reduce_ffs3A_504 : vector<16xi32>
    %eq3A_508 = arith.cmpi eq, %iota3A, %all_reduce_ffs3A_504 : vector<16xi32>
    %jit3A_509 = arith.constant 0 : i32
    %broadcast_in_dim3A_510 = vector.broadcast %jit3A_509 : i32 to vector<16xi32>
    %select_n3A_511 = arith.select %eq3A_508, %masked_cumsum3A_501, %broadcast_in_dim3A_510 : vector<16xi1>, vector<16xi32>
    %reduce_max3A_512 = arith.constant true
    %reduce_max3A_513 = vector.broadcast %reduce_max3A_512 : i1 to vector<16xi1>
    %reduce_max3A_514 = arith.constant -2147483648 : i32
    %reduce_max3A_515 = vector.broadcast %reduce_max3A_514 : i32 to vector<16xi32>
    %reduce_max3A_516 = arith.xori %select_n3A_511, %reduce_max3A_515 : vector<16xi32>
    %reduce_max3A_517 = tpu.scan <max>, %reduce_max3A_516 masked %reduce_max3A_513 : vector<16xi32>, vector<16xi1> -> vector<16xi32>
    %reduce_max3A_518 = arith.xori %reduce_max3A_517, %reduce_max3A_515 : vector<16xi32>
    %reduce_max3A_519 = vector.extract %reduce_max3A_518[15] : i32 from vector<16xi32>
    %eq3A_520 = arith.cmpi eq, %iota3A, %all_reduce_ffs3A_504 : vector<16xi32>
    %jit3A_521 = arith.constant 0 : i32
    %broadcast_in_dim3A_522 = vector.broadcast %jit3A_521 : i32 to vector<16xi32>
    %select_n3A_523 = arith.select %eq3A_520, %rev3A_498, %broadcast_in_dim3A_522 : vector<16xi1>, vector<16xi32>
    %reduce_max3A_524 = arith.constant true
    %reduce_max3A_525 = vector.broadcast %reduce_max3A_524 : i1 to vector<16xi1>
    %reduce_max3A_526 = arith.constant -2147483648 : i32
    %reduce_max3A_527 = vector.broadcast %reduce_max3A_526 : i32 to vector<16xi32>
    %reduce_max3A_528 = arith.xori %select_n3A_523, %reduce_max3A_527 : vector<16xi32>
    %reduce_max3A_529 = tpu.scan <max>, %reduce_max3A_528 masked %reduce_max3A_525 : vector<16xi32>, vector<16xi1> -> vector<16xi32>
    %reduce_max3A_530 = arith.xori %reduce_max3A_529, %reduce_max3A_527 : vector<16xi32>
    %reduce_max3A_531 = vector.extract %reduce_max3A_530[15] : i32 from vector<16xi32>
    %sub3A_532 = arith.subi %reduce_max3A_519, %reduce_max3A_531 : i32
    %sub3A_533 = arith.subi %sub3A_455, %sub3A_532 : i32
    %shift_left3A_534 = arith.constant 4 : i32
    %shift_left3A_535 = vector.broadcast %shift_left3A_534 : i32 to vector<16xi32>
    %shift_left3A_536 = arith.shli %or3A_459, %shift_left3A_535 : vector<16xi32>
    %or3A_537 = arith.ori %shift_left3A_536, %sub3A_507 : vector<16xi32>
    %broadcast_in_dim3A_538 = arith.constant 0 : i32
    %broadcast_in_dim3A_539 = vector.broadcast %broadcast_in_dim3A_538 : i32 to vector<16xi32>
    %swap3A_540 = arith.constant 0 : index
    %swap3A_541 = tpu.vector_load %arg7[%swap3A_540] {strides = array<i32>} : memref<16xi32, #tpu.memory_space<vmem>>, vector<16xi32>,
    tpu.vector_store %arg7[%swap3A_540], %broadcast_in_dim3A_539 {strides = array<i32>} : memref<16xi32, #tpu.memory_space<vmem>>, vector<16xi32>,
    %broadcast_in_dim3A_542 = arith.constant 0 : i32
    %broadcast_in_dim3A_543 = vector.broadcast %broadcast_in_dim3A_542 : i32 to vector<16xi32>
    %swap3A_544 = arith.constant 0 : index
    %swap3A_545 = tpu.vector_load %arg8[%swap3A_544] {strides = array<i32>} : memref<16xi32, #tpu.memory_space<vmem>>, vector<16xi32>,
    tpu.vector_store %arg8[%swap3A_544], %broadcast_in_dim3A_543 {strides = array<i32>} : memref<16xi32, #tpu.memory_space<vmem>>, vector<16xi32>,
    %broadcast_in_dim3A_546 = arith.constant 0 : i32
    %broadcast_in_dim3A_547 = vector.broadcast %broadcast_in_dim3A_546 : i32 to vector<16xi32>
    %swap3A_548 = arith.constant 0 : index
    %swap3A_549 = tpu.vector_load %arg9[%swap3A_548] {strides = array<i32>} : memref<16xi32, #tpu.memory_space<vmem>>, vector<16xi32>,
    tpu.vector_store %arg9[%swap3A_548], %broadcast_in_dim3A_547 {strides = array<i32>} : memref<16xi32, #tpu.memory_space<vmem>>, vector<16xi32>,
    %broadcast_in_dim3A_550 = arith.constant 0 : i32
    %broadcast_in_dim3A_551 = vector.broadcast %broadcast_in_dim3A_550 : i32 to vector<16xi32>
    %swap3A_552 = arith.constant 0 : index
    %swap3A_553 = tpu.vector_load %arg10[%swap3A_552] {strides = array<i32>} : memref<16xi32, #tpu.memory_space<vmem>>, vector<16xi32>,
    tpu.vector_store %arg10[%swap3A_552], %broadcast_in_dim3A_551 {strides = array<i32>} : memref<16xi32, #tpu.memory_space<vmem>>, vector<16xi32>,
    %scan3A_554 = arith.constant 0 : i32
    %scan3A_555 = arith.constant 0 : i32
    %scan3A_556 = arith.constant 32 : i32
    %scan3A_557 = arith.addi %scan3A_555, %scan3A_556 : i32
    %scan3A_558 = arith.constant 1 : i32
    %scan3A_559 = scf.for %scan3A_625 = %scan3A_555 to %scan3A_557 step %scan3A_558 iter_args(%scan3A_626 = %scan3A_554) -> (i32)  : i32 {
      %mul3A_627 = arith.constant 8 : i32
      %mul3A_628 = arith.muli %scan3A_625, %mul3A_627 : i32
      %add3A_629 = arith.constant 0 : i32
      %add3A_630 = arith.addi %mul3A_628, %add3A_629 : i32
      %mul3A_631 = arith.constant 16 : i32
      %mul3A_632 = arith.muli %add3A_630, %mul3A_631 : i32
      %get3A_633 = arith.index_cast %mul3A_632 : i32 to index
      %get3A_634 = tpu.vector_load %arg5[%get3A_633] {strides = array<i32>} : memref<4096xi32, #tpu.memory_space<vmem>>, vector<16xi32>,
      %shift_right_logical3A = arith.constant 4 : i32
      %shift_right_logical3A_635 = vector.broadcast %shift_right_logical3A : i32 to vector<16xi32>
      %shift_right_logical3A_636 = arith.shrui %get3A_634, %shift_right_logical3A_635 : vector<16xi32>
      %eq3A_637 = arith.cmpi eq, %shift_right_logical3A_636, %or3A_537 : vector<16xi32>
      %shift_right_logical3A_638 = arith.constant 0 : i32
      %shift_right_logical3A_639 = vector.broadcast %shift_right_logical3A_638 : i32 to vector<16xi32>
      %shift_right_logical3A_640 = arith.shrui %get3A_634, %shift_right_logical3A_639 : vector<16xi32>
      %and3A = arith.constant 15 : i32
      %and3A_641 = vector.broadcast %and3A : i32 to vector<16xi32>
      %and3A_642 = arith.andi %shift_right_logical3A_640, %and3A_641 : vector<16xi32>
      tpu.vector_store_idx %arg7[%and3A_642], %broadcast_in_dim3A_1 masked %eq3A_637 {add = true} : memref<16xi32, #tpu.memory_space<vmem>>[vector<16xi32>], vector<16xi32>, vector<16xi1>
      %mul3A_643 = arith.constant 8 : i32
      %mul3A_644 = arith.muli %scan3A_625, %mul3A_643 : i32
      %add3A_645 = arith.constant 1 : i32
      %add3A_646 = arith.addi %mul3A_644, %add3A_645 : i32
      %mul3A_647 = arith.constant 16 : i32
      %mul3A_648 = arith.muli %add3A_646, %mul3A_647 : i32
      %get3A_649 = arith.index_cast %mul3A_648 : i32 to index
      %get3A_650 = tpu.vector_load %arg5[%get3A_649] {strides = array<i32>} : memref<4096xi32, #tpu.memory_space<vmem>>, vector<16xi32>,
      %shift_right_logical3A_651 = arith.constant 4 : i32
      %shift_right_logical3A_652 = vector.broadcast %shift_right_logical3A_651 : i32 to vector<16xi32>
      %shift_right_logical3A_653 = arith.shrui %get3A_650, %shift_right_logical3A_652 : vector<16xi32>
      %eq3A_654 = arith.cmpi eq, %shift_right_logical3A_653, %or3A_537 : vector<16xi32>
      %shift_right_logical3A_655 = arith.constant 0 : i32
      %shift_right_logical3A_656 = vector.broadcast %shift_right_logical3A_655 : i32 to vector<16xi32>
      %shift_right_logical3A_657 = arith.shrui %get3A_650, %shift_right_logical3A_656 : vector<16xi32>
      %and3A_658 = arith.constant 15 : i32
      %and3A_659 = vector.broadcast %and3A_658 : i32 to vector<16xi32>
      %and3A_660 = arith.andi %shift_right_logical3A_657, %and3A_659 : vector<16xi32>
      tpu.vector_store_idx %arg8[%and3A_660], %broadcast_in_dim3A_1 masked %eq3A_654 {add = true} : memref<16xi32, #tpu.memory_space<vmem>>[vector<16xi32>], vector<16xi32>, vector<16xi1>
      %mul3A_661 = arith.constant 8 : i32
      %mul3A_662 = arith.muli %scan3A_625, %mul3A_661 : i32
      %add3A_663 = arith.constant 2 : i32
      %add3A_664 = arith.addi %mul3A_662, %add3A_663 : i32
      %mul3A_665 = arith.constant 16 : i32
      %mul3A_666 = arith.muli %add3A_664, %mul3A_665 : i32
      %get3A_667 = arith.index_cast %mul3A_666 : i32 to index
      %get3A_668 = tpu.vector_load %arg5[%get3A_667] {strides = array<i32>} : memref<4096xi32, #tpu.memory_space<vmem>>, vector<16xi32>,
      %shift_right_logical3A_669 = arith.constant 4 : i32
      %shift_right_logical3A_670 = vector.broadcast %shift_right_logical3A_669 : i32 to vector<16xi32>
      %shift_right_logical3A_671 = arith.shrui %get3A_668, %shift_right_logical3A_670 : vector<16xi32>
      %eq3A_672 = arith.cmpi eq, %shift_right_logical3A_671, %or3A_537 : vector<16xi32>
      %shift_right_logical3A_673 = arith.constant 0 : i32
      %shift_right_logical3A_674 = vector.broadcast %shift_right_logical3A_673 : i32 to vector<16xi32>
      %shift_right_logical3A_675 = arith.shrui %get3A_668, %shift_right_logical3A_674 : vector<16xi32>
      %and3A_676 = arith.constant 15 : i32
      %and3A_677 = vector.broadcast %and3A_676 : i32 to vector<16xi32>
      %and3A_678 = arith.andi %shift_right_logical3A_675, %and3A_677 : vector<16xi32>
      tpu.vector_store_idx %arg9[%and3A_678], %broadcast_in_dim3A_1 masked %eq3A_672 {add = true} : memref<16xi32, #tpu.memory_space<vmem>>[vector<16xi32>], vector<16xi32>, vector<16xi1>
      %mul3A_679 = arith.constant 8 : i32
      %mul3A_680 = arith.muli %scan3A_625, %mul3A_679 : i32
      %add3A_681 = arith.constant 3 : i32
      %add3A_682 = arith.addi %mul3A_680, %add3A_681 : i32
      %mul3A_683 = arith.constant 16 : i32
      %mul3A_684 = arith.muli %add3A_682, %mul3A_683 : i32
      %get3A_685 = arith.index_cast %mul3A_684 : i32 to index
      %get3A_686 = tpu.vector_load %arg5[%get3A_685] {strides = array<i32>} : memref<4096xi32, #tpu.memory_space<vmem>>, vector<16xi32>,
      %shift_right_logical3A_687 = arith.constant 4 : i32
      %shift_right_logical3A_688 = vector.broadcast %shift_right_logical3A_687 : i32 to vector<16xi32>
      %shift_right_logical3A_689 = arith.shrui %get3A_686, %shift_right_logical3A_688 : vector<16xi32>
      %eq3A_690 = arith.cmpi eq, %shift_right_logical3A_689, %or3A_537 : vector<16xi32>
      %shift_right_logical3A_691 = arith.constant 0 : i32
      %shift_right_logical3A_692 = vector.broadcast %shift_right_logical3A_691 : i32 to vector<16xi32>
      %shift_right_logical3A_693 = arith.shrui %get3A_686, %shift_right_logical3A_692 : vector<16xi32>
      %and3A_694 = arith.constant 15 : i32
      %and3A_695 = vector.broadcast %and3A_694 : i32 to vector<16xi32>
      %and3A_696 = arith.andi %shift_right_logical3A_693, %and3A_695 : vector<16xi32>
      tpu.vector_store_idx %arg10[%and3A_696], %broadcast_in_dim3A_1 masked %eq3A_690 {add = true} : memref<16xi32, #tpu.memory_space<vmem>>[vector<16xi32>], vector<16xi32>, vector<16xi1>
      %mul3A_697 = arith.constant 8 : i32
      %mul3A_698 = arith.muli %scan3A_625, %mul3A_697 : i32
      %add3A_699 = arith.constant 4 : i32
      %add3A_700 = arith.addi %mul3A_698, %add3A_699 : i32
      %mul3A_701 = arith.constant 16 : i32
      %mul3A_702 = arith.muli %add3A_700, %mul3A_701 : i32
      %get3A_703 = arith.index_cast %mul3A_702 : i32 to index
      %get3A_704 = tpu.vector_load %arg5[%get3A_703] {strides = array<i32>} : memref<4096xi32, #tpu.memory_space<vmem>>, vector<16xi32>,
      %shift_right_logical3A_705 = arith.constant 4 : i32
      %shift_right_logical3A_706 = vector.broadcast %shift_right_logical3A_705 : i32 to vector<16xi32>
      %shift_right_logical3A_707 = arith.shrui %get3A_704, %shift_right_logical3A_706 : vector<16xi32>
      %eq3A_708 = arith.cmpi eq, %shift_right_logical3A_707, %or3A_537 : vector<16xi32>
      %shift_right_logical3A_709 = arith.constant 0 : i32
      %shift_right_logical3A_710 = vector.broadcast %shift_right_logical3A_709 : i32 to vector<16xi32>
      %shift_right_logical3A_711 = arith.shrui %get3A_704, %shift_right_logical3A_710 : vector<16xi32>
      %and3A_712 = arith.constant 15 : i32
      %and3A_713 = vector.broadcast %and3A_712 : i32 to vector<16xi32>
      %and3A_714 = arith.andi %shift_right_logical3A_711, %and3A_713 : vector<16xi32>
      tpu.vector_store_idx %arg7[%and3A_714], %broadcast_in_dim3A_1 masked %eq3A_708 {add = true} : memref<16xi32, #tpu.memory_space<vmem>>[vector<16xi32>], vector<16xi32>, vector<16xi1>
      %mul3A_715 = arith.constant 8 : i32
      %mul3A_716 = arith.muli %scan3A_625, %mul3A_715 : i32
      %add3A_717 = arith.constant 5 : i32
      %add3A_718 = arith.addi %mul3A_716, %add3A_717 : i32
      %mul3A_719 = arith.constant 16 : i32
      %mul3A_720 = arith.muli %add3A_718, %mul3A_719 : i32
      %get3A_721 = arith.index_cast %mul3A_720 : i32 to index
      %get3A_722 = tpu.vector_load %arg5[%get3A_721] {strides = array<i32>} : memref<4096xi32, #tpu.memory_space<vmem>>, vector<16xi32>,
      %shift_right_logical3A_723 = arith.constant 4 : i32
      %shift_right_logical3A_724 = vector.broadcast %shift_right_logical3A_723 : i32 to vector<16xi32>
      %shift_right_logical3A_725 = arith.shrui %get3A_722, %shift_right_logical3A_724 : vector<16xi32>
      %eq3A_726 = arith.cmpi eq, %shift_right_logical3A_725, %or3A_537 : vector<16xi32>
      %shift_right_logical3A_727 = arith.constant 0 : i32
      %shift_right_logical3A_728 = vector.broadcast %shift_right_logical3A_727 : i32 to vector<16xi32>
      %shift_right_logical3A_729 = arith.shrui %get3A_722, %shift_right_logical3A_728 : vector<16xi32>
      %and3A_730 = arith.constant 15 : i32
      %and3A_731 = vector.broadcast %and3A_730 : i32 to vector<16xi32>
      %and3A_732 = arith.andi %shift_right_logical3A_729, %and3A_731 : vector<16xi32>
      tpu.vector_store_idx %arg8[%and3A_732], %broadcast_in_dim3A_1 masked %eq3A_726 {add = true} : memref<16xi32, #tpu.memory_space<vmem>>[vector<16xi32>], vector<16xi32>, vector<16xi1>
      %mul3A_733 = arith.constant 8 : i32
      %mul3A_734 = arith.muli %scan3A_625, %mul3A_733 : i32
      %add3A_735 = arith.constant 6 : i32
      %add3A_736 = arith.addi %mul3A_734, %add3A_735 : i32
      %mul3A_737 = arith.constant 16 : i32
      %mul3A_738 = arith.muli %add3A_736, %mul3A_737 : i32
      %get3A_739 = arith.index_cast %mul3A_738 : i32 to index
      %get3A_740 = tpu.vector_load %arg5[%get3A_739] {strides = array<i32>} : memref<4096xi32, #tpu.memory_space<vmem>>, vector<16xi32>,
      %shift_right_logical3A_741 = arith.constant 4 : i32
      %shift_right_logical3A_742 = vector.broadcast %shift_right_logical3A_741 : i32 to vector<16xi32>
      %shift_right_logical3A_743 = arith.shrui %get3A_740, %shift_right_logical3A_742 : vector<16xi32>
      %eq3A_744 = arith.cmpi eq, %shift_right_logical3A_743, %or3A_537 : vector<16xi32>
      %shift_right_logical3A_745 = arith.constant 0 : i32
      %shift_right_logical3A_746 = vector.broadcast %shift_right_logical3A_745 : i32 to vector<16xi32>
      %shift_right_logical3A_747 = arith.shrui %get3A_740, %shift_right_logical3A_746 : vector<16xi32>
      %and3A_748 = arith.constant 15 : i32
      %and3A_749 = vector.broadcast %and3A_748 : i32 to vector<16xi32>
      %and3A_750 = arith.andi %shift_right_logical3A_747, %and3A_749 : vector<16xi32>
      tpu.vector_store_idx %arg9[%and3A_750], %broadcast_in_dim3A_1 masked %eq3A_744 {add = true} : memref<16xi32, #tpu.memory_space<vmem>>[vector<16xi32>], vector<16xi32>, vector<16xi1>
      %mul3A_751 = arith.constant 8 : i32
      %mul3A_752 = arith.muli %scan3A_625, %mul3A_751 : i32
      %add3A_753 = arith.constant 7 : i32
      %add3A_754 = arith.addi %mul3A_752, %add3A_753 : i32
      %mul3A_755 = arith.constant 16 : i32
      %mul3A_756 = arith.muli %add3A_754, %mul3A_755 : i32
      %get3A_757 = arith.index_cast %mul3A_756 : i32 to index
      %get3A_758 = tpu.vector_load %arg5[%get3A_757] {strides = array<i32>} : memref<4096xi32, #tpu.memory_space<vmem>>, vector<16xi32>,
      %shift_right_logical3A_759 = arith.constant 4 : i32
      %shift_right_logical3A_760 = vector.broadcast %shift_right_logical3A_759 : i32 to vector<16xi32>
      %shift_right_logical3A_761 = arith.shrui %get3A_758, %shift_right_logical3A_760 : vector<16xi32>
      %eq3A_762 = arith.cmpi eq, %shift_right_logical3A_761, %or3A_537 : vector<16xi32>
      %shift_right_logical3A_763 = arith.constant 0 : i32
      %shift_right_logical3A_764 = vector.broadcast %shift_right_logical3A_763 : i32 to vector<16xi32>
      %shift_right_logical3A_765 = arith.shrui %get3A_758, %shift_right_logical3A_764 : vector<16xi32>
      %and3A_766 = arith.constant 15 : i32
      %and3A_767 = vector.broadcast %and3A_766 : i32 to vector<16xi32>
      %and3A_768 = arith.andi %shift_right_logical3A_765, %and3A_767 : vector<16xi32>
      tpu.vector_store_idx %arg10[%and3A_768], %broadcast_in_dim3A_1 masked %eq3A_762 {add = true} : memref<16xi32, #tpu.memory_space<vmem>>[vector<16xi32>], vector<16xi32>, vector<16xi1>
      %scan3A_769 = arith.constant 0 : i32
      scf.yield %scan3A_769 : i32
    }
    %scan3A_560 = arith.constant 32 : i32
    %get3A_561 = arith.constant 0 : index
    %get3A_562 = tpu.vector_load %arg7[%get3A_561] {strides = array<i32>} : memref<16xi32, #tpu.memory_space<vmem>>, vector<16xi32>,
    %get3A_563 = arith.constant 0 : index
    %get3A_564 = tpu.vector_load %arg8[%get3A_563] {strides = array<i32>} : memref<16xi32, #tpu.memory_space<vmem>>, vector<16xi32>,
    %add3A_565 = arith.addi %get3A_562, %get3A_564 : vector<16xi32>
    %get3A_566 = arith.constant 0 : index
    %get3A_567 = tpu.vector_load %arg9[%get3A_566] {strides = array<i32>} : memref<16xi32, #tpu.memory_space<vmem>>, vector<16xi32>,
    %add3A_568 = arith.addi %add3A_565, %get3A_567 : vector<16xi32>
    %get3A_569 = arith.constant 0 : index
    %get3A_570 = tpu.vector_load %arg10[%get3A_569] {strides = array<i32>} : memref<16xi32, #tpu.memory_space<vmem>>, vector<16xi32>,
    %add3A_571 = arith.addi %add3A_568, %get3A_570 : vector<16xi32>
    %rev3A_572 = arith.constant 15 : i32
    %rev3A_573 = vector.broadcast %rev3A_572 : i32 to vector<16xi32>
    %rev3A_574 = tpu.iota {dimensions = array<i32: 0>} : vector<16xi32>
    %rev3A_575 = arith.subi %rev3A_573, %rev3A_574 : vector<16xi32>
    %rev3A_576 = tpu.dynamic_gather %add3A_571[%rev3A_575] in [0] : vector<16xi32>, vector<16xi32> -> vector<16xi32>
    %broadcast_in_dim3A_577 = arith.constant true
    %broadcast_in_dim3A_578 = vector.broadcast %broadcast_in_dim3A_577 : i1 to vector<16xi1>
    %masked_cumsum3A_579 = tpu.scan <sum>, %rev3A_576 masked %broadcast_in_dim3A_578 : vector<16xi32>, vector<16xi1> -> vector<16xi32>
    %ge3A_580 = vector.broadcast %sub3A_533 : i32 to vector<16xi32>
    %ge3A_581 = arith.cmpi sge, %masked_cumsum3A_579, %ge3A_580 : vector<16xi32>
    %all_reduce_ffs3A_582 = tpu.all_reduce %ge3A_581 {dim = 0 : i64, kind = #tpu.reduction_kind<find_first_set>} : vector<16xi1> -> vector<16xi32>
    %sub3A_583 = arith.constant 15 : i32
    %sub3A_584 = vector.broadcast %sub3A_583 : i32 to vector<16xi32>
    %sub3A_585 = arith.subi %sub3A_584, %all_reduce_ffs3A_582 : vector<16xi32>
    %eq3A_586 = arith.cmpi eq, %iota3A, %all_reduce_ffs3A_582 : vector<16xi32>
    %jit3A_587 = arith.constant 0 : i32
    %broadcast_in_dim3A_588 = vector.broadcast %jit3A_587 : i32 to vector<16xi32>
    %select_n3A_589 = arith.select %eq3A_586, %masked_cumsum3A_579, %broadcast_in_dim3A_588 : vector<16xi1>, vector<16xi32>
    %reduce_max3A_590 = arith.constant true
    %reduce_max3A_591 = vector.broadcast %reduce_max3A_590 : i1 to vector<16xi1>
    %reduce_max3A_592 = arith.constant -2147483648 : i32
    %reduce_max3A_593 = vector.broadcast %reduce_max3A_592 : i32 to vector<16xi32>
    %reduce_max3A_594 = arith.xori %select_n3A_589, %reduce_max3A_593 : vector<16xi32>
    %reduce_max3A_595 = tpu.scan <max>, %reduce_max3A_594 masked %reduce_max3A_591 : vector<16xi32>, vector<16xi1> -> vector<16xi32>
    %reduce_max3A_596 = arith.xori %reduce_max3A_595, %reduce_max3A_593 : vector<16xi32>
    %reduce_max3A_597 = vector.extract %reduce_max3A_596[15] : i32 from vector<16xi32>
    %eq3A_598 = arith.cmpi eq, %iota3A, %all_reduce_ffs3A_582 : vector<16xi32>
    %jit3A_599 = arith.constant 0 : i32
    %broadcast_in_dim3A_600 = vector.broadcast %jit3A_599 : i32 to vector<16xi32>
    %select_n3A_601 = arith.select %eq3A_598, %rev3A_576, %broadcast_in_dim3A_600 : vector<16xi1>, vector<16xi32>
    %reduce_max3A_602 = arith.constant true
    %reduce_max3A_603 = vector.broadcast %reduce_max3A_602 : i1 to vector<16xi1>
    %reduce_max3A_604 = arith.constant -2147483648 : i32
    %reduce_max3A_605 = vector.broadcast %reduce_max3A_604 : i32 to vector<16xi32>
    %reduce_max3A_606 = arith.xori %select_n3A_601, %reduce_max3A_605 : vector<16xi32>
    %reduce_max3A_607 = tpu.scan <max>, %reduce_max3A_606 masked %reduce_max3A_603 : vector<16xi32>, vector<16xi1> -> vector<16xi32>
    %reduce_max3A_608 = arith.xori %reduce_max3A_607, %reduce_max3A_605 : vector<16xi32>
    %reduce_max3A_609 = vector.extract %reduce_max3A_608[15] : i32 from vector<16xi32>
    %sub3A_610 = arith.subi %reduce_max3A_597, %reduce_max3A_609 : i32
    %sub3A_611 = arith.subi %sub3A_533, %sub3A_610 : i32
    %shift_left3A_612 = arith.constant 4 : i32
    %shift_left3A_613 = vector.broadcast %shift_left3A_612 : i32 to vector<16xi32>
    %shift_left3A_614 = arith.shli %or3A_537, %shift_left3A_613 : vector<16xi32>
    %or3A_615 = arith.ori %shift_left3A_614, %sub3A_585 : vector<16xi32>
    %xor3A = arith.constant -2147483648 : i32
    %xor3A_616 = vector.broadcast %xor3A : i32 to vector<16xi32>
    %xor3A_617 = arith.xori %or3A_615, %xor3A_616 : vector<16xi32>
    %eq3A_618 = arith.cmpi eq, %reduce_max3A_609, %sub3A_611 : i32
    %convert_element_type3A = arith.extui %eq3A_618 : i1 to i32
    %cond3A = arith.constant -2147483648 : i32
    %cond3A_619 = arith.constant 0 : i32
    %cond3A_620 = arith.cmpi ne, %convert_element_type3A, %cond3A_619 : i32
    scf.if %cond3A_620 {
      %scan3A_625 = arith.constant 0 : i32
      %scan3A_626 = arith.constant 0 : i32
      %scan3A_627 = arith.constant 32 : i32
      %scan3A_628 = arith.addi %scan3A_626, %scan3A_627 : i32
      %scan3A_629 = arith.constant 1 : i32
      %scan3A_630 = scf.for %scan3A_632 = %scan3A_626 to %scan3A_628 step %scan3A_629 iter_args(%scan3A_633 = %scan3A_625) -> (i32)  : i32 {
        %mul3A_634 = arith.constant 8 : i32
        %mul3A_635 = arith.muli %scan3A_632, %mul3A_634 : i32
        %add3A_636 = arith.constant 0 : i32
        %add3A_637 = arith.addi %mul3A_635, %add3A_636 : i32
        %mul3A_638 = arith.constant 16 : i32
        %mul3A_639 = arith.muli %add3A_637, %mul3A_638 : i32
        %get3A_640 = arith.index_cast %mul3A_639 : i32 to index
        %get3A_641 = tpu.vector_load %arg5[%get3A_640] {strides = array<i32>} : memref<4096xi32, #tpu.memory_space<vmem>>, vector<16xi32>,
        %xor3A_642 = vector.broadcast %cond3A : i32 to vector<16xi32>
        %xor3A_643 = arith.xori %get3A_641, %xor3A_642 : vector<16xi32>
        %ge3A_644 = arith.cmpi sge, %xor3A_643, %xor3A_617 : vector<16xi32>
        %jit3A_645 = arith.constant 1.000000e+00 : f32
        %jit3A_646 = arith.constant 0.000000e+00 : f32
        %broadcast_in_dim3A_647 = vector.broadcast %jit3A_645 : f32 to vector<16xf32>
        %broadcast_in_dim3A_648 = vector.broadcast %jit3A_646 : f32 to vector<16xf32>
        %select_n3A_649 = arith.select %ge3A_644, %broadcast_in_dim3A_647, %broadcast_in_dim3A_648 : vector<16xi1>, vector<16xf32>
        %mul3A_650 = arith.constant 16 : i32
        %mul3A_651 = arith.muli %add3A_637, %mul3A_650 : i32
        %swap3A_652 = arith.index_cast %mul3A_651 : i32 to index
        %swap3A_653 = tpu.vector_load %arg6[%swap3A_652] {strides = array<i32>} : memref<4096xf32, #tpu.memory_space<vmem>>, vector<16xf32>,
        tpu.vector_store %arg6[%swap3A_652], %select_n3A_649 {strides = array<i32>} : memref<4096xf32, #tpu.memory_space<vmem>>, vector<16xf32>,
        %mul3A_654 = arith.constant 8 : i32
        %mul3A_655 = arith.muli %scan3A_632, %mul3A_654 : i32
        %add3A_656 = arith.constant 1 : i32
        %add3A_657 = arith.addi %mul3A_655, %add3A_656 : i32
        %mul3A_658 = arith.constant 16 : i32
        %mul3A_659 = arith.muli %add3A_657, %mul3A_658 : i32
        %get3A_660 = arith.index_cast %mul3A_659 : i32 to index
        %get3A_661 = tpu.vector_load %arg5[%get3A_660] {strides = array<i32>} : memref<4096xi32, #tpu.memory_space<vmem>>, vector<16xi32>,
        %xor3A_662 = vector.broadcast %cond3A : i32 to vector<16xi32>
        %xor3A_663 = arith.xori %get3A_661, %xor3A_662 : vector<16xi32>
        %ge3A_664 = arith.cmpi sge, %xor3A_663, %xor3A_617 : vector<16xi32>
        %jit3A_665 = arith.constant 1.000000e+00 : f32
        %jit3A_666 = arith.constant 0.000000e+00 : f32
        %broadcast_in_dim3A_667 = vector.broadcast %jit3A_665 : f32 to vector<16xf32>
        %broadcast_in_dim3A_668 = vector.broadcast %jit3A_666 : f32 to vector<16xf32>
        %select_n3A_669 = arith.select %ge3A_664, %broadcast_in_dim3A_667, %broadcast_in_dim3A_668 : vector<16xi1>, vector<16xf32>
        %mul3A_670 = arith.constant 16 : i32
        %mul3A_671 = arith.muli %add3A_657, %mul3A_670 : i32
        %swap3A_672 = arith.index_cast %mul3A_671 : i32 to index
        %swap3A_673 = tpu.vector_load %arg6[%swap3A_672] {strides = array<i32>} : memref<4096xf32, #tpu.memory_space<vmem>>, vector<16xf32>,
        tpu.vector_store %arg6[%swap3A_672], %select_n3A_669 {strides = array<i32>} : memref<4096xf32, #tpu.memory_space<vmem>>, vector<16xf32>,
        %mul3A_674 = arith.constant 8 : i32
        %mul3A_675 = arith.muli %scan3A_632, %mul3A_674 : i32
        %add3A_676 = arith.constant 2 : i32
        %add3A_677 = arith.addi %mul3A_675, %add3A_676 : i32
        %mul3A_678 = arith.constant 16 : i32
        %mul3A_679 = arith.muli %add3A_677, %mul3A_678 : i32
        %get3A_680 = arith.index_cast %mul3A_679 : i32 to index
        %get3A_681 = tpu.vector_load %arg5[%get3A_680] {strides = array<i32>} : memref<4096xi32, #tpu.memory_space<vmem>>, vector<16xi32>,
        %xor3A_682 = vector.broadcast %cond3A : i32 to vector<16xi32>
        %xor3A_683 = arith.xori %get3A_681, %xor3A_682 : vector<16xi32>
        %ge3A_684 = arith.cmpi sge, %xor3A_683, %xor3A_617 : vector<16xi32>
        %jit3A_685 = arith.constant 1.000000e+00 : f32
        %jit3A_686 = arith.constant 0.000000e+00 : f32
        %broadcast_in_dim3A_687 = vector.broadcast %jit3A_685 : f32 to vector<16xf32>
        %broadcast_in_dim3A_688 = vector.broadcast %jit3A_686 : f32 to vector<16xf32>
        %select_n3A_689 = arith.select %ge3A_684, %broadcast_in_dim3A_687, %broadcast_in_dim3A_688 : vector<16xi1>, vector<16xf32>
        %mul3A_690 = arith.constant 16 : i32
        %mul3A_691 = arith.muli %add3A_677, %mul3A_690 : i32
        %swap3A_692 = arith.index_cast %mul3A_691 : i32 to index
        %swap3A_693 = tpu.vector_load %arg6[%swap3A_692] {strides = array<i32>} : memref<4096xf32, #tpu.memory_space<vmem>>, vector<16xf32>,
        tpu.vector_store %arg6[%swap3A_692], %select_n3A_689 {strides = array<i32>} : memref<4096xf32, #tpu.memory_space<vmem>>, vector<16xf32>,
        %mul3A_694 = arith.constant 8 : i32
        %mul3A_695 = arith.muli %scan3A_632, %mul3A_694 : i32
        %add3A_696 = arith.constant 3 : i32
        %add3A_697 = arith.addi %mul3A_695, %add3A_696 : i32
        %mul3A_698 = arith.constant 16 : i32
        %mul3A_699 = arith.muli %add3A_697, %mul3A_698 : i32
        %get3A_700 = arith.index_cast %mul3A_699 : i32 to index
        %get3A_701 = tpu.vector_load %arg5[%get3A_700] {strides = array<i32>} : memref<4096xi32, #tpu.memory_space<vmem>>, vector<16xi32>,
        %xor3A_702 = vector.broadcast %cond3A : i32 to vector<16xi32>
        %xor3A_703 = arith.xori %get3A_701, %xor3A_702 : vector<16xi32>
        %ge3A_704 = arith.cmpi sge, %xor3A_703, %xor3A_617 : vector<16xi32>
        %jit3A_705 = arith.constant 1.000000e+00 : f32
        %jit3A_706 = arith.constant 0.000000e+00 : f32
        %broadcast_in_dim3A_707 = vector.broadcast %jit3A_705 : f32 to vector<16xf32>
        %broadcast_in_dim3A_708 = vector.broadcast %jit3A_706 : f32 to vector<16xf32>
        %select_n3A_709 = arith.select %ge3A_704, %broadcast_in_dim3A_707, %broadcast_in_dim3A_708 : vector<16xi1>, vector<16xf32>
        %mul3A_710 = arith.constant 16 : i32
        %mul3A_711 = arith.muli %add3A_697, %mul3A_710 : i32
        %swap3A_712 = arith.index_cast %mul3A_711 : i32 to index
        %swap3A_713 = tpu.vector_load %arg6[%swap3A_712] {strides = array<i32>} : memref<4096xf32, #tpu.memory_space<vmem>>, vector<16xf32>,
        tpu.vector_store %arg6[%swap3A_712], %select_n3A_709 {strides = array<i32>} : memref<4096xf32, #tpu.memory_space<vmem>>, vector<16xf32>,
        %mul3A_714 = arith.constant 8 : i32
        %mul3A_715 = arith.muli %scan3A_632, %mul3A_714 : i32
        %add3A_716 = arith.constant 4 : i32
        %add3A_717 = arith.addi %mul3A_715, %add3A_716 : i32
        %mul3A_718 = arith.constant 16 : i32
        %mul3A_719 = arith.muli %add3A_717, %mul3A_718 : i32
        %get3A_720 = arith.index_cast %mul3A_719 : i32 to index
        %get3A_721 = tpu.vector_load %arg5[%get3A_720] {strides = array<i32>} : memref<4096xi32, #tpu.memory_space<vmem>>, vector<16xi32>,
        %xor3A_722 = vector.broadcast %cond3A : i32 to vector<16xi32>
        %xor3A_723 = arith.xori %get3A_721, %xor3A_722 : vector<16xi32>
        %ge3A_724 = arith.cmpi sge, %xor3A_723, %xor3A_617 : vector<16xi32>
        %jit3A_725 = arith.constant 1.000000e+00 : f32
        %jit3A_726 = arith.constant 0.000000e+00 : f32
        %broadcast_in_dim3A_727 = vector.broadcast %jit3A_725 : f32 to vector<16xf32>
        %broadcast_in_dim3A_728 = vector.broadcast %jit3A_726 : f32 to vector<16xf32>
        %select_n3A_729 = arith.select %ge3A_724, %broadcast_in_dim3A_727, %broadcast_in_dim3A_728 : vector<16xi1>, vector<16xf32>
        %mul3A_730 = arith.constant 16 : i32
        %mul3A_731 = arith.muli %add3A_717, %mul3A_730 : i32
        %swap3A_732 = arith.index_cast %mul3A_731 : i32 to index
        %swap3A_733 = tpu.vector_load %arg6[%swap3A_732] {strides = array<i32>} : memref<4096xf32, #tpu.memory_space<vmem>>, vector<16xf32>,
        tpu.vector_store %arg6[%swap3A_732], %select_n3A_729 {strides = array<i32>} : memref<4096xf32, #tpu.memory_space<vmem>>, vector<16xf32>,
        %mul3A_734 = arith.constant 8 : i32
        %mul3A_735 = arith.muli %scan3A_632, %mul3A_734 : i32
        %add3A_736 = arith.constant 5 : i32
        %add3A_737 = arith.addi %mul3A_735, %add3A_736 : i32
        %mul3A_738 = arith.constant 16 : i32
        %mul3A_739 = arith.muli %add3A_737, %mul3A_738 : i32
        %get3A_740 = arith.index_cast %mul3A_739 : i32 to index
        %get3A_741 = tpu.vector_load %arg5[%get3A_740] {strides = array<i32>} : memref<4096xi32, #tpu.memory_space<vmem>>, vector<16xi32>,
        %xor3A_742 = vector.broadcast %cond3A : i32 to vector<16xi32>
        %xor3A_743 = arith.xori %get3A_741, %xor3A_742 : vector<16xi32>
        %ge3A_744 = arith.cmpi sge, %xor3A_743, %xor3A_617 : vector<16xi32>
        %jit3A_745 = arith.constant 1.000000e+00 : f32
        %jit3A_746 = arith.constant 0.000000e+00 : f32
        %broadcast_in_dim3A_747 = vector.broadcast %jit3A_745 : f32 to vector<16xf32>
        %broadcast_in_dim3A_748 = vector.broadcast %jit3A_746 : f32 to vector<16xf32>
        %select_n3A_749 = arith.select %ge3A_744, %broadcast_in_dim3A_747, %broadcast_in_dim3A_748 : vector<16xi1>, vector<16xf32>
        %mul3A_750 = arith.constant 16 : i32
        %mul3A_751 = arith.muli %add3A_737, %mul3A_750 : i32
        %swap3A_752 = arith.index_cast %mul3A_751 : i32 to index
        %swap3A_753 = tpu.vector_load %arg6[%swap3A_752] {strides = array<i32>} : memref<4096xf32, #tpu.memory_space<vmem>>, vector<16xf32>,
        tpu.vector_store %arg6[%swap3A_752], %select_n3A_749 {strides = array<i32>} : memref<4096xf32, #tpu.memory_space<vmem>>, vector<16xf32>,
        %mul3A_754 = arith.constant 8 : i32
        %mul3A_755 = arith.muli %scan3A_632, %mul3A_754 : i32
        %add3A_756 = arith.constant 6 : i32
        %add3A_757 = arith.addi %mul3A_755, %add3A_756 : i32
        %mul3A_758 = arith.constant 16 : i32
        %mul3A_759 = arith.muli %add3A_757, %mul3A_758 : i32
        %get3A_760 = arith.index_cast %mul3A_759 : i32 to index
        %get3A_761 = tpu.vector_load %arg5[%get3A_760] {strides = array<i32>} : memref<4096xi32, #tpu.memory_space<vmem>>, vector<16xi32>,
        %xor3A_762 = vector.broadcast %cond3A : i32 to vector<16xi32>
        %xor3A_763 = arith.xori %get3A_761, %xor3A_762 : vector<16xi32>
        %ge3A_764 = arith.cmpi sge, %xor3A_763, %xor3A_617 : vector<16xi32>
        %jit3A_765 = arith.constant 1.000000e+00 : f32
        %jit3A_766 = arith.constant 0.000000e+00 : f32
        %broadcast_in_dim3A_767 = vector.broadcast %jit3A_765 : f32 to vector<16xf32>
        %broadcast_in_dim3A_768 = vector.broadcast %jit3A_766 : f32 to vector<16xf32>
        %select_n3A_769 = arith.select %ge3A_764, %broadcast_in_dim3A_767, %broadcast_in_dim3A_768 : vector<16xi1>, vector<16xf32>
        %mul3A_770 = arith.constant 16 : i32
        %mul3A_771 = arith.muli %add3A_757, %mul3A_770 : i32
        %swap3A_772 = arith.index_cast %mul3A_771 : i32 to index
        %swap3A_773 = tpu.vector_load %arg6[%swap3A_772] {strides = array<i32>} : memref<4096xf32, #tpu.memory_space<vmem>>, vector<16xf32>,
        tpu.vector_store %arg6[%swap3A_772], %select_n3A_769 {strides = array<i32>} : memref<4096xf32, #tpu.memory_space<vmem>>, vector<16xf32>,
        %mul3A_774 = arith.constant 8 : i32
        %mul3A_775 = arith.muli %scan3A_632, %mul3A_774 : i32
        %add3A_776 = arith.constant 7 : i32
        %add3A_777 = arith.addi %mul3A_775, %add3A_776 : i32
        %mul3A_778 = arith.constant 16 : i32
        %mul3A_779 = arith.muli %add3A_777, %mul3A_778 : i32
        %get3A_780 = arith.index_cast %mul3A_779 : i32 to index
        %get3A_781 = tpu.vector_load %arg5[%get3A_780] {strides = array<i32>} : memref<4096xi32, #tpu.memory_space<vmem>>, vector<16xi32>,
        %xor3A_782 = vector.broadcast %cond3A : i32 to vector<16xi32>
        %xor3A_783 = arith.xori %get3A_781, %xor3A_782 : vector<16xi32>
        %ge3A_784 = arith.cmpi sge, %xor3A_783, %xor3A_617 : vector<16xi32>
        %jit3A_785 = arith.constant 1.000000e+00 : f32
        %jit3A_786 = arith.constant 0.000000e+00 : f32
        %broadcast_in_dim3A_787 = vector.broadcast %jit3A_785 : f32 to vector<16xf32>
        %broadcast_in_dim3A_788 = vector.broadcast %jit3A_786 : f32 to vector<16xf32>
        %select_n3A_789 = arith.select %ge3A_784, %broadcast_in_dim3A_787, %broadcast_in_dim3A_788 : vector<16xi1>, vector<16xf32>
        %mul3A_790 = arith.constant 16 : i32
        %mul3A_791 = arith.muli %add3A_777, %mul3A_790 : i32
        %swap3A_792 = arith.index_cast %mul3A_791 : i32 to index
        %swap3A_793 = tpu.vector_load %arg6[%swap3A_792] {strides = array<i32>} : memref<4096xf32, #tpu.memory_space<vmem>>, vector<16xf32>,
        tpu.vector_store %arg6[%swap3A_792], %select_n3A_789 {strides = array<i32>} : memref<4096xf32, #tpu.memory_space<vmem>>, vector<16xf32>,
        %scan3A_794 = arith.constant 0 : i32
        scf.yield %scan3A_794 : i32
      }
      %scan3A_631 = arith.constant 32 : i32
    } else {
    }
    %ne3A = arith.cmpi ne, %reduce_max3A_609, %sub3A_611 : i32
    %convert_element_type3A_621 = arith.extui %ne3A : i1 to i32
    %cond3A_622 = arith.constant -2147483648 : i32
    %cond3A_623 = arith.constant 0 : i32
    %cond3A_624 = arith.cmpi ne, %convert_element_type3A_621, %cond3A_623 : i32
    scf.if %cond3A_624 {
      %scan3A_625 = arith.constant 0 : i32
      %scan3A_626 = arith.constant 0 : i32
      %scan3A_627 = arith.constant 32 : i32
      %scan3A_628 = arith.addi %scan3A_626, %scan3A_627 : i32
      %scan3A_629 = arith.constant 1 : i32
      %scan3A_630 = scf.for %scan3A_632 = %scan3A_626 to %scan3A_628 step %scan3A_629 iter_args(%scan3A_633 = %scan3A_625) -> (i32)  : i32 {
        %mul3A_634 = arith.constant 8 : i32
        %mul3A_635 = arith.muli %scan3A_632, %mul3A_634 : i32
        %add3A_636 = arith.constant 0 : i32
        %add3A_637 = arith.addi %mul3A_635, %add3A_636 : i32
        %mul3A_638 = arith.constant 16 : i32
        %mul3A_639 = arith.muli %add3A_637, %mul3A_638 : i32
        %get3A_640 = arith.index_cast %mul3A_639 : i32 to index
        %get3A_641 = tpu.vector_load %arg5[%get3A_640] {strides = array<i32>} : memref<4096xi32, #tpu.memory_space<vmem>>, vector<16xi32>,
        %xor3A_642 = vector.broadcast %cond3A_622 : i32 to vector<16xi32>
        %xor3A_643 = arith.xori %get3A_641, %xor3A_642 : vector<16xi32>
        %gt3A = arith.cmpi sgt, %xor3A_643, %xor3A_617 : vector<16xi32>
        %eq3A_644 = arith.cmpi eq, %get3A_641, %or3A_615 : vector<16xi32>
        %jit3A_645 = arith.constant 1 : i32
        %jit3A_646 = arith.constant 0 : i32
        %broadcast_in_dim3A_647 = vector.broadcast %jit3A_645 : i32 to vector<16xi32>
        %broadcast_in_dim3A_648 = vector.broadcast %jit3A_646 : i32 to vector<16xi32>
        %select_n3A_649 = arith.select %eq3A_644, %broadcast_in_dim3A_647, %broadcast_in_dim3A_648 : vector<16xi1>, vector<16xi32>
        %broadcast_in_dim3A_650 = arith.constant true
        %broadcast_in_dim3A_651 = vector.broadcast %broadcast_in_dim3A_650 : i1 to vector<16xi1>
        %masked_cumsum3A_652 = tpu.scan <sum>, %select_n3A_649 masked %broadcast_in_dim3A_651 : vector<16xi32>, vector<16xi1> -> vector<16xi32>
        %add3A_653 = vector.broadcast %scan3A_633 : i32 to vector<16xi32>
        %add3A_654 = arith.addi %add3A_653, %masked_cumsum3A_652 : vector<16xi32>
        %le3A = vector.broadcast %sub3A_611 : i32 to vector<16xi32>
        %le3A_655 = arith.cmpi sle, %add3A_654, %le3A : vector<16xi32>
        %and3A = arith.andi %eq3A_644, %le3A_655 : vector<16xi1>
        %or3A_656 = arith.ori %gt3A, %and3A : vector<16xi1>
        %jit3A_657 = arith.constant 1.000000e+00 : f32
        %jit3A_658 = arith.constant 0.000000e+00 : f32
        %broadcast_in_dim3A_659 = vector.broadcast %jit3A_657 : f32 to vector<16xf32>
        %broadcast_in_dim3A_660 = vector.broadcast %jit3A_658 : f32 to vector<16xf32>
        %select_n3A_661 = arith.select %or3A_656, %broadcast_in_dim3A_659, %broadcast_in_dim3A_660 : vector<16xi1>, vector<16xf32>
        %mul3A_662 = arith.constant 16 : i32
        %mul3A_663 = arith.muli %add3A_637, %mul3A_662 : i32
        %swap3A_664 = arith.index_cast %mul3A_663 : i32 to index
        %swap3A_665 = tpu.vector_load %arg6[%swap3A_664] {strides = array<i32>} : memref<4096xf32, #tpu.memory_space<vmem>>, vector<16xf32>,
        tpu.vector_store %arg6[%swap3A_664], %select_n3A_661 {strides = array<i32>} : memref<4096xf32, #tpu.memory_space<vmem>>, vector<16xf32>,
        %reduce_max3A_666 = arith.constant true
        %reduce_max3A_667 = vector.broadcast %reduce_max3A_666 : i1 to vector<16xi1>
        %reduce_max3A_668 = arith.constant -2147483648 : i32
        %reduce_max3A_669 = vector.broadcast %reduce_max3A_668 : i32 to vector<16xi32>
        %reduce_max3A_670 = arith.xori %masked_cumsum3A_652, %reduce_max3A_669 : vector<16xi32>
        %reduce_max3A_671 = tpu.scan <max>, %reduce_max3A_670 masked %reduce_max3A_667 : vector<16xi32>, vector<16xi1> -> vector<16xi32>
        %reduce_max3A_672 = arith.xori %reduce_max3A_671, %reduce_max3A_669 : vector<16xi32>
        %reduce_max3A_673 = vector.extract %reduce_max3A_672[15] : i32 from vector<16xi32>
        %add3A_674 = arith.addi %scan3A_633, %reduce_max3A_673 : i32
        %mul3A_675 = arith.constant 8 : i32
        %mul3A_676 = arith.muli %scan3A_632, %mul3A_675 : i32
        %add3A_677 = arith.constant 1 : i32
        %add3A_678 = arith.addi %mul3A_676, %add3A_677 : i32
        %mul3A_679 = arith.constant 16 : i32
        %mul3A_680 = arith.muli %add3A_678, %mul3A_679 : i32
        %get3A_681 = arith.index_cast %mul3A_680 : i32 to index
        %get3A_682 = tpu.vector_load %arg5[%get3A_681] {strides = array<i32>} : memref<4096xi32, #tpu.memory_space<vmem>>, vector<16xi32>,
        %xor3A_683 = vector.broadcast %cond3A_622 : i32 to vector<16xi32>
        %xor3A_684 = arith.xori %get3A_682, %xor3A_683 : vector<16xi32>
        %gt3A_685 = arith.cmpi sgt, %xor3A_684, %xor3A_617 : vector<16xi32>
        %eq3A_686 = arith.cmpi eq, %get3A_682, %or3A_615 : vector<16xi32>
        %jit3A_687 = arith.constant 1 : i32
        %jit3A_688 = arith.constant 0 : i32
        %broadcast_in_dim3A_689 = vector.broadcast %jit3A_687 : i32 to vector<16xi32>
        %broadcast_in_dim3A_690 = vector.broadcast %jit3A_688 : i32 to vector<16xi32>
        %select_n3A_691 = arith.select %eq3A_686, %broadcast_in_dim3A_689, %broadcast_in_dim3A_690 : vector<16xi1>, vector<16xi32>
        %broadcast_in_dim3A_692 = arith.constant true
        %broadcast_in_dim3A_693 = vector.broadcast %broadcast_in_dim3A_692 : i1 to vector<16xi1>
        %masked_cumsum3A_694 = tpu.scan <sum>, %select_n3A_691 masked %broadcast_in_dim3A_693 : vector<16xi32>, vector<16xi1> -> vector<16xi32>
        %add3A_695 = vector.broadcast %add3A_674 : i32 to vector<16xi32>
        %add3A_696 = arith.addi %add3A_695, %masked_cumsum3A_694 : vector<16xi32>
        %le3A_697 = vector.broadcast %sub3A_611 : i32 to vector<16xi32>
        %le3A_698 = arith.cmpi sle, %add3A_696, %le3A_697 : vector<16xi32>
        %and3A_699 = arith.andi %eq3A_686, %le3A_698 : vector<16xi1>
        %or3A_700 = arith.ori %gt3A_685, %and3A_699 : vector<16xi1>
        %jit3A_701 = arith.constant 1.000000e+00 : f32
        %jit3A_702 = arith.constant 0.000000e+00 : f32
        %broadcast_in_dim3A_703 = vector.broadcast %jit3A_701 : f32 to vector<16xf32>
        %broadcast_in_dim3A_704 = vector.broadcast %jit3A_702 : f32 to vector<16xf32>
        %select_n3A_705 = arith.select %or3A_700, %broadcast_in_dim3A_703, %broadcast_in_dim3A_704 : vector<16xi1>, vector<16xf32>
        %mul3A_706 = arith.constant 16 : i32
        %mul3A_707 = arith.muli %add3A_678, %mul3A_706 : i32
        %swap3A_708 = arith.index_cast %mul3A_707 : i32 to index
        %swap3A_709 = tpu.vector_load %arg6[%swap3A_708] {strides = array<i32>} : memref<4096xf32, #tpu.memory_space<vmem>>, vector<16xf32>,
        tpu.vector_store %arg6[%swap3A_708], %select_n3A_705 {strides = array<i32>} : memref<4096xf32, #tpu.memory_space<vmem>>, vector<16xf32>,
        %reduce_max3A_710 = arith.constant true
        %reduce_max3A_711 = vector.broadcast %reduce_max3A_710 : i1 to vector<16xi1>
        %reduce_max3A_712 = arith.constant -2147483648 : i32
        %reduce_max3A_713 = vector.broadcast %reduce_max3A_712 : i32 to vector<16xi32>
        %reduce_max3A_714 = arith.xori %masked_cumsum3A_694, %reduce_max3A_713 : vector<16xi32>
        %reduce_max3A_715 = tpu.scan <max>, %reduce_max3A_714 masked %reduce_max3A_711 : vector<16xi32>, vector<16xi1> -> vector<16xi32>
        %reduce_max3A_716 = arith.xori %reduce_max3A_715, %reduce_max3A_713 : vector<16xi32>
        %reduce_max3A_717 = vector.extract %reduce_max3A_716[15] : i32 from vector<16xi32>
        %add3A_718 = arith.addi %add3A_674, %reduce_max3A_717 : i32
        %mul3A_719 = arith.constant 8 : i32
        %mul3A_720 = arith.muli %scan3A_632, %mul3A_719 : i32
        %add3A_721 = arith.constant 2 : i32
        %add3A_722 = arith.addi %mul3A_720, %add3A_721 : i32
        %mul3A_723 = arith.constant 16 : i32
        %mul3A_724 = arith.muli %add3A_722, %mul3A_723 : i32
        %get3A_725 = arith.index_cast %mul3A_724 : i32 to index
        %get3A_726 = tpu.vector_load %arg5[%get3A_725] {strides = array<i32>} : memref<4096xi32, #tpu.memory_space<vmem>>, vector<16xi32>,
        %xor3A_727 = vector.broadcast %cond3A_622 : i32 to vector<16xi32>
        %xor3A_728 = arith.xori %get3A_726, %xor3A_727 : vector<16xi32>
        %gt3A_729 = arith.cmpi sgt, %xor3A_728, %xor3A_617 : vector<16xi32>
        %eq3A_730 = arith.cmpi eq, %get3A_726, %or3A_615 : vector<16xi32>
        %jit3A_731 = arith.constant 1 : i32
        %jit3A_732 = arith.constant 0 : i32
        %broadcast_in_dim3A_733 = vector.broadcast %jit3A_731 : i32 to vector<16xi32>
        %broadcast_in_dim3A_734 = vector.broadcast %jit3A_732 : i32 to vector<16xi32>
        %select_n3A_735 = arith.select %eq3A_730, %broadcast_in_dim3A_733, %broadcast_in_dim3A_734 : vector<16xi1>, vector<16xi32>
        %broadcast_in_dim3A_736 = arith.constant true
        %broadcast_in_dim3A_737 = vector.broadcast %broadcast_in_dim3A_736 : i1 to vector<16xi1>
        %masked_cumsum3A_738 = tpu.scan <sum>, %select_n3A_735 masked %broadcast_in_dim3A_737 : vector<16xi32>, vector<16xi1> -> vector<16xi32>
        %add3A_739 = vector.broadcast %add3A_718 : i32 to vector<16xi32>
        %add3A_740 = arith.addi %add3A_739, %masked_cumsum3A_738 : vector<16xi32>
        %le3A_741 = vector.broadcast %sub3A_611 : i32 to vector<16xi32>
        %le3A_742 = arith.cmpi sle, %add3A_740, %le3A_741 : vector<16xi32>
        %and3A_743 = arith.andi %eq3A_730, %le3A_742 : vector<16xi1>
        %or3A_744 = arith.ori %gt3A_729, %and3A_743 : vector<16xi1>
        %jit3A_745 = arith.constant 1.000000e+00 : f32
        %jit3A_746 = arith.constant 0.000000e+00 : f32
        %broadcast_in_dim3A_747 = vector.broadcast %jit3A_745 : f32 to vector<16xf32>
        %broadcast_in_dim3A_748 = vector.broadcast %jit3A_746 : f32 to vector<16xf32>
        %select_n3A_749 = arith.select %or3A_744, %broadcast_in_dim3A_747, %broadcast_in_dim3A_748 : vector<16xi1>, vector<16xf32>
        %mul3A_750 = arith.constant 16 : i32
        %mul3A_751 = arith.muli %add3A_722, %mul3A_750 : i32
        %swap3A_752 = arith.index_cast %mul3A_751 : i32 to index
        %swap3A_753 = tpu.vector_load %arg6[%swap3A_752] {strides = array<i32>} : memref<4096xf32, #tpu.memory_space<vmem>>, vector<16xf32>,
        tpu.vector_store %arg6[%swap3A_752], %select_n3A_749 {strides = array<i32>} : memref<4096xf32, #tpu.memory_space<vmem>>, vector<16xf32>,
        %reduce_max3A_754 = arith.constant true
        %reduce_max3A_755 = vector.broadcast %reduce_max3A_754 : i1 to vector<16xi1>
        %reduce_max3A_756 = arith.constant -2147483648 : i32
        %reduce_max3A_757 = vector.broadcast %reduce_max3A_756 : i32 to vector<16xi32>
        %reduce_max3A_758 = arith.xori %masked_cumsum3A_738, %reduce_max3A_757 : vector<16xi32>
        %reduce_max3A_759 = tpu.scan <max>, %reduce_max3A_758 masked %reduce_max3A_755 : vector<16xi32>, vector<16xi1> -> vector<16xi32>
        %reduce_max3A_760 = arith.xori %reduce_max3A_759, %reduce_max3A_757 : vector<16xi32>
        %reduce_max3A_761 = vector.extract %reduce_max3A_760[15] : i32 from vector<16xi32>
        %add3A_762 = arith.addi %add3A_718, %reduce_max3A_761 : i32
        %mul3A_763 = arith.constant 8 : i32
        %mul3A_764 = arith.muli %scan3A_632, %mul3A_763 : i32
        %add3A_765 = arith.constant 3 : i32
        %add3A_766 = arith.addi %mul3A_764, %add3A_765 : i32
        %mul3A_767 = arith.constant 16 : i32
        %mul3A_768 = arith.muli %add3A_766, %mul3A_767 : i32
        %get3A_769 = arith.index_cast %mul3A_768 : i32 to index
        %get3A_770 = tpu.vector_load %arg5[%get3A_769] {strides = array<i32>} : memref<4096xi32, #tpu.memory_space<vmem>>, vector<16xi32>,
        %xor3A_771 = vector.broadcast %cond3A_622 : i32 to vector<16xi32>
        %xor3A_772 = arith.xori %get3A_770, %xor3A_771 : vector<16xi32>
        %gt3A_773 = arith.cmpi sgt, %xor3A_772, %xor3A_617 : vector<16xi32>
        %eq3A_774 = arith.cmpi eq, %get3A_770, %or3A_615 : vector<16xi32>
        %jit3A_775 = arith.constant 1 : i32
        %jit3A_776 = arith.constant 0 : i32
        %broadcast_in_dim3A_777 = vector.broadcast %jit3A_775 : i32 to vector<16xi32>
        %broadcast_in_dim3A_778 = vector.broadcast %jit3A_776 : i32 to vector<16xi32>
        %select_n3A_779 = arith.select %eq3A_774, %broadcast_in_dim3A_777, %broadcast_in_dim3A_778 : vector<16xi1>, vector<16xi32>
        %broadcast_in_dim3A_780 = arith.constant true
        %broadcast_in_dim3A_781 = vector.broadcast %broadcast_in_dim3A_780 : i1 to vector<16xi1>
        %masked_cumsum3A_782 = tpu.scan <sum>, %select_n3A_779 masked %broadcast_in_dim3A_781 : vector<16xi32>, vector<16xi1> -> vector<16xi32>
        %add3A_783 = vector.broadcast %add3A_762 : i32 to vector<16xi32>
        %add3A_784 = arith.addi %add3A_783, %masked_cumsum3A_782 : vector<16xi32>
        %le3A_785 = vector.broadcast %sub3A_611 : i32 to vector<16xi32>
        %le3A_786 = arith.cmpi sle, %add3A_784, %le3A_785 : vector<16xi32>
        %and3A_787 = arith.andi %eq3A_774, %le3A_786 : vector<16xi1>
        %or3A_788 = arith.ori %gt3A_773, %and3A_787 : vector<16xi1>
        %jit3A_789 = arith.constant 1.000000e+00 : f32
        %jit3A_790 = arith.constant 0.000000e+00 : f32
        %broadcast_in_dim3A_791 = vector.broadcast %jit3A_789 : f32 to vector<16xf32>
        %broadcast_in_dim3A_792 = vector.broadcast %jit3A_790 : f32 to vector<16xf32>
        %select_n3A_793 = arith.select %or3A_788, %broadcast_in_dim3A_791, %broadcast_in_dim3A_792 : vector<16xi1>, vector<16xf32>
        %mul3A_794 = arith.constant 16 : i32
        %mul3A_795 = arith.muli %add3A_766, %mul3A_794 : i32
        %swap3A_796 = arith.index_cast %mul3A_795 : i32 to index
        %swap3A_797 = tpu.vector_load %arg6[%swap3A_796] {strides = array<i32>} : memref<4096xf32, #tpu.memory_space<vmem>>, vector<16xf32>,
        tpu.vector_store %arg6[%swap3A_796], %select_n3A_793 {strides = array<i32>} : memref<4096xf32, #tpu.memory_space<vmem>>, vector<16xf32>,
        %reduce_max3A_798 = arith.constant true
        %reduce_max3A_799 = vector.broadcast %reduce_max3A_798 : i1 to vector<16xi1>
        %reduce_max3A_800 = arith.constant -2147483648 : i32
        %reduce_max3A_801 = vector.broadcast %reduce_max3A_800 : i32 to vector<16xi32>
        %reduce_max3A_802 = arith.xori %masked_cumsum3A_782, %reduce_max3A_801 : vector<16xi32>
        %reduce_max3A_803 = tpu.scan <max>, %reduce_max3A_802 masked %reduce_max3A_799 : vector<16xi32>, vector<16xi1> -> vector<16xi32>
        %reduce_max3A_804 = arith.xori %reduce_max3A_803, %reduce_max3A_801 : vector<16xi32>
        %reduce_max3A_805 = vector.extract %reduce_max3A_804[15] : i32 from vector<16xi32>
        %add3A_806 = arith.addi %add3A_762, %reduce_max3A_805 : i32
        %mul3A_807 = arith.constant 8 : i32
        %mul3A_808 = arith.muli %scan3A_632, %mul3A_807 : i32
        %add3A_809 = arith.constant 4 : i32
        %add3A_810 = arith.addi %mul3A_808, %add3A_809 : i32
        %mul3A_811 = arith.constant 16 : i32
        %mul3A_812 = arith.muli %add3A_810, %mul3A_811 : i32
        %get3A_813 = arith.index_cast %mul3A_812 : i32 to index
        %get3A_814 = tpu.vector_load %arg5[%get3A_813] {strides = array<i32>} : memref<4096xi32, #tpu.memory_space<vmem>>, vector<16xi32>,
        %xor3A_815 = vector.broadcast %cond3A_622 : i32 to vector<16xi32>
        %xor3A_816 = arith.xori %get3A_814, %xor3A_815 : vector<16xi32>
        %gt3A_817 = arith.cmpi sgt, %xor3A_816, %xor3A_617 : vector<16xi32>
        %eq3A_818 = arith.cmpi eq, %get3A_814, %or3A_615 : vector<16xi32>
        %jit3A_819 = arith.constant 1 : i32
        %jit3A_820 = arith.constant 0 : i32
        %broadcast_in_dim3A_821 = vector.broadcast %jit3A_819 : i32 to vector<16xi32>
        %broadcast_in_dim3A_822 = vector.broadcast %jit3A_820 : i32 to vector<16xi32>
        %select_n3A_823 = arith.select %eq3A_818, %broadcast_in_dim3A_821, %broadcast_in_dim3A_822 : vector<16xi1>, vector<16xi32>
        %broadcast_in_dim3A_824 = arith.constant true
        %broadcast_in_dim3A_825 = vector.broadcast %broadcast_in_dim3A_824 : i1 to vector<16xi1>
        %masked_cumsum3A_826 = tpu.scan <sum>, %select_n3A_823 masked %broadcast_in_dim3A_825 : vector<16xi32>, vector<16xi1> -> vector<16xi32>
        %add3A_827 = vector.broadcast %add3A_806 : i32 to vector<16xi32>
        %add3A_828 = arith.addi %add3A_827, %masked_cumsum3A_826 : vector<16xi32>
        %le3A_829 = vector.broadcast %sub3A_611 : i32 to vector<16xi32>
        %le3A_830 = arith.cmpi sle, %add3A_828, %le3A_829 : vector<16xi32>
        %and3A_831 = arith.andi %eq3A_818, %le3A_830 : vector<16xi1>
        %or3A_832 = arith.ori %gt3A_817, %and3A_831 : vector<16xi1>
        %jit3A_833 = arith.constant 1.000000e+00 : f32
        %jit3A_834 = arith.constant 0.000000e+00 : f32
        %broadcast_in_dim3A_835 = vector.broadcast %jit3A_833 : f32 to vector<16xf32>
        %broadcast_in_dim3A_836 = vector.broadcast %jit3A_834 : f32 to vector<16xf32>
        %select_n3A_837 = arith.select %or3A_832, %broadcast_in_dim3A_835, %broadcast_in_dim3A_836 : vector<16xi1>, vector<16xf32>
        %mul3A_838 = arith.constant 16 : i32
        %mul3A_839 = arith.muli %add3A_810, %mul3A_838 : i32
        %swap3A_840 = arith.index_cast %mul3A_839 : i32 to index
        %swap3A_841 = tpu.vector_load %arg6[%swap3A_840] {strides = array<i32>} : memref<4096xf32, #tpu.memory_space<vmem>>, vector<16xf32>,
        tpu.vector_store %arg6[%swap3A_840], %select_n3A_837 {strides = array<i32>} : memref<4096xf32, #tpu.memory_space<vmem>>, vector<16xf32>,
        %reduce_max3A_842 = arith.constant true
        %reduce_max3A_843 = vector.broadcast %reduce_max3A_842 : i1 to vector<16xi1>
        %reduce_max3A_844 = arith.constant -2147483648 : i32
        %reduce_max3A_845 = vector.broadcast %reduce_max3A_844 : i32 to vector<16xi32>
        %reduce_max3A_846 = arith.xori %masked_cumsum3A_826, %reduce_max3A_845 : vector<16xi32>
        %reduce_max3A_847 = tpu.scan <max>, %reduce_max3A_846 masked %reduce_max3A_843 : vector<16xi32>, vector<16xi1> -> vector<16xi32>
        %reduce_max3A_848 = arith.xori %reduce_max3A_847, %reduce_max3A_845 : vector<16xi32>
        %reduce_max3A_849 = vector.extract %reduce_max3A_848[15] : i32 from vector<16xi32>
        %add3A_850 = arith.addi %add3A_806, %reduce_max3A_849 : i32
        %mul3A_851 = arith.constant 8 : i32
        %mul3A_852 = arith.muli %scan3A_632, %mul3A_851 : i32
        %add3A_853 = arith.constant 5 : i32
        %add3A_854 = arith.addi %mul3A_852, %add3A_853 : i32
        %mul3A_855 = arith.constant 16 : i32
        %mul3A_856 = arith.muli %add3A_854, %mul3A_855 : i32
        %get3A_857 = arith.index_cast %mul3A_856 : i32 to index
        %get3A_858 = tpu.vector_load %arg5[%get3A_857] {strides = array<i32>} : memref<4096xi32, #tpu.memory_space<vmem>>, vector<16xi32>,
        %xor3A_859 = vector.broadcast %cond3A_622 : i32 to vector<16xi32>
        %xor3A_860 = arith.xori %get3A_858, %xor3A_859 : vector<16xi32>
        %gt3A_861 = arith.cmpi sgt, %xor3A_860, %xor3A_617 : vector<16xi32>
        %eq3A_862 = arith.cmpi eq, %get3A_858, %or3A_615 : vector<16xi32>
        %jit3A_863 = arith.constant 1 : i32
        %jit3A_864 = arith.constant 0 : i32
        %broadcast_in_dim3A_865 = vector.broadcast %jit3A_863 : i32 to vector<16xi32>
        %broadcast_in_dim3A_866 = vector.broadcast %jit3A_864 : i32 to vector<16xi32>
        %select_n3A_867 = arith.select %eq3A_862, %broadcast_in_dim3A_865, %broadcast_in_dim3A_866 : vector<16xi1>, vector<16xi32>
        %broadcast_in_dim3A_868 = arith.constant true
        %broadcast_in_dim3A_869 = vector.broadcast %broadcast_in_dim3A_868 : i1 to vector<16xi1>
        %masked_cumsum3A_870 = tpu.scan <sum>, %select_n3A_867 masked %broadcast_in_dim3A_869 : vector<16xi32>, vector<16xi1> -> vector<16xi32>
        %add3A_871 = vector.broadcast %add3A_850 : i32 to vector<16xi32>
        %add3A_872 = arith.addi %add3A_871, %masked_cumsum3A_870 : vector<16xi32>
        %le3A_873 = vector.broadcast %sub3A_611 : i32 to vector<16xi32>
        %le3A_874 = arith.cmpi sle, %add3A_872, %le3A_873 : vector<16xi32>
        %and3A_875 = arith.andi %eq3A_862, %le3A_874 : vector<16xi1>
        %or3A_876 = arith.ori %gt3A_861, %and3A_875 : vector<16xi1>
        %jit3A_877 = arith.constant 1.000000e+00 : f32
        %jit3A_878 = arith.constant 0.000000e+00 : f32
        %broadcast_in_dim3A_879 = vector.broadcast %jit3A_877 : f32 to vector<16xf32>
        %broadcast_in_dim3A_880 = vector.broadcast %jit3A_878 : f32 to vector<16xf32>
        %select_n3A_881 = arith.select %or3A_876, %broadcast_in_dim3A_879, %broadcast_in_dim3A_880 : vector<16xi1>, vector<16xf32>
        %mul3A_882 = arith.constant 16 : i32
        %mul3A_883 = arith.muli %add3A_854, %mul3A_882 : i32
        %swap3A_884 = arith.index_cast %mul3A_883 : i32 to index
        %swap3A_885 = tpu.vector_load %arg6[%swap3A_884] {strides = array<i32>} : memref<4096xf32, #tpu.memory_space<vmem>>, vector<16xf32>,
        tpu.vector_store %arg6[%swap3A_884], %select_n3A_881 {strides = array<i32>} : memref<4096xf32, #tpu.memory_space<vmem>>, vector<16xf32>,
        %reduce_max3A_886 = arith.constant true
        %reduce_max3A_887 = vector.broadcast %reduce_max3A_886 : i1 to vector<16xi1>
        %reduce_max3A_888 = arith.constant -2147483648 : i32
        %reduce_max3A_889 = vector.broadcast %reduce_max3A_888 : i32 to vector<16xi32>
        %reduce_max3A_890 = arith.xori %masked_cumsum3A_870, %reduce_max3A_889 : vector<16xi32>
        %reduce_max3A_891 = tpu.scan <max>, %reduce_max3A_890 masked %reduce_max3A_887 : vector<16xi32>, vector<16xi1> -> vector<16xi32>
        %reduce_max3A_892 = arith.xori %reduce_max3A_891, %reduce_max3A_889 : vector<16xi32>
        %reduce_max3A_893 = vector.extract %reduce_max3A_892[15] : i32 from vector<16xi32>
        %add3A_894 = arith.addi %add3A_850, %reduce_max3A_893 : i32
        %mul3A_895 = arith.constant 8 : i32
        %mul3A_896 = arith.muli %scan3A_632, %mul3A_895 : i32
        %add3A_897 = arith.constant 6 : i32
        %add3A_898 = arith.addi %mul3A_896, %add3A_897 : i32
        %mul3A_899 = arith.constant 16 : i32
        %mul3A_900 = arith.muli %add3A_898, %mul3A_899 : i32
        %get3A_901 = arith.index_cast %mul3A_900 : i32 to index
        %get3A_902 = tpu.vector_load %arg5[%get3A_901] {strides = array<i32>} : memref<4096xi32, #tpu.memory_space<vmem>>, vector<16xi32>,
        %xor3A_903 = vector.broadcast %cond3A_622 : i32 to vector<16xi32>
        %xor3A_904 = arith.xori %get3A_902, %xor3A_903 : vector<16xi32>
        %gt3A_905 = arith.cmpi sgt, %xor3A_904, %xor3A_617 : vector<16xi32>
        %eq3A_906 = arith.cmpi eq, %get3A_902, %or3A_615 : vector<16xi32>
        %jit3A_907 = arith.constant 1 : i32
        %jit3A_908 = arith.constant 0 : i32
        %broadcast_in_dim3A_909 = vector.broadcast %jit3A_907 : i32 to vector<16xi32>
        %broadcast_in_dim3A_910 = vector.broadcast %jit3A_908 : i32 to vector<16xi32>
        %select_n3A_911 = arith.select %eq3A_906, %broadcast_in_dim3A_909, %broadcast_in_dim3A_910 : vector<16xi1>, vector<16xi32>
        %broadcast_in_dim3A_912 = arith.constant true
        %broadcast_in_dim3A_913 = vector.broadcast %broadcast_in_dim3A_912 : i1 to vector<16xi1>
        %masked_cumsum3A_914 = tpu.scan <sum>, %select_n3A_911 masked %broadcast_in_dim3A_913 : vector<16xi32>, vector<16xi1> -> vector<16xi32>
        %add3A_915 = vector.broadcast %add3A_894 : i32 to vector<16xi32>
        %add3A_916 = arith.addi %add3A_915, %masked_cumsum3A_914 : vector<16xi32>
        %le3A_917 = vector.broadcast %sub3A_611 : i32 to vector<16xi32>
        %le3A_918 = arith.cmpi sle, %add3A_916, %le3A_917 : vector<16xi32>
        %and3A_919 = arith.andi %eq3A_906, %le3A_918 : vector<16xi1>
        %or3A_920 = arith.ori %gt3A_905, %and3A_919 : vector<16xi1>
        %jit3A_921 = arith.constant 1.000000e+00 : f32
        %jit3A_922 = arith.constant 0.000000e+00 : f32
        %broadcast_in_dim3A_923 = vector.broadcast %jit3A_921 : f32 to vector<16xf32>
        %broadcast_in_dim3A_924 = vector.broadcast %jit3A_922 : f32 to vector<16xf32>
        %select_n3A_925 = arith.select %or3A_920, %broadcast_in_dim3A_923, %broadcast_in_dim3A_924 : vector<16xi1>, vector<16xf32>
        %mul3A_926 = arith.constant 16 : i32
        %mul3A_927 = arith.muli %add3A_898, %mul3A_926 : i32
        %swap3A_928 = arith.index_cast %mul3A_927 : i32 to index
        %swap3A_929 = tpu.vector_load %arg6[%swap3A_928] {strides = array<i32>} : memref<4096xf32, #tpu.memory_space<vmem>>, vector<16xf32>,
        tpu.vector_store %arg6[%swap3A_928], %select_n3A_925 {strides = array<i32>} : memref<4096xf32, #tpu.memory_space<vmem>>, vector<16xf32>,
        %reduce_max3A_930 = arith.constant true
        %reduce_max3A_931 = vector.broadcast %reduce_max3A_930 : i1 to vector<16xi1>
        %reduce_max3A_932 = arith.constant -2147483648 : i32
        %reduce_max3A_933 = vector.broadcast %reduce_max3A_932 : i32 to vector<16xi32>
        %reduce_max3A_934 = arith.xori %masked_cumsum3A_914, %reduce_max3A_933 : vector<16xi32>
        %reduce_max3A_935 = tpu.scan <max>, %reduce_max3A_934 masked %reduce_max3A_931 : vector<16xi32>, vector<16xi1> -> vector<16xi32>
        %reduce_max3A_936 = arith.xori %reduce_max3A_935, %reduce_max3A_933 : vector<16xi32>
        %reduce_max3A_937 = vector.extract %reduce_max3A_936[15] : i32 from vector<16xi32>
        %add3A_938 = arith.addi %add3A_894, %reduce_max3A_937 : i32
        %mul3A_939 = arith.constant 8 : i32
        %mul3A_940 = arith.muli %scan3A_632, %mul3A_939 : i32
        %add3A_941 = arith.constant 7 : i32
        %add3A_942 = arith.addi %mul3A_940, %add3A_941 : i32
        %mul3A_943 = arith.constant 16 : i32
        %mul3A_944 = arith.muli %add3A_942, %mul3A_943 : i32
        %get3A_945 = arith.index_cast %mul3A_944 : i32 to index
        %get3A_946 = tpu.vector_load %arg5[%get3A_945] {strides = array<i32>} : memref<4096xi32, #tpu.memory_space<vmem>>, vector<16xi32>,
        %xor3A_947 = vector.broadcast %cond3A_622 : i32 to vector<16xi32>
        %xor3A_948 = arith.xori %get3A_946, %xor3A_947 : vector<16xi32>
        %gt3A_949 = arith.cmpi sgt, %xor3A_948, %xor3A_617 : vector<16xi32>
        %eq3A_950 = arith.cmpi eq, %get3A_946, %or3A_615 : vector<16xi32>
        %jit3A_951 = arith.constant 1 : i32
        %jit3A_952 = arith.constant 0 : i32
        %broadcast_in_dim3A_953 = vector.broadcast %jit3A_951 : i32 to vector<16xi32>
        %broadcast_in_dim3A_954 = vector.broadcast %jit3A_952 : i32 to vector<16xi32>
        %select_n3A_955 = arith.select %eq3A_950, %broadcast_in_dim3A_953, %broadcast_in_dim3A_954 : vector<16xi1>, vector<16xi32>
        %broadcast_in_dim3A_956 = arith.constant true
        %broadcast_in_dim3A_957 = vector.broadcast %broadcast_in_dim3A_956 : i1 to vector<16xi1>
        %masked_cumsum3A_958 = tpu.scan <sum>, %select_n3A_955 masked %broadcast_in_dim3A_957 : vector<16xi32>, vector<16xi1> -> vector<16xi32>
        %add3A_959 = vector.broadcast %add3A_938 : i32 to vector<16xi32>
        %add3A_960 = arith.addi %add3A_959, %masked_cumsum3A_958 : vector<16xi32>
        %le3A_961 = vector.broadcast %sub3A_611 : i32 to vector<16xi32>
        %le3A_962 = arith.cmpi sle, %add3A_960, %le3A_961 : vector<16xi32>
        %and3A_963 = arith.andi %eq3A_950, %le3A_962 : vector<16xi1>
        %or3A_964 = arith.ori %gt3A_949, %and3A_963 : vector<16xi1>
        %jit3A_965 = arith.constant 1.000000e+00 : f32
        %jit3A_966 = arith.constant 0.000000e+00 : f32
        %broadcast_in_dim3A_967 = vector.broadcast %jit3A_965 : f32 to vector<16xf32>
        %broadcast_in_dim3A_968 = vector.broadcast %jit3A_966 : f32 to vector<16xf32>
        %select_n3A_969 = arith.select %or3A_964, %broadcast_in_dim3A_967, %broadcast_in_dim3A_968 : vector<16xi1>, vector<16xf32>
        %mul3A_970 = arith.constant 16 : i32
        %mul3A_971 = arith.muli %add3A_942, %mul3A_970 : i32
        %swap3A_972 = arith.index_cast %mul3A_971 : i32 to index
        %swap3A_973 = tpu.vector_load %arg6[%swap3A_972] {strides = array<i32>} : memref<4096xf32, #tpu.memory_space<vmem>>, vector<16xf32>,
        tpu.vector_store %arg6[%swap3A_972], %select_n3A_969 {strides = array<i32>} : memref<4096xf32, #tpu.memory_space<vmem>>, vector<16xf32>,
        %reduce_max3A_974 = arith.constant true
        %reduce_max3A_975 = vector.broadcast %reduce_max3A_974 : i1 to vector<16xi1>
        %reduce_max3A_976 = arith.constant -2147483648 : i32
        %reduce_max3A_977 = vector.broadcast %reduce_max3A_976 : i32 to vector<16xi32>
        %reduce_max3A_978 = arith.xori %masked_cumsum3A_958, %reduce_max3A_977 : vector<16xi32>
        %reduce_max3A_979 = tpu.scan <max>, %reduce_max3A_978 masked %reduce_max3A_975 : vector<16xi32>, vector<16xi1> -> vector<16xi32>
        %reduce_max3A_980 = arith.xori %reduce_max3A_979, %reduce_max3A_977 : vector<16xi32>
        %reduce_max3A_981 = vector.extract %reduce_max3A_980[15] : i32 from vector<16xi32>
        %add3A_982 = arith.addi %add3A_938, %reduce_max3A_981 : i32
        scf.yield %add3A_982 : i32
      }
      %scan3A_631 = arith.constant 32 : i32
    } else {
    }
    "tpu.region"() ({
      %run_scoped3A = tpu.sem_alloc : memref<!tpu.dma_semaphore, #tpu.memory_space<semaphore_mem>>
      %dma_start3A = arith.constant 0 : i32
      %dma_start3A_625 = tpu.memref_slice %arg3[%add3A, %dma_start3A] : memref<32x4096xf32, #tpu.memory_space<hbm>> -> memref<1x4096xf32, #tpu.memory_space<hbm>>
      %dma_start3A_626 = tpu.memref_squeeze %dma_start3A_625 : memref<1x4096xf32, #tpu.memory_space<hbm>> -> memref<4096xf32, #tpu.memory_space<hbm>>
      %dma_start3A_627 = arith.constant 0 : i32
      %dma_start3A_628 = tpu.memref_slice %arg3[%add3A, %dma_start3A_627] : memref<32x4096xf32, #tpu.memory_space<hbm>> -> memref<1x4096xf32, #tpu.memory_space<hbm>>
      %dma_start3A_629 = tpu.memref_squeeze %dma_start3A_628 : memref<1x4096xf32, #tpu.memory_space<hbm>> -> memref<4096xf32, #tpu.memory_space<hbm>>
      tpu.enqueue_dma source(%arg6 : memref<4096xf32, #tpu.memory_space<vmem>>) target(%dma_start3A_629 : memref<4096xf32, #tpu.memory_space<hbm>>) target_semaphore(%run_scoped3A : memref<!tpu.dma_semaphore, #tpu.memory_space<semaphore_mem>>)
      %dma_wait3A = arith.constant 0 : i32
      %dma_wait3A_630 = tpu.memref_slice %arg3[%add3A, %dma_wait3A] : memref<32x4096xf32, #tpu.memory_space<hbm>> -> memref<1x4096xf32, #tpu.memory_space<hbm>>
      %dma_wait3A_631 = tpu.memref_squeeze %dma_wait3A_630 : memref<1x4096xf32, #tpu.memory_space<hbm>> -> memref<4096xf32, #tpu.memory_space<hbm>>
      %dma_wait3A_632 = arith.constant 0 : i32
      %dma_wait3A_633 = tpu.memref_slice %arg3[%add3A, %dma_wait3A_632] : memref<32x4096xf32, #tpu.memory_space<hbm>> -> memref<1x4096xf32, #tpu.memory_space<hbm>>
      %dma_wait3A_634 = tpu.memref_squeeze %dma_wait3A_633 : memref<1x4096xf32, #tpu.memory_space<hbm>> -> memref<4096xf32, #tpu.memory_space<hbm>>
      tpu.wait_dma2 semaphore(%run_scoped3A : memref<!tpu.dma_semaphore, #tpu.memory_space<semaphore_mem>>) src(%arg6 : memref<4096xf32, #tpu.memory_space<vmem>>) dst(%dma_wait3A_634 : memref<4096xf32, #tpu.memory_space<hbm>>)
      tpu.yield
    }) : () -> ()
    return
  }
}

module attributes {stable_mosaic.version = 14 : i64} {
  func.func @_pert_body(%arg0: memref<32x4096xf32, #tpu.memory_space<vmem>>, %arg1: memref<1x4096xf32, #tpu.memory_space<vmem>>, %arg2: memref<32x4096xf32, #tpu.memory_space<vmem>>) attributes {dimension_semantics = [], scalar_prefetch = 0 : i64, scratch_operands = 0 : i64, tpu.core_type = #tpu.core_type<tc>} {
    %get3A = arith.constant 0 : index
    %get3A_0 = arith.constant 0 : index
    %get3A_1 = vector.load %arg0[%get3A, %get3A_0] : memref<32x4096xf32, #tpu.memory_space<vmem>>, vector<32x4096xf32>
    %add3A = arith.constant 9.99999968E-21 : f32
    %add3A_2 = vector.broadcast %add3A : f32 to vector<32x4096xf32>
    %add3A_3 = arith.addf %get3A_1, %add3A_2 : vector<32x4096xf32>
    %log3A = math.log %add3A_3 : vector<32x4096xf32>
    %neg3A = arith.constant 0.000000e+00 : f32
    %neg3A_4 = vector.broadcast %neg3A : f32 to vector<32x4096xf32>
    %neg3A_5 = arith.subf %neg3A_4, %log3A : vector<32x4096xf32>
    %add3A_6 = arith.constant 9.99999968E-21 : f32
    %add3A_7 = vector.broadcast %add3A_6 : f32 to vector<32x4096xf32>
    %add3A_8 = arith.addf %neg3A_5, %add3A_7 : vector<32x4096xf32>
    %log3A_9 = math.log %add3A_8 : vector<32x4096xf32>
    %neg3A_10 = arith.constant 0.000000e+00 : f32
    %neg3A_11 = vector.broadcast %neg3A_10 : f32 to vector<32x4096xf32>
    %neg3A_12 = arith.subf %neg3A_11, %log3A_9 : vector<32x4096xf32>
    %get3A_13 = arith.constant 0 : index
    %get3A_14 = arith.constant 0 : index
    %get3A_15 = vector.load %arg1[%get3A_13, %get3A_14] : memref<1x4096xf32, #tpu.memory_space<vmem>>, vector<1x4096xf32>
    %add3A_16 = vector.broadcast %get3A_15 : vector<1x4096xf32> to vector<32x4096xf32>
    %add3A_17 = arith.addf %add3A_16, %neg3A_12 : vector<32x4096xf32>
    %swap3A = arith.constant 0 : index
    %swap3A_18 = arith.constant 0 : index
    %swap3A_19 = vector.load %arg2[%swap3A, %swap3A_18] : memref<32x4096xf32, #tpu.memory_space<vmem>>, vector<32x4096xf32>
    tpu.vector_store %arg2[%swap3A, %swap3A_18], %add3A_17 {strides = array<i32>} : memref<32x4096xf32, #tpu.memory_space<vmem>>, vector<32x4096xf32>,
    return
  }
}

module attributes {stable_mosaic.version = 14 : i64} {
  func.func @_apply_body(%arg0: memref<32x4096xf32, #tpu.memory_space<vmem>>, %arg1: memref<32x64x4096xf32, #tpu.memory_space<any>>, %arg2: memref<32x64x4096xf32, #tpu.memory_space<any>>, %arg3: memref<4x8x32x4096xf32, #tpu.memory_space<vmem>>, %arg4: memref<2x8x32x4096xf32, #tpu.memory_space<vmem>>, %arg5: memref<4x!tpu.dma_semaphore, #tpu.memory_space<semaphore_mem>>, %arg6: memref<2x!tpu.dma_semaphore, #tpu.memory_space<semaphore_mem>>) attributes {dimension_semantics = [], scalar_prefetch = 0 : i64, scratch_operands = 4 : i64, tpu.core_type = #tpu.core_type<tc>} {
    %dma_start3A = arith.constant 0 : i32
    %dma_start3A_0 = arith.constant 0 : i32
    %dma_start3A_1 = tpu.memref_slice %arg5[%dma_start3A_0] : memref<4x!tpu.dma_semaphore, #tpu.memory_space<semaphore_mem>> -> memref<1x!tpu.dma_semaphore, #tpu.memory_space<semaphore_mem>>
    %dma_start3A_2 = tpu.memref_squeeze %dma_start3A_1 : memref<1x!tpu.dma_semaphore, #tpu.memory_space<semaphore_mem>> -> memref<!tpu.dma_semaphore, #tpu.memory_space<semaphore_mem>>
    %dma_start3A_3 = arith.constant 0 : i32
    %dma_start3A_4 = arith.constant 0 : i32
    %dma_start3A_5 = arith.constant 0 : i32
    %dma_start3A_6 = tpu.memref_slice %arg3[%dma_start3A, %dma_start3A_3, %dma_start3A_4, %dma_start3A_5] : memref<4x8x32x4096xf32, #tpu.memory_space<vmem>> -> memref<1x8x32x4096xf32, #tpu.memory_space<vmem>>
    %dma_start3A_7 = tpu.memref_squeeze %dma_start3A_6 : memref<1x8x32x4096xf32, #tpu.memory_space<vmem>> -> memref<8x32x4096xf32, #tpu.memory_space<vmem>>
    %dma_start3A_8 = arith.constant 0 : i32
    %dma_start3A_9 = arith.constant 0 : i32
    %dma_start3A_10 = arith.constant 0 : i32
    %dma_start3A_11 = tpu.memref_slice %arg1[%dma_start3A_8, %dma_start3A_9, %dma_start3A_10] : memref<32x64x4096xf32, #tpu.memory_space<any>> -> memref<8x32x4096xf32, #tpu.memory_space<any>>
    tpu.enqueue_dma source(%dma_start3A_11 : memref<8x32x4096xf32, #tpu.memory_space<any>>) target(%dma_start3A_7 : memref<8x32x4096xf32, #tpu.memory_space<vmem>>) target_semaphore(%dma_start3A_2 : memref<!tpu.dma_semaphore, #tpu.memory_space<semaphore_mem>>)
    %dma_start3A_12 = arith.constant 1 : i32
    %dma_start3A_13 = arith.constant 1 : i32
    %dma_start3A_14 = tpu.memref_slice %arg5[%dma_start3A_13] : memref<4x!tpu.dma_semaphore, #tpu.memory_space<semaphore_mem>> -> memref<1x!tpu.dma_semaphore, #tpu.memory_space<semaphore_mem>>
    %dma_start3A_15 = tpu.memref_squeeze %dma_start3A_14 : memref<1x!tpu.dma_semaphore, #tpu.memory_space<semaphore_mem>> -> memref<!tpu.dma_semaphore, #tpu.memory_space<semaphore_mem>>
    %dma_start3A_16 = arith.constant 0 : i32
    %dma_start3A_17 = arith.constant 0 : i32
    %dma_start3A_18 = arith.constant 0 : i32
    %dma_start3A_19 = tpu.memref_slice %arg3[%dma_start3A_12, %dma_start3A_16, %dma_start3A_17, %dma_start3A_18] : memref<4x8x32x4096xf32, #tpu.memory_space<vmem>> -> memref<1x8x32x4096xf32, #tpu.memory_space<vmem>>
    %dma_start3A_20 = tpu.memref_squeeze %dma_start3A_19 : memref<1x8x32x4096xf32, #tpu.memory_space<vmem>> -> memref<8x32x4096xf32, #tpu.memory_space<vmem>>
    %dma_start3A_21 = arith.constant 0 : i32
    %dma_start3A_22 = arith.constant 32 : i32
    %dma_start3A_23 = arith.constant 0 : i32
    %dma_start3A_24 = tpu.memref_slice %arg1[%dma_start3A_21, %dma_start3A_22, %dma_start3A_23] : memref<32x64x4096xf32, #tpu.memory_space<any>> -> memref<8x32x4096xf32, #tpu.memory_space<any>>
    tpu.enqueue_dma source(%dma_start3A_24 : memref<8x32x4096xf32, #tpu.memory_space<any>>) target(%dma_start3A_20 : memref<8x32x4096xf32, #tpu.memory_space<vmem>>) target_semaphore(%dma_start3A_15 : memref<!tpu.dma_semaphore, #tpu.memory_space<semaphore_mem>>)
    %dma_start3A_25 = arith.constant 2 : i32
    %dma_start3A_26 = arith.constant 2 : i32
    %dma_start3A_27 = tpu.memref_slice %arg5[%dma_start3A_26] : memref<4x!tpu.dma_semaphore, #tpu.memory_space<semaphore_mem>> -> memref<1x!tpu.dma_semaphore, #tpu.memory_space<semaphore_mem>>
    %dma_start3A_28 = tpu.memref_squeeze %dma_start3A_27 : memref<1x!tpu.dma_semaphore, #tpu.memory_space<semaphore_mem>> -> memref<!tpu.dma_semaphore, #tpu.memory_space<semaphore_mem>>
    %dma_start3A_29 = arith.constant 0 : i32
    %dma_start3A_30 = arith.constant 0 : i32
    %dma_start3A_31 = arith.constant 0 : i32
    %dma_start3A_32 = tpu.memref_slice %arg3[%dma_start3A_25, %dma_start3A_29, %dma_start3A_30, %dma_start3A_31] : memref<4x8x32x4096xf32, #tpu.memory_space<vmem>> -> memref<1x8x32x4096xf32, #tpu.memory_space<vmem>>
    %dma_start3A_33 = tpu.memref_squeeze %dma_start3A_32 : memref<1x8x32x4096xf32, #tpu.memory_space<vmem>> -> memref<8x32x4096xf32, #tpu.memory_space<vmem>>
    %dma_start3A_34 = arith.constant 8 : i32
    %dma_start3A_35 = arith.constant 0 : i32
    %dma_start3A_36 = arith.constant 0 : i32
    %dma_start3A_37 = tpu.memref_slice %arg1[%dma_start3A_34, %dma_start3A_35, %dma_start3A_36] : memref<32x64x4096xf32, #tpu.memory_space<any>> -> memref<8x32x4096xf32, #tpu.memory_space<any>>
    tpu.enqueue_dma source(%dma_start3A_37 : memref<8x32x4096xf32, #tpu.memory_space<any>>) target(%dma_start3A_33 : memref<8x32x4096xf32, #tpu.memory_space<vmem>>) target_semaphore(%dma_start3A_28 : memref<!tpu.dma_semaphore, #tpu.memory_space<semaphore_mem>>)
    %dma_start3A_38 = arith.constant 3 : i32
    %dma_start3A_39 = arith.constant 3 : i32
    %dma_start3A_40 = tpu.memref_slice %arg5[%dma_start3A_39] : memref<4x!tpu.dma_semaphore, #tpu.memory_space<semaphore_mem>> -> memref<1x!tpu.dma_semaphore, #tpu.memory_space<semaphore_mem>>
    %dma_start3A_41 = tpu.memref_squeeze %dma_start3A_40 : memref<1x!tpu.dma_semaphore, #tpu.memory_space<semaphore_mem>> -> memref<!tpu.dma_semaphore, #tpu.memory_space<semaphore_mem>>
    %dma_start3A_42 = arith.constant 0 : i32
    %dma_start3A_43 = arith.constant 0 : i32
    %dma_start3A_44 = arith.constant 0 : i32
    %dma_start3A_45 = tpu.memref_slice %arg3[%dma_start3A_38, %dma_start3A_42, %dma_start3A_43, %dma_start3A_44] : memref<4x8x32x4096xf32, #tpu.memory_space<vmem>> -> memref<1x8x32x4096xf32, #tpu.memory_space<vmem>>
    %dma_start3A_46 = tpu.memref_squeeze %dma_start3A_45 : memref<1x8x32x4096xf32, #tpu.memory_space<vmem>> -> memref<8x32x4096xf32, #tpu.memory_space<vmem>>
    %dma_start3A_47 = arith.constant 8 : i32
    %dma_start3A_48 = arith.constant 32 : i32
    %dma_start3A_49 = arith.constant 0 : i32
    %dma_start3A_50 = tpu.memref_slice %arg1[%dma_start3A_47, %dma_start3A_48, %dma_start3A_49] : memref<32x64x4096xf32, #tpu.memory_space<any>> -> memref<8x32x4096xf32, #tpu.memory_space<any>>
    tpu.enqueue_dma source(%dma_start3A_50 : memref<8x32x4096xf32, #tpu.memory_space<any>>) target(%dma_start3A_46 : memref<8x32x4096xf32, #tpu.memory_space<vmem>>) target_semaphore(%dma_start3A_41 : memref<!tpu.dma_semaphore, #tpu.memory_space<semaphore_mem>>)
    %dma_wait3A = arith.constant 0 : i32
    %dma_wait3A_51 = arith.constant 0 : i32
    %dma_wait3A_52 = tpu.memref_slice %arg5[%dma_wait3A_51] : memref<4x!tpu.dma_semaphore, #tpu.memory_space<semaphore_mem>> -> memref<1x!tpu.dma_semaphore, #tpu.memory_space<semaphore_mem>>
    %dma_wait3A_53 = tpu.memref_squeeze %dma_wait3A_52 : memref<1x!tpu.dma_semaphore, #tpu.memory_space<semaphore_mem>> -> memref<!tpu.dma_semaphore, #tpu.memory_space<semaphore_mem>>
    %dma_wait3A_54 = arith.constant 0 : i32
    %dma_wait3A_55 = arith.constant 0 : i32
    %dma_wait3A_56 = arith.constant 0 : i32
    %dma_wait3A_57 = tpu.memref_slice %arg3[%dma_wait3A, %dma_wait3A_54, %dma_wait3A_55, %dma_wait3A_56] : memref<4x8x32x4096xf32, #tpu.memory_space<vmem>> -> memref<1x8x32x4096xf32, #tpu.memory_space<vmem>>
    %dma_wait3A_58 = tpu.memref_squeeze %dma_wait3A_57 : memref<1x8x32x4096xf32, #tpu.memory_space<vmem>> -> memref<8x32x4096xf32, #tpu.memory_space<vmem>>
    %dma_wait3A_59 = arith.constant 0 : i32
    %dma_wait3A_60 = arith.constant 0 : i32
    %dma_wait3A_61 = arith.constant 0 : i32
    %dma_wait3A_62 = tpu.memref_slice %arg1[%dma_wait3A_59, %dma_wait3A_60, %dma_wait3A_61] : memref<32x64x4096xf32, #tpu.memory_space<any>> -> memref<8x32x4096xf32, #tpu.memory_space<any>>
    tpu.wait_dma2 semaphore(%dma_wait3A_53 : memref<!tpu.dma_semaphore, #tpu.memory_space<semaphore_mem>>) src(%dma_wait3A_62 : memref<8x32x4096xf32, #tpu.memory_space<any>>) dst(%dma_wait3A_58 : memref<8x32x4096xf32, #tpu.memory_space<vmem>>)
    %get3A = arith.constant 0 : index
    %get3A_63 = arith.constant 0 : index
    %get3A_64 = vector.load %arg0[%get3A, %get3A_63] : memref<32x4096xf32, #tpu.memory_space<vmem>>, vector<8x4096xf32>
    %get3A_65 = arith.constant 0 : index
    %get3A_66 = arith.constant 0 : index
    %get3A_67 = arith.constant 0 : index
    %get3A_68 = arith.constant 0 : index
    %get3A_69 = vector.load %arg3[%get3A_65, %get3A_66, %get3A_67, %get3A_68] : memref<4x8x32x4096xf32, #tpu.memory_space<vmem>>, vector<1x8x32x4096xf32>
    %get3A_70 = vector.shape_cast %get3A_69 : vector<1x8x32x4096xf32> to vector<8x32x4096xf32>
    %broadcast_in_dim3A = vector.shape_cast %get3A_64 : vector<8x4096xf32> to vector<8x1x4096xf32>
    %mul3A = vector.broadcast %broadcast_in_dim3A : vector<8x1x4096xf32> to vector<8x32x4096xf32>
    %mul3A_71 = arith.mulf %get3A_70, %mul3A : vector<8x32x4096xf32>
    %swap3A = arith.constant 0 : index
    %swap3A_72 = arith.constant 0 : index
    %swap3A_73 = arith.constant 0 : index
    %swap3A_74 = arith.constant 0 : index
    %swap3A_75 = vector.load %arg4[%swap3A, %swap3A_72, %swap3A_73, %swap3A_74] : memref<2x8x32x4096xf32, #tpu.memory_space<vmem>>, vector<1x8x32x4096xf32>
    %swap3A_76 = vector.shape_cast %swap3A_75 : vector<1x8x32x4096xf32> to vector<8x32x4096xf32>
    %swap3A_77 = vector.shape_cast %mul3A_71 : vector<8x32x4096xf32> to vector<1x8x32x4096xf32>
    tpu.vector_store %arg4[%swap3A, %swap3A_72, %swap3A_73, %swap3A_74], %swap3A_77 {strides = array<i32>} : memref<2x8x32x4096xf32, #tpu.memory_space<vmem>>, vector<1x8x32x4096xf32>,
    %dma_start3A_78 = arith.constant 0 : i32
    %dma_start3A_79 = arith.constant 0 : i32
    %dma_start3A_80 = tpu.memref_slice %arg6[%dma_start3A_79] : memref<2x!tpu.dma_semaphore, #tpu.memory_space<semaphore_mem>> -> memref<1x!tpu.dma_semaphore, #tpu.memory_space<semaphore_mem>>
    %dma_start3A_81 = tpu.memref_squeeze %dma_start3A_80 : memref<1x!tpu.dma_semaphore, #tpu.memory_space<semaphore_mem>> -> memref<!tpu.dma_semaphore, #tpu.memory_space<semaphore_mem>>
    %dma_start3A_82 = arith.constant 0 : i32
    %dma_start3A_83 = arith.constant 0 : i32
    %dma_start3A_84 = arith.constant 0 : i32
    %dma_start3A_85 = tpu.memref_slice %arg2[%dma_start3A_82, %dma_start3A_83, %dma_start3A_84] : memref<32x64x4096xf32, #tpu.memory_space<any>> -> memref<8x32x4096xf32, #tpu.memory_space<any>>
    %dma_start3A_86 = arith.constant 0 : i32
    %dma_start3A_87 = arith.constant 0 : i32
    %dma_start3A_88 = arith.constant 0 : i32
    %dma_start3A_89 = tpu.memref_slice %arg4[%dma_start3A_78, %dma_start3A_86, %dma_start3A_87, %dma_start3A_88] : memref<2x8x32x4096xf32, #tpu.memory_space<vmem>> -> memref<1x8x32x4096xf32, #tpu.memory_space<vmem>>
    %dma_start3A_90 = tpu.memref_squeeze %dma_start3A_89 : memref<1x8x32x4096xf32, #tpu.memory_space<vmem>> -> memref<8x32x4096xf32, #tpu.memory_space<vmem>>
    tpu.enqueue_dma source(%dma_start3A_90 : memref<8x32x4096xf32, #tpu.memory_space<vmem>>) target(%dma_start3A_85 : memref<8x32x4096xf32, #tpu.memory_space<any>>) target_semaphore(%dma_start3A_81 : memref<!tpu.dma_semaphore, #tpu.memory_space<semaphore_mem>>)
    %dma_start3A_91 = arith.constant 0 : i32
    %dma_start3A_92 = arith.constant 0 : i32
    %dma_start3A_93 = tpu.memref_slice %arg5[%dma_start3A_92] : memref<4x!tpu.dma_semaphore, #tpu.memory_space<semaphore_mem>> -> memref<1x!tpu.dma_semaphore, #tpu.memory_space<semaphore_mem>>
    %dma_start3A_94 = tpu.memref_squeeze %dma_start3A_93 : memref<1x!tpu.dma_semaphore, #tpu.memory_space<semaphore_mem>> -> memref<!tpu.dma_semaphore, #tpu.memory_space<semaphore_mem>>
    %dma_start3A_95 = arith.constant 0 : i32
    %dma_start3A_96 = arith.constant 0 : i32
    %dma_start3A_97 = arith.constant 0 : i32
    %dma_start3A_98 = tpu.memref_slice %arg3[%dma_start3A_91, %dma_start3A_95, %dma_start3A_96, %dma_start3A_97] : memref<4x8x32x4096xf32, #tpu.memory_space<vmem>> -> memref<1x8x32x4096xf32, #tpu.memory_space<vmem>>
    %dma_start3A_99 = tpu.memref_squeeze %dma_start3A_98 : memref<1x8x32x4096xf32, #tpu.memory_space<vmem>> -> memref<8x32x4096xf32, #tpu.memory_space<vmem>>
    %dma_start3A_100 = arith.constant 16 : i32
    %dma_start3A_101 = arith.constant 0 : i32
    %dma_start3A_102 = arith.constant 0 : i32
    %dma_start3A_103 = tpu.memref_slice %arg1[%dma_start3A_100, %dma_start3A_101, %dma_start3A_102] : memref<32x64x4096xf32, #tpu.memory_space<any>> -> memref<8x32x4096xf32, #tpu.memory_space<any>>
    tpu.enqueue_dma source(%dma_start3A_103 : memref<8x32x4096xf32, #tpu.memory_space<any>>) target(%dma_start3A_99 : memref<8x32x4096xf32, #tpu.memory_space<vmem>>) target_semaphore(%dma_start3A_94 : memref<!tpu.dma_semaphore, #tpu.memory_space<semaphore_mem>>)
    %dma_wait3A_104 = arith.constant 1 : i32
    %dma_wait3A_105 = arith.constant 1 : i32
    %dma_wait3A_106 = tpu.memref_slice %arg5[%dma_wait3A_105] : memref<4x!tpu.dma_semaphore, #tpu.memory_space<semaphore_mem>> -> memref<1x!tpu.dma_semaphore, #tpu.memory_space<semaphore_mem>>
    %dma_wait3A_107 = tpu.memref_squeeze %dma_wait3A_106 : memref<1x!tpu.dma_semaphore, #tpu.memory_space<semaphore_mem>> -> memref<!tpu.dma_semaphore, #tpu.memory_space<semaphore_mem>>
    %dma_wait3A_108 = arith.constant 0 : i32
    %dma_wait3A_109 = arith.constant 0 : i32
    %dma_wait3A_110 = arith.constant 0 : i32
    %dma_wait3A_111 = tpu.memref_slice %arg3[%dma_wait3A_104, %dma_wait3A_108, %dma_wait3A_109, %dma_wait3A_110] : memref<4x8x32x4096xf32, #tpu.memory_space<vmem>> -> memref<1x8x32x4096xf32, #tpu.memory_space<vmem>>
    %dma_wait3A_112 = tpu.memref_squeeze %dma_wait3A_111 : memref<1x8x32x4096xf32, #tpu.memory_space<vmem>> -> memref<8x32x4096xf32, #tpu.memory_space<vmem>>
    %dma_wait3A_113 = arith.constant 0 : i32
    %dma_wait3A_114 = arith.constant 32 : i32
    %dma_wait3A_115 = arith.constant 0 : i32
    %dma_wait3A_116 = tpu.memref_slice %arg1[%dma_wait3A_113, %dma_wait3A_114, %dma_wait3A_115] : memref<32x64x4096xf32, #tpu.memory_space<any>> -> memref<8x32x4096xf32, #tpu.memory_space<any>>
    tpu.wait_dma2 semaphore(%dma_wait3A_107 : memref<!tpu.dma_semaphore, #tpu.memory_space<semaphore_mem>>) src(%dma_wait3A_116 : memref<8x32x4096xf32, #tpu.memory_space<any>>) dst(%dma_wait3A_112 : memref<8x32x4096xf32, #tpu.memory_space<vmem>>)
    %get3A_117 = arith.constant 0 : index
    %get3A_118 = arith.constant 0 : index
    %get3A_119 = vector.load %arg0[%get3A_117, %get3A_118] : memref<32x4096xf32, #tpu.memory_space<vmem>>, vector<8x4096xf32>
    %get3A_120 = arith.constant 1 : index
    %get3A_121 = arith.constant 0 : index
    %get3A_122 = arith.constant 0 : index
    %get3A_123 = arith.constant 0 : index
    %get3A_124 = vector.load %arg3[%get3A_120, %get3A_121, %get3A_122, %get3A_123] : memref<4x8x32x4096xf32, #tpu.memory_space<vmem>>, vector<1x8x32x4096xf32>
    %get3A_125 = vector.shape_cast %get3A_124 : vector<1x8x32x4096xf32> to vector<8x32x4096xf32>
    %broadcast_in_dim3A_126 = vector.shape_cast %get3A_119 : vector<8x4096xf32> to vector<8x1x4096xf32>
    %mul3A_127 = vector.broadcast %broadcast_in_dim3A_126 : vector<8x1x4096xf32> to vector<8x32x4096xf32>
    %mul3A_128 = arith.mulf %get3A_125, %mul3A_127 : vector<8x32x4096xf32>
    %swap3A_129 = arith.constant 1 : index
    %swap3A_130 = arith.constant 0 : index
    %swap3A_131 = arith.constant 0 : index
    %swap3A_132 = arith.constant 0 : index
    %swap3A_133 = vector.load %arg4[%swap3A_129, %swap3A_130, %swap3A_131, %swap3A_132] : memref<2x8x32x4096xf32, #tpu.memory_space<vmem>>, vector<1x8x32x4096xf32>
    %swap3A_134 = vector.shape_cast %swap3A_133 : vector<1x8x32x4096xf32> to vector<8x32x4096xf32>
    %swap3A_135 = vector.shape_cast %mul3A_128 : vector<8x32x4096xf32> to vector<1x8x32x4096xf32>
    tpu.vector_store %arg4[%swap3A_129, %swap3A_130, %swap3A_131, %swap3A_132], %swap3A_135 {strides = array<i32>} : memref<2x8x32x4096xf32, #tpu.memory_space<vmem>>, vector<1x8x32x4096xf32>,
    %dma_start3A_136 = arith.constant 1 : i32
    %dma_start3A_137 = arith.constant 1 : i32
    %dma_start3A_138 = tpu.memref_slice %arg6[%dma_start3A_137] : memref<2x!tpu.dma_semaphore, #tpu.memory_space<semaphore_mem>> -> memref<1x!tpu.dma_semaphore, #tpu.memory_space<semaphore_mem>>
    %dma_start3A_139 = tpu.memref_squeeze %dma_start3A_138 : memref<1x!tpu.dma_semaphore, #tpu.memory_space<semaphore_mem>> -> memref<!tpu.dma_semaphore, #tpu.memory_space<semaphore_mem>>
    %dma_start3A_140 = arith.constant 0 : i32
    %dma_start3A_141 = arith.constant 32 : i32
    %dma_start3A_142 = arith.constant 0 : i32
    %dma_start3A_143 = tpu.memref_slice %arg2[%dma_start3A_140, %dma_start3A_141, %dma_start3A_142] : memref<32x64x4096xf32, #tpu.memory_space<any>> -> memref<8x32x4096xf32, #tpu.memory_space<any>>
    %dma_start3A_144 = arith.constant 0 : i32
    %dma_start3A_145 = arith.constant 0 : i32
    %dma_start3A_146 = arith.constant 0 : i32
    %dma_start3A_147 = tpu.memref_slice %arg4[%dma_start3A_136, %dma_start3A_144, %dma_start3A_145, %dma_start3A_146] : memref<2x8x32x4096xf32, #tpu.memory_space<vmem>> -> memref<1x8x32x4096xf32, #tpu.memory_space<vmem>>
    %dma_start3A_148 = tpu.memref_squeeze %dma_start3A_147 : memref<1x8x32x4096xf32, #tpu.memory_space<vmem>> -> memref<8x32x4096xf32, #tpu.memory_space<vmem>>
    tpu.enqueue_dma source(%dma_start3A_148 : memref<8x32x4096xf32, #tpu.memory_space<vmem>>) target(%dma_start3A_143 : memref<8x32x4096xf32, #tpu.memory_space<any>>) target_semaphore(%dma_start3A_139 : memref<!tpu.dma_semaphore, #tpu.memory_space<semaphore_mem>>)
    %dma_start3A_149 = arith.constant 1 : i32
    %dma_start3A_150 = arith.constant 1 : i32
    %dma_start3A_151 = tpu.memref_slice %arg5[%dma_start3A_150] : memref<4x!tpu.dma_semaphore, #tpu.memory_space<semaphore_mem>> -> memref<1x!tpu.dma_semaphore, #tpu.memory_space<semaphore_mem>>
    %dma_start3A_152 = tpu.memref_squeeze %dma_start3A_151 : memref<1x!tpu.dma_semaphore, #tpu.memory_space<semaphore_mem>> -> memref<!tpu.dma_semaphore, #tpu.memory_space<semaphore_mem>>
    %dma_start3A_153 = arith.constant 0 : i32
    %dma_start3A_154 = arith.constant 0 : i32
    %dma_start3A_155 = arith.constant 0 : i32
    %dma_start3A_156 = tpu.memref_slice %arg3[%dma_start3A_149, %dma_start3A_153, %dma_start3A_154, %dma_start3A_155] : memref<4x8x32x4096xf32, #tpu.memory_space<vmem>> -> memref<1x8x32x4096xf32, #tpu.memory_space<vmem>>
    %dma_start3A_157 = tpu.memref_squeeze %dma_start3A_156 : memref<1x8x32x4096xf32, #tpu.memory_space<vmem>> -> memref<8x32x4096xf32, #tpu.memory_space<vmem>>
    %dma_start3A_158 = arith.constant 16 : i32
    %dma_start3A_159 = arith.constant 32 : i32
    %dma_start3A_160 = arith.constant 0 : i32
    %dma_start3A_161 = tpu.memref_slice %arg1[%dma_start3A_158, %dma_start3A_159, %dma_start3A_160] : memref<32x64x4096xf32, #tpu.memory_space<any>> -> memref<8x32x4096xf32, #tpu.memory_space<any>>
    tpu.enqueue_dma source(%dma_start3A_161 : memref<8x32x4096xf32, #tpu.memory_space<any>>) target(%dma_start3A_157 : memref<8x32x4096xf32, #tpu.memory_space<vmem>>) target_semaphore(%dma_start3A_152 : memref<!tpu.dma_semaphore, #tpu.memory_space<semaphore_mem>>)
    %dma_wait3A_162 = arith.constant 2 : i32
    %dma_wait3A_163 = arith.constant 2 : i32
    %dma_wait3A_164 = tpu.memref_slice %arg5[%dma_wait3A_163] : memref<4x!tpu.dma_semaphore, #tpu.memory_space<semaphore_mem>> -> memref<1x!tpu.dma_semaphore, #tpu.memory_space<semaphore_mem>>
    %dma_wait3A_165 = tpu.memref_squeeze %dma_wait3A_164 : memref<1x!tpu.dma_semaphore, #tpu.memory_space<semaphore_mem>> -> memref<!tpu.dma_semaphore, #tpu.memory_space<semaphore_mem>>
    %dma_wait3A_166 = arith.constant 0 : i32
    %dma_wait3A_167 = arith.constant 0 : i32
    %dma_wait3A_168 = arith.constant 0 : i32
    %dma_wait3A_169 = tpu.memref_slice %arg3[%dma_wait3A_162, %dma_wait3A_166, %dma_wait3A_167, %dma_wait3A_168] : memref<4x8x32x4096xf32, #tpu.memory_space<vmem>> -> memref<1x8x32x4096xf32, #tpu.memory_space<vmem>>
    %dma_wait3A_170 = tpu.memref_squeeze %dma_wait3A_169 : memref<1x8x32x4096xf32, #tpu.memory_space<vmem>> -> memref<8x32x4096xf32, #tpu.memory_space<vmem>>
    %dma_wait3A_171 = arith.constant 8 : i32
    %dma_wait3A_172 = arith.constant 0 : i32
    %dma_wait3A_173 = arith.constant 0 : i32
    %dma_wait3A_174 = tpu.memref_slice %arg1[%dma_wait3A_171, %dma_wait3A_172, %dma_wait3A_173] : memref<32x64x4096xf32, #tpu.memory_space<any>> -> memref<8x32x4096xf32, #tpu.memory_space<any>>
    tpu.wait_dma2 semaphore(%dma_wait3A_165 : memref<!tpu.dma_semaphore, #tpu.memory_space<semaphore_mem>>) src(%dma_wait3A_174 : memref<8x32x4096xf32, #tpu.memory_space<any>>) dst(%dma_wait3A_170 : memref<8x32x4096xf32, #tpu.memory_space<vmem>>)
    %get3A_175 = arith.constant 8 : index
    %get3A_176 = arith.constant 0 : index
    %get3A_177 = vector.load %arg0[%get3A_175, %get3A_176] : memref<32x4096xf32, #tpu.memory_space<vmem>>, vector<8x4096xf32>
    %get3A_178 = arith.constant 2 : index
    %get3A_179 = arith.constant 0 : index
    %get3A_180 = arith.constant 0 : index
    %get3A_181 = arith.constant 0 : index
    %get3A_182 = vector.load %arg3[%get3A_178, %get3A_179, %get3A_180, %get3A_181] : memref<4x8x32x4096xf32, #tpu.memory_space<vmem>>, vector<1x8x32x4096xf32>
    %get3A_183 = vector.shape_cast %get3A_182 : vector<1x8x32x4096xf32> to vector<8x32x4096xf32>
    %broadcast_in_dim3A_184 = vector.shape_cast %get3A_177 : vector<8x4096xf32> to vector<8x1x4096xf32>
    %mul3A_185 = vector.broadcast %broadcast_in_dim3A_184 : vector<8x1x4096xf32> to vector<8x32x4096xf32>
    %mul3A_186 = arith.mulf %get3A_183, %mul3A_185 : vector<8x32x4096xf32>
    %dma_wait3A_187 = arith.constant 0 : i32
    %dma_wait3A_188 = arith.constant 0 : i32
    %dma_wait3A_189 = tpu.memref_slice %arg6[%dma_wait3A_188] : memref<2x!tpu.dma_semaphore, #tpu.memory_space<semaphore_mem>> -> memref<1x!tpu.dma_semaphore, #tpu.memory_space<semaphore_mem>>
    %dma_wait3A_190 = tpu.memref_squeeze %dma_wait3A_189 : memref<1x!tpu.dma_semaphore, #tpu.memory_space<semaphore_mem>> -> memref<!tpu.dma_semaphore, #tpu.memory_space<semaphore_mem>>
    %dma_wait3A_191 = arith.constant 0 : i32
    %dma_wait3A_192 = arith.constant 0 : i32
    %dma_wait3A_193 = arith.constant 0 : i32
    %dma_wait3A_194 = tpu.memref_slice %arg2[%dma_wait3A_191, %dma_wait3A_192, %dma_wait3A_193] : memref<32x64x4096xf32, #tpu.memory_space<any>> -> memref<8x32x4096xf32, #tpu.memory_space<any>>
    %dma_wait3A_195 = arith.constant 0 : i32
    %dma_wait3A_196 = arith.constant 0 : i32
    %dma_wait3A_197 = arith.constant 0 : i32
    %dma_wait3A_198 = tpu.memref_slice %arg4[%dma_wait3A_187, %dma_wait3A_195, %dma_wait3A_196, %dma_wait3A_197] : memref<2x8x32x4096xf32, #tpu.memory_space<vmem>> -> memref<1x8x32x4096xf32, #tpu.memory_space<vmem>>
    %dma_wait3A_199 = tpu.memref_squeeze %dma_wait3A_198 : memref<1x8x32x4096xf32, #tpu.memory_space<vmem>> -> memref<8x32x4096xf32, #tpu.memory_space<vmem>>
    tpu.wait_dma2 semaphore(%dma_wait3A_190 : memref<!tpu.dma_semaphore, #tpu.memory_space<semaphore_mem>>) src(%dma_wait3A_199 : memref<8x32x4096xf32, #tpu.memory_space<vmem>>) dst(%dma_wait3A_194 : memref<8x32x4096xf32, #tpu.memory_space<any>>)
    %swap3A_200 = arith.constant 0 : index
    %swap3A_201 = arith.constant 0 : index
    %swap3A_202 = arith.constant 0 : index
    %swap3A_203 = arith.constant 0 : index
    %swap3A_204 = vector.load %arg4[%swap3A_200, %swap3A_201, %swap3A_202, %swap3A_203] : memref<2x8x32x4096xf32, #tpu.memory_space<vmem>>, vector<1x8x32x4096xf32>
    %swap3A_205 = vector.shape_cast %swap3A_204 : vector<1x8x32x4096xf32> to vector<8x32x4096xf32>
    %swap3A_206 = vector.shape_cast %mul3A_186 : vector<8x32x4096xf32> to vector<1x8x32x4096xf32>
    tpu.vector_store %arg4[%swap3A_200, %swap3A_201, %swap3A_202, %swap3A_203], %swap3A_206 {strides = array<i32>} : memref<2x8x32x4096xf32, #tpu.memory_space<vmem>>, vector<1x8x32x4096xf32>,
    %dma_start3A_207 = arith.constant 0 : i32
    %dma_start3A_208 = arith.constant 0 : i32
    %dma_start3A_209 = tpu.memref_slice %arg6[%dma_start3A_208] : memref<2x!tpu.dma_semaphore, #tpu.memory_space<semaphore_mem>> -> memref<1x!tpu.dma_semaphore, #tpu.memory_space<semaphore_mem>>
    %dma_start3A_210 = tpu.memref_squeeze %dma_start3A_209 : memref<1x!tpu.dma_semaphore, #tpu.memory_space<semaphore_mem>> -> memref<!tpu.dma_semaphore, #tpu.memory_space<semaphore_mem>>
    %dma_start3A_211 = arith.constant 8 : i32
    %dma_start3A_212 = arith.constant 0 : i32
    %dma_start3A_213 = arith.constant 0 : i32
    %dma_start3A_214 = tpu.memref_slice %arg2[%dma_start3A_211, %dma_start3A_212, %dma_start3A_213] : memref<32x64x4096xf32, #tpu.memory_space<any>> -> memref<8x32x4096xf32, #tpu.memory_space<any>>
    %dma_start3A_215 = arith.constant 0 : i32
    %dma_start3A_216 = arith.constant 0 : i32
    %dma_start3A_217 = arith.constant 0 : i32
    %dma_start3A_218 = tpu.memref_slice %arg4[%dma_start3A_207, %dma_start3A_215, %dma_start3A_216, %dma_start3A_217] : memref<2x8x32x4096xf32, #tpu.memory_space<vmem>> -> memref<1x8x32x4096xf32, #tpu.memory_space<vmem>>
    %dma_start3A_219 = tpu.memref_squeeze %dma_start3A_218 : memref<1x8x32x4096xf32, #tpu.memory_space<vmem>> -> memref<8x32x4096xf32, #tpu.memory_space<vmem>>
    tpu.enqueue_dma source(%dma_start3A_219 : memref<8x32x4096xf32, #tpu.memory_space<vmem>>) target(%dma_start3A_214 : memref<8x32x4096xf32, #tpu.memory_space<any>>) target_semaphore(%dma_start3A_210 : memref<!tpu.dma_semaphore, #tpu.memory_space<semaphore_mem>>)
    %dma_start3A_220 = arith.constant 2 : i32
    %dma_start3A_221 = arith.constant 2 : i32
    %dma_start3A_222 = tpu.memref_slice %arg5[%dma_start3A_221] : memref<4x!tpu.dma_semaphore, #tpu.memory_space<semaphore_mem>> -> memref<1x!tpu.dma_semaphore, #tpu.memory_space<semaphore_mem>>
    %dma_start3A_223 = tpu.memref_squeeze %dma_start3A_222 : memref<1x!tpu.dma_semaphore, #tpu.memory_space<semaphore_mem>> -> memref<!tpu.dma_semaphore, #tpu.memory_space<semaphore_mem>>
    %dma_start3A_224 = arith.constant 0 : i32
    %dma_start3A_225 = arith.constant 0 : i32
    %dma_start3A_226 = arith.constant 0 : i32
    %dma_start3A_227 = tpu.memref_slice %arg3[%dma_start3A_220, %dma_start3A_224, %dma_start3A_225, %dma_start3A_226] : memref<4x8x32x4096xf32, #tpu.memory_space<vmem>> -> memref<1x8x32x4096xf32, #tpu.memory_space<vmem>>
    %dma_start3A_228 = tpu.memref_squeeze %dma_start3A_227 : memref<1x8x32x4096xf32, #tpu.memory_space<vmem>> -> memref<8x32x4096xf32, #tpu.memory_space<vmem>>
    %dma_start3A_229 = arith.constant 24 : i32
    %dma_start3A_230 = arith.constant 0 : i32
    %dma_start3A_231 = arith.constant 0 : i32
    %dma_start3A_232 = tpu.memref_slice %arg1[%dma_start3A_229, %dma_start3A_230, %dma_start3A_231] : memref<32x64x4096xf32, #tpu.memory_space<any>> -> memref<8x32x4096xf32, #tpu.memory_space<any>>
    tpu.enqueue_dma source(%dma_start3A_232 : memref<8x32x4096xf32, #tpu.memory_space<any>>) target(%dma_start3A_228 : memref<8x32x4096xf32, #tpu.memory_space<vmem>>) target_semaphore(%dma_start3A_223 : memref<!tpu.dma_semaphore, #tpu.memory_space<semaphore_mem>>)
    %dma_wait3A_233 = arith.constant 3 : i32
    %dma_wait3A_234 = arith.constant 3 : i32
    %dma_wait3A_235 = tpu.memref_slice %arg5[%dma_wait3A_234] : memref<4x!tpu.dma_semaphore, #tpu.memory_space<semaphore_mem>> -> memref<1x!tpu.dma_semaphore, #tpu.memory_space<semaphore_mem>>
    %dma_wait3A_236 = tpu.memref_squeeze %dma_wait3A_235 : memref<1x!tpu.dma_semaphore, #tpu.memory_space<semaphore_mem>> -> memref<!tpu.dma_semaphore, #tpu.memory_space<semaphore_mem>>
    %dma_wait3A_237 = arith.constant 0 : i32
    %dma_wait3A_238 = arith.constant 0 : i32
    %dma_wait3A_239 = arith.constant 0 : i32
    %dma_wait3A_240 = tpu.memref_slice %arg3[%dma_wait3A_233, %dma_wait3A_237, %dma_wait3A_238, %dma_wait3A_239] : memref<4x8x32x4096xf32, #tpu.memory_space<vmem>> -> memref<1x8x32x4096xf32, #tpu.memory_space<vmem>>
    %dma_wait3A_241 = tpu.memref_squeeze %dma_wait3A_240 : memref<1x8x32x4096xf32, #tpu.memory_space<vmem>> -> memref<8x32x4096xf32, #tpu.memory_space<vmem>>
    %dma_wait3A_242 = arith.constant 8 : i32
    %dma_wait3A_243 = arith.constant 32 : i32
    %dma_wait3A_244 = arith.constant 0 : i32
    %dma_wait3A_245 = tpu.memref_slice %arg1[%dma_wait3A_242, %dma_wait3A_243, %dma_wait3A_244] : memref<32x64x4096xf32, #tpu.memory_space<any>> -> memref<8x32x4096xf32, #tpu.memory_space<any>>
    tpu.wait_dma2 semaphore(%dma_wait3A_236 : memref<!tpu.dma_semaphore, #tpu.memory_space<semaphore_mem>>) src(%dma_wait3A_245 : memref<8x32x4096xf32, #tpu.memory_space<any>>) dst(%dma_wait3A_241 : memref<8x32x4096xf32, #tpu.memory_space<vmem>>)
    %get3A_246 = arith.constant 8 : index
    %get3A_247 = arith.constant 0 : index
    %get3A_248 = vector.load %arg0[%get3A_246, %get3A_247] : memref<32x4096xf32, #tpu.memory_space<vmem>>, vector<8x4096xf32>
    %get3A_249 = arith.constant 3 : index
    %get3A_250 = arith.constant 0 : index
    %get3A_251 = arith.constant 0 : index
    %get3A_252 = arith.constant 0 : index
    %get3A_253 = vector.load %arg3[%get3A_249, %get3A_250, %get3A_251, %get3A_252] : memref<4x8x32x4096xf32, #tpu.memory_space<vmem>>, vector<1x8x32x4096xf32>
    %get3A_254 = vector.shape_cast %get3A_253 : vector<1x8x32x4096xf32> to vector<8x32x4096xf32>
    %broadcast_in_dim3A_255 = vector.shape_cast %get3A_248 : vector<8x4096xf32> to vector<8x1x4096xf32>
    %mul3A_256 = vector.broadcast %broadcast_in_dim3A_255 : vector<8x1x4096xf32> to vector<8x32x4096xf32>
    %mul3A_257 = arith.mulf %get3A_254, %mul3A_256 : vector<8x32x4096xf32>
    %dma_wait3A_258 = arith.constant 1 : i32
    %dma_wait3A_259 = arith.constant 1 : i32
    %dma_wait3A_260 = tpu.memref_slice %arg6[%dma_wait3A_259] : memref<2x!tpu.dma_semaphore, #tpu.memory_space<semaphore_mem>> -> memref<1x!tpu.dma_semaphore, #tpu.memory_space<semaphore_mem>>
    %dma_wait3A_261 = tpu.memref_squeeze %dma_wait3A_260 : memref<1x!tpu.dma_semaphore, #tpu.memory_space<semaphore_mem>> -> memref<!tpu.dma_semaphore, #tpu.memory_space<semaphore_mem>>
    %dma_wait3A_262 = arith.constant 0 : i32
    %dma_wait3A_263 = arith.constant 32 : i32
    %dma_wait3A_264 = arith.constant 0 : i32
    %dma_wait3A_265 = tpu.memref_slice %arg2[%dma_wait3A_262, %dma_wait3A_263, %dma_wait3A_264] : memref<32x64x4096xf32, #tpu.memory_space<any>> -> memref<8x32x4096xf32, #tpu.memory_space<any>>
    %dma_wait3A_266 = arith.constant 0 : i32
    %dma_wait3A_267 = arith.constant 0 : i32
    %dma_wait3A_268 = arith.constant 0 : i32
    %dma_wait3A_269 = tpu.memref_slice %arg4[%dma_wait3A_258, %dma_wait3A_266, %dma_wait3A_267, %dma_wait3A_268] : memref<2x8x32x4096xf32, #tpu.memory_space<vmem>> -> memref<1x8x32x4096xf32, #tpu.memory_space<vmem>>
    %dma_wait3A_270 = tpu.memref_squeeze %dma_wait3A_269 : memref<1x8x32x4096xf32, #tpu.memory_space<vmem>> -> memref<8x32x4096xf32, #tpu.memory_space<vmem>>
    tpu.wait_dma2 semaphore(%dma_wait3A_261 : memref<!tpu.dma_semaphore, #tpu.memory_space<semaphore_mem>>) src(%dma_wait3A_270 : memref<8x32x4096xf32, #tpu.memory_space<vmem>>) dst(%dma_wait3A_265 : memref<8x32x4096xf32, #tpu.memory_space<any>>)
    %swap3A_271 = arith.constant 1 : index
    %swap3A_272 = arith.constant 0 : index
    %swap3A_273 = arith.constant 0 : index
    %swap3A_274 = arith.constant 0 : index
    %swap3A_275 = vector.load %arg4[%swap3A_271, %swap3A_272, %swap3A_273, %swap3A_274] : memref<2x8x32x4096xf32, #tpu.memory_space<vmem>>, vector<1x8x32x4096xf32>
    %swap3A_276 = vector.shape_cast %swap3A_275 : vector<1x8x32x4096xf32> to vector<8x32x4096xf32>
    %swap3A_277 = vector.shape_cast %mul3A_257 : vector<8x32x4096xf32> to vector<1x8x32x4096xf32>
    tpu.vector_store %arg4[%swap3A_271, %swap3A_272, %swap3A_273, %swap3A_274], %swap3A_277 {strides = array<i32>} : memref<2x8x32x4096xf32, #tpu.memory_space<vmem>>, vector<1x8x32x4096xf32>,
    %dma_start3A_278 = arith.constant 1 : i32
    %dma_start3A_279 = arith.constant 1 : i32
    %dma_start3A_280 = tpu.memref_slice %arg6[%dma_start3A_279] : memref<2x!tpu.dma_semaphore, #tpu.memory_space<semaphore_mem>> -> memref<1x!tpu.dma_semaphore, #tpu.memory_space<semaphore_mem>>
    %dma_start3A_281 = tpu.memref_squeeze %dma_start3A_280 : memref<1x!tpu.dma_semaphore, #tpu.memory_space<semaphore_mem>> -> memref<!tpu.dma_semaphore, #tpu.memory_space<semaphore_mem>>
    %dma_start3A_282 = arith.constant 8 : i32
    %dma_start3A_283 = arith.constant 32 : i32
    %dma_start3A_284 = arith.constant 0 : i32
    %dma_start3A_285 = tpu.memref_slice %arg2[%dma_start3A_282, %dma_start3A_283, %dma_start3A_284] : memref<32x64x4096xf32, #tpu.memory_space<any>> -> memref<8x32x4096xf32, #tpu.memory_space<any>>
    %dma_start3A_286 = arith.constant 0 : i32
    %dma_start3A_287 = arith.constant 0 : i32
    %dma_start3A_288 = arith.constant 0 : i32
    %dma_start3A_289 = tpu.memref_slice %arg4[%dma_start3A_278, %dma_start3A_286, %dma_start3A_287, %dma_start3A_288] : memref<2x8x32x4096xf32, #tpu.memory_space<vmem>> -> memref<1x8x32x4096xf32, #tpu.memory_space<vmem>>
    %dma_start3A_290 = tpu.memref_squeeze %dma_start3A_289 : memref<1x8x32x4096xf32, #tpu.memory_space<vmem>> -> memref<8x32x4096xf32, #tpu.memory_space<vmem>>
    tpu.enqueue_dma source(%dma_start3A_290 : memref<8x32x4096xf32, #tpu.memory_space<vmem>>) target(%dma_start3A_285 : memref<8x32x4096xf32, #tpu.memory_space<any>>) target_semaphore(%dma_start3A_281 : memref<!tpu.dma_semaphore, #tpu.memory_space<semaphore_mem>>)
    %dma_start3A_291 = arith.constant 3 : i32
    %dma_start3A_292 = arith.constant 3 : i32
    %dma_start3A_293 = tpu.memref_slice %arg5[%dma_start3A_292] : memref<4x!tpu.dma_semaphore, #tpu.memory_space<semaphore_mem>> -> memref<1x!tpu.dma_semaphore, #tpu.memory_space<semaphore_mem>>
    %dma_start3A_294 = tpu.memref_squeeze %dma_start3A_293 : memref<1x!tpu.dma_semaphore, #tpu.memory_space<semaphore_mem>> -> memref<!tpu.dma_semaphore, #tpu.memory_space<semaphore_mem>>
    %dma_start3A_295 = arith.constant 0 : i32
    %dma_start3A_296 = arith.constant 0 : i32
    %dma_start3A_297 = arith.constant 0 : i32
    %dma_start3A_298 = tpu.memref_slice %arg3[%dma_start3A_291, %dma_start3A_295, %dma_start3A_296, %dma_start3A_297] : memref<4x8x32x4096xf32, #tpu.memory_space<vmem>> -> memref<1x8x32x4096xf32, #tpu.memory_space<vmem>>
    %dma_start3A_299 = tpu.memref_squeeze %dma_start3A_298 : memref<1x8x32x4096xf32, #tpu.memory_space<vmem>> -> memref<8x32x4096xf32, #tpu.memory_space<vmem>>
    %dma_start3A_300 = arith.constant 24 : i32
    %dma_start3A_301 = arith.constant 32 : i32
    %dma_start3A_302 = arith.constant 0 : i32
    %dma_start3A_303 = tpu.memref_slice %arg1[%dma_start3A_300, %dma_start3A_301, %dma_start3A_302] : memref<32x64x4096xf32, #tpu.memory_space<any>> -> memref<8x32x4096xf32, #tpu.memory_space<any>>
    tpu.enqueue_dma source(%dma_start3A_303 : memref<8x32x4096xf32, #tpu.memory_space<any>>) target(%dma_start3A_299 : memref<8x32x4096xf32, #tpu.memory_space<vmem>>) target_semaphore(%dma_start3A_294 : memref<!tpu.dma_semaphore, #tpu.memory_space<semaphore_mem>>)
    %dma_wait3A_304 = arith.constant 0 : i32
    %dma_wait3A_305 = arith.constant 0 : i32
    %dma_wait3A_306 = tpu.memref_slice %arg5[%dma_wait3A_305] : memref<4x!tpu.dma_semaphore, #tpu.memory_space<semaphore_mem>> -> memref<1x!tpu.dma_semaphore, #tpu.memory_space<semaphore_mem>>
    %dma_wait3A_307 = tpu.memref_squeeze %dma_wait3A_306 : memref<1x!tpu.dma_semaphore, #tpu.memory_space<semaphore_mem>> -> memref<!tpu.dma_semaphore, #tpu.memory_space<semaphore_mem>>
    %dma_wait3A_308 = arith.constant 0 : i32
    %dma_wait3A_309 = arith.constant 0 : i32
    %dma_wait3A_310 = arith.constant 0 : i32
    %dma_wait3A_311 = tpu.memref_slice %arg3[%dma_wait3A_304, %dma_wait3A_308, %dma_wait3A_309, %dma_wait3A_310] : memref<4x8x32x4096xf32, #tpu.memory_space<vmem>> -> memref<1x8x32x4096xf32, #tpu.memory_space<vmem>>
    %dma_wait3A_312 = tpu.memref_squeeze %dma_wait3A_311 : memref<1x8x32x4096xf32, #tpu.memory_space<vmem>> -> memref<8x32x4096xf32, #tpu.memory_space<vmem>>
    %dma_wait3A_313 = arith.constant 16 : i32
    %dma_wait3A_314 = arith.constant 0 : i32
    %dma_wait3A_315 = arith.constant 0 : i32
    %dma_wait3A_316 = tpu.memref_slice %arg1[%dma_wait3A_313, %dma_wait3A_314, %dma_wait3A_315] : memref<32x64x4096xf32, #tpu.memory_space<any>> -> memref<8x32x4096xf32, #tpu.memory_space<any>>
    tpu.wait_dma2 semaphore(%dma_wait3A_307 : memref<!tpu.dma_semaphore, #tpu.memory_space<semaphore_mem>>) src(%dma_wait3A_316 : memref<8x32x4096xf32, #tpu.memory_space<any>>) dst(%dma_wait3A_312 : memref<8x32x4096xf32, #tpu.memory_space<vmem>>)
    %get3A_317 = arith.constant 16 : index
    %get3A_318 = arith.constant 0 : index
    %get3A_319 = vector.load %arg0[%get3A_317, %get3A_318] : memref<32x4096xf32, #tpu.memory_space<vmem>>, vector<8x4096xf32>
    %get3A_320 = arith.constant 0 : index
    %get3A_321 = arith.constant 0 : index
    %get3A_322 = arith.constant 0 : index
    %get3A_323 = arith.constant 0 : index
    %get3A_324 = vector.load %arg3[%get3A_320, %get3A_321, %get3A_322, %get3A_323] : memref<4x8x32x4096xf32, #tpu.memory_space<vmem>>, vector<1x8x32x4096xf32>
    %get3A_325 = vector.shape_cast %get3A_324 : vector<1x8x32x4096xf32> to vector<8x32x4096xf32>
    %broadcast_in_dim3A_326 = vector.shape_cast %get3A_319 : vector<8x4096xf32> to vector<8x1x4096xf32>
    %mul3A_327 = vector.broadcast %broadcast_in_dim3A_326 : vector<8x1x4096xf32> to vector<8x32x4096xf32>
    %mul3A_328 = arith.mulf %get3A_325, %mul3A_327 : vector<8x32x4096xf32>
    %dma_wait3A_329 = arith.constant 0 : i32
    %dma_wait3A_330 = arith.constant 0 : i32
    %dma_wait3A_331 = tpu.memref_slice %arg6[%dma_wait3A_330] : memref<2x!tpu.dma_semaphore, #tpu.memory_space<semaphore_mem>> -> memref<1x!tpu.dma_semaphore, #tpu.memory_space<semaphore_mem>>
    %dma_wait3A_332 = tpu.memref_squeeze %dma_wait3A_331 : memref<1x!tpu.dma_semaphore, #tpu.memory_space<semaphore_mem>> -> memref<!tpu.dma_semaphore, #tpu.memory_space<semaphore_mem>>
    %dma_wait3A_333 = arith.constant 8 : i32
    %dma_wait3A_334 = arith.constant 0 : i32
    %dma_wait3A_335 = arith.constant 0 : i32
    %dma_wait3A_336 = tpu.memref_slice %arg2[%dma_wait3A_333, %dma_wait3A_334, %dma_wait3A_335] : memref<32x64x4096xf32, #tpu.memory_space<any>> -> memref<8x32x4096xf32, #tpu.memory_space<any>>
    %dma_wait3A_337 = arith.constant 0 : i32
    %dma_wait3A_338 = arith.constant 0 : i32
    %dma_wait3A_339 = arith.constant 0 : i32
    %dma_wait3A_340 = tpu.memref_slice %arg4[%dma_wait3A_329, %dma_wait3A_337, %dma_wait3A_338, %dma_wait3A_339] : memref<2x8x32x4096xf32, #tpu.memory_space<vmem>> -> memref<1x8x32x4096xf32, #tpu.memory_space<vmem>>
    %dma_wait3A_341 = tpu.memref_squeeze %dma_wait3A_340 : memref<1x8x32x4096xf32, #tpu.memory_space<vmem>> -> memref<8x32x4096xf32, #tpu.memory_space<vmem>>
    tpu.wait_dma2 semaphore(%dma_wait3A_332 : memref<!tpu.dma_semaphore, #tpu.memory_space<semaphore_mem>>) src(%dma_wait3A_341 : memref<8x32x4096xf32, #tpu.memory_space<vmem>>) dst(%dma_wait3A_336 : memref<8x32x4096xf32, #tpu.memory_space<any>>)
    %swap3A_342 = arith.constant 0 : index
    %swap3A_343 = arith.constant 0 : index
    %swap3A_344 = arith.constant 0 : index
    %swap3A_345 = arith.constant 0 : index
    %swap3A_346 = vector.load %arg4[%swap3A_342, %swap3A_343, %swap3A_344, %swap3A_345] : memref<2x8x32x4096xf32, #tpu.memory_space<vmem>>, vector<1x8x32x4096xf32>
    %swap3A_347 = vector.shape_cast %swap3A_346 : vector<1x8x32x4096xf32> to vector<8x32x4096xf32>
    %swap3A_348 = vector.shape_cast %mul3A_328 : vector<8x32x4096xf32> to vector<1x8x32x4096xf32>
    tpu.vector_store %arg4[%swap3A_342, %swap3A_343, %swap3A_344, %swap3A_345], %swap3A_348 {strides = array<i32>} : memref<2x8x32x4096xf32, #tpu.memory_space<vmem>>, vector<1x8x32x4096xf32>,
    %dma_start3A_349 = arith.constant 0 : i32
    %dma_start3A_350 = arith.constant 0 : i32
    %dma_start3A_351 = tpu.memref_slice %arg6[%dma_start3A_350] : memref<2x!tpu.dma_semaphore, #tpu.memory_space<semaphore_mem>> -> memref<1x!tpu.dma_semaphore, #tpu.memory_space<semaphore_mem>>
    %dma_start3A_352 = tpu.memref_squeeze %dma_start3A_351 : memref<1x!tpu.dma_semaphore, #tpu.memory_space<semaphore_mem>> -> memref<!tpu.dma_semaphore, #tpu.memory_space<semaphore_mem>>
    %dma_start3A_353 = arith.constant 16 : i32
    %dma_start3A_354 = arith.constant 0 : i32
    %dma_start3A_355 = arith.constant 0 : i32
    %dma_start3A_356 = tpu.memref_slice %arg2[%dma_start3A_353, %dma_start3A_354, %dma_start3A_355] : memref<32x64x4096xf32, #tpu.memory_space<any>> -> memref<8x32x4096xf32, #tpu.memory_space<any>>
    %dma_start3A_357 = arith.constant 0 : i32
    %dma_start3A_358 = arith.constant 0 : i32
    %dma_start3A_359 = arith.constant 0 : i32
    %dma_start3A_360 = tpu.memref_slice %arg4[%dma_start3A_349, %dma_start3A_357, %dma_start3A_358, %dma_start3A_359] : memref<2x8x32x4096xf32, #tpu.memory_space<vmem>> -> memref<1x8x32x4096xf32, #tpu.memory_space<vmem>>
    %dma_start3A_361 = tpu.memref_squeeze %dma_start3A_360 : memref<1x8x32x4096xf32, #tpu.memory_space<vmem>> -> memref<8x32x4096xf32, #tpu.memory_space<vmem>>
    tpu.enqueue_dma source(%dma_start3A_361 : memref<8x32x4096xf32, #tpu.memory_space<vmem>>) target(%dma_start3A_356 : memref<8x32x4096xf32, #tpu.memory_space<any>>) target_semaphore(%dma_start3A_352 : memref<!tpu.dma_semaphore, #tpu.memory_space<semaphore_mem>>)
    %dma_wait3A_362 = arith.constant 1 : i32
    %dma_wait3A_363 = arith.constant 1 : i32
    %dma_wait3A_364 = tpu.memref_slice %arg5[%dma_wait3A_363] : memref<4x!tpu.dma_semaphore, #tpu.memory_space<semaphore_mem>> -> memref<1x!tpu.dma_semaphore, #tpu.memory_space<semaphore_mem>>
    %dma_wait3A_365 = tpu.memref_squeeze %dma_wait3A_364 : memref<1x!tpu.dma_semaphore, #tpu.memory_space<semaphore_mem>> -> memref<!tpu.dma_semaphore, #tpu.memory_space<semaphore_mem>>
    %dma_wait3A_366 = arith.constant 0 : i32
    %dma_wait3A_367 = arith.constant 0 : i32
    %dma_wait3A_368 = arith.constant 0 : i32
    %dma_wait3A_369 = tpu.memref_slice %arg3[%dma_wait3A_362, %dma_wait3A_366, %dma_wait3A_367, %dma_wait3A_368] : memref<4x8x32x4096xf32, #tpu.memory_space<vmem>> -> memref<1x8x32x4096xf32, #tpu.memory_space<vmem>>
    %dma_wait3A_370 = tpu.memref_squeeze %dma_wait3A_369 : memref<1x8x32x4096xf32, #tpu.memory_space<vmem>> -> memref<8x32x4096xf32, #tpu.memory_space<vmem>>
    %dma_wait3A_371 = arith.constant 16 : i32
    %dma_wait3A_372 = arith.constant 32 : i32
    %dma_wait3A_373 = arith.constant 0 : i32
    %dma_wait3A_374 = tpu.memref_slice %arg1[%dma_wait3A_371, %dma_wait3A_372, %dma_wait3A_373] : memref<32x64x4096xf32, #tpu.memory_space<any>> -> memref<8x32x4096xf32, #tpu.memory_space<any>>
    tpu.wait_dma2 semaphore(%dma_wait3A_365 : memref<!tpu.dma_semaphore, #tpu.memory_space<semaphore_mem>>) src(%dma_wait3A_374 : memref<8x32x4096xf32, #tpu.memory_space<any>>) dst(%dma_wait3A_370 : memref<8x32x4096xf32, #tpu.memory_space<vmem>>)
    %get3A_375 = arith.constant 16 : index
    %get3A_376 = arith.constant 0 : index
    %get3A_377 = vector.load %arg0[%get3A_375, %get3A_376] : memref<32x4096xf32, #tpu.memory_space<vmem>>, vector<8x4096xf32>
    %get3A_378 = arith.constant 1 : index
    %get3A_379 = arith.constant 0 : index
    %get3A_380 = arith.constant 0 : index
    %get3A_381 = arith.constant 0 : index
    %get3A_382 = vector.load %arg3[%get3A_378, %get3A_379, %get3A_380, %get3A_381] : memref<4x8x32x4096xf32, #tpu.memory_space<vmem>>, vector<1x8x32x4096xf32>
    %get3A_383 = vector.shape_cast %get3A_382 : vector<1x8x32x4096xf32> to vector<8x32x4096xf32>
    %broadcast_in_dim3A_384 = vector.shape_cast %get3A_377 : vector<8x4096xf32> to vector<8x1x4096xf32>
    %mul3A_385 = vector.broadcast %broadcast_in_dim3A_384 : vector<8x1x4096xf32> to vector<8x32x4096xf32>
    %mul3A_386 = arith.mulf %get3A_383, %mul3A_385 : vector<8x32x4096xf32>
    %dma_wait3A_387 = arith.constant 1 : i32
    %dma_wait3A_388 = arith.constant 1 : i32
    %dma_wait3A_389 = tpu.memref_slice %arg6[%dma_wait3A_388] : memref<2x!tpu.dma_semaphore, #tpu.memory_space<semaphore_mem>> -> memref<1x!tpu.dma_semaphore, #tpu.memory_space<semaphore_mem>>
    %dma_wait3A_390 = tpu.memref_squeeze %dma_wait3A_389 : memref<1x!tpu.dma_semaphore, #tpu.memory_space<semaphore_mem>> -> memref<!tpu.dma_semaphore, #tpu.memory_space<semaphore_mem>>
    %dma_wait3A_391 = arith.constant 8 : i32
    %dma_wait3A_392 = arith.constant 32 : i32
    %dma_wait3A_393 = arith.constant 0 : i32
    %dma_wait3A_394 = tpu.memref_slice %arg2[%dma_wait3A_391, %dma_wait3A_392, %dma_wait3A_393] : memref<32x64x4096xf32, #tpu.memory_space<any>> -> memref<8x32x4096xf32, #tpu.memory_space<any>>
    %dma_wait3A_395 = arith.constant 0 : i32
    %dma_wait3A_396 = arith.constant 0 : i32
    %dma_wait3A_397 = arith.constant 0 : i32
    %dma_wait3A_398 = tpu.memref_slice %arg4[%dma_wait3A_387, %dma_wait3A_395, %dma_wait3A_396, %dma_wait3A_397] : memref<2x8x32x4096xf32, #tpu.memory_space<vmem>> -> memref<1x8x32x4096xf32, #tpu.memory_space<vmem>>
    %dma_wait3A_399 = tpu.memref_squeeze %dma_wait3A_398 : memref<1x8x32x4096xf32, #tpu.memory_space<vmem>> -> memref<8x32x4096xf32, #tpu.memory_space<vmem>>
    tpu.wait_dma2 semaphore(%dma_wait3A_390 : memref<!tpu.dma_semaphore, #tpu.memory_space<semaphore_mem>>) src(%dma_wait3A_399 : memref<8x32x4096xf32, #tpu.memory_space<vmem>>) dst(%dma_wait3A_394 : memref<8x32x4096xf32, #tpu.memory_space<any>>)
    %swap3A_400 = arith.constant 1 : index
    %swap3A_401 = arith.constant 0 : index
    %swap3A_402 = arith.constant 0 : index
    %swap3A_403 = arith.constant 0 : index
    %swap3A_404 = vector.load %arg4[%swap3A_400, %swap3A_401, %swap3A_402, %swap3A_403] : memref<2x8x32x4096xf32, #tpu.memory_space<vmem>>, vector<1x8x32x4096xf32>
    %swap3A_405 = vector.shape_cast %swap3A_404 : vector<1x8x32x4096xf32> to vector<8x32x4096xf32>
    %swap3A_406 = vector.shape_cast %mul3A_386 : vector<8x32x4096xf32> to vector<1x8x32x4096xf32>
    tpu.vector_store %arg4[%swap3A_400, %swap3A_401, %swap3A_402, %swap3A_403], %swap3A_406 {strides = array<i32>} : memref<2x8x32x4096xf32, #tpu.memory_space<vmem>>, vector<1x8x32x4096xf32>,
    %dma_start3A_407 = arith.constant 1 : i32
    %dma_start3A_408 = arith.constant 1 : i32
    %dma_start3A_409 = tpu.memref_slice %arg6[%dma_start3A_408] : memref<2x!tpu.dma_semaphore, #tpu.memory_space<semaphore_mem>> -> memref<1x!tpu.dma_semaphore, #tpu.memory_space<semaphore_mem>>
    %dma_start3A_410 = tpu.memref_squeeze %dma_start3A_409 : memref<1x!tpu.dma_semaphore, #tpu.memory_space<semaphore_mem>> -> memref<!tpu.dma_semaphore, #tpu.memory_space<semaphore_mem>>
    %dma_start3A_411 = arith.constant 16 : i32
    %dma_start3A_412 = arith.constant 32 : i32
    %dma_start3A_413 = arith.constant 0 : i32
    %dma_start3A_414 = tpu.memref_slice %arg2[%dma_start3A_411, %dma_start3A_412, %dma_start3A_413] : memref<32x64x4096xf32, #tpu.memory_space<any>> -> memref<8x32x4096xf32, #tpu.memory_space<any>>
    %dma_start3A_415 = arith.constant 0 : i32
    %dma_start3A_416 = arith.constant 0 : i32
    %dma_start3A_417 = arith.constant 0 : i32
    %dma_start3A_418 = tpu.memref_slice %arg4[%dma_start3A_407, %dma_start3A_415, %dma_start3A_416, %dma_start3A_417] : memref<2x8x32x4096xf32, #tpu.memory_space<vmem>> -> memref<1x8x32x4096xf32, #tpu.memory_space<vmem>>
    %dma_start3A_419 = tpu.memref_squeeze %dma_start3A_418 : memref<1x8x32x4096xf32, #tpu.memory_space<vmem>> -> memref<8x32x4096xf32, #tpu.memory_space<vmem>>
    tpu.enqueue_dma source(%dma_start3A_419 : memref<8x32x4096xf32, #tpu.memory_space<vmem>>) target(%dma_start3A_414 : memref<8x32x4096xf32, #tpu.memory_space<any>>) target_semaphore(%dma_start3A_410 : memref<!tpu.dma_semaphore, #tpu.memory_space<semaphore_mem>>)
    %dma_wait3A_420 = arith.constant 2 : i32
    %dma_wait3A_421 = arith.constant 2 : i32
    %dma_wait3A_422 = tpu.memref_slice %arg5[%dma_wait3A_421] : memref<4x!tpu.dma_semaphore, #tpu.memory_space<semaphore_mem>> -> memref<1x!tpu.dma_semaphore, #tpu.memory_space<semaphore_mem>>
    %dma_wait3A_423 = tpu.memref_squeeze %dma_wait3A_422 : memref<1x!tpu.dma_semaphore, #tpu.memory_space<semaphore_mem>> -> memref<!tpu.dma_semaphore, #tpu.memory_space<semaphore_mem>>
    %dma_wait3A_424 = arith.constant 0 : i32
    %dma_wait3A_425 = arith.constant 0 : i32
    %dma_wait3A_426 = arith.constant 0 : i32
    %dma_wait3A_427 = tpu.memref_slice %arg3[%dma_wait3A_420, %dma_wait3A_424, %dma_wait3A_425, %dma_wait3A_426] : memref<4x8x32x4096xf32, #tpu.memory_space<vmem>> -> memref<1x8x32x4096xf32, #tpu.memory_space<vmem>>
    %dma_wait3A_428 = tpu.memref_squeeze %dma_wait3A_427 : memref<1x8x32x4096xf32, #tpu.memory_space<vmem>> -> memref<8x32x4096xf32, #tpu.memory_space<vmem>>
    %dma_wait3A_429 = arith.constant 24 : i32
    %dma_wait3A_430 = arith.constant 0 : i32
    %dma_wait3A_431 = arith.constant 0 : i32
    %dma_wait3A_432 = tpu.memref_slice %arg1[%dma_wait3A_429, %dma_wait3A_430, %dma_wait3A_431] : memref<32x64x4096xf32, #tpu.memory_space<any>> -> memref<8x32x4096xf32, #tpu.memory_space<any>>
    tpu.wait_dma2 semaphore(%dma_wait3A_423 : memref<!tpu.dma_semaphore, #tpu.memory_space<semaphore_mem>>) src(%dma_wait3A_432 : memref<8x32x4096xf32, #tpu.memory_space<any>>) dst(%dma_wait3A_428 : memref<8x32x4096xf32, #tpu.memory_space<vmem>>)
    %get3A_433 = arith.constant 24 : index
    %get3A_434 = arith.constant 0 : index
    %get3A_435 = vector.load %arg0[%get3A_433, %get3A_434] : memref<32x4096xf32, #tpu.memory_space<vmem>>, vector<8x4096xf32>
    %get3A_436 = arith.constant 2 : index
    %get3A_437 = arith.constant 0 : index
    %get3A_438 = arith.constant 0 : index
    %get3A_439 = arith.constant 0 : index
    %get3A_440 = vector.load %arg3[%get3A_436, %get3A_437, %get3A_438, %get3A_439] : memref<4x8x32x4096xf32, #tpu.memory_space<vmem>>, vector<1x8x32x4096xf32>
    %get3A_441 = vector.shape_cast %get3A_440 : vector<1x8x32x4096xf32> to vector<8x32x4096xf32>
    %broadcast_in_dim3A_442 = vector.shape_cast %get3A_435 : vector<8x4096xf32> to vector<8x1x4096xf32>
    %mul3A_443 = vector.broadcast %broadcast_in_dim3A_442 : vector<8x1x4096xf32> to vector<8x32x4096xf32>
    %mul3A_444 = arith.mulf %get3A_441, %mul3A_443 : vector<8x32x4096xf32>
    %dma_wait3A_445 = arith.constant 0 : i32
    %dma_wait3A_446 = arith.constant 0 : i32
    %dma_wait3A_447 = tpu.memref_slice %arg6[%dma_wait3A_446] : memref<2x!tpu.dma_semaphore, #tpu.memory_space<semaphore_mem>> -> memref<1x!tpu.dma_semaphore, #tpu.memory_space<semaphore_mem>>
    %dma_wait3A_448 = tpu.memref_squeeze %dma_wait3A_447 : memref<1x!tpu.dma_semaphore, #tpu.memory_space<semaphore_mem>> -> memref<!tpu.dma_semaphore, #tpu.memory_space<semaphore_mem>>
    %dma_wait3A_449 = arith.constant 16 : i32
    %dma_wait3A_450 = arith.constant 0 : i32
    %dma_wait3A_451 = arith.constant 0 : i32
    %dma_wait3A_452 = tpu.memref_slice %arg2[%dma_wait3A_449, %dma_wait3A_450, %dma_wait3A_451] : memref<32x64x4096xf32, #tpu.memory_space<any>> -> memref<8x32x4096xf32, #tpu.memory_space<any>>
    %dma_wait3A_453 = arith.constant 0 : i32
    %dma_wait3A_454 = arith.constant 0 : i32
    %dma_wait3A_455 = arith.constant 0 : i32
    %dma_wait3A_456 = tpu.memref_slice %arg4[%dma_wait3A_445, %dma_wait3A_453, %dma_wait3A_454, %dma_wait3A_455] : memref<2x8x32x4096xf32, #tpu.memory_space<vmem>> -> memref<1x8x32x4096xf32, #tpu.memory_space<vmem>>
    %dma_wait3A_457 = tpu.memref_squeeze %dma_wait3A_456 : memref<1x8x32x4096xf32, #tpu.memory_space<vmem>> -> memref<8x32x4096xf32, #tpu.memory_space<vmem>>
    tpu.wait_dma2 semaphore(%dma_wait3A_448 : memref<!tpu.dma_semaphore, #tpu.memory_space<semaphore_mem>>) src(%dma_wait3A_457 : memref<8x32x4096xf32, #tpu.memory_space<vmem>>) dst(%dma_wait3A_452 : memref<8x32x4096xf32, #tpu.memory_space<any>>)
    %swap3A_458 = arith.constant 0 : index
    %swap3A_459 = arith.constant 0 : index
    %swap3A_460 = arith.constant 0 : index
    %swap3A_461 = arith.constant 0 : index
    %swap3A_462 = vector.load %arg4[%swap3A_458, %swap3A_459, %swap3A_460, %swap3A_461] : memref<2x8x32x4096xf32, #tpu.memory_space<vmem>>, vector<1x8x32x4096xf32>
    %swap3A_463 = vector.shape_cast %swap3A_462 : vector<1x8x32x4096xf32> to vector<8x32x4096xf32>
    %swap3A_464 = vector.shape_cast %mul3A_444 : vector<8x32x4096xf32> to vector<1x8x32x4096xf32>
    tpu.vector_store %arg4[%swap3A_458, %swap3A_459, %swap3A_460, %swap3A_461], %swap3A_464 {strides = array<i32>} : memref<2x8x32x4096xf32, #tpu.memory_space<vmem>>, vector<1x8x32x4096xf32>,
    %dma_start3A_465 = arith.constant 0 : i32
    %dma_start3A_466 = arith.constant 0 : i32
    %dma_start3A_467 = tpu.memref_slice %arg6[%dma_start3A_466] : memref<2x!tpu.dma_semaphore, #tpu.memory_space<semaphore_mem>> -> memref<1x!tpu.dma_semaphore, #tpu.memory_space<semaphore_mem>>
    %dma_start3A_468 = tpu.memref_squeeze %dma_start3A_467 : memref<1x!tpu.dma_semaphore, #tpu.memory_space<semaphore_mem>> -> memref<!tpu.dma_semaphore, #tpu.memory_space<semaphore_mem>>
    %dma_start3A_469 = arith.constant 24 : i32
    %dma_start3A_470 = arith.constant 0 : i32
    %dma_start3A_471 = arith.constant 0 : i32
    %dma_start3A_472 = tpu.memref_slice %arg2[%dma_start3A_469, %dma_start3A_470, %dma_start3A_471] : memref<32x64x4096xf32, #tpu.memory_space<any>> -> memref<8x32x4096xf32, #tpu.memory_space<any>>
    %dma_start3A_473 = arith.constant 0 : i32
    %dma_start3A_474 = arith.constant 0 : i32
    %dma_start3A_475 = arith.constant 0 : i32
    %dma_start3A_476 = tpu.memref_slice %arg4[%dma_start3A_465, %dma_start3A_473, %dma_start3A_474, %dma_start3A_475] : memref<2x8x32x4096xf32, #tpu.memory_space<vmem>> -> memref<1x8x32x4096xf32, #tpu.memory_space<vmem>>
    %dma_start3A_477 = tpu.memref_squeeze %dma_start3A_476 : memref<1x8x32x4096xf32, #tpu.memory_space<vmem>> -> memref<8x32x4096xf32, #tpu.memory_space<vmem>>
    tpu.enqueue_dma source(%dma_start3A_477 : memref<8x32x4096xf32, #tpu.memory_space<vmem>>) target(%dma_start3A_472 : memref<8x32x4096xf32, #tpu.memory_space<any>>) target_semaphore(%dma_start3A_468 : memref<!tpu.dma_semaphore, #tpu.memory_space<semaphore_mem>>)
    %dma_wait3A_478 = arith.constant 3 : i32
    %dma_wait3A_479 = arith.constant 3 : i32
    %dma_wait3A_480 = tpu.memref_slice %arg5[%dma_wait3A_479] : memref<4x!tpu.dma_semaphore, #tpu.memory_space<semaphore_mem>> -> memref<1x!tpu.dma_semaphore, #tpu.memory_space<semaphore_mem>>
    %dma_wait3A_481 = tpu.memref_squeeze %dma_wait3A_480 : memref<1x!tpu.dma_semaphore, #tpu.memory_space<semaphore_mem>> -> memref<!tpu.dma_semaphore, #tpu.memory_space<semaphore_mem>>
    %dma_wait3A_482 = arith.constant 0 : i32
    %dma_wait3A_483 = arith.constant 0 : i32
    %dma_wait3A_484 = arith.constant 0 : i32
    %dma_wait3A_485 = tpu.memref_slice %arg3[%dma_wait3A_478, %dma_wait3A_482, %dma_wait3A_483, %dma_wait3A_484] : memref<4x8x32x4096xf32, #tpu.memory_space<vmem>> -> memref<1x8x32x4096xf32, #tpu.memory_space<vmem>>
    %dma_wait3A_486 = tpu.memref_squeeze %dma_wait3A_485 : memref<1x8x32x4096xf32, #tpu.memory_space<vmem>> -> memref<8x32x4096xf32, #tpu.memory_space<vmem>>
    %dma_wait3A_487 = arith.constant 24 : i32
    %dma_wait3A_488 = arith.constant 32 : i32
    %dma_wait3A_489 = arith.constant 0 : i32
    %dma_wait3A_490 = tpu.memref_slice %arg1[%dma_wait3A_487, %dma_wait3A_488, %dma_wait3A_489] : memref<32x64x4096xf32, #tpu.memory_space<any>> -> memref<8x32x4096xf32, #tpu.memory_space<any>>
    tpu.wait_dma2 semaphore(%dma_wait3A_481 : memref<!tpu.dma_semaphore, #tpu.memory_space<semaphore_mem>>) src(%dma_wait3A_490 : memref<8x32x4096xf32, #tpu.memory_space<any>>) dst(%dma_wait3A_486 : memref<8x32x4096xf32, #tpu.memory_space<vmem>>)
    %get3A_491 = arith.constant 24 : index
    %get3A_492 = arith.constant 0 : index
    %get3A_493 = vector.load %arg0[%get3A_491, %get3A_492] : memref<32x4096xf32, #tpu.memory_space<vmem>>, vector<8x4096xf32>
    %get3A_494 = arith.constant 3 : index
    %get3A_495 = arith.constant 0 : index
    %get3A_496 = arith.constant 0 : index
    %get3A_497 = arith.constant 0 : index
    %get3A_498 = vector.load %arg3[%get3A_494, %get3A_495, %get3A_496, %get3A_497] : memref<4x8x32x4096xf32, #tpu.memory_space<vmem>>, vector<1x8x32x4096xf32>
    %get3A_499 = vector.shape_cast %get3A_498 : vector<1x8x32x4096xf32> to vector<8x32x4096xf32>
    %broadcast_in_dim3A_500 = vector.shape_cast %get3A_493 : vector<8x4096xf32> to vector<8x1x4096xf32>
    %mul3A_501 = vector.broadcast %broadcast_in_dim3A_500 : vector<8x1x4096xf32> to vector<8x32x4096xf32>
    %mul3A_502 = arith.mulf %get3A_499, %mul3A_501 : vector<8x32x4096xf32>
    %dma_wait3A_503 = arith.constant 1 : i32
    %dma_wait3A_504 = arith.constant 1 : i32
    %dma_wait3A_505 = tpu.memref_slice %arg6[%dma_wait3A_504] : memref<2x!tpu.dma_semaphore, #tpu.memory_space<semaphore_mem>> -> memref<1x!tpu.dma_semaphore, #tpu.memory_space<semaphore_mem>>
    %dma_wait3A_506 = tpu.memref_squeeze %dma_wait3A_505 : memref<1x!tpu.dma_semaphore, #tpu.memory_space<semaphore_mem>> -> memref<!tpu.dma_semaphore, #tpu.memory_space<semaphore_mem>>
    %dma_wait3A_507 = arith.constant 16 : i32
    %dma_wait3A_508 = arith.constant 32 : i32
    %dma_wait3A_509 = arith.constant 0 : i32
    %dma_wait3A_510 = tpu.memref_slice %arg2[%dma_wait3A_507, %dma_wait3A_508, %dma_wait3A_509] : memref<32x64x4096xf32, #tpu.memory_space<any>> -> memref<8x32x4096xf32, #tpu.memory_space<any>>
    %dma_wait3A_511 = arith.constant 0 : i32
    %dma_wait3A_512 = arith.constant 0 : i32
    %dma_wait3A_513 = arith.constant 0 : i32
    %dma_wait3A_514 = tpu.memref_slice %arg4[%dma_wait3A_503, %dma_wait3A_511, %dma_wait3A_512, %dma_wait3A_513] : memref<2x8x32x4096xf32, #tpu.memory_space<vmem>> -> memref<1x8x32x4096xf32, #tpu.memory_space<vmem>>
    %dma_wait3A_515 = tpu.memref_squeeze %dma_wait3A_514 : memref<1x8x32x4096xf32, #tpu.memory_space<vmem>> -> memref<8x32x4096xf32, #tpu.memory_space<vmem>>
    tpu.wait_dma2 semaphore(%dma_wait3A_506 : memref<!tpu.dma_semaphore, #tpu.memory_space<semaphore_mem>>) src(%dma_wait3A_515 : memref<8x32x4096xf32, #tpu.memory_space<vmem>>) dst(%dma_wait3A_510 : memref<8x32x4096xf32, #tpu.memory_space<any>>)
    %swap3A_516 = arith.constant 1 : index
    %swap3A_517 = arith.constant 0 : index
    %swap3A_518 = arith.constant 0 : index
    %swap3A_519 = arith.constant 0 : index
    %swap3A_520 = vector.load %arg4[%swap3A_516, %swap3A_517, %swap3A_518, %swap3A_519] : memref<2x8x32x4096xf32, #tpu.memory_space<vmem>>, vector<1x8x32x4096xf32>
    %swap3A_521 = vector.shape_cast %swap3A_520 : vector<1x8x32x4096xf32> to vector<8x32x4096xf32>
    %swap3A_522 = vector.shape_cast %mul3A_502 : vector<8x32x4096xf32> to vector<1x8x32x4096xf32>
    tpu.vector_store %arg4[%swap3A_516, %swap3A_517, %swap3A_518, %swap3A_519], %swap3A_522 {strides = array<i32>} : memref<2x8x32x4096xf32, #tpu.memory_space<vmem>>, vector<1x8x32x4096xf32>,
    %dma_start3A_523 = arith.constant 1 : i32
    %dma_start3A_524 = arith.constant 1 : i32
    %dma_start3A_525 = tpu.memref_slice %arg6[%dma_start3A_524] : memref<2x!tpu.dma_semaphore, #tpu.memory_space<semaphore_mem>> -> memref<1x!tpu.dma_semaphore, #tpu.memory_space<semaphore_mem>>
    %dma_start3A_526 = tpu.memref_squeeze %dma_start3A_525 : memref<1x!tpu.dma_semaphore, #tpu.memory_space<semaphore_mem>> -> memref<!tpu.dma_semaphore, #tpu.memory_space<semaphore_mem>>
    %dma_start3A_527 = arith.constant 24 : i32
    %dma_start3A_528 = arith.constant 32 : i32
    %dma_start3A_529 = arith.constant 0 : i32
    %dma_start3A_530 = tpu.memref_slice %arg2[%dma_start3A_527, %dma_start3A_528, %dma_start3A_529] : memref<32x64x4096xf32, #tpu.memory_space<any>> -> memref<8x32x4096xf32, #tpu.memory_space<any>>
    %dma_start3A_531 = arith.constant 0 : i32
    %dma_start3A_532 = arith.constant 0 : i32
    %dma_start3A_533 = arith.constant 0 : i32
    %dma_start3A_534 = tpu.memref_slice %arg4[%dma_start3A_523, %dma_start3A_531, %dma_start3A_532, %dma_start3A_533] : memref<2x8x32x4096xf32, #tpu.memory_space<vmem>> -> memref<1x8x32x4096xf32, #tpu.memory_space<vmem>>
    %dma_start3A_535 = tpu.memref_squeeze %dma_start3A_534 : memref<1x8x32x4096xf32, #tpu.memory_space<vmem>> -> memref<8x32x4096xf32, #tpu.memory_space<vmem>>
    tpu.enqueue_dma source(%dma_start3A_535 : memref<8x32x4096xf32, #tpu.memory_space<vmem>>) target(%dma_start3A_530 : memref<8x32x4096xf32, #tpu.memory_space<any>>) target_semaphore(%dma_start3A_526 : memref<!tpu.dma_semaphore, #tpu.memory_space<semaphore_mem>>)
    %dma_wait3A_536 = arith.constant 0 : i32
    %dma_wait3A_537 = arith.constant 0 : i32
    %dma_wait3A_538 = tpu.memref_slice %arg6[%dma_wait3A_537] : memref<2x!tpu.dma_semaphore, #tpu.memory_space<semaphore_mem>> -> memref<1x!tpu.dma_semaphore, #tpu.memory_space<semaphore_mem>>
    %dma_wait3A_539 = tpu.memref_squeeze %dma_wait3A_538 : memref<1x!tpu.dma_semaphore, #tpu.memory_space<semaphore_mem>> -> memref<!tpu.dma_semaphore, #tpu.memory_space<semaphore_mem>>
    %dma_wait3A_540 = arith.constant 24 : i32
    %dma_wait3A_541 = arith.constant 0 : i32
    %dma_wait3A_542 = arith.constant 0 : i32
    %dma_wait3A_543 = tpu.memref_slice %arg2[%dma_wait3A_540, %dma_wait3A_541, %dma_wait3A_542] : memref<32x64x4096xf32, #tpu.memory_space<any>> -> memref<8x32x4096xf32, #tpu.memory_space<any>>
    %dma_wait3A_544 = arith.constant 0 : i32
    %dma_wait3A_545 = arith.constant 0 : i32
    %dma_wait3A_546 = arith.constant 0 : i32
    %dma_wait3A_547 = tpu.memref_slice %arg4[%dma_wait3A_536, %dma_wait3A_544, %dma_wait3A_545, %dma_wait3A_546] : memref<2x8x32x4096xf32, #tpu.memory_space<vmem>> -> memref<1x8x32x4096xf32, #tpu.memory_space<vmem>>
    %dma_wait3A_548 = tpu.memref_squeeze %dma_wait3A_547 : memref<1x8x32x4096xf32, #tpu.memory_space<vmem>> -> memref<8x32x4096xf32, #tpu.memory_space<vmem>>
    tpu.wait_dma2 semaphore(%dma_wait3A_539 : memref<!tpu.dma_semaphore, #tpu.memory_space<semaphore_mem>>) src(%dma_wait3A_548 : memref<8x32x4096xf32, #tpu.memory_space<vmem>>) dst(%dma_wait3A_543 : memref<8x32x4096xf32, #tpu.memory_space<any>>)
    %dma_wait3A_549 = arith.constant 1 : i32
    %dma_wait3A_550 = arith.constant 1 : i32
    %dma_wait3A_551 = tpu.memref_slice %arg6[%dma_wait3A_550] : memref<2x!tpu.dma_semaphore, #tpu.memory_space<semaphore_mem>> -> memref<1x!tpu.dma_semaphore, #tpu.memory_space<semaphore_mem>>
    %dma_wait3A_552 = tpu.memref_squeeze %dma_wait3A_551 : memref<1x!tpu.dma_semaphore, #tpu.memory_space<semaphore_mem>> -> memref<!tpu.dma_semaphore, #tpu.memory_space<semaphore_mem>>
    %dma_wait3A_553 = arith.constant 24 : i32
    %dma_wait3A_554 = arith.constant 32 : i32
    %dma_wait3A_555 = arith.constant 0 : i32
    %dma_wait3A_556 = tpu.memref_slice %arg2[%dma_wait3A_553, %dma_wait3A_554, %dma_wait3A_555] : memref<32x64x4096xf32, #tpu.memory_space<any>> -> memref<8x32x4096xf32, #tpu.memory_space<any>>
    %dma_wait3A_557 = arith.constant 0 : i32
    %dma_wait3A_558 = arith.constant 0 : i32
    %dma_wait3A_559 = arith.constant 0 : i32
    %dma_wait3A_560 = tpu.memref_slice %arg4[%dma_wait3A_549, %dma_wait3A_557, %dma_wait3A_558, %dma_wait3A_559] : memref<2x8x32x4096xf32, #tpu.memory_space<vmem>> -> memref<1x8x32x4096xf32, #tpu.memory_space<vmem>>
    %dma_wait3A_561 = tpu.memref_squeeze %dma_wait3A_560 : memref<1x8x32x4096xf32, #tpu.memory_space<vmem>> -> memref<8x32x4096xf32, #tpu.memory_space<vmem>>
    tpu.wait_dma2 semaphore(%dma_wait3A_552 : memref<!tpu.dma_semaphore, #tpu.memory_space<semaphore_mem>>) src(%dma_wait3A_561 : memref<8x32x4096xf32, #tpu.memory_space<vmem>>) dst(%dma_wait3A_556 : memref<8x32x4096xf32, #tpu.memory_space<any>>)
    return
  }
}

</mosaic_0001>

<sc_bundles>
// kernel: kernel.5.cloned.1.call-start
scs
__scs_entry_jumppad:
0x0: {  	(pc) =	sbr.rel $0x88, $3  }
0x1: {  	(tag) =	ssettag $0x0;
	lr =	simm.s32 $0x1  }
0x2: {  	[smem:$0x3F9E] =	sst lr;
	_ =	strace $0xD0000000  }
0x3: {  	_ = 	snop  }
0x4: {  	_ = 	snop  }
0x5: {  	_ = 	snop  }
0x6: {  	_ = 	snop  }
0x7: {  	_ = 	snop  }
__scs_overlays_trampoline_lowered:
0x8: {  	[smem:$0x3FAD] =	sst s0  }
0x9: {  	[smem:$0x3FAE] =	sst s1  }
0xa: {  	[smem:$0x3FAF] =	sst s2  }
0xb: {  	[smem:$0x3FB0] =	sst s3  }
0xc: {  	[smem:$0x3FB1] =	sst s4  }
0xd: {  	[smem:$0x3FB2] =	sst s5  }
0xe: {  	[smem:$0x3FB3] =	sst s6  }
0xf: {  	[smem:$0x3FB4] =	sst s7  }
0x10: {  	[smem:$0x3FB5] =	sst s8  }
0x11: {  	[smem:$0x3FB6] =	sst s9;
	s0 =	simm.s32 @!p0 $0x0  }
0x12: {  	s1 =	sld [smem:$0x3F9C];
	s0 =	simm.s32 @p0 $0x1  }
0x13: {  	[smem:$0x3FB7] =	sst s0;
	s0 =	simm.s32 @!p1 $0x0  }
0x14: {  	s2 =	sld [smem:$0x3F9B];
	s0 =	simm.s32 @p1 $0x1  }
0x15: {  	[smem:$0x3FB8] =	sst s0;
	s0 =	simm.s32 @!p2 $0x0  }
0x16: {  	s3 =	sld [smem:$0x3FDB];
	s0 =	simm.s32 @p2 $0x1  }
0x17: {  	s4 =	simm.s32 $0x1BF5;
	[smem:$0x3FBA] =	sst s0  }
0x18: {  	s0 =	sld [smem:$0x3F9D];
	_ =	swait.ge [sflag:s4], $0x0  }
0x19: {  	s7 =	sld [smem:$0x3F9E]  }
0x1a: {  	s8 =	sadd.s32 $0xFFFFE003, lr  }
0x1b: {  	s9 =	sadd.s32 $0xFFFFFEF7, lr;
	s5 =	simm.s32 $0xFFFFFFFF;
	p2 =	slt.u32 s8, $0xFFFFF086  }
0x1c: {  	p1 =	slt.u32 s9, $0xF7A;
	s5 =	simm.s32 @!p2 $0x0  }
0x1d: {  	s5 =	simm.s32 @p1 $0x1;
	p0 =	seq.s32 s7, s2  }
0x1e: {  	s7 =	smul.u32 @!p0 $0xF7A, s2;
	p2 =	seq.s32 @!p0 s5, $0x0  }
0x1f: {  	s9 =	smul.u32 $0xF7A, s1;
	s8 =	simm.s32 @!p0 $0x1BF5;
	p2 =	por !p2, p0  }
0x20: {  	[sflag:s8] =	ssyncset.s32 @!p0 $0xFFFFF086;
	s6 =	sadd.s32 @!p0 s3, s7;
	s7 =	simm.s32 @!p0 $0x108  }
0x21: {  	s3 =	sadd.s32 s3, s9;
	s6 =	sadd.s32 @!p0 $0x88, s6;
	s7 =	simm.s32 @p2 $0x1082  }
0x22: {  	[simem:s7], [sflag:s8] =	dma.local @!p0 [hbm:s6], $0xF7A  }
0x23: {  	s9 =	sor.u32 $0xD0000000, s2;
	s6 =	simm.s32 $0x108;
	_ =	swait.ge @!p0 [sflag:s8], $0x0  }
0x24: {  	s3 =	sadd.s32 $0x88, s3;
	s6 =	simm.s32 @!p1 $0x1082;
	[sflag:s4] =	ssyncset.s32 $0xFFFFF086  }
0x25: {  	[simem:s6], [sflag:s4] =	dma.local [hbm:s3], $0xF7A  }
0x26: {  	[smem:$0x3F9E] =	sst s1;
	(tag) =	ssettag s2;
	_ =	strace s9  }
0x27: {  	s1 =	sld [smem:$0x3FAE]  }
0x28: {  	s2 =	sld [smem:$0x3FAF]  }
0x29: {  	s4 =	sld [smem:$0x3FB1]  }
0x2a: {  	p0 =	seq.s32 s5, $0x0;
	s5 =	sld [smem:$0x3FB2]  }
0x2b: {  	s6 =	sld [smem:$0x3FB3]  }
0x2c: {  	s7 =	sld [smem:$0x3FB4]  }
0x2d: {  	s3 =	simm.s32 $0x108;
	s8 =	sld [smem:$0x3FB5]  }
0x2e: {  	s3 =	simm.s32 @!p0 $0x1082;
	s9 =	sld [smem:$0x3FB6]  }
0x2f: {  	lr =	sadd.s32 s0, s3;
	s0 =	sld [smem:$0x3FAD]  }
0x30: {  	s3 =	sld [smem:$0x3FB0]  }
0x31: {  	[smem:$0x3FB9] =	sst s10  }
0x32: {  	s10 =	sld [smem:$0x3FB7];
	_ =	sdelay $0x3  }
0x33: {  	p0 =	seq.s32 s10, $0x1;
	s10 =	sld [smem:$0x3FB9];
	_ =	sdelay $0x3  }
0x34: {  	[smem:$0x3FB9] =	sst s10  }
0x35: {  	s10 =	sld [smem:$0x3FB8];
	_ =	sdelay $0x3  }
0x36: {  	p1 =	seq.s32 s10, $0x1;
	s10 =	sld [smem:$0x3FB9];
	_ =	sdelay $0x3  }
0x37: {  	[smem:$0x3FB9] =	sst s10  }
0x38: {  	s10 =	sld [smem:$0x3FBA]  }
0x39: {  	_ = 	snop;
	(pc) =	sbr.ind lr, $3  }
0x3a: {  	_ = 	snop  }
0x3b: {  	_ = 	snop  }
0x3c: {  	p2 =	seq.s32 s10, $0x1;
	s10 =	sld [smem:$0x3FB9]  }
0x3d: {  	_ =	shalt  }
0x3e: {  	_ =	shalt  }
0x3f: {  	_ =	shalt  }
0x40: {  	_ =	shalt  }
0x41: {  	_ =	shalt  }
0x42: {  	_ =	shalt  }
0x43: {  	_ =	shalt  }
0x44: {  	_ =	shalt  }
0x45: {  	_ =	shalt  }
0x46: {  	_ =	shalt  }
0x47: {  	_ =	shalt  }
0x48: {  	_ =	shalt  }
0x49: {  	_ =	shalt  }
0x4a: {  	_ =	shalt  }
0x4b: {  	_ =	shalt  }
0x4c: {  	_ =	shalt  }
0x4d: {  	_ =	shalt  }
0x4e: {  	_ =	shalt  }
0x4f: {  	_ =	shalt  }
0x50: {  	_ =	shalt  }
0x51: {  	_ =	shalt  }
0x52: {  	_ =	shalt  }
0x53: {  	_ =	shalt  }
0x54: {  	_ =	shalt  }
0x55: {  	_ =	shalt  }
0x56: {  	_ =	shalt  }
0x57: {  	_ =	shalt  }
0x58: {  	_ =	shalt  }
0x59: {  	_ =	shalt  }
0x5a: {  	_ =	shalt  }
0x5b: {  	_ =	shalt  }
0x5c: {  	_ =	shalt  }
0x5d: {  	_ =	shalt  }
0x5e: {  	_ =	shalt  }
0x5f: {  	_ =	shalt  }
0x60: {  	_ =	shalt  }
0x61: {  	_ =	shalt  }
0x62: {  	_ =	shalt  }
0x63: {  	_ =	shalt  }
0x64: {  	_ =	shalt  }
0x65: {  	_ =	shalt  }
0x66: {  	_ =	shalt  }
0x67: {  	_ =	shalt  }
0x68: {  	_ =	shalt  }
0x69: {  	_ =	shalt  }
0x6a: {  	_ =	shalt  }
0x6b: {  	_ =	shalt  }
0x6c: {  	_ =	shalt  }
0x6d: {  	_ =	shalt  }
0x6e: {  	_ =	shalt  }
0x6f: {  	_ =	shalt  }
0x70: {  	_ =	shalt  }
0x71: {  	_ =	shalt  }
0x72: {  	_ =	shalt  }
0x73: {  	_ =	shalt  }
0x74: {  	_ =	shalt  }
0x75: {  	_ =	shalt  }
0x76: {  	_ =	shalt  }
0x77: {  	_ =	shalt  }
0x78: {  	_ =	shalt  }
0x79: {  	_ =	shalt  }
0x7a: {  	_ =	shalt  }
0x7b: {  	_ =	shalt  }
0x7c: {  	_ =	shalt  }
0x7d: {  	_ =	shalt  }
0x7e: {  	_ =	shalt  }
0x7f: {  	_ =	shalt  }
0x80: {  	_ =	shalt  }
0x81: {  	_ =	shalt  }
0x82: {  	_ =	shalt  }
0x83: {  	_ =	shalt  }
0x84: {  	_ =	shalt  }
0x85: {  	_ =	shalt  }
0x86: {  	_ =	shalt  }
0x87: {  	_ =	shalt  }
.Lfunc_end0:
.L_simem_size_0:
called_computation_lowered:
.L_overlay_start_0:
0x88: {  	s2 =	sld [smem:$0x3FD9]  }
0x89: {  	s3 =	sld [smem:$0x3FFE];
	_ =	sdelay $0x1  }
0x8a: {  	s1 =	srdreg.scid  }
0x8b: {  	s0 =	sand.u32 $0x1, s1  }
0x8c: {  	s17 =	sshll.u32 s0, $0xA;
	s2 =	sadd.s32 s3, s2  }
0x8d: {  	s2 =	sadd.s32 s2, s17  }
0x8e: {  	[smem:$0x3FC5] =	sst s2  }
0x8f: {  	_ = 	snop  }
0x90: {  	s2 =	sld [smem:$0x3FD0];
	(tm) =	ssettm $0x1  }
0x91: {  	s18 =	sld [smem:$0x3FFB];
	_ =	sdelay $0x3  }
0x92: {  	_ =	strace s18  }
0x93: {  	s3 =	sld [smem:$0x3FFC];
	_ =	sdelay $0x3  }
0x94: {  	_ =	strace s3  }
0x95: {  	s3 =	sld [smem:$0x3FFD];
	_ =	sdelay $0x3  }
0x96: {  	_ =	strace s3  }
0x97: {  	_ =	strace $0x8FFFFFFF  }
0x98: {  	s19 =	sld [smem:$0x3FDB];
	_ =	sdelay $0x1  }
0x99: {  	s4 =	simm.s32 $_scs_section_size  }
0x9a: {  	s5 =	simm.s32 $_size__tile_overlayer_lowered;
	s6 =	simm.s32 $_tile_overlayer_lowered  }
0x9b: {  	s22 =	simm.s32 $0x1BFF;
	s21 =	sshll.u32 s6, $0x1;
	s3 =	sadd.s32 s4, s19  }
0x9c: {  	s7 =	simm.s32 $0x0;
	s20 =	sshll.u32 s5, $0x1;
	s5 =	sadd.s32 s21, s3  }
0x9d: {  	[timem:s7], [sflag:s22] =	dma.local [hbm:s5], s20  }
0x9e: {  	_ =	swait.ge [sflag:s22], s20  }
0x9f: {  	s4 =	ssub.s32 $0x0, s20;
	[sflag:s22] =	ssyncset.done $0x0  }
0xa0: {  	[sflag:s22] =	ssyncadd.s32 s4;
	_ =	sdelay $0x1  }
0xa1: {  	s23 =	simm.s32 $0x1B8B  }
0xa2: {  	_ =	swait.ge [sflag:s23], $0x1  }
0xa3: {  	[sflag:s23] =	ssyncset.done $0x0  }
0xa4: {  	s25 =	simm.s32 $0x1B8E;
	s24 =	sld [smem:$0x3FFE];
	[sflag:s23] =	ssyncadd.s32 $0xFFFFFFFF  }
0xa5: {  	s26 =	simm.s32 $execute0_lowered;
	[smem:$0x3FD2] =	sst s25  }
0xa6: {  	s5 =	sshll.u32 s26, $0x1;
	_ =	strace $0x80000046;
	[dreg:$0x1] =	wrdreg $0xFFFFFFFF  }
0xa7: {  	s28 =	simm.s32 $_size_execute0_lowered;
	s3 =	sadd.s32 s3, s5;
	[dreg:$0x0] =	wrdreg $0x0  }
0xa8: {  	s5 =	sshll.u32 s28, $0x1;
	[dreg:$0x2] =	wrdreg s3  }
0xa9: {  	[dreg:$0x3] =	wrdreg s5  }
0xaa: {  	[dreg:$0x4] =	wrdreg $0xC0  }
0xab: {  	_ =	task [dreg:s7], $0x5FFFF  }
0xac: {  	[dreg:$0x1] =	wrdreg $0xFFFFFFFF  }
0xad: {  	[dreg:$0x0] =	wrdreg $0x60  }
0xae: {  	[dreg:$0x2] =	wrdreg s2  }
0xaf: {  	[dreg:$0x3] =	wrdreg s24  }
0xb0: {  	[dreg:$0x4] =	wrdreg $0x9  }
0xb1: {  	_ =	task.clear_ibuf [dreg:s7], $0x5FFFF;
	_ =	strace $0x90000046  }
0xb2: {  	s29 =	simm.s32 $0x9;
	_ =	strace $0x80000048  }
0xb3: {  	_ =	swait.ge [sflag:s29], $0x1  }
0xb4: {  	[sflag:s29] =	ssyncadd.s32 $0xFFFFFFFF  }
0xb5: {  	_ =	strace $0x90000048  }
0xb6: {  	_ =	sfence  }
0xb7: {  	s30 =	sld [smem:$0x0];
	_ =	sdelay $0x2  }
0xb8: {  	s31 =	sshll.u32 s1, $0xD;
	s1 =	sshrl.u32 s1, $0x2  }
0xb9: {  	s3 =	sand.u32 $0x4000, s31;
	s1 =	sadd.s32 s1, s30  }
0xba: {  	s0 =	sor.u32 s3, s0;
	s1 =	sshll.u32 s1, $0x11  }
0xbb: {  	s0 =	sor.u32 s1, s0  }
0xbc: {  	s0 =	sadd.s32 $0x8F2B, s0  }
0xbd: {  	[sflag:s0] =	ssyncadd.remote.s32 $0x1  }
0xbe: {  	_ =	sfence.sel $0xFFFF  }
0xbf: {  	[dreg:$0x0] =	wrdreg $0xFFFFFFFF;
	(pc) =	sbr.abs _section_cstart, $3  }
0xc0: {  	[dreg:$0x1] =	wrdreg $0xFFFFFFFF  }
0xc1: {  	_ =	task.clear_ibuf [dreg:s7], $0x2FFFF;
	_ =	strace $0x9FFFFFFF  }
0xc2: {  	(tm) =	ssettm $0x7FFFFFFF  }
0xc3: {  	_ =	shalt  }
tec
execute0_lowered:
.L_overlay_start_1:
0x0: {  	(tag) =	ssettag $0x1  }
0x1: {  	s3 =	rddreg [dreg:$0x0]  }
0x2: {  	s4 =	rddreg [dreg:$0x1]  }
0x3: {  	s0 =	rddreg [dreg:$0x2]  }
0x4: {  	s5 =	srdreg.scid;
	s1 =	stileid.u32;
	s2 =	simm.s32 $0x0  }
0x5: {  	s9 =	simm.s32 $0x3000;
	s10 =	simm.s32 $0x3080;
	s11 =	simm.s32 $0x3100  }
0x6: {  	s12 =	simm.s32 $0x3180;
	s13 =	simm.s32 $0x2000;
	s14 =	simm.s32 $0x0  }
0x7: {  	s5 =	sand.u32 $0x1, s5;
	s6 =	sshll.u32 s1, $0x5;
	s7 =	sshll.u32 s1, $0xA  }
0x8: {  	[smem:$0x7FF] =	sst s2;
	s8 =	sshll.u32 s5, $0x4;
	s6 =	sand.u32 $0x60, s6  }
.Ltmp0:
0x9: {  	s7 =	sand.u32 $0x3000, s7;
	s5 =	ssub.s32 $0x2, s5;
	(pc) =	sbr.rel .LBB2_1-.Ltmp0, $4  }
0xa: {  	v0 =	vlaneseq.u32;
	_ =	strace $0x80000047;
	s6 =	sor.u32 s8, s6;
	s31 =	sshrl.u32 s5, $0x1  }
0xb: {  	v3 =	vmul.u32 $0xFFFFFFFF, v0;
	s8 =	simm.s32 $0x1;
	s6 =	sor.u32 s7, s6;
	s5 =	ssub.s32 s5, s31  }
0xc: {  	v1 =	vimm.s32 $0x0;
	v2 =	vimm.s32 $0x1;
	s7 =	simm.s32 $0x400;
	s4 =	sadd.s32 s6, s4;
	s3 =	sadd.s32 s3, s6  }
0xd: {  	v4 =	vimm.f32 $1.000000000e+00;
	v5 =	vimm.f32 $0.0e+00;
	v3 =	vadd.s32 $0xF, v3;
	s5 =	smax.u32 s5, $0x1;
	s6 =	simm.s32 $0x80;
	s4 =	sadd.s32 $0xA00, s4  }
.LBB2_23:
0xe: {  	v13 =	vld [tilespmem:s15+$0x1070];
	[tilespmem:s16+$0x2000] =	vst v12;
	v60 =	vsel vm0, $0x0, v4;
	vm4 =	vlt.u32 v11, v6  }
0xf: {  	vm5 =	vlt.u32 v10, v6;
	v14 =	vld [tilespmem:s15+$0x1000];
	[tilespmem:s16+$0x2010] =	vst v60;
	v11 =	vsel vm4, $0x0, v4  }
0x10: {  	vm6 =	vlt.u32 v8, v6;
	v10 =	vsel vm5, $0x0, v4;
	v12 =	vld [tilespmem:s15+$0x1010];
	[tilespmem:s16+$0x2020] =	vst v11  }
0x11: {  	vm7 =	vlt.u32 v7, v6;
	v8 =	vsel vm6, $0x0, v4;
	v11 =	vld [tilespmem:s15+$0x1020];
	[tilespmem:s16+$0x2030] =	vst v10  }
0x12: {  	vm8 =	vlt.u32 v9, v6;
	v7 =	vsel vm7, $0x0, v4;
	v10 =	vld [tilespmem:s15+$0x1030];
	[tilespmem:s16+$0x2040] =	vst v8  }
0x13: {  	v8 =	vld [tilespmem:s15+$0x1040];
	[tilespmem:s16+$0x2050] =	vst v7;
	v7 =	vsel vm8, $0x0, v4;
	vm9 =	vlt.u32 v13, v6  }
0x14: {  	v61 =	vld [tilespmem:s15+$0x1050];
	[tilespmem:s16+$0x2060] =	vst v7;
	vm1 =	vlt.u32 v14, v6;
	v7 =	vsel vm9, $0x0, v4  }
0x15: {  	v62 =	vld [tilespmem:s15+$0x1060];
	vm10 =	vlt.u32 v12, v6;
	v63 =	vsel vm1, $0x0, v4;
	[tilespmem:s15+$0x2070] =	vst v7  }
0x16: {  	[tilespmem:s15+$0x2000] =	vst v63;
	v7 =	vsel vm10, $0x0, v4;
	vm11 =	vlt.u32 v11, v6  }
0x17: {  	[tilespmem:s15+$0x2010] =	vst v7;
	v7 =	vsel vm11, $0x0, v4;
	vm12 =	vlt.u32 v10, v6  }
0x18: {  	[tilespmem:s15+$0x2020] =	vst v7;
	v7 =	vsel vm12, $0x0, v4;
	vm13 =	vlt.u32 v8, v6  }
0x19: {  	[tilespmem:s15+$0x2030] =	vst v7;
	v7 =	vsel vm13, $0x0, v4;
	vm14 =	vlt.u32 v61, v6  }
0x1a: {  	[tilespmem:s15+$0x2040] =	vst v7;
	v7 =	vsel vm14, $0x0, v4;
	vm15 =	vlt.u32 v62, v6  }
0x1b: {  	[tilespmem:s15+$0x2050] =	vst v7;
	v6 =	vsel vm15, $0x0, v4  }
0x1c: {  	[tilespmem:s15+$0x2060] =	vst v6  }
.LBB2_24:
0x1d: {  	s14 =	sadd.s32 $0x1, s14  }
0x1e: {  	p0 =	sne.s32 s14, s5  }
.Ltmp1:
0x1f: {  	_ = 	snop;
	(pc) =	sbr.rel @!p0 .LBB2_25-.Ltmp1, $4  }
0x20: {  	[hbm4b:s4+s6] =	stream.strided.scatter [tilespmem:s13], [sflag:$0x1], $0x1000, s7, s6, $0x38;
	[tilespmem:$0x3200] =	vst v63  }
0x21: {  	_ =	swait.ge [sflag:s8], $0x1000  }
0x22: {  	[sflag:s8] =	ssyncset.done $0x0  }
0x23: {  	[sflag:s8] =	ssyncadd.s32 $0xFFFFF000  }
.LBB2_1:
0x24: {  	[tilespmem:s2], [sflag:$0x1] =	stream.strided.gather [hbm4b:s3+s6], $0x1000, s7, s6, $0x38;
	[tilespmem:$0x3200] =	vst v63  }
0x25: {  	_ =	swait.ge [sflag:s8], $0x1000  }
0x26: {  	[sflag:s8] =	ssyncset.done $0x0  }
0x27: {  	[sflag:s8] =	ssyncadd.s32 $0xFFFFF000  }
0x28: {  	[tilespmem:$0x3000] =	vst v1  }
0x29: {  	[tilespmem:$0x3080] =	vst v1  }
0x2a: {  	[tilespmem:$0x3100] =	vst v1  }
0x2b: {  	s15 =	simm.s32 $0x0;
	[tilespmem:$0x3180] =	vst v1  }
.LBB2_2:
0x2c: {  	s16 =	sshra.s32 s15, $0x2  }
0x2d: {  	v6 =	vld [tilespmem:s16+$0x0];
	_ =	sdelay $0x4  }
0x2e: {  	v7 =	vshra.s32 v6, $0x1F  }
0x2f: {  	v7 =	vand.u32 $0x7FFFFFFF, v7  }
0x30: {  	v6 =	vxor.u32 v7, v6  }
0x31: {  	v6 =	vxor.u32 $0x80000000, v6  }
0x32: {  	v7 =	vshrl.u32 v6, $0x1C;
	_ =	sdelay $0x3  }
0x33: {  	[tilespmem:s16+$0x1000] =	vst v6  }
0x34: {  	[tilespmem:v7+s9+$0x0] =	vst.idx.add.s32.msk $0xffff, v2  }
0x35: {  	v6 =	vld [tilespmem:s16+$0x10];
	_ =	sdelay $0x4  }
0x36: {  	v7 =	vshra.s32 v6, $0x1F  }
0x37: {  	v7 =	vand.u32 $0x7FFFFFFF, v7  }
0x38: {  	v6 =	vxor.u32 v7, v6  }
0x39: {  	v6 =	vxor.u32 $0x80000000, v6  }
0x3a: {  	v7 =	vshrl.u32 v6, $0x1C;
	_ =	sdelay $0x3  }
0x3b: {  	[tilespmem:s16+$0x1010] =	vst v6  }
0x3c: {  	[tilespmem:v7+s10+$0x0] =	vst.idx.add.s32.msk $0xffff, v2  }
0x3d: {  	v6 =	vld [tilespmem:s16+$0x20];
	_ =	sdelay $0x4  }
0x3e: {  	v7 =	vshra.s32 v6, $0x1F  }
0x3f: {  	v7 =	vand.u32 $0x7FFFFFFF, v7  }
0x40: {  	v6 =	vxor.u32 v7, v6  }
0x41: {  	v6 =	vxor.u32 $0x80000000, v6  }
0x42: {  	v7 =	vshrl.u32 v6, $0x1C;
	_ =	sdelay $0x3  }
0x43: {  	[tilespmem:s16+$0x1020] =	vst v6  }
0x44: {  	[tilespmem:v7+s11+$0x0] =	vst.idx.add.s32.msk $0xffff, v2  }
0x45: {  	v6 =	vld [tilespmem:s16+$0x30];
	_ =	sdelay $0x4  }
0x46: {  	v7 =	vshra.s32 v6, $0x1F  }
0x47: {  	v7 =	vand.u32 $0x7FFFFFFF, v7  }
0x48: {  	v6 =	vxor.u32 v7, v6  }
0x49: {  	v6 =	vxor.u32 $0x80000000, v6  }
0x4a: {  	v7 =	vshrl.u32 v6, $0x1C;
	_ =	sdelay $0x3  }
0x4b: {  	[tilespmem:s16+$0x1030] =	vst v6  }
0x4c: {  	[tilespmem:v7+s12+$0x0] =	vst.idx.add.s32.msk $0xffff, v2  }
0x4d: {  	v6 =	vld [tilespmem:s16+$0x40];
	_ =	sdelay $0x4  }
0x4e: {  	v7 =	vshra.s32 v6, $0x1F  }
0x4f: {  	v7 =	vand.u32 $0x7FFFFFFF, v7  }
0x50: {  	v6 =	vxor.u32 v7, v6  }
0x51: {  	v6 =	vxor.u32 $0x80000000, v6  }
0x52: {  	v7 =	vshrl.u32 v6, $0x1C;
	_ =	sdelay $0x3  }
0x53: {  	[tilespmem:s16+$0x1040] =	vst v6  }
0x54: {  	[tilespmem:v7+s9+$0x0] =	vst.idx.add.s32.msk $0xffff, v2  }
0x55: {  	v6 =	vld [tilespmem:s16+$0x50];
	_ =	sdelay $0x4  }
0x56: {  	v7 =	vshra.s32 v6, $0x1F  }
0x57: {  	v7 =	vand.u32 $0x7FFFFFFF, v7  }
0x58: {  	v6 =	vxor.u32 v7, v6  }
0x59: {  	v6 =	vxor.u32 $0x80000000, v6  }
0x5a: {  	v7 =	vshrl.u32 v6, $0x1C;
	_ =	sdelay $0x3  }
0x5b: {  	[tilespmem:s16+$0x1050] =	vst v6  }
0x5c: {  	[tilespmem:v7+s10+$0x0] =	vst.idx.add.s32.msk $0xffff, v2  }
0x5d: {  	v6 =	vld [tilespmem:s16+$0x60];
	_ =	sdelay $0x4  }
0x5e: {  	v7 =	vshra.s32 v6, $0x1F  }
0x5f: {  	v7 =	vand.u32 $0x7FFFFFFF, v7  }
0x60: {  	v6 =	vxor.u32 v7, v6  }
0x61: {  	v6 =	vxor.u32 $0x80000000, v6  }
0x62: {  	v7 =	vshrl.u32 v6, $0x1C;
	_ =	sdelay $0x3  }
0x63: {  	[tilespmem:s16+$0x1060] =	vst v6  }
0x64: {  	[tilespmem:v7+s11+$0x0] =	vst.idx.add.s32.msk $0xffff, v2  }
0x65: {  	v6 =	vld [tilespmem:s16+$0x70];
	_ =	sdelay $0x4  }
0x66: {  	v7 =	vshra.s32 v6, $0x1F  }
0x67: {  	v7 =	vand.u32 $0x7FFFFFFF, v7  }
0x68: {  	v6 =	vxor.u32 v7, v6  }
0x69: {  	v6 =	vxor.u32 $0x80000000, v6  }
0x6a: {  	p0 =	sne.s32 s15, $0x3E00;
	v7 =	vshrl.u32 v6, $0x1C  }
.Ltmp2:
0x6b: {  	_ = 	snop;
	(pc) =	sbr.rel @p0 .LBB2_2-.Ltmp2, $3  }
0x6c: {  	_ =	sdelay $0x1  }
0x6d: {  	[tilespmem:s16+$0x1070] =	vst v6  }
0x6e: {  	s15 =	sadd.s32 $0x200, s15;
	[tilespmem:v7+s12+$0x0] =	vst.idx.add.s32.msk $0xffff, v2  }
0x6f: {  	v6 =	vld [tilespmem:$0x3000]  }
0x70: {  	v7 =	vld [tilespmem:$0x3080]  }
0x71: {  	v8 =	vld [tilespmem:$0x3100]  }
0x72: {  	v9 =	vld [tilespmem:$0x3180];
	_ =	sdelay $0x2  }
0x73: {  	v6 =	vadd.s32 v6, v7  }
0x74: {  	v6 =	vadd.s32 v8, v6  }
0x75: {  	v6 =	vadd.s32 v9, v6  }
0x76: {  	v7 =	vperm.xlane v6, v3;
	_ =	sdelay $0x1  }
0x77: {  	(xrf0) =	vadd.scan.msk.s32 $0xffff, v7;
	_ =	sdelay $0x5  }
0x78: {  	v8, _, _ =	vpop (xrf0)  }
0x79: {  	[tilespmem:$0x3000] =	vst v1;
	vm0 =	vgt.s32 v8, $0x3F  }
0x7a: {  	[tilespmem:$0x3080] =	vst v1;
	v9 =	vmctz.xlane vm0  }
0x7b: {  	[tilespmem:$0x3100] =	vst v1  }
0x7c: {  	[tilespmem:$0x3180] =	vst v1;
	s15 =	simm.s32 $0x0;
	v6 =	vsub.s32 $0xF, v9  }
.LBB2_4:
0x7d: {  	s16 =	sshra.s32 s15, $0x2  }
0x7e: {  	v10 =	vld [tilespmem:s16+$0x1000];
	_ =	sdelay $0x4  }
0x7f: {  	v11 =	vshrl.u32 v10, $0x1C  }
0x80: {  	v10 =	vshrl.u32 v10, $0x18;
	vm0 =	veq.s32 v11, v6  }
0x81: {  	v10 =	vand.u32 $0xF, v10;
	_ =	sdelay $0x4  }
0x82: {  	[tilespmem:v10+s9+$0x0] =	vst.idx.add.s32.msk vm0, v2  }
0x83: {  	v10 =	vld [tilespmem:s16+$0x1010];
	_ =	sdelay $0x4  }
0x84: {  	v11 =	vshrl.u32 v10, $0x1C  }
0x85: {  	v10 =	vshrl.u32 v10, $0x18;
	vm9 =	veq.s32 v11, v6  }
0x86: {  	v10 =	vand.u32 $0xF, v10;
	_ =	sdelay $0x4  }
0x87: {  	[tilespmem:v10+s10+$0x0] =	vst.idx.add.s32.msk vm9, v2  }
0x88: {  	v10 =	vld [tilespmem:s16+$0x1020];
	_ =	sdelay $0x4  }
0x89: {  	v11 =	vshrl.u32 v10, $0x1C  }
0x8a: {  	v10 =	vshrl.u32 v10, $0x18;
	vm10 =	veq.s32 v11, v6  }
0x8b: {  	v10 =	vand.u32 $0xF, v10;
	_ =	sdelay $0x4  }
0x8c: {  	[tilespmem:v10+s11+$0x0] =	vst.idx.add.s32.msk vm10, v2  }
0x8d: {  	v10 =	vld [tilespmem:s16+$0x1030];
	_ =	sdelay $0x4  }
0x8e: {  	v11 =	vshrl.u32 v10, $0x1C  }
0x8f: {  	v10 =	vshrl.u32 v10, $0x18;
	vm11 =	veq.s32 v11, v6  }
0x90: {  	v10 =	vand.u32 $0xF, v10;
	_ =	sdelay $0x4  }
0x91: {  	[tilespmem:v10+s12+$0x0] =	vst.idx.add.s32.msk vm11, v2  }
0x92: {  	v10 =	vld [tilespmem:s16+$0x1040];
	_ =	sdelay $0x4  }
0x93: {  	v11 =	vshrl.u32 v10, $0x1C  }
0x94: {  	v10 =	vshrl.u32 v10, $0x18;
	vm12 =	veq.s32 v11, v6  }
0x95: {  	v10 =	vand.u32 $0xF, v10;
	_ =	sdelay $0x4  }
0x96: {  	[tilespmem:v10+s9+$0x0] =	vst.idx.add.s32.msk vm12, v2  }
0x97: {  	v10 =	vld [tilespmem:s16+$0x1050];
	_ =	sdelay $0x4  }
0x98: {  	v11 =	vshrl.u32 v10, $0x1C  }
0x99: {  	v10 =	vshrl.u32 v10, $0x18;
	vm13 =	veq.s32 v11, v6  }
0x9a: {  	v10 =	vand.u32 $0xF, v10;
	_ =	sdelay $0x4  }
0x9b: {  	[tilespmem:v10+s10+$0x0] =	vst.idx.add.s32.msk vm13, v2  }
0x9c: {  	v10 =	vld [tilespmem:s16+$0x1060];
	_ =	sdelay $0x4  }
0x9d: {  	v11 =	vshrl.u32 v10, $0x1C  }
0x9e: {  	v10 =	vshrl.u32 v10, $0x18;
	vm14 =	veq.s32 v11, v6  }
0x9f: {  	v10 =	vand.u32 $0xF, v10;
	_ =	sdelay $0x4  }
0xa0: {  	[tilespmem:v10+s11+$0x0] =	vst.idx.add.s32.msk vm14, v2  }
0xa1: {  	v10 =	vld [tilespmem:s16+$0x1070];
	_ =	sdelay $0x4  }
0xa2: {  	v11 =	vshrl.u32 v10, $0x1C  }
0xa3: {  	v10 =	vshrl.u32 v10, $0x18;
	vm15 =	veq.s32 v11, v6  }
0xa4: {  	p0 =	sne.s32 s15, $0x3E00;
	v10 =	vand.u32 $0xF, v10  }
.Ltmp3:
0xa5: {  	_ = 	snop;
	(pc) =	sbr.rel @p0 .LBB2_4-.Ltmp3, $2  }
0xa6: {  	_ =	sdelay $0x2  }
0xa7: {  	s15 =	sadd.s32 $0x200, s15;
	[tilespmem:v10+s12+$0x0] =	vst.idx.add.s32.msk vm15, v2  }
0xa8: {  	vm0 =	veq.s32 v9, v0;
	v8 =	vxor.u32 $0x80000000, v8  }
0xa9: {  	v7 =	vxor.u32 $0x80000000, v7;
	v8 =	vnsel vm0, $0x80000000, v8  }
0xaa: {  	v7 =	vnsel vm0, $0x80000000, v7;
	(xrf0) =	vmax.scan.msk.u32 $0xffff, v8  }
0xab: {  	(xrf0) =	vmax.scan.msk.u32 $0xffff, v7;
	_ =	sdelay $0x4  }
0xac: {  	v7, _, _ =	vpop (xrf0)  }
0xad: {  	(v2sf) =	vpush v7, $0xF;
	v7, _, _ =	vpop (xrf0)  }
0xae: {  	(v2sf) =	vpush v7, $0xF  }
0xaf: {  	v8 =	vld [tilespmem:$0x3080]  }
0xb0: {  	v7 =	vld [tilespmem:$0x3000]  }
0xb1: {  	v9 =	vld [tilespmem:$0x3100]  }
0xb2: {  	v10 =	vld [tilespmem:$0x3180];
	_ =	sdelay $0x2  }
0xb3: {  	v7 =	vadd.s32 v7, v8  }
0xb4: {  	v7 =	vadd.s32 v9, v7  }
0xb5: {  	v7 =	vadd.s32 v10, v7  }
0xb6: {  	v7 =	vperm.xlane v7, v3;
	_ =	sdelay $0x1  }
0xb7: {  	(xrf0) =	vadd.scan.msk.s32 $0xffff, v7;
	_ =	sdelay $0x1  }
0xb8: {  	s15 =	spop (v2sf)  }
0xb9: {  	s16 =	spop (v2sf)  }
0xba: {  	s15 =	sxor.u32 $0x80000000, s15;
	s16 =	sxor.u32 $0x80000000, s16  }
0xbb: {  	s15 =	ssub.s32 s16, s15  }
0xbc: {  	v8, _, _ =	vpop (xrf0);
	s15 =	sadd.s32 $0x40, s15  }
0xbd: {  	vm15 =	vge.s32 v8, s15  }
0xbe: {  	[tilespmem:$0x3100] =	vst v1;
	v9 =	vmctz.xlane vm15  }
0xbf: {  	[tilespmem:$0x3180] =	vst v1  }
0xc0: {  	v6 =	vshll.u32 v6, $0x4;
	[tilespmem:$0x3080] =	vst v1;
	v10 =	vsub.s32 $0xF, v9  }
0xc1: {  	[tilespmem:$0x3000] =	vst v1;
	s16 =	simm.s32 $0x0;
	v6 =	vor.u32 v6, v10  }
.LBB2_6:
0xc2: {  	s17 =	sshra.s32 s16, $0x2  }
0xc3: {  	v10 =	vld [tilespmem:s17+$0x1000];
	_ =	sdelay $0x4  }
0xc4: {  	v11 =	vshrl.u32 v10, $0x18  }
0xc5: {  	v10 =	vshrl.u32 v10, $0x14;
	vm0 =	veq.s32 v11, v6  }
0xc6: {  	v10 =	vand.u32 $0xF, v10;
	_ =	sdelay $0x4  }
0xc7: {  	[tilespmem:v10+s9+$0x0] =	vst.idx.add.s32.msk vm0, v2  }
0xc8: {  	v10 =	vld [tilespmem:s17+$0x1010];
	_ =	sdelay $0x4  }
0xc9: {  	v11 =	vshrl.u32 v10, $0x18  }
0xca: {  	v10 =	vshrl.u32 v10, $0x14;
	vm9 =	veq.s32 v11, v6  }
0xcb: {  	v10 =	vand.u32 $0xF, v10;
	_ =	sdelay $0x4  }
0xcc: {  	[tilespmem:v10+s10+$0x0] =	vst.idx.add.s32.msk vm9, v2  }
0xcd: {  	v10 =	vld [tilespmem:s17+$0x1020];
	_ =	sdelay $0x4  }
0xce: {  	v11 =	vshrl.u32 v10, $0x18  }
0xcf: {  	v10 =	vshrl.u32 v10, $0x14;
	vm10 =	veq.s32 v11, v6  }
0xd0: {  	v10 =	vand.u32 $0xF, v10;
	_ =	sdelay $0x4  }
0xd1: {  	[tilespmem:v10+s11+$0x0] =	vst.idx.add.s32.msk vm10, v2  }
0xd2: {  	v10 =	vld [tilespmem:s17+$0x1030];
	_ =	sdelay $0x4  }
0xd3: {  	v11 =	vshrl.u32 v10, $0x18  }
0xd4: {  	v10 =	vshrl.u32 v10, $0x14;
	vm11 =	veq.s32 v11, v6  }
0xd5: {  	v10 =	vand.u32 $0xF, v10;
	_ =	sdelay $0x4  }
0xd6: {  	[tilespmem:v10+s12+$0x0] =	vst.idx.add.s32.msk vm11, v2  }
0xd7: {  	v10 =	vld [tilespmem:s17+$0x1040];
	_ =	sdelay $0x4  }
0xd8: {  	v11 =	vshrl.u32 v10, $0x18  }
0xd9: {  	v10 =	vshrl.u32 v10, $0x14;
	vm12 =	veq.s32 v11, v6  }
0xda: {  	v10 =	vand.u32 $0xF, v10;
	_ =	sdelay $0x4  }
0xdb: {  	[tilespmem:v10+s9+$0x0] =	vst.idx.add.s32.msk vm12, v2  }
0xdc: {  	v10 =	vld [tilespmem:s17+$0x1050];
	_ =	sdelay $0x4  }
0xdd: {  	v11 =	vshrl.u32 v10, $0x18  }
0xde: {  	v10 =	vshrl.u32 v10, $0x14;
	vm13 =	veq.s32 v11, v6  }
0xdf: {  	v10 =	vand.u32 $0xF, v10;
	_ =	sdelay $0x4  }
0xe0: {  	[tilespmem:v10+s10+$0x0] =	vst.idx.add.s32.msk vm13, v2  }
0xe1: {  	v10 =	vld [tilespmem:s17+$0x1060];
	_ =	sdelay $0x4  }
0xe2: {  	v11 =	vshrl.u32 v10, $0x18  }
0xe3: {  	v10 =	vshrl.u32 v10, $0x14;
	vm14 =	veq.s32 v11, v6  }
0xe4: {  	v10 =	vand.u32 $0xF, v10;
	_ =	sdelay $0x4  }
0xe5: {  	[tilespmem:v10+s11+$0x0] =	vst.idx.add.s32.msk vm14, v2  }
0xe6: {  	v10 =	vld [tilespmem:s17+$0x1070];
	_ =	sdelay $0x4  }
0xe7: {  	v11 =	vshrl.u32 v10, $0x18  }
0xe8: {  	v10 =	vshrl.u32 v10, $0x14;
	vm15 =	veq.s32 v11, v6  }
0xe9: {  	p0 =	sne.s32 s16, $0x3E00;
	v10 =	vand.u32 $0xF, v10  }
.Ltmp4:
0xea: {  	_ = 	snop;
	(pc) =	sbr.rel @p0 .LBB2_6-.Ltmp4, $2  }
0xeb: {  	_ =	sdelay $0x2  }
0xec: {  	s16 =	sadd.s32 $0x200, s16;
	[tilespmem:v10+s12+$0x0] =	vst.idx.add.s32.msk vm15, v2  }
0xed: {  	vm0 =	veq.s32 v9, v0;
	v8 =	vxor.u32 $0x80000000, v8  }
0xee: {  	v7 =	vxor.u32 $0x80000000, v7;
	v8 =	vnsel vm0, $0x80000000, v8  }
0xef: {  	v7 =	vnsel vm0, $0x80000000, v7;
	(xrf0) =	vmax.scan.msk.u32 $0xffff, v8  }
0xf0: {  	(xrf0) =	vmax.scan.msk.u32 $0xffff, v7;
	_ =	sdelay $0x4  }
0xf1: {  	v7, _, _ =	vpop (xrf0)  }
0xf2: {  	(v2sf) =	vpush v7, $0xF;
	v7, _, _ =	vpop (xrf0)  }
0xf3: {  	(v2sf) =	vpush v7, $0xF  }
0xf4: {  	v8 =	vld [tilespmem:$0x3080]  }
0xf5: {  	v7 =	vld [tilespmem:$0x3000]  }
0xf6: {  	v9 =	vld [tilespmem:$0x3100]  }
0xf7: {  	v10 =	vld [tilespmem:$0x3180];
	_ =	sdelay $0x2  }
0xf8: {  	v7 =	vadd.s32 v7, v8  }
0xf9: {  	v7 =	vadd.s32 v9, v7  }
0xfa: {  	v7 =	vadd.s32 v10, v7  }
0xfb: {  	v7 =	vperm.xlane v7, v3;
	_ =	sdelay $0x1  }
0xfc: {  	(xrf0) =	vadd.scan.msk.s32 $0xffff, v7;
	_ =	sdelay $0x1  }
0xfd: {  	s16 =	spop (v2sf)  }
0xfe: {  	s17 =	spop (v2sf)  }
0xff: {  	s16 =	sxor.u32 $0x80000000, s16;
	s17 =	sxor.u32 $0x80000000, s17  }
0x100: {  	s16 =	ssub.s32 s17, s16  }
0x101: {  	v8, _, _ =	vpop (xrf0);
	s15 =	sadd.s32 s15, s16  }
0x102: {  	vm15 =	vge.s32 v8, s15  }
0x103: {  	[tilespmem:$0x3100] =	vst v1;
	v9 =	vmctz.xlane vm15  }
0x104: {  	[tilespmem:$0x3180] =	vst v1  }
0x105: {  	v6 =	vshll.u32 v6, $0x4;
	[tilespmem:$0x3080] =	vst v1;
	v10 =	vsub.s32 $0xF, v9  }
0x106: {  	[tilespmem:$0x3000] =	vst v1;
	s16 =	simm.s32 $0x0;
	v6 =	vor.u32 v6, v10  }
.LBB2_8:
0x107: {  	s17 =	sshra.s32 s16, $0x2  }
0x108: {  	v10 =	vld [tilespmem:s17+$0x1000];
	_ =	sdelay $0x4  }
0x109: {  	v11 =	vshrl.u32 v10, $0x14  }
0x10a: {  	v10 =	vshrl.u32 v10, $0x10;
	vm0 =	veq.s32 v11, v6  }
0x10b: {  	v10 =	vand.u32 $0xF, v10;
	_ =	sdelay $0x4  }
0x10c: {  	[tilespmem:v10+s9+$0x0] =	vst.idx.add.s32.msk vm0, v2  }
0x10d: {  	v10 =	vld [tilespmem:s17+$0x1010];
	_ =	sdelay $0x4  }
0x10e: {  	v11 =	vshrl.u32 v10, $0x14  }
0x10f: {  	v10 =	vshrl.u32 v10, $0x10;
	vm9 =	veq.s32 v11, v6  }
0x110: {  	v10 =	vand.u32 $0xF, v10;
	_ =	sdelay $0x4  }
0x111: {  	[tilespmem:v10+s10+$0x0] =	vst.idx.add.s32.msk vm9, v2  }
0x112: {  	v10 =	vld [tilespmem:s17+$0x1020];
	_ =	sdelay $0x4  }
0x113: {  	v11 =	vshrl.u32 v10, $0x14  }
0x114: {  	v10 =	vshrl.u32 v10, $0x10;
	vm10 =	veq.s32 v11, v6  }
0x115: {  	v10 =	vand.u32 $0xF, v10;
	_ =	sdelay $0x4  }
0x116: {  	[tilespmem:v10+s11+$0x0] =	vst.idx.add.s32.msk vm10, v2  }
0x117: {  	v10 =	vld [tilespmem:s17+$0x1030];
	_ =	sdelay $0x4  }
0x118: {  	v11 =	vshrl.u32 v10, $0x14  }
0x119: {  	v10 =	vshrl.u32 v10, $0x10;
	vm11 =	veq.s32 v11, v6  }
0x11a: {  	v10 =	vand.u32 $0xF, v10;
	_ =	sdelay $0x4  }
0x11b: {  	[tilespmem:v10+s12+$0x0] =	vst.idx.add.s32.msk vm11, v2  }
0x11c: {  	v10 =	vld [tilespmem:s17+$0x1040];
	_ =	sdelay $0x4  }
0x11d: {  	v11 =	vshrl.u32 v10, $0x14  }
0x11e: {  	v10 =	vshrl.u32 v10, $0x10;
	vm12 =	veq.s32 v11, v6  }
0x11f: {  	v10 =	vand.u32 $0xF, v10;
	_ =	sdelay $0x4  }
0x120: {  	[tilespmem:v10+s9+$0x0] =	vst.idx.add.s32.msk vm12, v2  }
0x121: {  	v10 =	vld [tilespmem:s17+$0x1050];
	_ =	sdelay $0x4  }
0x122: {  	v11 =	vshrl.u32 v10, $0x14  }
0x123: {  	v10 =	vshrl.u32 v10, $0x10;
	vm13 =	veq.s32 v11, v6  }
0x124: {  	v10 =	vand.u32 $0xF, v10;
	_ =	sdelay $0x4  }
0x125: {  	[tilespmem:v10+s10+$0x0] =	vst.idx.add.s32.msk vm13, v2  }
0x126: {  	v10 =	vld [tilespmem:s17+$0x1060];
	_ =	sdelay $0x4  }
0x127: {  	v11 =	vshrl.u32 v10, $0x14  }
0x128: {  	v10 =	vshrl.u32 v10, $0x10;
	vm14 =	veq.s32 v11, v6  }
0x129: {  	v10 =	vand.u32 $0xF, v10;
	_ =	sdelay $0x4  }
0x12a: {  	[tilespmem:v10+s11+$0x0] =	vst.idx.add.s32.msk vm14, v2  }
0x12b: {  	v10 =	vld [tilespmem:s17+$0x1070];
	_ =	sdelay $0x4  }
0x12c: {  	v11 =	vshrl.u32 v10, $0x14  }
0x12d: {  	v10 =	vshrl.u32 v10, $0x10;
	vm15 =	veq.s32 v11, v6  }
0x12e: {  	p0 =	sne.s32 s16, $0x3E00;
	v10 =	vand.u32 $0xF, v10  }
.Ltmp5:
0x12f: {  	_ = 	snop;
	(pc) =	sbr.rel @p0 .LBB2_8-.Ltmp5, $2  }
0x130: {  	_ =	sdelay $0x2  }
0x131: {  	s16 =	sadd.s32 $0x200, s16;
	[tilespmem:v10+s12+$0x0] =	vst.idx.add.s32.msk vm15, v2  }
0x132: {  	vm0 =	veq.s32 v9, v0;
	v8 =	vxor.u32 $0x80000000, v8  }
0x133: {  	v7 =	vxor.u32 $0x80000000, v7;
	v8 =	vnsel vm0, $0x80000000, v8  }
0x134: {  	v7 =	vnsel vm0, $0x80000000, v7;
	(xrf0) =	vmax.scan.msk.u32 $0xffff, v8  }
0x135: {  	(xrf0) =	vmax.scan.msk.u32 $0xffff, v7;
	_ =	sdelay $0x4  }
0x136: {  	v7, _, _ =	vpop (xrf0)  }
0x137: {  	(v2sf) =	vpush v7, $0xF;
	v7, _, _ =	vpop (xrf0)  }
0x138: {  	(v2sf) =	vpush v7, $0xF  }
0x139: {  	v8 =	vld [tilespmem:$0x3080]  }
0x13a: {  	v7 =	vld [tilespmem:$0x3000]  }
0x13b: {  	v9 =	vld [tilespmem:$0x3100]  }
0x13c: {  	v10 =	vld [tilespmem:$0x3180];
	_ =	sdelay $0x2  }
0x13d: {  	v7 =	vadd.s32 v7, v8  }
0x13e: {  	v7 =	vadd.s32 v9, v7  }
0x13f: {  	v7 =	vadd.s32 v10, v7  }
0x140: {  	v7 =	vperm.xlane v7, v3;
	_ =	sdelay $0x1  }
0x141: {  	(xrf0) =	vadd.scan.msk.s32 $0xffff, v7;
	_ =	sdelay $0x1  }
0x142: {  	s16 =	spop (v2sf)  }
0x143: {  	s17 =	spop (v2sf)  }
0x144: {  	s16 =	sxor.u32 $0x80000000, s16;
	s17 =	sxor.u32 $0x80000000, s17  }
0x145: {  	s16 =	ssub.s32 s17, s16  }
0x146: {  	v8, _, _ =	vpop (xrf0);
	s15 =	sadd.s32 s15, s16  }
0x147: {  	vm15 =	vge.s32 v8, s15  }
0x148: {  	[tilespmem:$0x3100] =	vst v1;
	v9 =	vmctz.xlane vm15  }
0x149: {  	[tilespmem:$0x3180] =	vst v1  }
0x14a: {  	v6 =	vshll.u32 v6, $0x4;
	[tilespmem:$0x3080] =	vst v1;
	v10 =	vsub.s32 $0xF, v9  }
0x14b: {  	[tilespmem:$0x3000] =	vst v1;
	s16 =	simm.s32 $0x0;
	v6 =	vor.u32 v6, v10  }
.LBB2_10:
0x14c: {  	s17 =	sshra.s32 s16, $0x2  }
0x14d: {  	v10 =	vld [tilespmem:s17+$0x1000];
	_ =	sdelay $0x4  }
0x14e: {  	v11 =	vshrl.u32 v10, $0x10  }
0x14f: {  	v10 =	vshrl.u32 v10, $0xC;
	vm0 =	veq.s32 v11, v6  }
0x150: {  	v10 =	vand.u32 $0xF, v10;
	_ =	sdelay $0x4  }
0x151: {  	[tilespmem:v10+s9+$0x0] =	vst.idx.add.s32.msk vm0, v2  }
0x152: {  	v10 =	vld [tilespmem:s17+$0x1010];
	_ =	sdelay $0x4  }
0x153: {  	v11 =	vshrl.u32 v10, $0x10  }
0x154: {  	v10 =	vshrl.u32 v10, $0xC;
	vm9 =	veq.s32 v11, v6  }
0x155: {  	v10 =	vand.u32 $0xF, v10;
	_ =	sdelay $0x4  }
0x156: {  	[tilespmem:v10+s10+$0x0] =	vst.idx.add.s32.msk vm9, v2  }
0x157: {  	v10 =	vld [tilespmem:s17+$0x1020];
	_ =	sdelay $0x4  }
0x158: {  	v11 =	vshrl.u32 v10, $0x10  }
0x159: {  	v10 =	vshrl.u32 v10, $0xC;
	vm10 =	veq.s32 v11, v6  }
0x15a: {  	v10 =	vand.u32 $0xF, v10;
	_ =	sdelay $0x4  }
0x15b: {  	[tilespmem:v10+s11+$0x0] =	vst.idx.add.s32.msk vm10, v2  }
0x15c: {  	v10 =	vld [tilespmem:s17+$0x1030];
	_ =	sdelay $0x4  }
0x15d: {  	v11 =	vshrl.u32 v10, $0x10  }
0x15e: {  	v10 =	vshrl.u32 v10, $0xC;
	vm11 =	veq.s32 v11, v6  }
0x15f: {  	v10 =	vand.u32 $0xF, v10;
	_ =	sdelay $0x4  }
0x160: {  	[tilespmem:v10+s12+$0x0] =	vst.idx.add.s32.msk vm11, v2  }
0x161: {  	v10 =	vld [tilespmem:s17+$0x1040];
	_ =	sdelay $0x4  }
0x162: {  	v11 =	vshrl.u32 v10, $0x10  }
0x163: {  	v10 =	vshrl.u32 v10, $0xC;
	vm12 =	veq.s32 v11, v6  }
0x164: {  	v10 =	vand.u32 $0xF, v10;
	_ =	sdelay $0x4  }
0x165: {  	[tilespmem:v10+s9+$0x0] =	vst.idx.add.s32.msk vm12, v2  }
0x166: {  	v10 =	vld [tilespmem:s17+$0x1050];
	_ =	sdelay $0x4  }
0x167: {  	v11 =	vshrl.u32 v10, $0x10  }
0x168: {  	v10 =	vshrl.u32 v10, $0xC;
	vm13 =	veq.s32 v11, v6  }
0x169: {  	v10 =	vand.u32 $0xF, v10;
	_ =	sdelay $0x4  }
0x16a: {  	[tilespmem:v10+s10+$0x0] =	vst.idx.add.s32.msk vm13, v2  }
0x16b: {  	v10 =	vld [tilespmem:s17+$0x1060];
	_ =	sdelay $0x4  }
0x16c: {  	v11 =	vshrl.u32 v10, $0x10  }
0x16d: {  	v10 =	vshrl.u32 v10, $0xC;
	vm14 =	veq.s32 v11, v6  }
0x16e: {  	v10 =	vand.u32 $0xF, v10;
	_ =	sdelay $0x4  }
0x16f: {  	[tilespmem:v10+s11+$0x0] =	vst.idx.add.s32.msk vm14, v2  }
0x170: {  	v10 =	vld [tilespmem:s17+$0x1070];
	_ =	sdelay $0x4  }
0x171: {  	v11 =	vshrl.u32 v10, $0x10  }
0x172: {  	v10 =	vshrl.u32 v10, $0xC;
	vm15 =	veq.s32 v11, v6  }
0x173: {  	p0 =	sne.s32 s16, $0x3E00;
	v10 =	vand.u32 $0xF, v10  }
.Ltmp6:
0x174: {  	_ = 	snop;
	(pc) =	sbr.rel @p0 .LBB2_10-.Ltmp6, $2  }
0x175: {  	_ =	sdelay $0x2  }
0x176: {  	s16 =	sadd.s32 $0x200, s16;
	[tilespmem:v10+s12+$0x0] =	vst.idx.add.s32.msk vm15, v2  }
0x177: {  	vm0 =	veq.s32 v9, v0;
	v8 =	vxor.u32 $0x80000000, v8  }
0x178: {  	v7 =	vxor.u32 $0x80000000, v7;
	v8 =	vnsel vm0, $0x80000000, v8  }
0x179: {  	v7 =	vnsel vm0, $0x80000000, v7;
	(xrf0) =	vmax.scan.msk.u32 $0xffff, v8  }
0x17a: {  	(xrf0) =	vmax.scan.msk.u32 $0xffff, v7;
	_ =	sdelay $0x4  }
0x17b: {  	v7, _, _ =	vpop (xrf0)  }
0x17c: {  	(v2sf) =	vpush v7, $0xF;
	v7, _, _ =	vpop (xrf0)  }
0x17d: {  	(v2sf) =	vpush v7, $0xF  }
0x17e: {  	v8 =	vld [tilespmem:$0x3080]  }
0x17f: {  	v7 =	vld [tilespmem:$0x3000]  }
0x180: {  	v9 =	vld [tilespmem:$0x3100]  }
0x181: {  	v10 =	vld [tilespmem:$0x3180];
	_ =	sdelay $0x2  }
0x182: {  	v7 =	vadd.s32 v7, v8  }
0x183: {  	v7 =	vadd.s32 v9, v7  }
0x184: {  	v7 =	vadd.s32 v10, v7  }
0x185: {  	v7 =	vperm.xlane v7, v3;
	_ =	sdelay $0x1  }
0x186: {  	(xrf0) =	vadd.scan.msk.s32 $0xffff, v7;
	_ =	sdelay $0x1  }
0x187: {  	s16 =	spop (v2sf)  }
0x188: {  	s17 =	spop (v2sf)  }
0x189: {  	s16 =	sxor.u32 $0x80000000, s16;
	s17 =	sxor.u32 $0x80000000, s17  }
0x18a: {  	s16 =	ssub.s32 s17, s16  }
0x18b: {  	v8, _, _ =	vpop (xrf0);
	s15 =	sadd.s32 s15, s16  }
0x18c: {  	vm15 =	vge.s32 v8, s15  }
0x18d: {  	[tilespmem:$0x3100] =	vst v1;
	v9 =	vmctz.xlane vm15  }
0x18e: {  	[tilespmem:$0x3180] =	vst v1  }
0x18f: {  	v6 =	vshll.u32 v6, $0x4;
	[tilespmem:$0x3080] =	vst v1;
	v10 =	vsub.s32 $0xF, v9  }
0x190: {  	[tilespmem:$0x3000] =	vst v1;
	s16 =	simm.s32 $0x0;
	v6 =	vor.u32 v6, v10  }
.LBB2_12:
0x191: {  	s17 =	sshra.s32 s16, $0x2  }
0x192: {  	v10 =	vld [tilespmem:s17+$0x1000];
	_ =	sdelay $0x4  }
0x193: {  	v11 =	vshrl.u32 v10, $0xC  }
0x194: {  	v10 =	vshrl.u32 v10, $0x8;
	vm0 =	veq.s32 v11, v6  }
0x195: {  	v10 =	vand.u32 $0xF, v10;
	_ =	sdelay $0x4  }
0x196: {  	[tilespmem:v10+s9+$0x0] =	vst.idx.add.s32.msk vm0, v2  }
0x197: {  	v10 =	vld [tilespmem:s17+$0x1010];
	_ =	sdelay $0x4  }
0x198: {  	v11 =	vshrl.u32 v10, $0xC  }
0x199: {  	v10 =	vshrl.u32 v10, $0x8;
	vm9 =	veq.s32 v11, v6  }
0x19a: {  	v10 =	vand.u32 $0xF, v10;
	_ =	sdelay $0x4  }
0x19b: {  	[tilespmem:v10+s10+$0x0] =	vst.idx.add.s32.msk vm9, v2  }
0x19c: {  	v10 =	vld [tilespmem:s17+$0x1020];
	_ =	sdelay $0x4  }
0x19d: {  	v11 =	vshrl.u32 v10, $0xC  }
0x19e: {  	v10 =	vshrl.u32 v10, $0x8;
	vm10 =	veq.s32 v11, v6  }
0x19f: {  	v10 =	vand.u32 $0xF, v10;
	_ =	sdelay $0x4  }
0x1a0: {  	[tilespmem:v10+s11+$0x0] =	vst.idx.add.s32.msk vm10, v2  }
0x1a1: {  	v10 =	vld [tilespmem:s17+$0x1030];
	_ =	sdelay $0x4  }
0x1a2: {  	v11 =	vshrl.u32 v10, $0xC  }
0x1a3: {  	v10 =	vshrl.u32 v10, $0x8;
	vm11 =	veq.s32 v11, v6  }
0x1a4: {  	v10 =	vand.u32 $0xF, v10;
	_ =	sdelay $0x4  }
0x1a5: {  	[tilespmem:v10+s12+$0x0] =	vst.idx.add.s32.msk vm11, v2  }
0x1a6: {  	v10 =	vld [tilespmem:s17+$0x1040];
	_ =	sdelay $0x4  }
0x1a7: {  	v11 =	vshrl.u32 v10, $0xC  }
0x1a8: {  	v10 =	vshrl.u32 v10, $0x8;
	vm12 =	veq.s32 v11, v6  }
0x1a9: {  	v10 =	vand.u32 $0xF, v10;
	_ =	sdelay $0x4  }
0x1aa: {  	[tilespmem:v10+s9+$0x0] =	vst.idx.add.s32.msk vm12, v2  }
0x1ab: {  	v10 =	vld [tilespmem:s17+$0x1050];
	_ =	sdelay $0x4  }
0x1ac: {  	v11 =	vshrl.u32 v10, $0xC  }
0x1ad: {  	v10 =	vshrl.u32 v10, $0x8;
	vm13 =	veq.s32 v11, v6  }
0x1ae: {  	v10 =	vand.u32 $0xF, v10;
	_ =	sdelay $0x4  }
0x1af: {  	[tilespmem:v10+s10+$0x0] =	vst.idx.add.s32.msk vm13, v2  }
0x1b0: {  	v10 =	vld [tilespmem:s17+$0x1060];
	_ =	sdelay $0x4  }
0x1b1: {  	v11 =	vshrl.u32 v10, $0xC  }
0x1b2: {  	v10 =	vshrl.u32 v10, $0x8;
	vm14 =	veq.s32 v11, v6  }
0x1b3: {  	v10 =	vand.u32 $0xF, v10;
	_ =	sdelay $0x4  }
0x1b4: {  	[tilespmem:v10+s11+$0x0] =	vst.idx.add.s32.msk vm14, v2  }
0x1b5: {  	v10 =	vld [tilespmem:s17+$0x1070];
	_ =	sdelay $0x4  }
0x1b6: {  	v11 =	vshrl.u32 v10, $0xC  }
0x1b7: {  	v10 =	vshrl.u32 v10, $0x8;
	vm15 =	veq.s32 v11, v6  }
0x1b8: {  	p0 =	sne.s32 s16, $0x3E00;
	v10 =	vand.u32 $0xF, v10  }
.Ltmp7:
0x1b9: {  	_ = 	snop;
	(pc) =	sbr.rel @p0 .LBB2_12-.Ltmp7, $2  }
0x1ba: {  	_ =	sdelay $0x2  }
0x1bb: {  	s16 =	sadd.s32 $0x200, s16;
	[tilespmem:v10+s12+$0x0] =	vst.idx.add.s32.msk vm15, v2  }
0x1bc: {  	vm0 =	veq.s32 v9, v0;
	v8 =	vxor.u32 $0x80000000, v8  }
0x1bd: {  	v7 =	vxor.u32 $0x80000000, v7;
	v8 =	vnsel vm0, $0x80000000, v8  }
0x1be: {  	v7 =	vnsel vm0, $0x80000000, v7;
	(xrf0) =	vmax.scan.msk.u32 $0xffff, v8  }
0x1bf: {  	(xrf0) =	vmax.scan.msk.u32 $0xffff, v7;
	_ =	sdelay $0x4  }
0x1c0: {  	v7, _, _ =	vpop (xrf0)  }
0x1c1: {  	(v2sf) =	vpush v7, $0xF;
	v7, _, _ =	vpop (xrf0)  }
0x1c2: {  	(v2sf) =	vpush v7, $0xF  }
0x1c3: {  	v8 =	vld [tilespmem:$0x3080]  }
0x1c4: {  	v7 =	vld [tilespmem:$0x3000]  }
0x1c5: {  	v9 =	vld [tilespmem:$0x3100]  }
0x1c6: {  	v10 =	vld [tilespmem:$0x3180];
	_ =	sdelay $0x2  }
0x1c7: {  	v7 =	vadd.s32 v7, v8  }
0x1c8: {  	v7 =	vadd.s32 v9, v7  }
0x1c9: {  	v7 =	vadd.s32 v10, v7  }
0x1ca: {  	v7 =	vperm.xlane v7, v3;
	_ =	sdelay $0x1  }
0x1cb: {  	(xrf0) =	vadd.scan.msk.s32 $0xffff, v7;
	_ =	sdelay $0x1  }
0x1cc: {  	s16 =	spop (v2sf)  }
0x1cd: {  	s17 =	spop (v2sf)  }
0x1ce: {  	s16 =	sxor.u32 $0x80000000, s16;
	s17 =	sxor.u32 $0x80000000, s17  }
0x1cf: {  	s16 =	ssub.s32 s17, s16  }
0x1d0: {  	v8, _, _ =	vpop (xrf0);
	s15 =	sadd.s32 s15, s16  }
0x1d1: {  	vm15 =	vge.s32 v8, s15  }
0x1d2: {  	[tilespmem:$0x3100] =	vst v1;
	v9 =	vmctz.xlane vm15  }
0x1d3: {  	[tilespmem:$0x3180] =	vst v1  }
0x1d4: {  	v6 =	vshll.u32 v6, $0x4;
	[tilespmem:$0x3080] =	vst v1;
	v10 =	vsub.s32 $0xF, v9  }
0x1d5: {  	[tilespmem:$0x3000] =	vst v1;
	s16 =	simm.s32 $0x0;
	v6 =	vor.u32 v6, v10  }
.LBB2_14:
0x1d6: {  	s17 =	sshra.s32 s16, $0x2  }
0x1d7: {  	v10 =	vld [tilespmem:s17+$0x1000];
	_ =	sdelay $0x4  }
0x1d8: {  	v11 =	vshrl.u32 v10, $0x8  }
0x1d9: {  	v10 =	vshrl.u32 v10, $0x4;
	vm0 =	veq.s32 v11, v6  }
0x1da: {  	v10 =	vand.u32 $0xF, v10;
	_ =	sdelay $0x4  }
0x1db: {  	[tilespmem:v10+s9+$0x0] =	vst.idx.add.s32.msk vm0, v2  }
0x1dc: {  	v10 =	vld [tilespmem:s17+$0x1010];
	_ =	sdelay $0x4  }
0x1dd: {  	v11 =	vshrl.u32 v10, $0x8  }
0x1de: {  	v10 =	vshrl.u32 v10, $0x4;
	vm9 =	veq.s32 v11, v6  }
0x1df: {  	v10 =	vand.u32 $0xF, v10;
	_ =	sdelay $0x4  }
0x1e0: {  	[tilespmem:v10+s10+$0x0] =	vst.idx.add.s32.msk vm9, v2  }
0x1e1: {  	v10 =	vld [tilespmem:s17+$0x1020];
	_ =	sdelay $0x4  }
0x1e2: {  	v11 =	vshrl.u32 v10, $0x8  }
0x1e3: {  	v10 =	vshrl.u32 v10, $0x4;
	vm10 =	veq.s32 v11, v6  }
0x1e4: {  	v10 =	vand.u32 $0xF, v10;
	_ =	sdelay $0x4  }
0x1e5: {  	[tilespmem:v10+s11+$0x0] =	vst.idx.add.s32.msk vm10, v2  }
0x1e6: {  	v10 =	vld [tilespmem:s17+$0x1030];
	_ =	sdelay $0x4  }
0x1e7: {  	v11 =	vshrl.u32 v10, $0x8  }
0x1e8: {  	v10 =	vshrl.u32 v10, $0x4;
	vm11 =	veq.s32 v11, v6  }
0x1e9: {  	v10 =	vand.u32 $0xF, v10;
	_ =	sdelay $0x4  }
0x1ea: {  	[tilespmem:v10+s12+$0x0] =	vst.idx.add.s32.msk vm11, v2  }
0x1eb: {  	v10 =	vld [tilespmem:s17+$0x1040];
	_ =	sdelay $0x4  }
0x1ec: {  	v11 =	vshrl.u32 v10, $0x8  }
0x1ed: {  	v10 =	vshrl.u32 v10, $0x4;
	vm12 =	veq.s32 v11, v6  }
0x1ee: {  	v10 =	vand.u32 $0xF, v10;
	_ =	sdelay $0x4  }
0x1ef: {  	[tilespmem:v10+s9+$0x0] =	vst.idx.add.s32.msk vm12, v2  }
0x1f0: {  	v10 =	vld [tilespmem:s17+$0x1050];
	_ =	sdelay $0x4  }
0x1f1: {  	v11 =	vshrl.u32 v10, $0x8  }
0x1f2: {  	v10 =	vshrl.u32 v10, $0x4;
	vm13 =	veq.s32 v11, v6  }
0x1f3: {  	v10 =	vand.u32 $0xF, v10;
	_ =	sdelay $0x4  }
0x1f4: {  	[tilespmem:v10+s10+$0x0] =	vst.idx.add.s32.msk vm13, v2  }
0x1f5: {  	v10 =	vld [tilespmem:s17+$0x1060];
	_ =	sdelay $0x4  }
0x1f6: {  	v11 =	vshrl.u32 v10, $0x8  }
0x1f7: {  	v10 =	vshrl.u32 v10, $0x4;
	vm14 =	veq.s32 v11, v6  }
0x1f8: {  	v10 =	vand.u32 $0xF, v10;
	_ =	sdelay $0x4  }
0x1f9: {  	[tilespmem:v10+s11+$0x0] =	vst.idx.add.s32.msk vm14, v2  }
0x1fa: {  	v10 =	vld [tilespmem:s17+$0x1070];
	_ =	sdelay $0x4  }
0x1fb: {  	v11 =	vshrl.u32 v10, $0x8  }
0x1fc: {  	v10 =	vshrl.u32 v10, $0x4;
	vm15 =	veq.s32 v11, v6  }
0x1fd: {  	p0 =	sne.s32 s16, $0x3E00;
	v10 =	vand.u32 $0xF, v10  }
.Ltmp8:
0x1fe: {  	_ = 	snop;
	(pc) =	sbr.rel @p0 .LBB2_14-.Ltmp8, $2  }
0x1ff: {  	_ =	sdelay $0x2  }
0x200: {  	s16 =	sadd.s32 $0x200, s16;
	[tilespmem:v10+s12+$0x0] =	vst.idx.add.s32.msk vm15, v2  }
0x201: {  	vm0 =	veq.s32 v9, v0;
	v8 =	vxor.u32 $0x80000000, v8  }
0x202: {  	v7 =	vxor.u32 $0x80000000, v7;
	v8 =	vnsel vm0, $0x80000000, v8  }
0x203: {  	v7 =	vnsel vm0, $0x80000000, v7;
	(xrf0) =	vmax.scan.msk.u32 $0xffff, v8  }
0x204: {  	(xrf0) =	vmax.scan.msk.u32 $0xffff, v7;
	_ =	sdelay $0x4  }
0x205: {  	v7, _, _ =	vpop (xrf0)  }
0x206: {  	(v2sf) =	vpush v7, $0xF;
	v7, _, _ =	vpop (xrf0)  }
0x207: {  	(v2sf) =	vpush v7, $0xF  }
0x208: {  	v8 =	vld [tilespmem:$0x3080]  }
0x209: {  	v7 =	vld [tilespmem:$0x3000]  }
0x20a: {  	v9 =	vld [tilespmem:$0x3100]  }
0x20b: {  	v10 =	vld [tilespmem:$0x3180];
	_ =	sdelay $0x2  }
0x20c: {  	v7 =	vadd.s32 v7, v8  }
0x20d: {  	v7 =	vadd.s32 v9, v7  }
0x20e: {  	v7 =	vadd.s32 v10, v7  }
0x20f: {  	v7 =	vperm.xlane v7, v3;
	_ =	sdelay $0x1  }
0x210: {  	(xrf0) =	vadd.scan.msk.s32 $0xffff, v7;
	_ =	sdelay $0x1  }
0x211: {  	s16 =	spop (v2sf)  }
0x212: {  	s17 =	spop (v2sf)  }
0x213: {  	s16 =	sxor.u32 $0x80000000, s16;
	s17 =	sxor.u32 $0x80000000, s17  }
0x214: {  	s16 =	ssub.s32 s17, s16  }
0x215: {  	v8, _, _ =	vpop (xrf0);
	s15 =	sadd.s32 s15, s16  }
0x216: {  	vm15 =	vge.s32 v8, s15  }
0x217: {  	[tilespmem:$0x3100] =	vst v1;
	v9 =	vmctz.xlane vm15  }
0x218: {  	[tilespmem:$0x3180] =	vst v1  }
0x219: {  	v6 =	vshll.u32 v6, $0x4;
	[tilespmem:$0x3080] =	vst v1;
	v10 =	vsub.s32 $0xF, v9  }
0x21a: {  	[tilespmem:$0x3000] =	vst v1;
	s16 =	simm.s32 $0x0;
	v6 =	vor.u32 v6, v10  }
.LBB2_16:
0x21b: {  	s17 =	sshra.s32 s16, $0x2  }
0x21c: {  	v10 =	vld [tilespmem:s17+$0x1000];
	_ =	sdelay $0x4  }
0x21d: {  	v11 =	vshrl.u32 v10, $0x4  }
0x21e: {  	vm0 =	veq.s32 v11, v6  }
0x21f: {  	v10 =	vand.u32 $0xF, v10;
	_ =	sdelay $0x4  }
0x220: {  	[tilespmem:v10+s9+$0x0] =	vst.idx.add.s32.msk vm0, v2  }
0x221: {  	v10 =	vld [tilespmem:s17+$0x1010];
	_ =	sdelay $0x4  }
0x222: {  	v11 =	vshrl.u32 v10, $0x4  }
0x223: {  	vm9 =	veq.s32 v11, v6  }
0x224: {  	v10 =	vand.u32 $0xF, v10;
	_ =	sdelay $0x4  }
0x225: {  	[tilespmem:v10+s10+$0x0] =	vst.idx.add.s32.msk vm9, v2  }
0x226: {  	v10 =	vld [tilespmem:s17+$0x1020];
	_ =	sdelay $0x4  }
0x227: {  	v11 =	vshrl.u32 v10, $0x4  }
0x228: {  	vm10 =	veq.s32 v11, v6  }
0x229: {  	v10 =	vand.u32 $0xF, v10;
	_ =	sdelay $0x4  }
0x22a: {  	[tilespmem:v10+s11+$0x0] =	vst.idx.add.s32.msk vm10, v2  }
0x22b: {  	v10 =	vld [tilespmem:s17+$0x1030];
	_ =	sdelay $0x4  }
0x22c: {  	v11 =	vshrl.u32 v10, $0x4  }
0x22d: {  	vm11 =	veq.s32 v11, v6  }
0x22e: {  	v10 =	vand.u32 $0xF, v10;
	_ =	sdelay $0x4  }
0x22f: {  	[tilespmem:v10+s12+$0x0] =	vst.idx.add.s32.msk vm11, v2  }
0x230: {  	v10 =	vld [tilespmem:s17+$0x1040];
	_ =	sdelay $0x4  }
0x231: {  	v11 =	vshrl.u32 v10, $0x4  }
0x232: {  	vm12 =	veq.s32 v11, v6  }
0x233: {  	v10 =	vand.u32 $0xF, v10;
	_ =	sdelay $0x4  }
0x234: {  	[tilespmem:v10+s9+$0x0] =	vst.idx.add.s32.msk vm12, v2  }
0x235: {  	v10 =	vld [tilespmem:s17+$0x1050];
	_ =	sdelay $0x4  }
0x236: {  	v11 =	vshrl.u32 v10, $0x4  }
0x237: {  	vm13 =	veq.s32 v11, v6  }
0x238: {  	v10 =	vand.u32 $0xF, v10;
	_ =	sdelay $0x4  }
0x239: {  	[tilespmem:v10+s10+$0x0] =	vst.idx.add.s32.msk vm13, v2  }
0x23a: {  	v10 =	vld [tilespmem:s17+$0x1060];
	_ =	sdelay $0x4  }
0x23b: {  	v11 =	vshrl.u32 v10, $0x4  }
0x23c: {  	vm14 =	veq.s32 v11, v6  }
0x23d: {  	v10 =	vand.u32 $0xF, v10;
	_ =	sdelay $0x4  }
0x23e: {  	[tilespmem:v10+s11+$0x0] =	vst.idx.add.s32.msk vm14, v2  }
0x23f: {  	v10 =	vld [tilespmem:s17+$0x1070];
	_ =	sdelay $0x4  }
0x240: {  	v11 =	vshrl.u32 v10, $0x4  }
0x241: {  	vm15 =	veq.s32 v11, v6  }
0x242: {  	p0 =	sne.s32 s16, $0x3E00;
	v10 =	vand.u32 $0xF, v10  }
.Ltmp9:
0x243: {  	_ = 	snop;
	(pc) =	sbr.rel @p0 .LBB2_16-.Ltmp9, $2  }
0x244: {  	_ =	sdelay $0x2  }
0x245: {  	s16 =	sadd.s32 $0x200, s16;
	[tilespmem:v10+s12+$0x0] =	vst.idx.add.s32.msk vm15, v2  }
0x246: {  	vm0 =	veq.s32 v9, v0;
	v8 =	vxor.u32 $0x80000000, v8  }
0x247: {  	v7 =	vxor.u32 $0x80000000, v7;
	v8 =	vnsel vm0, $0x80000000, v8  }
0x248: {  	v7 =	vnsel vm0, $0x80000000, v7;
	(xrf0) =	vmax.scan.msk.u32 $0xffff, v8  }
0x249: {  	(xrf0) =	vmax.scan.msk.u32 $0xffff, v7;
	_ =	sdelay $0x4  }
0x24a: {  	v7, _, _ =	vpop (xrf0)  }
0x24b: {  	(v2sf) =	vpush v7, $0xF;
	v7, _, _ =	vpop (xrf0)  }
0x24c: {  	(v2sf) =	vpush v7, $0xF  }
0x24d: {  	v8 =	vld [tilespmem:$0x3080]  }
0x24e: {  	v7 =	vld [tilespmem:$0x3000]  }
0x24f: {  	v62 =	vld [tilespmem:$0x3100]  }
0x250: {  	v10 =	vld [tilespmem:$0x3180];
	_ =	sdelay $0x2  }
0x251: {  	v7 =	vadd.s32 v7, v8  }
0x252: {  	v7 =	vadd.s32 v62, v7  }
0x253: {  	v7 =	vadd.s32 v10, v7  }
0x254: {  	v7 =	vperm.xlane v7, v3;
	_ =	sdelay $0x1  }
0x255: {  	(xrf0) =	vadd.scan.msk.s32 $0xffff, v7;
	_ =	sdelay $0x1  }
0x256: {  	s16 =	spop (v2sf)  }
0x257: {  	s17 =	spop (v2sf)  }
0x258: {  	s16 =	sxor.u32 $0x80000000, s16;
	s17 =	sxor.u32 $0x80000000, s17  }
0x259: {  	s16 =	ssub.s32 s17, s16  }
0x25a: {  	v8, _, _ =	vpop (xrf0);
	s15 =	sadd.s32 s15, s16  }
0x25b: {  	vm15 =	vge.s32 v8, s15  }
0x25c: {  	v63 =	vmctz.xlane vm15;
	_ =	sdelay $0x1  }
0x25d: {  	v8 =	vxor.u32 $0x80000000, v8;
	vm0 =	veq.s32 v63, v0  }
0x25e: {  	v7 =	vxor.u32 $0x80000000, v7;
	v8 =	vnsel vm0, $0x80000000, v8  }
0x25f: {  	v7 =	vnsel vm0, $0x80000000, v7;
	(xrf0) =	vmax.scan.msk.u32 $0xffff, v8  }
0x260: {  	(xrf0) =	vmax.scan.msk.u32 $0xffff, v7;
	_ =	sdelay $0x4  }
0x261: {  	v7, _, _ =	vpop (xrf0)  }
0x262: {  	(v2sf) =	vpush v7, $0xF;
	v7, _, _ =	vpop (xrf0)  }
0x263: {  	(v2sf) =	vpush v7, $0xF;
	_ =	sdelay $0xd  }
0x264: {  	s30 =	spop (v2sf)  }
0x265: {  	s31 =	spop (v2sf)  }
0x266: {  	s16 =	sxor.u32 $0x80000000, s30;
	s17 =	sxor.u32 $0x80000000, s31  }
0x267: {  	s16 =	ssub.s32 s17, s16  }
0x268: {  	s15 =	sadd.s32 s15, s16  }
0x269: {  	p0 =	seq.s32 s17, s15  }
.Ltmp10:
0x26a: {  	_ = 	snop;
	(pc) =	sbr.rel @!p0 .LBB2_18-.Ltmp10, $3  }
0x26b: {  	_ =	sdelay $0x1  }
0x26c: {  	v6 =	vshll.u32 v6, $0x4;
	v7 =	vsub.s32 $0xF, v63  }
0x26d: {  	v6 =	vor.u32 v6, v7;
	s17 =	simm.s32 $0x0  }
0x26e: {  	s16 =	simm.s32 $0x0  }
0x26f: {  	v7 =	vld [tilespmem:s16+$0x1070]  }
0x270: {  	v9 =	vld [tilespmem:s16+$0x1000]  }
0x271: {  	v12 =	vld [tilespmem:s16+$0x1010]  }
0x272: {  	v11 =	vld [tilespmem:s16+$0x1020]  }
0x273: {  	v10 =	vld [tilespmem:s16+$0x1030]  }
0x274: {  	v8 =	vld [tilespmem:s16+$0x1040];
	vm0 =	vlt.u32 v7, v6  }
0x275: {  	v7 =	vld [tilespmem:s16+$0x1050];
	vm1 =	vlt.u32 v9, v6;
	v13 =	vsel vm0, $0x0, v4  }
0x276: {  	s15 =	simm.s32 $0x80;
	s17 =	simm.s32 $0x400;
	v9 =	vld [tilespmem:s16+$0x1060];
	vm0 =	vlt.u32 v12, v6;
	v12 =	vsel vm1, $0x0, v4;
	[tilespmem:s16+$0x2070] =	vst v13  }
.LBB2_22:
0x277: {  	p0 =	seq.s32 s17, $0x3E00;
	v13 =	vld [tilespmem:s15+$0x1070];
	[tilespmem:s16+$0x2000] =	vst v12;
	v12 =	vsel vm0, $0x0, v4;
	vm0 =	vlt.u32 v11, v6  }
0x278: {  	v14 =	vld [tilespmem:s15+$0x1000];
	[tilespmem:s16+$0x2010] =	vst v12;
	v11 =	vsel vm0, $0x0, v4;
	vm0 =	vlt.u32 v10, v6  }
0x279: {  	v15 =	vld [tilespmem:s15+$0x1010];
	[tilespmem:s16+$0x2020] =	vst v11;
	v10 =	vsel vm0, $0x0, v4;
	vm0 =	vlt.u32 v8, v6  }
.Ltmp11:
0x27a: {  	v11 =	vld [tilespmem:s15+$0x1020];
	[tilespmem:s16+$0x2030] =	vst v10;
	v8 =	vsel vm0, $0x0, v4;
	vm0 =	vlt.u32 v7, v6;
	(pc) =	sbr.rel @!p0 .LBB2_22-.Ltmp11, $4  }
0x27b: {  	v10 =	vld [tilespmem:s15+$0x1030];
	[tilespmem:s16+$0x2040] =	vst v8;
	v7 =	vsel vm0, $0x0, v4;
	vm0 =	vlt.u32 v9, v6  }
0x27c: {  	v8 =	vld [tilespmem:s15+$0x1040];
	vm1 =	vlt.u32 v13, v6;
	[tilespmem:s16+$0x2050] =	vst v7;
	v9 =	vsel vm0, $0x0, v4  }
0x27d: {  	vm0 =	vlt.u32 v14, v6;
	v7 =	vld [tilespmem:s15+$0x1050];
	v13 =	vsel vm1, $0x0, v4;
	[tilespmem:s16+$0x2060] =	vst v9;
	s16 =	smov.u32 s15  }
0x27e: {  	s15 =	sshra.s32 s17, $0x2;
	s17 =	sadd.s32 $0x200, s17;
	v12 =	vsel vm0, $0x0, v4;
	vm0 =	vlt.u32 v15, v6;
	v9 =	vld [tilespmem:s16+$0x1060];
	[tilespmem:s16+$0x2070] =	vst v13  }
.Ltmp12:
0x27f: {  	_ = 	snop;
	(pc) =	sbr.rel .LBB2_23-.Ltmp12, $1  }
0x280: {  	_ =	sdelay $0x3  }
.LBB2_18:
0x281: {  	v7 =	vmov s15;
	s15 =	simm.s32 $0x0  }
0x282: {  	v20 =	vld [tilespmem:s15+$0x1030]  }
0x283: {  	v11 =	vld [tilespmem:s15+$0x1000];
	_ =	sdelay $0x1  }
0x284: {  	v14 =	vld [tilespmem:s15+$0x1010];
	_ =	sdelay $0x1  }
0x285: {  	v15 =	vld [tilespmem:s15+$0x1020];
	vm3 =	veq.s32 v20, v6  }
0x286: {  	vm1 =	veq.s32 v11, v6;
	v8 =	vsel vm3, $0x1, v1  }
0x287: {  	v24 =	vld [tilespmem:s15+$0x1070];
	v9 =	vsel vm1, $0x1, v1;
	(xrf0) =	vadd.scan.msk.s32 $0xffff, v8  }
0x288: {  	v16 =	vld [tilespmem:s15+$0x1040];
	vm5 =	veq.s32 v14, v6;
	(xrf0) =	vadd.scan.msk.s32 $0xffff, v9  }
0x289: {  	v8 =	vsel vm5, $0x1, v1  }
0x28a: {  	vm6 =	veq.s32 v15, v6;
	(xrf0) =	vadd.scan.msk.s32 $0xffff, v8  }
0x28b: {  	v18 =	vld [tilespmem:s15+$0x1050];
	v8 =	vsel vm6, $0x1, v1  }
0x28c: {  	vm0 =	veq.s32 v24, v6;
	(xrf0) =	vadd.scan.msk.s32 $0xffff, v8  }
0x28d: {  	vm2 =	veq.s32 v16, v6;
	v8 =	vsel vm0, $0x1, v1;
	v19, _, _ =	vpop (xrf0)  }
0x28e: {  	v9 =	vsel vm2, $0x1, v1;
	(xrf0) =	vadd.scan.msk.s32 $0xffff, v8;
	v12, _, _ =	vpop (xrf0)  }
0x28f: {  	v17 =	vld [tilespmem:s15+$0x1060];
	(xrf0) =	vadd.scan.msk.s32 $0xffff, v9;
	v8 =	vxor.u32 $0x80000000, v12  }
0x290: {  	vm4 =	veq.s32 v18, v6;
	v21, _, _ =	vpop (xrf0);
	(xrf0) =	vmax.scan.msk.u32 $0xffff, v8  }
0x291: {  	v9 =	vsel vm4, $0x1, v1  }
0x292: {  	v8 =	vxor.u32 $0x80000000, v21;
	v22, _, _ =	vpop (xrf0);
	(xrf0) =	vadd.scan.msk.s32 $0xffff, v9  }
0x293: {  	v9 =	vxor.u32 $0x80000000, v22;
	(xrf0) =	vmax.scan.msk.u32 $0xffff, v8;
	v8 =	vxor.u32 $0x80000000, v19  }
0x294: {  	vm8 =	veq.s32 v17, v6;
	v25, _, _ =	vpop (xrf0);
	(xrf0) =	vmax.scan.msk.u32 $0xffff, v8  }
0x295: {  	v8 =	vsel vm8, $0x1, v1;
	(xrf0) =	vmax.scan.msk.u32 $0xffff, v9;
	v23, _, _ =	vpop (xrf0)  }
0x296: {  	v9, _, _ =	vpop (xrf0);
	(xrf0) =	vadd.scan.msk.s32 $0xffff, v8;
	_ =	sdelay $0x1  }
0x297: {  	(v2sf) =	vpush v9, $0xF;
	v26, _, _ =	vpop (xrf0)  }
0x298: {  	v9 =	vxor.u32 $0x80000000, v23;
	v8, _, _ =	vpop (xrf0)  }
0x299: {  	(xrf0) =	vmax.scan.msk.u32 $0xffff, v9;
	(v2sf) =	vpush v8, $0xF;
	v8, _, _ =	vpop (xrf0)  }
0x29a: {  	v9 =	vxor.u32 $0x80000000, v26;
	v10, _, _ =	vpop (xrf0)  }
0x29b: {  	(xrf0) =	vmax.scan.msk.u32 $0xffff, v9;
	(v2sf) =	vpush v10, $0xF;
	v27, _, _ =	vpop (xrf0)  }
0x29c: {  	v9 =	vxor.u32 $0x80000000, v27;
	_ =	sdelay $0x1  }
0x29d: {  	(v2sf) =	vpush v8, $0xF  }
0x29e: {  	s16 =	simm.s32 $0x80;
	(xrf0) =	vmax.scan.msk.u32 $0xffff, v9;
	v9, _, _ =	vpop (xrf0)  }
0x29f: {  	v8 =	vld [tilespmem:s16+$0x1030];
	(v2sf) =	vpush v9, $0xF  }
0x2a0: {  	v13 =	vadd.s32 s17, v12;
	v12 =	vld [tilespmem:s16+$0x1000];
	v9 =	vxor.u32 $0x80000000, v25;
	v28, _, _ =	vpop (xrf0)  }
0x2a1: {  	vm7 =	vmmov vm3;
	vm3 =	vle.s32 v13, v7;
	(xrf0) =	vmax.scan.msk.u32 $0xffff, v9;
	v9 =	vld [tilespmem:s16+$0x1010];
	(v2sf) =	vpush v28, $0xF  }
0x2a2: {  	vm9 =	vmmov vm6;
	vm6 =	vgt.u32 v11, v6;
	vm1 =	vmand vm1, vm3  }
0x2a3: {  	vm12 =	vgt.u32 v15, v6;
	vm11 =	vgt.u32 v18, v6;
	vm1 =	vmor vm6, vm1;
	v10 =	vld [tilespmem:s16+$0x1020]  }
0x2a4: {  	vm10 =	vmmov vm8;
	v13 =	vsel vm1, $0x3F800000, v5;
	vm13 =	veq.s32 v8, v6  }
0x2a5: {  	vm1 =	vmmov vm2;
	vm15 =	veq.s32 v12, v6;
	v56 =	vsel vm13, $0x1, v1;
	[tilespmem:s15+$0x2000] =	vst v13;
	v11, _, _ =	vpop (xrf0);
	s21 =	spop (v2sf)  }
0x2a6: {  	v13 =	vimm.s32 $0x0;
	(v2sf) =	vpush v11, $0xF;
	v11 =	vld [tilespmem:s16+$0x1070];
	s17 =	sadd.s32 $0x0, s21;
	vm2 =	veq.s32 v9, v6  }
0x2a7: {  	vm5 =	vmmov vm5;
	v31 =	vsel vm15, $0x1, v1;
	(xrf0) =	vadd.scan.msk.s32 $0xffff, v56;
	s17 =	sadd.s32 $0x80000000, s17;
	s18 =	spop (v2sf);
	v13 =	vsel vm2, $0xFFFFFFFF, v13  }
0x2a8: {  	vm8 =	vmmov vm4;
	vm3 =	veq.s32 v10, v6;
	(xrf0) =	vadd.scan.msk.s32 $0xffff, v31;
	[tilespmem:$0x1FFF0] =	vst v13;
	v13 =	vld [tilespmem:s16+$0x1040];
	s18 =	sadd.s32 s18, s17  }
0x2a9: {  	v29 =	vsel vm3, $0x1, v1;
	v30, _, _ =	vpop (xrf0);
	v57 =	vsel vm2, $0x1, v1;
	v21 =	vadd.s32 s17, v21;
	s22 =	sadd.s32 $0x80000000, s18;
	s23 =	spop (v2sf)  }
0x2aa: {  	v15 =	vld [tilespmem:s16+$0x1050];
	(v2sf) =	vpush v30, $0xF;
	(xrf0) =	vadd.scan.msk.s32 $0xffff, v57;
	vm2 =	vle.s32 v21, v7;
	v18 =	vadd.s32 s22, v22;
	s17 =	sadd.s32 s23, s22  }
0x2ab: {  	vm6 =	veq.s32 v11, v6;
	vm2 =	vmand vm5, vm2;
	vm5 =	vle.s32 v18, v7;
	s17 =	sadd.s32 $0x80000000, s17  }
0x2ac: {  	s24 =	spop (v2sf);
	v18 =	vsel vm6, $0x1, v1;
	vm5 =	vmand vm9, vm5;
	v19 =	vadd.s32 s17, v19  }
0x2ad: {  	(xrf0) =	vadd.scan.msk.s32 $0xffff, v29;
	v21, _, _ =	vpop (xrf0);
	s18 =	sadd.s32 s24, s17;
	vm14 =	veq.s32 v13, v6;
	vm12 =	vmor vm12, vm5;
	vm5 =	vle.s32 v19, v7  }
0x2ae: {  	vm4 =	vgt.u32 v14, v6;
	v14 =	vld [tilespmem:s16+$0x1060];
	v22, _, _ =	vpop (xrf0);
	(xrf0) =	vadd.scan.msk.s32 $0xffff, v18;
	s25 =	sadd.s32 $0x80000000, s18;
	v58 =	vsel vm14, $0x1, v1;
	vm9 =	vmand vm7, vm5;
	s26 =	spop (v2sf)  }
0x2af: {  	vm5 =	veq.s32 v15, v6;
	v18 =	vadd.s32 s25, v23;
	v23 =	vxor.u32 $0x80000000, v22;
	(xrf0) =	vadd.scan.msk.s32 $0xffff, v58;
	s17 =	sadd.s32 s26, s25  }
0x2b0: {  	vm2 =	vmor vm4, vm2;
	vm7 =	vle.s32 v18, v7;
	v18 =	vsel vm5, $0x1, v1;
	v19, _, _ =	vpop (xrf0);
	(xrf0) =	vmax.scan.msk.u32 $0xffff, v23;
	s28 =	spop (v2sf);
	s17 =	sadd.s32 $0x80000000, s17  }
0x2b1: {  	v60 =	vsel vm2, $0x3F800000, v5;
	v59 =	vsel vm12, $0x3F800000, v5;
	v23 =	vxor.u32 $0x80000000, v19;
	(xrf0) =	vadd.scan.msk.s32 $0xffff, v18;
	s18 =	sadd.s32 s28, s17  }
0x2b2: {  	vm12 =	vgt.u32 v16, v6;
	v18 =	vxor.u32 $0x80000000, v21;
	(xrf0) =	vmax.scan.msk.u32 $0xffff, v23;
	v23 =	vadd.s32 s17, v26;
	s29 =	sadd.s32 $0x80000000, s18  }
0x2b3: {  	vm1 =	vmand vm1, vm7;
	vm7 =	veq.s32 v14, v6;
	v16, _, _ =	vpop (xrf0);
	(xrf0) =	vmax.scan.msk.u32 $0xffff, v18;
	v18 =	vadd.s32 s29, v27  }
0x2b4: {  	v61 =	vxor.u32 $0x80000000, v16;
	v26 =	vsel vm7, $0x1, v1;
	vm2 =	vle.s32 v23, v7  }
0x2b5: {  	vm1 =	vmor vm12, vm1;
	s30 =	spop (v2sf);
	(xrf0) =	vmax.scan.msk.u32 $0xffff, v61;
	vm2 =	vmand vm8, vm2;
	v23, _, _ =	vpop (xrf0)  }
0x2b6: {  	s17 =	sadd.s32 s30, s29;
	v27 =	vsel vm1, $0x3F800000, v5;
	vm8 =	vle.s32 v18, v7;
	vm1 =	vmor vm11, vm2;
	(xrf0) =	vadd.scan.msk.s32 $0xffff, v26;
	v18, _, _ =	vpop (xrf0)  }
0x2b7: {  	s17 =	sadd.s32 $0x80000000, s17;
	vm2 =	vmand vm10, vm8;
	v62 =	vsel vm1, $0x3F800000, v5;
	vm1 =	vgt.u32 v17, v6;
	v26, _, _ =	vpop (xrf0)  }
0x2b8: {  	vm0 =	vmmov vm0;
	[tilespmem:s15+$0x2010] =	vst v60;
	v25 =	vadd.s32 s17, v25;
	vm1 =	vmor vm1, vm2;
	v17, _, _ =	vpop (xrf0)  }
0x2b9: {  	[tilespmem:s15+$0x2020] =	vst v59;
	vm2 =	vle.s32 v25, v7;
	v25 =	vsel vm1, $0x3F800000, v5;
	vm1 =	vgt.u32 v24, v6;
	v24, _, _ =	vpop (xrf0)  }
0x2ba: {  	[tilespmem:s15+$0x2040] =	vst v27;
	vm10 =	vgt.u32 v20, v6;
	s31 =	spop (v2sf);
	v27 =	vxor.u32 $0x80000000, v18;
	(v2sf) =	vpush v26, $0xF;
	v26, _, _ =	vpop (xrf0)  }
0x2bb: {  	vm0 =	vmand vm0, vm2;
	s18 =	sadd.s32 s31, s17;
	(xrf0) =	vmax.scan.msk.u32 $0xffff, v27;
	v63 =	vxor.u32 $0x80000000, v17;
	(v2sf) =	vpush v24, $0xF;
	v24, _, _ =	vpop (xrf0)  }
0x2bc: {  	[tilespmem:s15+$0x2050] =	vst v62;
	s17 =	simm.s32 $0x400;
	vm0 =	vmor vm1, vm0;
	s18 =	sadd.s32 $0x80000000, s18;
	(xrf0) =	vmax.scan.msk.u32 $0xffff, v63;
	(v2sf) =	vpush v24, $0xF;
	v20, _, _ =	vpop (xrf0)  }
.LBB2_19:
0x2bd: {  	s19 =	sshra.s32 s17, $0x2;
	[tilespmem:s15+$0x2060] =	vst v25  }
0x2be: {  	v27 =	vxor.u32 $0x80000000, v20;
	v28 =	vmov v21;
	v21 =	vld [tilespmem:s19+$0x1030]  }
0x2bf: {  	v25 =	vsel vm0, $0x3F800000, v5;
	v24 =	vmov v23;
	(xrf0) =	vmax.scan.msk.u32 $0xffff, v27;
	v27 =	vld [tilespmem:s19+$0x1020]  }
0x2c0: {  	vm1 =	vmor vm10, vm9;
	v23 =	vxor.u32 $0x80000000, v24;
	[tilespmem:s15+$0x2070] =	vst v25;
	v25 =	vld [tilespmem:$0x1FFF0]  }
0x2c1: {  	(v2sf) =	vpush v26, $0xF;
	vm0 =	vmmov vm13;
	(xrf0) =	vmax.scan.msk.u32 $0xffff, v23;
	v23 =	vimm.s32 $0x0  }
0x2c2: {  	v29 =	vadd.s32 s18, v22;
	vm9 =	vmmov vm3;
	v23 =	vsel vm0, $0xFFFFFFFF, v23  }
0x2c3: {  	v22, _, _ =	vpop (xrf0);
	v33 =	vimm.s32 $0x0;
	v30 =	vimm.s32 $0x0;
	v26 =	vsel vm1, $0x3F800000, v5;
	[tilespmem:$0x1FF90] =	vst v23;
	v23 =	vld [tilespmem:s19+$0x1000]  }
0x2c4: {  	vm2 =	vmmov vm5;
	(v2sf) =	vpush v22, $0xF;
	vm0 =	vle.s32 v29, v7;
	[tilespmem:s15+$0x2030] =	vst v26;
	s15 =	smov.u32 s16;
	s16 =	smov.u32 s19  }
0x2c5: {  	vm0 =	vmand vm15, vm0;
	vm1 =	vnez.u8 v25;
	v25 =	vld [tilespmem:s16+$0x1010];
	vm4 =	veq.s32 v21, v6  }
0x2c6: {  	vm11 =	vmmov vm1;
	vm1 =	vgt.u32 v12, v6;
	v12, _, _ =	vpop (xrf0);
	v32 =	vsel vm4, $0x1, v1  }
0x2c7: {  	vm0 =	vmor vm1, vm0;
	vm1 =	vmmov vm7;
	(v2sf) =	vpush v12, $0xF  }
0x2c8: {  	v26 =	vsel vm0, $0x3F800000, v5;
	vm15 =	veq.s32 v23, v6;
	v12 =	vmovc v23;
	v23 =	vimm.s32 $0x0  }
0x2c9: {  	v31 =	vsel vm1, $0xFFFFFFFF, v33;
	vm1 =	vmmov vm6;
	[tilespmem:s15+$0x2000] =	vst v26;
	v23 =	vsel vm2, $0xFFFFFFFF, v23  }
0x2ca: {  	v22, _, _ =	vpop (xrf0);
	v57 =	vsel vm1, $0xFFFFFFFF, v30;
	vm1 =	veq.s32 v25, v6;
	[tilespmem:$0x1FFA0] =	vst v23;
	v23 =	vimm.s32 $0x0  }
0x2cb: {  	(v2sf) =	vpush v22, $0xF;
	v22, _, _ =	vpop (xrf0);
	(xrf0) =	vadd.scan.msk.s32 $0xffff, v32;
	v59 =	vsel vm15, $0x1, v1;
	v58 =	vld [tilespmem:s16+$0x1070];
	v23 =	vsel vm1, $0xFFFFFFFF, v23  }
0x2cc: {  	vm10 =	vgt.u32 v8, v6;
	v61 =	vld [tilespmem:s16+$0x1040];
	(xrf0) =	vadd.scan.msk.s32 $0xffff, v59;
	[tilespmem:$0x1FFF0] =	vst v23;
	v23 =	vsel vm1, $0x1, v1  }
0x2cd: {  	s20 =	spop (v2sf);
	vm8 =	vgt.u32 v15, v6;
	v15 =	vimm.s32 $0x0;
	vm13 =	veq.s32 v27, v6;
	(xrf0) =	vadd.scan.msk.s32 $0xffff, v23  }
0x2ce: {  	vm12 =	vgt.u32 v13, v6;
	s21 =	sadd.s32 s20, s18;
	v26 =	vsel vm13, $0x1, v1;
	vm2 =	vgt.u32 v14, v6;
	v62 =	vld [tilespmem:s16+$0x1050]  }
0x2cf: {  	s18 =	sadd.s32 $0x80000000, s21;
	(v2sf) =	vpush v22, $0xF;
	v22 =	vimm.s32 $0x0;
	v14 =	vsel vm2, $0xFFFFFFFF, v15;
	s22 =	spop (v2sf);
	(xrf0) =	vadd.scan.msk.s32 $0xffff, v26  }
0x2d0: {  	v8 =	vmovc v21;
	vm0 =	vmmov vm14;
	[tilespmem:$0x1FFC0] =	vst v14;
	v14 =	vadd.s32 s18, v19;
	s18 =	sadd.s32 s22, s18;
	vm6 =	veq.s32 v58, v6  }
0x2d1: {  	vm1 =	vgt.u32 v11, v6;
	s23 =	spop (v2sf);
	s18 =	sadd.s32 $0x80000000, s18;
	v21, _, _ =	vpop (xrf0);
	vm14 =	veq.s32 v61, v6;
	v13 =	vsel vm6, $0x1, v1  }
0x2d2: {  	vm3 =	vle.s32 v14, v7;
	v11 =	vsel vm1, $0xFFFFFFFF, v22;
	s19 =	sadd.s32 s23, s18;
	v14 =	vsel vm14, $0x1, v1;
	v22, _, _ =	vpop (xrf0);
	(xrf0) =	vadd.scan.msk.s32 $0xffff, v13  }
0x2d3: {  	s25 =	spop (v2sf);
	vm5 =	veq.s32 v62, v6;
	s24 =	sadd.s32 $0x80000000, s19;
	v15 =	vxor.u32 $0x80000000, v22;
	v19, _, _ =	vpop (xrf0);
	(xrf0) =	vadd.scan.msk.s32 $0xffff, v14  }
0x2d4: {  	v23 =	vsel vm5, $0x1, v1;
	s19 =	sadd.s32 s25, s24;
	(xrf0) =	vmax.scan.msk.u32 $0xffff, v15  }
0x2d5: {  	v13 =	vadd.s32 s18, v16;
	s26 =	sadd.s32 $0x80000000, s19;
	v26 =	vxor.u32 $0x80000000, v19;
	v16, _, _ =	vpop (xrf0);
	(xrf0) =	vadd.scan.msk.s32 $0xffff, v23  }
0x2d6: {  	(xrf0) =	vmax.scan.msk.u32 $0xffff, v26;
	v26 =	vadd.s32 s26, v18;
	v18 =	vld [tilespmem:$0x1FF90];
	_ =	sdelay $0x1  }
0x2d7: {  	vm2 =	vgt.u32 v9, v6;
	vm3 =	vmand vm11, vm3  }
0x2d8: {  	vm1 =	vgt.u32 v10, v6;
	vm2 =	vmor vm2, vm3;
	s28 =	spop (v2sf);
	vm3 =	vle.s32 v13, v7  }
0x2d9: {  	v60 =	vld [tilespmem:s16+$0x1060];
	v10 =	vmovc v27;
	v27 =	vxor.u32 $0x80000000, v21;
	vm3 =	vmand vm9, vm3;
	s18 =	sadd.s32 s28, s26;
	v23 =	vadd.s32 s24, v28  }
0x2da: {  	vm1 =	vmor vm1, vm3;
	s18 =	sadd.s32 $0x80000000, s18;
	vm11 =	vle.s32 v23, v7;
	vm3 =	vnez.u8 v18  }
0x2db: {  	(xrf0) =	vmax.scan.msk.u32 $0xffff, v27;
	v27 =	vadd.s32 s18, v17;
	vm9 =	vmand vm3, vm11  }
0x2dc: {  	vm3 =	vle.s32 v26, v7;
	v26 =	vsel vm1, $0x3F800000, v5;
	vm1 =	vle.s32 v27, v7;
	v27 =	vld [tilespmem:$0x1FFA0]  }
0x2dd: {  	s29 =	spop (v2sf)  }
0x2de: {  	vm7 =	veq.s32 v60, v6;
	v63 =	vxor.u32 $0x80000000, v16;
	s18 =	sadd.s32 s29, s18;
	v23, _, _ =	vpop (xrf0)  }
0x2df: {  	v9 =	vmov v25;
	v25 =	vsel vm7, $0x1, v1;
	(xrf0) =	vmax.scan.msk.u32 $0xffff, v63;
	s18 =	sadd.s32 $0x80000000, s18;
	v18, _, _ =	vpop (xrf0);
	vm0 =	vmand vm0, vm3  }
0x2e0: {  	v20 =	vadd.s32 s18, v20;
	(xrf0) =	vadd.scan.msk.s32 $0xffff, v25;
	v25 =	vsel vm2, $0x3F800000, v5;
	v17, _, _ =	vpop (xrf0);
	vm0 =	vmor vm12, vm0  }
0x2e1: {  	s30 =	spop (v2sf);
	[tilespmem:s15+$0x2010] =	vst v25;
	(v2sf) =	vpush v17, $0xF;
	v17, _, _ =	vpop (xrf0);
	v25 =	vsel vm0, $0x3F800000, v5;
	vm0 =	vnez.u8 v27  }
0x2e2: {  	[tilespmem:$0x1FFB0] =	vst v31;
	v27, _, _ =	vpop (xrf0);
	vm0 =	vmand vm0, vm1;
	vm1 =	vle.s32 v20, v7;
	v20 =	vxor.u32 $0x80000000, v18  }
0x2e3: {  	[tilespmem:s15+$0x2020] =	vst v26;
	v26, _, _ =	vpop (xrf0);
	(xrf0) =	vmax.scan.msk.u32 $0xffff, v20;
	v20 =	vld [tilespmem:$0x1FFB0];
	_ =	sdelay $0x3  }
0x2e4: {  	[tilespmem:s15+$0x2040] =	vst v25;
	v25 =	vxor.u32 $0x80000000, v17  }
0x2e5: {  	vm2 =	vnez.u8 v20;
	v20, _, _ =	vpop (xrf0);
	(xrf0) =	vmax.scan.msk.u32 $0xffff, v25;
	v25 =	vld [tilespmem:$0x1FFC0];
	_ =	sdelay $0x1  }
0x2e6: {  	s18 =	sadd.s32 s30, s18  }
0x2e7: {  	s18 =	sadd.s32 $0x80000000, s18  }
0x2e8: {  	[tilespmem:$0x1FFD0] =	vst v57;
	v24 =	vadd.s32 s18, v24;
	vm0 =	vmor vm8, vm0;
	vm1 =	vmand vm2, vm1  }
0x2e9: {  	[tilespmem:$0x1FFE0] =	vst v11;
	vm2 =	vle.s32 v24, v7;
	v24 =	vsel vm0, $0x3F800000, v5;
	vm0 =	vnez.u8 v25;
	v25 =	vld [tilespmem:$0x1FFD0]  }
0x2ea: {  	[tilespmem:s15+$0x2050] =	vst v24;
	v24 =	vld [tilespmem:$0x1FFE0]  }
0x2eb: {  	p0 =	sne.s32 s17, $0x3E00  }
.Ltmp13:
0x2ec: {  	_ = 	snop;
	(pc) =	sbr.rel @p0 .LBB2_19-.Ltmp13, $4  }
0x2ed: {  	vm3 =	vmmov vm13  }
0x2ee: {  	v11 =	vmovc v58;
	v14 =	vmovc v60;
	s31 =	spop (v2sf);
	(v2sf) =	vpush v27, $0xF;
	vm0 =	vmor vm0, vm1;
	vm1 =	vnez.u8 v25  }
0x2ef: {  	v13 =	vmovc v61;
	v15 =	vmovc v62;
	s18 =	sadd.s32 s31, s18;
	v25 =	vsel vm0, $0x3F800000, v5;
	vm0 =	vnez.u8 v24;
	vm1 =	vmand vm1, vm2  }
0x2f0: {  	s17 =	sadd.s32 $0x200, s17;
	s18 =	sadd.s32 $0x80000000, s18;
	vm13 =	vmmov vm4;
	(v2sf) =	vpush v20, $0xF;
	v20, _, _ =	vpop (xrf0);
	vm0 =	vmor vm0, vm1  }
0x2f1: {  	v24 =	vxor.u32 $0x80000000, v20  }
0x2f2: {  	(xrf0) =	vmax.scan.msk.u32 $0xffff, v24  }
0x2f3: {  	(v2sf) =	vpush v26, $0xF  }
0x2f4: {  	v48, _, _ =	vpop (xrf0)  }
0x2f5: {  	(v2sf) =	vpush v48, $0xF  }
0x2f6: {  	v49, _, _ =	vpop (xrf0)  }
0x2f7: {  	(v2sf) =	vpush v49, $0xF  }
0x2f8: {  	v50, _, _ =	vpop (xrf0)  }
0x2f9: {  	v51 =	vxor.u32 $0x80000000, v23;
	(v2sf) =	vpush v50, $0xF  }
0x2fa: {  	(xrf0) =	vmax.scan.msk.u32 $0xffff, v51  }
0x2fb: {  	vm1 =	vmor vm10, vm9;
	v22 =	vadd.s32 s18, v22;
	v52 =	vsel vm0, $0x3F800000, v5  }
0x2fc: {  	s17 =	spop (v2sf);
	vm0 =	vmmov vm13;
	vm2 =	vgt.u32 v12, v6;
	vm8 =	vmmov vm3;
	v54 =	vld [tilespmem:$0x1FFF0]  }
0x2fd: {  	vm9 =	vmmov vm14;
	vm5 =	vmmov vm5;
	vm3 =	vgt.u32 v8, v6;
	s17 =	sadd.s32 s17, s18  }
0x2fe: {  	vm4 =	vgt.u32 v11, v6;
	vm14 =	vgt.u32 v13, v6;
	vm11 =	vle.s32 v22, v7;
	s17 =	sadd.s32 $0x80000000, s17;
	s31 =	spop (v2sf)  }
0x2ff: {  	v53 =	vsel vm1, $0x3F800000, v5;
	vm1 =	vmand vm15, vm11;
	vm11 =	vgt.u32 v10, v6;
	s18 =	sadd.s32 s31, s17  }
0x300: {  	vm13 =	vmor vm2, vm1;
	vm2 =	vmmov vm7;
	vm1 =	vmmov vm6;
	v57, _, _ =	vpop (xrf0);
	s19 =	sadd.s32 $0x80000000, s18;
	s20 =	spop (v2sf)  }
0x301: {  	v55 =	vadd.s32 s17, v19;
	vm12 =	vnez.u8 v54;
	(v2sf) =	vpush v57, $0xF;
	s18 =	sadd.s32 s20, s19  }
0x302: {  	v56 =	vsel vm13, $0x3F800000, v5;
	vm10 =	vmmov vm12;
	vm12 =	vle.s32 v55, v7;
	s22 =	spop (v2sf);
	s21 =	sadd.s32 $0x80000000, s18  }
0x303: {  	vm13 =	vgt.u32 v9, v6;
	vm10 =	vmand vm10, vm12;
	v58 =	vadd.s32 s19, v16;
	s18 =	sadd.s32 s22, s21  }
0x304: {  	vm7 =	vgt.u32 v15, v6;
	vm10 =	vmor vm13, vm10;
	s24 =	spop (v2sf);
	vm12 =	vle.s32 v58, v7;
	s23 =	sadd.s32 $0x80000000, s18  }
0x305: {  	vm6 =	vgt.u32 v14, v6;
	v61 =	vsel vm10, $0x3F800000, v5;
	vm8 =	vmand vm8, vm12;
	s18 =	sadd.s32 s24, s23  }
0x306: {  	[tilespmem:s15+$0x2060] =	vst v25;
	v59 =	vadd.s32 s21, v21;
	s26 =	spop (v2sf);
	vm8 =	vmor vm11, vm8;
	v6 =	vadd.s32 s23, v18;
	s25 =	sadd.s32 $0x80000000, s18  }
0x307: {  	[tilespmem:s15+$0x2070] =	vst v52;
	vm12 =	vle.s32 v59, v7;
	v60 =	vsel vm8, $0x3F800000, v5;
	vm13 =	vle.s32 v6, v7;
	s18 =	sadd.s32 s26, s25  }
0x308: {  	[tilespmem:s15+$0x2030] =	vst v53;
	vm0 =	vmand vm0, vm12;
	vm9 =	vmand vm9, vm13;
	v6 =	vadd.s32 s25, v17;
	s28 =	sadd.s32 $0x80000000, s18;
	s29 =	spop (v2sf)  }
0x309: {  	[tilespmem:s16+$0x2000] =	vst v56;
	vm15 =	vmor vm14, vm9;
	vm13 =	vle.s32 v6, v7;
	v62 =	vadd.s32 s28, v20;
	s30 =	sadd.s32 s29, s28  }
0x30a: {  	[tilespmem:s16+$0x2010] =	vst v61;
	v6 =	vsel vm15, $0x3F800000, v5;
	vm5 =	vmand vm5, vm13;
	vm14 =	vle.s32 v62, v7;
	s15 =	sadd.s32 $0x80000000, s30  }
0x30b: {  	[tilespmem:s16+$0x2020] =	vst v60;
	vm5 =	vmor vm7, vm5;
	vm2 =	vmand vm2, vm14;
	v63 =	vadd.s32 s15, v23  }
.Ltmp14:
0x30c: {  	[tilespmem:s16+$0x2040] =	vst v6;
	v6 =	vsel vm5, $0x3F800000, v5;
	vm2 =	vmor vm6, vm2;
	vm15 =	vle.s32 v63, v7;
	(pc) =	sbr.rel .LBB2_24-.Ltmp14, $4  }
0x30d: {  	vm0 =	vmor vm3, vm0;
	[tilespmem:s16+$0x2050] =	vst v6;
	v6 =	vsel vm2, $0x3F800000, v5;
	vm1 =	vmand vm1, vm15  }
0x30e: {  	v7 =	vsel vm0, $0x3F800000, v5;
	[tilespmem:s16+$0x2060] =	vst v6;
	vm1 =	vmor vm4, vm1  }
0x30f: {  	[tilespmem:s16+$0x2030] =	vst v7;
	v6 =	vsel vm1, $0x3F800000, v5  }
0x310: {  	s31 =	spop (v2sf);
	[tilespmem:s16+$0x2070] =	vst v6  }
.LBB2_25:
0x311: {  	_ =	sfence.sel $0x180000  }
0x312: {  	[bflag:$0x0] =	sbarrier.arrive $0xFFFF  }
0x313: {  	p0 =	sne.s32 s1, $0x0;
	_ =	strace $0x90000047  }
0x314: {  	s0 =	sadd.s32 @!p0 $0x100000, s0;
	[bflag:$0x2] =	sbarrier.arrive $0xFFFF  }
0x315: {  	[sflag:s0] =	ssyncadd.tile.s32 @!p0 $0x1;
	_ =	shalt  }
.Lfunc_end2:
_tile_overlayer_lowered:
.L_overlay_start_2:
0x316: {  	(tag) =	ssettag $0x2  }
0x317: {  	s0 =	rddreg [dreg:$0x0];
	s2 =	stileid.u32  }
0x318: {  	s1 =	rddreg [dreg:$0x1];
	p0 =	sne.s32 s2, $0x0  }
0x319: {  	s3 =	rddreg [dreg:$0x2];
	[bflag:$0x3] =	sbarrier.arrive $0xFFFF;
	s2 =	simm.s32 @!p0 $0x1C01  }
0x31a: {  	[timem:s3], [sflag:s2] =	dma.local @!p0 [hbm:s0], s1  }
0x31b: {  	s0 =	simm.s32 @!p0 $0x1  }
0x31c: {  	_ =	swait.ge @!p0 [sflag:s0], s1  }
0x31d: {  	s1 =	ssub.s32 @!p0 $0x0, s1;
	[sflag:s0] =	ssyncset.done @!p0 $0x0  }
0x31e: {  	[sflag:s0] =	ssyncadd.s32 @!p0 s1  }
0x31f: {  	[bflag:$0x3] =	sbarrier.arrive $0xFFFF  }
0x320: {  	_ =	shalt  }

</sc_bundles>
